<compile_context>
chip_gen: v7x
topology: tpu7x:2x2x1
jax: 0.10.2.dev20260603
libtpu: 0.0.44.dev20260713+nightly
codegen_flags: <defaults>
</compile_context>

<pallas_src>
import functools

import jax
import jax.numpy as jnp
from jax import lax
from jax.experimental import pallas as pl
from jax.experimental.pallas import tpu as pltpu
from jax.experimental.pallas import tpu_sc as plsc

T = 4
N = 10000
E = 320000
D = 128
HID = 64
NCLS = 4

NPAD = 10240
NCORE = 2
NSUB = 16
NTILE = NCORE * NSUB
CH = 128
NCH = 80
EPT = NCH * CH
EPAD = NTILE * EPT
ZROWS = NPAD // NSUB

_mesh = plsc.VectorSubcoreMesh(core_axis_name="c", subcore_axis_name="s")


@functools.partial(
    pl.kernel,
    out_type=jax.ShapeDtypeStruct((NCORE, T, NPAD, D), jnp.float32),
    mesh=_mesh,
    scratch_types=[
        pltpu.VMEM((NCH // 2, CH), jnp.int32),
        pltpu.VMEM((CH, D), jnp.float32),
        pltpu.VMEM_SHARED((NPAD, D), jnp.float32),
    ],
)
def _deg_sc(dst_hbm, ones_hbm, z_hbm, out_hbm, dst_v, ones_v, deg_sh):
    c = lax.axis_index("c")
    s = lax.axis_index("s")
    g = c * NSUB + s
    hch = NCH // 2
    pltpu.sync_copy(ones_hbm, ones_v)
    for t in range(T):
        pltpu.sync_copy(z_hbm, deg_sh.at[pl.ds(s * ZROWS, ZROWS)])
        plsc.subcore_barrier()
        for h in range(2):
            pltpu.sync_copy(dst_hbm.at[t, g, pl.ds(h * hch, hch)], dst_v)

            def body(i, _):
                pltpu.sync_copy(ones_v, deg_sh.at[dst_v.at[i]], add=True)
                return 0

            lax.fori_loop(0, hch, body, 0)
        plsc.subcore_barrier()
        pltpu.sync_copy(deg_sh.at[pl.ds(s * ZROWS, ZROWS)],
                        out_hbm.at[c, t, pl.ds(s * ZROWS, ZROWS)])
        plsc.subcore_barrier()


@functools.partial(
    pl.kernel,
    out_type=jax.ShapeDtypeStruct((NCORE, T, NPAD, D), jnp.float32),
    mesh=_mesh,
    scratch_types=[
        pltpu.VMEM((NCH // 2, CH), jnp.int32),
        pltpu.VMEM((NCH // 2, CH), jnp.int32),
        pltpu.VMEM((CH, D), jnp.float32),
        pltpu.VMEM((CH, D), jnp.float32),
        pltpu.VMEM_SHARED((NPAD, D), jnp.float32),
        pltpu.SemaphoreType.DMA,
        pltpu.SemaphoreType.DMA,
    ],
)
def _agg_sc(src_hbm, dst_hbm, u_hbm, z_hbm, out_hbm,
            src_v, dst_v, rows0, rows1, acc_sh, sem0, sem1):
    c = lax.axis_index("c")
    s = lax.axis_index("s")
    g = c * NSUB + s
    hch = NCH // 2
    for t in range(T):
        pltpu.sync_copy(z_hbm, acc_sh.at[pl.ds(s * ZROWS, ZROWS)])
        plsc.subcore_barrier()
        for h in range(2):
            pltpu.sync_copy(src_hbm.at[t, g, pl.ds(h * hch, hch)], src_v)
            pltpu.sync_copy(dst_hbm.at[t, g, pl.ds(h * hch, hch)], dst_v)

            pltpu.async_copy(u_hbm.at[src_v.at[0]], rows0, sem0)

            def body(i, _):
                j0 = 2 * i
                pltpu.make_async_copy(
                    u_hbm.at[src_v.at[0]], rows0, sem0).wait()
                pltpu.async_copy(u_hbm.at[src_v.at[j0 + 1]], rows1, sem1)
                pltpu.sync_copy(rows0, acc_sh.at[dst_v.at[j0]], add=True)

                @pl.when(j0 + 2 < hch)
                def _():
                    pltpu.async_copy(u_hbm.at[src_v.at[j0 + 2]], rows0, sem0)

                pltpu.make_async_copy(
                    u_hbm.at[src_v.at[0]], rows1, sem1).wait()
                pltpu.sync_copy(rows1, acc_sh.at[dst_v.at[j0 + 1]], add=True)
                return 0

            lax.fori_loop(0, hch // 2, body, 0)
        plsc.subcore_barrier()
        pltpu.sync_copy(acc_sh.at[pl.ds(s * ZROWS, ZROWS)],
                        out_hbm.at[c, t, pl.ds(s * ZROWS, ZROWS)])
        plsc.subcore_barrier()


def _u_body(x_ref, deg_ref, u_ref):
    deg = deg_ref[0, 0, :N, 0:1] + deg_ref[1, 0, :N, 0:1] + 1.0
    u_ref[0] = x_ref[0] * (1.0 / jnp.sqrt(deg))


def _u_tc(x, deg_parts):
    return pl.pallas_call(
        _u_body,
        grid=(T,),
        in_specs=[
            pl.BlockSpec((1, N, D), lambda t: (t, 0, 0)),
            pl.BlockSpec((NCORE, 1, NPAD, D), lambda t: (0, t, 0, 0)),
        ],
        out_specs=pl.BlockSpec((1, N, D), lambda t: (t, 0, 0)),
        out_shape=jax.ShapeDtypeStruct((T, N, D), jnp.float32),
    )(x, deg_parts)


_BN = 1000


def _head_body(agg_ref, x_ref, deg_ref, w_ref, b_ref,
               w1_ref, b1_ref, w2_ref, b2_ref, w3_ref, b3_ref, o_ref):
    deg = deg_ref[0, :, :, 0:1] + deg_ref[1, :, :, 0:1] + 1.0
    dis = 1.0 / jnp.sqrt(deg)
    acc = jnp.zeros((_BN, HID), jnp.float32)
    for t in range(T):
        v = dis[t] * (agg_ref[0, t] + agg_ref[1, t]) \
            + (dis[t] * dis[t]) * x_ref[t]
        h = jnp.dot(v, w_ref[t], preferred_element_type=jnp.float32) + b_ref[t]
        acc = acc + jnp.maximum(h, 0.0)
    h = jnp.maximum(acc, 0.0)
    h = jnp.maximum(
        jnp.dot(h, w1_ref[...], preferred_element_type=jnp.float32)
        + b1_ref[0], 0.0)
    h = jnp.maximum(
        jnp.dot(h, w2_ref[...], preferred_element_type=jnp.float32)
        + b2_ref[0], 0.0)
    o = (jnp.dot(h, w3_ref[...], preferred_element_type=jnp.float32)
         + b3_ref[0])
    mx = jnp.max(o, axis=1, keepdims=True)
    lse = mx + jnp.log(jnp.sum(jnp.exp(o - mx), axis=1, keepdims=True))
    o_ref[...] = o - lse


def _head_tc(agg_parts, x, deg_parts, W, b, W1, b1, W2, b2, W3, b3):
    return pl.pallas_call(
        _head_body,
        grid=(N // _BN,),
        in_specs=[
            pl.BlockSpec((NCORE, T, _BN, D), lambda n: (0, 0, n, 0)),
            pl.BlockSpec((T, _BN, D), lambda n: (0, n, 0)),
            pl.BlockSpec((NCORE, T, _BN, D), lambda n: (0, 0, n, 0)),
            pl.BlockSpec((T, D, HID), lambda n: (0, 0, 0)),
            pl.BlockSpec((T, HID), lambda n: (0, 0)),
            pl.BlockSpec((HID, 32), lambda n: (0, 0)),
            pl.BlockSpec((1, 32), lambda n: (0, 0)),
            pl.BlockSpec((32, 16), lambda n: (0, 0)),
            pl.BlockSpec((1, 16), lambda n: (0, 0)),
            pl.BlockSpec((16, NCLS), lambda n: (0, 0)),
            pl.BlockSpec((1, NCLS), lambda n: (0, 0)),
        ],
        out_specs=pl.BlockSpec((_BN, NCLS), lambda n: (n, 0)),
        out_shape=jax.ShapeDtypeStruct((N, NCLS), jnp.float32),
    )(agg_parts, x, deg_parts, W, b,
      W1, b1.reshape(1, 32), W2, b2.reshape(1, 16), W3, b3.reshape(1, NCLS))


def kernel(x, edge_index, W, b, W1, b1, W2, b2, W3, b3):
    ept_real = E // NTILE
    padn = EPT - ept_real
    src = edge_index[:, 0, :].reshape(T, NTILE, ept_real)
    dst = edge_index[:, 1, :].reshape(T, NTILE, ept_real)
    pad_src = jnp.zeros((T, NTILE, padn), jnp.int32)
    pad_dst = jnp.broadcast_to(
        N + jnp.arange(padn, dtype=jnp.int32), (T, NTILE, padn))
    srcp = jnp.concatenate([src, pad_src], axis=2) \
        + (jnp.arange(T, dtype=jnp.int32) * N)[:, None, None]
    dstp = jnp.concatenate([dst, pad_dst], axis=2)
    src_r = srcp.reshape(T, NTILE, NCH, CH)
    dst_r = dstp.reshape(T, NTILE, NCH, CH)

    onesd = jnp.ones((CH, D), jnp.float32)
    zd = jnp.zeros((ZROWS, D), jnp.float32)

    deg_parts = _deg_sc(dst_r, onesd, zd)
    u = _u_tc(x, deg_parts)
    agg_parts = _agg_sc(src_r, dst_r, u.reshape(T * N, D), zd)
    return _head_tc(agg_parts, x, deg_parts, W, b, W1, b1, W2, b2, W3, b3)

# --- scband reference (transcript-rebuilt; emitter-appended) ---
"""Pipeline reference for scband-net-14147622273477 (READ-ONLY COPY).

The authoritative reference and input builder live on the scoring server;
editing this copy changes nothing except your own understanding.
"""

import jax, jax.numpy as jnp
import numpy as np

T_STEP = 4
N_NODES = 10000
N_EDGES = 320000
D_FEAT = 128
HID = 64
NUM_CLASSES = 4


def gcn_conv(x, edge_index, W, b):
    n = x.shape[0]
    xw = x @ W
    src = edge_index[0]
    dst = edge_index[1]
    loop = jnp.arange(n, dtype=src.dtype)
    src = jnp.concatenate([src, loop])
    dst = jnp.concatenate([dst, loop])
    deg = jnp.zeros((n,), dtype=xw.dtype).at[dst].add(1.0)
    dis = jnp.where(deg > 0, deg ** -0.5, 0.0)
    norm = dis[src] * dis[dst]
    msg = xw[src] * norm[:, None]
    out = jnp.zeros((n, xw.shape[1]), dtype=xw.dtype).at[dst].add(msg)
    return out + b


def setup_inputs(seed: int = 0):
    key = jax.random.key(seed)
    ks = jax.random.split(key, 12)
    x = jax.random.normal(ks[0], (T_STEP, N_NODES, D_FEAT), dtype=jnp.float32)
    edge_index = jax.random.randint(ks[1], (T_STEP, 2, N_EDGES), 0, N_NODES, dtype=jnp.int32)
    W = 0.05 * jax.random.normal(ks[2], (T_STEP, D_FEAT, HID), dtype=jnp.float32)
    b = jnp.zeros((T_STEP, HID), dtype=jnp.float32)
    W1 = 0.05 * jax.random.normal(ks[3], (HID, 32), dtype=jnp.float32)
    b1 = jnp.zeros((32,), dtype=jnp.float32)
    W2 = 0.05 * jax.random.normal(ks[4], (32, 16), dtype=jnp.float32)
    b2 = jnp.zeros((16,), dtype=jnp.float32)
    W3 = 0.05 * jax.random.normal(ks[5], (16, NUM_CLASSES), dtype=jnp.float32)
    b3 = jnp.zeros((NUM_CLASSES,), dtype=jnp.float32)
    return {"x": x, "edge_index": edge_index, "W": W, "b": b, "W1": W1, "b1": b1, "W2": W2, "b2": b2, "W3": W3, "b3": b3}


def reference(x, edge_index, W, b, W1, b1, W2, b2, W3, b3):
    acc = None
    for i in range(x.shape[0]):
        h = jax.nn.relu(gcn_conv(x[i], edge_index[i], W[i], b[i]))
        acc = h if acc is None else acc + h
    h = jax.nn.relu(acc)
    h = jax.nn.relu(h @ W1 + b1)
    h = jax.nn.relu(h @ W2 + b2)
    h = h @ W3 + b3
    return jax.nn.log_softmax(h, axis=1)

if __name__ == "__main__":
    import jax
    _d = setup_inputs()
    print(jax.jit(kernel)(*tuple(_d.values())))

</pallas_src>

<mosaic_0001>
#map = affine_map<(d0, d1) -> (0, 0, 0, 0)>
#map1 = affine_map<(d0, d1) -> (0, 0)>
module attributes {stable_mosaic.version = 14 : i64} {
  func.func @_agg_sc(%arg0: i32, %arg1: i32, %arg2: memref<4x32x80x128xi32, #tpu.memory_space<hbm>>, %arg3: memref<4x32x80x128xi32, #tpu.memory_space<hbm>>, %arg4: memref<40000x128xf32, #tpu.memory_space<hbm>>, %arg5: memref<640x128xf32, #tpu.memory_space<hbm>>, %arg6: memref<2x4x10240x128xf32, #tpu.memory_space<hbm>>, %arg7: memref<40x128xi32, #tpu.memory_space<vmem>>, %arg8: memref<40x128xi32, #tpu.memory_space<vmem>>, %arg9: memref<128x128xf32, #tpu.memory_space<vmem>>, %arg10: memref<128x128xf32, #tpu.memory_space<vmem>>, %arg11: memref<10240x128xf32, #tpu.memory_space<vmem_shared>>, %arg12: memref<!tpu.dma_semaphore, #tpu.memory_space<semaphore_mem>>, %arg13: memref<!tpu.dma_semaphore, #tpu.memory_space<semaphore_mem>>) attributes {dimension_semantics = [#tpu.dimension_semantics<core_parallel>, #tpu.dimension_semantics<subcore_parallel>], iteration_bounds = array<i64: 2, 16>, scalar_prefetch = 0 : i64, scratch_operands = 7 : i64, tpu.core_type = #tpu.core_type<sc_vector_subcore>, window_params = [{transform_indices = #map}, {transform_indices = #map}, {transform_indices = #map1}, {transform_indices = #map1}, {transform_indices = #map}]} {
    %mul3A = arith.constant 16 : i32
    %mul3A_0 = arith.muli %arg0, %mul3A : i32
    %add3A = arith.addi %mul3A_0, %arg1 : i32
    %mul3A_1 = arith.constant 640 : i32
    %mul3A_2 = arith.muli %arg1, %mul3A_1 : i32
    "tpu.region"() ({
      %run_scoped3A_165 = tpu.sem_alloc : memref<!tpu.dma_semaphore, #tpu.memory_space<semaphore_mem>>
      %dma_start3A_166 = arith.constant 0 : i32
      %dma_start3A_167 = tpu.memref_slice %arg11[%mul3A_2, %dma_start3A_166] : memref<10240x128xf32, #tpu.memory_space<vmem_shared>> -> memref<640x128xf32, #tpu.memory_space<vmem_shared>>
      tpu.enqueue_dma source(%arg5 : memref<640x128xf32, #tpu.memory_space<hbm>>) target(%dma_start3A_167 : memref<640x128xf32, #tpu.memory_space<vmem_shared>>) target_semaphore(%run_scoped3A_165 : memref<!tpu.dma_semaphore, #tpu.memory_space<semaphore_mem>>)
      %dma_wait3A = arith.constant 0 : i32
      %dma_wait3A_168 = tpu.memref_slice %arg11[%mul3A_2, %dma_wait3A] : memref<10240x128xf32, #tpu.memory_space<vmem_shared>> -> memref<640x128xf32, #tpu.memory_space<vmem_shared>>
      tpu.wait_dma2 semaphore(%run_scoped3A_165 : memref<!tpu.dma_semaphore, #tpu.memory_space<semaphore_mem>>) src(%arg5 : memref<640x128xf32, #tpu.memory_space<hbm>>) dst(%dma_wait3A_168 : memref<640x128xf32, #tpu.memory_space<vmem_shared>>)
      tpu.yield
    }) : () -> ()
    %barrier3A = arith.constant 0 : index
    tpu.barrier barrier_id(%barrier3A)
    %run_scoped3A = arith.constant 0 : i32
    "tpu.region"() ({
      %run_scoped3A_165 = tpu.sem_alloc : memref<!tpu.dma_semaphore, #tpu.memory_space<semaphore_mem>>
      %dma_start3A_166 = arith.constant 0 : i32
      %dma_start3A_167 = arith.constant 0 : i32
      %dma_start3A_168 = tpu.memref_slice %arg2[%run_scoped3A, %add3A, %dma_start3A_166, %dma_start3A_167] : memref<4x32x80x128xi32, #tpu.memory_space<hbm>> -> memref<1x1x40x128xi32, #tpu.memory_space<hbm>>
      %dma_start3A_169 = tpu.memref_squeeze %dma_start3A_168 : memref<1x1x40x128xi32, #tpu.memory_space<hbm>> -> memref<40x128xi32, #tpu.memory_space<hbm>>
      %dma_start3A_170 = arith.constant 0 : i32
      %dma_start3A_171 = arith.constant 0 : i32
      %dma_start3A_172 = tpu.memref_slice %arg2[%run_scoped3A, %add3A, %dma_start3A_170, %dma_start3A_171] : memref<4x32x80x128xi32, #tpu.memory_space<hbm>> -> memref<1x1x40x128xi32, #tpu.memory_space<hbm>>
      %dma_start3A_173 = tpu.memref_squeeze %dma_start3A_172 : memref<1x1x40x128xi32, #tpu.memory_space<hbm>> -> memref<40x128xi32, #tpu.memory_space<hbm>>
      tpu.enqueue_dma source(%dma_start3A_173 : memref<40x128xi32, #tpu.memory_space<hbm>>) target(%arg7 : memref<40x128xi32, #tpu.memory_space<vmem>>) target_semaphore(%run_scoped3A_165 : memref<!tpu.dma_semaphore, #tpu.memory_space<semaphore_mem>>)
      %dma_wait3A = arith.constant 0 : i32
      %dma_wait3A_174 = arith.constant 0 : i32
      %dma_wait3A_175 = tpu.memref_slice %arg2[%run_scoped3A, %add3A, %dma_wait3A, %dma_wait3A_174] : memref<4x32x80x128xi32, #tpu.memory_space<hbm>> -> memref<1x1x40x128xi32, #tpu.memory_space<hbm>>
      %dma_wait3A_176 = tpu.memref_squeeze %dma_wait3A_175 : memref<1x1x40x128xi32, #tpu.memory_space<hbm>> -> memref<40x128xi32, #tpu.memory_space<hbm>>
      %dma_wait3A_177 = arith.constant 0 : i32
      %dma_wait3A_178 = arith.constant 0 : i32
      %dma_wait3A_179 = tpu.memref_slice %arg2[%run_scoped3A, %add3A, %dma_wait3A_177, %dma_wait3A_178] : memref<4x32x80x128xi32, #tpu.memory_space<hbm>> -> memref<1x1x40x128xi32, #tpu.memory_space<hbm>>
      %dma_wait3A_180 = tpu.memref_squeeze %dma_wait3A_179 : memref<1x1x40x128xi32, #tpu.memory_space<hbm>> -> memref<40x128xi32, #tpu.memory_space<hbm>>
      tpu.wait_dma2 semaphore(%run_scoped3A_165 : memref<!tpu.dma_semaphore, #tpu.memory_space<semaphore_mem>>) src(%dma_wait3A_180 : memref<40x128xi32, #tpu.memory_space<hbm>>) dst(%arg7 : memref<40x128xi32, #tpu.memory_space<vmem>>)
      tpu.yield
    }) : () -> ()
    %run_scoped3A_3 = arith.constant 0 : i32
    "tpu.region"() ({
      %run_scoped3A_165 = tpu.sem_alloc : memref<!tpu.dma_semaphore, #tpu.memory_space<semaphore_mem>>
      %dma_start3A_166 = arith.constant 0 : i32
      %dma_start3A_167 = arith.constant 0 : i32
      %dma_start3A_168 = tpu.memref_slice %arg3[%run_scoped3A_3, %add3A, %dma_start3A_166, %dma_start3A_167] : memref<4x32x80x128xi32, #tpu.memory_space<hbm>> -> memref<1x1x40x128xi32, #tpu.memory_space<hbm>>
      %dma_start3A_169 = tpu.memref_squeeze %dma_start3A_168 : memref<1x1x40x128xi32, #tpu.memory_space<hbm>> -> memref<40x128xi32, #tpu.memory_space<hbm>>
      %dma_start3A_170 = arith.constant 0 : i32
      %dma_start3A_171 = arith.constant 0 : i32
      %dma_start3A_172 = tpu.memref_slice %arg3[%run_scoped3A_3, %add3A, %dma_start3A_170, %dma_start3A_171] : memref<4x32x80x128xi32, #tpu.memory_space<hbm>> -> memref<1x1x40x128xi32, #tpu.memory_space<hbm>>
      %dma_start3A_173 = tpu.memref_squeeze %dma_start3A_172 : memref<1x1x40x128xi32, #tpu.memory_space<hbm>> -> memref<40x128xi32, #tpu.memory_space<hbm>>
      tpu.enqueue_dma source(%dma_start3A_173 : memref<40x128xi32, #tpu.memory_space<hbm>>) target(%arg8 : memref<40x128xi32, #tpu.memory_space<vmem>>) target_semaphore(%run_scoped3A_165 : memref<!tpu.dma_semaphore, #tpu.memory_space<semaphore_mem>>)
      %dma_wait3A = arith.constant 0 : i32
      %dma_wait3A_174 = arith.constant 0 : i32
      %dma_wait3A_175 = tpu.memref_slice %arg3[%run_scoped3A_3, %add3A, %dma_wait3A, %dma_wait3A_174] : memref<4x32x80x128xi32, #tpu.memory_space<hbm>> -> memref<1x1x40x128xi32, #tpu.memory_space<hbm>>
      %dma_wait3A_176 = tpu.memref_squeeze %dma_wait3A_175 : memref<1x1x40x128xi32, #tpu.memory_space<hbm>> -> memref<40x128xi32, #tpu.memory_space<hbm>>
      %dma_wait3A_177 = arith.constant 0 : i32
      %dma_wait3A_178 = arith.constant 0 : i32
      %dma_wait3A_179 = tpu.memref_slice %arg3[%run_scoped3A_3, %add3A, %dma_wait3A_177, %dma_wait3A_178] : memref<4x32x80x128xi32, #tpu.memory_space<hbm>> -> memref<1x1x40x128xi32, #tpu.memory_space<hbm>>
      %dma_wait3A_180 = tpu.memref_squeeze %dma_wait3A_179 : memref<1x1x40x128xi32, #tpu.memory_space<hbm>> -> memref<40x128xi32, #tpu.memory_space<hbm>>
      tpu.wait_dma2 semaphore(%run_scoped3A_165 : memref<!tpu.dma_semaphore, #tpu.memory_space<semaphore_mem>>) src(%dma_wait3A_180 : memref<40x128xi32, #tpu.memory_space<hbm>>) dst(%arg8 : memref<40x128xi32, #tpu.memory_space<vmem>>)
      tpu.yield
    }) : () -> ()
    %dma_start3A = arith.constant 0 : i32
    %dma_start3A_4 = arith.constant 0 : i32
    %dma_start3A_5 = tpu.memref_slice %arg7[%dma_start3A, %dma_start3A_4] : memref<40x128xi32, #tpu.memory_space<vmem>> -> memref<1x128xi32, #tpu.memory_space<vmem>>
    %dma_start3A_6 = tpu.memref_squeeze %dma_start3A_5 : memref<1x128xi32, #tpu.memory_space<vmem>> -> memref<128xi32, #tpu.memory_space<vmem>>
    %dma_start3A_7 = arith.constant 0 : i32
    %dma_start3A_8 = arith.constant 0 : i32
    %dma_start3A_9 = tpu.memref_slice %arg4[%dma_start3A_7, %dma_start3A_8] : memref<40000x128xf32, #tpu.memory_space<hbm>> -> memref<40000x128xf32, #tpu.memory_space<hbm>>
    tpu.enqueue_indirect_dma source(%dma_start3A_9 : memref<40000x128xf32, #tpu.memory_space<hbm>>) target(%arg9 : memref<128x128xf32, #tpu.memory_space<vmem>>) offsets(%dma_start3A_6 : memref<128xi32, #tpu.memory_space<vmem>>) semaphore(%arg12 : memref<!tpu.dma_semaphore, #tpu.memory_space<semaphore_mem>>)
    %scan3A = arith.constant 0 : i32
    %scan3A_10 = arith.constant 0 : i32
    %scan3A_11 = arith.constant 20 : i32
    %scan3A_12 = arith.addi %scan3A_10, %scan3A_11 : i32
    %scan3A_13 = arith.constant 1 : i32
    %scan3A_14 = scf.for %scan3A_165 = %scan3A_10 to %scan3A_12 step %scan3A_13 iter_args(%scan3A_166 = %scan3A) -> (i32)  : i32 {
      %mul3A_167 = arith.constant 2 : i32
      %mul3A_168 = arith.muli %mul3A_167, %scan3A_165 : i32
      %dma_wait3A = arith.constant 0 : i32
      %dma_wait3A_169 = arith.constant 0 : i32
      %dma_wait3A_170 = tpu.memref_slice %arg7[%dma_wait3A, %dma_wait3A_169] : memref<40x128xi32, #tpu.memory_space<vmem>> -> memref<1x128xi32, #tpu.memory_space<vmem>>
      %dma_wait3A_171 = tpu.memref_squeeze %dma_wait3A_170 : memref<1x128xi32, #tpu.memory_space<vmem>> -> memref<128xi32, #tpu.memory_space<vmem>>
      %dma_wait3A_172 = arith.constant 0 : i32
      %dma_wait3A_173 = arith.constant 0 : i32
      %dma_wait3A_174 = tpu.memref_slice %arg4[%dma_wait3A_172, %dma_wait3A_173] : memref<40000x128xf32, #tpu.memory_space<hbm>> -> memref<40000x128xf32, #tpu.memory_space<hbm>>
      tpu.wait_indirect_dma semaphore(%arg12 : memref<!tpu.dma_semaphore, #tpu.memory_space<semaphore_mem>>) src(%dma_wait3A_174 : memref<40000x128xf32, #tpu.memory_space<hbm>>) dst(%arg9 : memref<128x128xf32, #tpu.memory_space<vmem>>)
      %add3A_175 = arith.constant 1 : i32
      %add3A_176 = arith.addi %mul3A_168, %add3A_175 : i32
      %dma_start3A_177 = arith.constant 0 : i32
      %dma_start3A_178 = tpu.memref_slice %arg7[%add3A_176, %dma_start3A_177] : memref<40x128xi32, #tpu.memory_space<vmem>> -> memref<1x128xi32, #tpu.memory_space<vmem>>
      %dma_start3A_179 = tpu.memref_squeeze %dma_start3A_178 : memref<1x128xi32, #tpu.memory_space<vmem>> -> memref<128xi32, #tpu.memory_space<vmem>>
      %dma_start3A_180 = arith.constant 0 : i32
      %dma_start3A_181 = arith.constant 0 : i32
      %dma_start3A_182 = tpu.memref_slice %arg4[%dma_start3A_180, %dma_start3A_181] : memref<40000x128xf32, #tpu.memory_space<hbm>> -> memref<40000x128xf32, #tpu.memory_space<hbm>>
      tpu.enqueue_indirect_dma source(%dma_start3A_182 : memref<40000x128xf32, #tpu.memory_space<hbm>>) target(%arg10 : memref<128x128xf32, #tpu.memory_space<vmem>>) offsets(%dma_start3A_179 : memref<128xi32, #tpu.memory_space<vmem>>) semaphore(%arg13 : memref<!tpu.dma_semaphore, #tpu.memory_space<semaphore_mem>>)
      "tpu.region"() ({
        %run_scoped3A_197 = tpu.sem_alloc : memref<!tpu.dma_semaphore, #tpu.memory_space<semaphore_mem>>
        %dma_start3A_198 = arith.constant 0 : i32
        %dma_start3A_199 = tpu.memref_slice %arg8[%mul3A_168, %dma_start3A_198] : memref<40x128xi32, #tpu.memory_space<vmem>> -> memref<1x128xi32, #tpu.memory_space<vmem>>
        %dma_start3A_200 = tpu.memref_squeeze %dma_start3A_199 : memref<1x128xi32, #tpu.memory_space<vmem>> -> memref<128xi32, #tpu.memory_space<vmem>>
        %dma_start3A_201 = arith.constant 0 : i32
        %dma_start3A_202 = arith.constant 0 : i32
        %dma_start3A_203 = tpu.memref_slice %arg11[%dma_start3A_201, %dma_start3A_202] : memref<10240x128xf32, #tpu.memory_space<vmem_shared>> -> memref<10240x128xf32, #tpu.memory_space<vmem_shared>>
        tpu.enqueue_indirect_dma source(%arg9 : memref<128x128xf32, #tpu.memory_space<vmem>>) target(%dma_start3A_203 : memref<10240x128xf32, #tpu.memory_space<vmem_shared>>) offsets(%dma_start3A_200 : memref<128xi32, #tpu.memory_space<vmem>>) semaphore(%run_scoped3A_197 : memref<!tpu.dma_semaphore, #tpu.memory_space<semaphore_mem>>) {add = true}
        %dma_wait3A_204 = arith.constant 0 : i32
        %dma_wait3A_205 = tpu.memref_slice %arg8[%mul3A_168, %dma_wait3A_204] : memref<40x128xi32, #tpu.memory_space<vmem>> -> memref<1x128xi32, #tpu.memory_space<vmem>>
        %dma_wait3A_206 = tpu.memref_squeeze %dma_wait3A_205 : memref<1x128xi32, #tpu.memory_space<vmem>> -> memref<128xi32, #tpu.memory_space<vmem>>
        %dma_wait3A_207 = arith.constant 0 : i32
        %dma_wait3A_208 = arith.constant 0 : i32
        %dma_wait3A_209 = tpu.memref_slice %arg11[%dma_wait3A_207, %dma_wait3A_208] : memref<10240x128xf32, #tpu.memory_space<vmem_shared>> -> memref<10240x128xf32, #tpu.memory_space<vmem_shared>>
        tpu.wait_indirect_dma semaphore(%run_scoped3A_197 : memref<!tpu.dma_semaphore, #tpu.memory_space<semaphore_mem>>) src(%arg9 : memref<128x128xf32, #tpu.memory_space<vmem>>) dst(%dma_wait3A_209 : memref<10240x128xf32, #tpu.memory_space<vmem_shared>>)
        tpu.yield
      }) : () -> ()
      %add3A_183 = arith.constant 2 : i32
      %add3A_184 = arith.addi %mul3A_168, %add3A_183 : i32
      %lt3A = arith.constant 40 : i32
      %lt3A_185 = arith.cmpi slt, %add3A_184, %lt3A : i32
      %convert_element_type3A = arith.extui %lt3A_185 : i1 to i32
      %cond3A = arith.constant 0 : i32
      %cond3A_186 = arith.cmpi ne, %convert_element_type3A, %cond3A : i32
      scf.if %cond3A_186 {
        %add3A_197 = arith.constant 2 : i32
        %add3A_198 = arith.addi %mul3A_168, %add3A_197 : i32
        %dma_start3A_199 = arith.constant 0 : i32
        %dma_start3A_200 = tpu.memref_slice %arg7[%add3A_198, %dma_start3A_199] : memref<40x128xi32, #tpu.memory_space<vmem>> -> memref<1x128xi32, #tpu.memory_space<vmem>>
        %dma_start3A_201 = tpu.memref_squeeze %dma_start3A_200 : memref<1x128xi32, #tpu.memory_space<vmem>> -> memref<128xi32, #tpu.memory_space<vmem>>
        %dma_start3A_202 = arith.constant 0 : i32
        %dma_start3A_203 = arith.constant 0 : i32
        %dma_start3A_204 = tpu.memref_slice %arg4[%dma_start3A_202, %dma_start3A_203] : memref<40000x128xf32, #tpu.memory_space<hbm>> -> memref<40000x128xf32, #tpu.memory_space<hbm>>
        tpu.enqueue_indirect_dma source(%dma_start3A_204 : memref<40000x128xf32, #tpu.memory_space<hbm>>) target(%arg9 : memref<128x128xf32, #tpu.memory_space<vmem>>) offsets(%dma_start3A_201 : memref<128xi32, #tpu.memory_space<vmem>>) semaphore(%arg12 : memref<!tpu.dma_semaphore, #tpu.memory_space<semaphore_mem>>)
      } else {
      }
      %dma_wait3A_187 = arith.constant 0 : i32
      %dma_wait3A_188 = arith.constant 0 : i32
      %dma_wait3A_189 = tpu.memref_slice %arg7[%dma_wait3A_187, %dma_wait3A_188] : memref<40x128xi32, #tpu.memory_space<vmem>> -> memref<1x128xi32, #tpu.memory_space<vmem>>
      %dma_wait3A_190 = tpu.memref_squeeze %dma_wait3A_189 : memref<1x128xi32, #tpu.memory_space<vmem>> -> memref<128xi32, #tpu.memory_space<vmem>>
      %dma_wait3A_191 = arith.constant 0 : i32
      %dma_wait3A_192 = arith.constant 0 : i32
      %dma_wait3A_193 = tpu.memref_slice %arg4[%dma_wait3A_191, %dma_wait3A_192] : memref<40000x128xf32, #tpu.memory_space<hbm>> -> memref<40000x128xf32, #tpu.memory_space<hbm>>
      tpu.wait_indirect_dma semaphore(%arg13 : memref<!tpu.dma_semaphore, #tpu.memory_space<semaphore_mem>>) src(%dma_wait3A_193 : memref<40000x128xf32, #tpu.memory_space<hbm>>) dst(%arg10 : memref<128x128xf32, #tpu.memory_space<vmem>>)
      %add3A_194 = arith.constant 1 : i32
      %add3A_195 = arith.addi %mul3A_168, %add3A_194 : i32
      "tpu.region"() ({
        %run_scoped3A_197 = tpu.sem_alloc : memref<!tpu.dma_semaphore, #tpu.memory_space<semaphore_mem>>
        %dma_start3A_198 = arith.constant 0 : i32
        %dma_start3A_199 = tpu.memref_slice %arg8[%add3A_195, %dma_start3A_198] : memref<40x128xi32, #tpu.memory_space<vmem>> -> memref<1x128xi32, #tpu.memory_space<vmem>>
        %dma_start3A_200 = tpu.memref_squeeze %dma_start3A_199 : memref<1x128xi32, #tpu.memory_space<vmem>> -> memref<128xi32, #tpu.memory_space<vmem>>
        %dma_start3A_201 = arith.constant 0 : i32
        %dma_start3A_202 = arith.constant 0 : i32
        %dma_start3A_203 = tpu.memref_slice %arg11[%dma_start3A_201, %dma_start3A_202] : memref<10240x128xf32, #tpu.memory_space<vmem_shared>> -> memref<10240x128xf32, #tpu.memory_space<vmem_shared>>
        tpu.enqueue_indirect_dma source(%arg10 : memref<128x128xf32, #tpu.memory_space<vmem>>) target(%dma_start3A_203 : memref<10240x128xf32, #tpu.memory_space<vmem_shared>>) offsets(%dma_start3A_200 : memref<128xi32, #tpu.memory_space<vmem>>) semaphore(%run_scoped3A_197 : memref<!tpu.dma_semaphore, #tpu.memory_space<semaphore_mem>>) {add = true}
        %dma_wait3A_204 = arith.constant 0 : i32
        %dma_wait3A_205 = tpu.memref_slice %arg8[%add3A_195, %dma_wait3A_204] : memref<40x128xi32, #tpu.memory_space<vmem>> -> memref<1x128xi32, #tpu.memory_space<vmem>>
        %dma_wait3A_206 = tpu.memref_squeeze %dma_wait3A_205 : memref<1x128xi32, #tpu.memory_space<vmem>> -> memref<128xi32, #tpu.memory_space<vmem>>
        %dma_wait3A_207 = arith.constant 0 : i32
        %dma_wait3A_208 = arith.constant 0 : i32
        %dma_wait3A_209 = tpu.memref_slice %arg11[%dma_wait3A_207, %dma_wait3A_208] : memref<10240x128xf32, #tpu.memory_space<vmem_shared>> -> memref<10240x128xf32, #tpu.memory_space<vmem_shared>>
        tpu.wait_indirect_dma semaphore(%run_scoped3A_197 : memref<!tpu.dma_semaphore, #tpu.memory_space<semaphore_mem>>) src(%arg10 : memref<128x128xf32, #tpu.memory_space<vmem>>) dst(%dma_wait3A_209 : memref<10240x128xf32, #tpu.memory_space<vmem_shared>>)
        tpu.yield
      }) : () -> ()
      %scan3A_196 = arith.constant 0 : i32
      scf.yield %scan3A_196 : i32
    }
    %scan3A_15 = arith.constant 20 : i32
    %run_scoped3A_16 = arith.constant 0 : i32
    "tpu.region"() ({
      %run_scoped3A_165 = tpu.sem_alloc : memref<!tpu.dma_semaphore, #tpu.memory_space<semaphore_mem>>
      %dma_start3A_166 = arith.constant 40 : i32
      %dma_start3A_167 = arith.constant 0 : i32
      %dma_start3A_168 = tpu.memref_slice %arg2[%run_scoped3A_16, %add3A, %dma_start3A_166, %dma_start3A_167] : memref<4x32x80x128xi32, #tpu.memory_space<hbm>> -> memref<1x1x40x128xi32, #tpu.memory_space<hbm>>
      %dma_start3A_169 = tpu.memref_squeeze %dma_start3A_168 : memref<1x1x40x128xi32, #tpu.memory_space<hbm>> -> memref<40x128xi32, #tpu.memory_space<hbm>>
      %dma_start3A_170 = arith.constant 40 : i32
      %dma_start3A_171 = arith.constant 0 : i32
      %dma_start3A_172 = tpu.memref_slice %arg2[%run_scoped3A_16, %add3A, %dma_start3A_170, %dma_start3A_171] : memref<4x32x80x128xi32, #tpu.memory_space<hbm>> -> memref<1x1x40x128xi32, #tpu.memory_space<hbm>>
      %dma_start3A_173 = tpu.memref_squeeze %dma_start3A_172 : memref<1x1x40x128xi32, #tpu.memory_space<hbm>> -> memref<40x128xi32, #tpu.memory_space<hbm>>
      tpu.enqueue_dma source(%dma_start3A_173 : memref<40x128xi32, #tpu.memory_space<hbm>>) target(%arg7 : memref<40x128xi32, #tpu.memory_space<vmem>>) target_semaphore(%run_scoped3A_165 : memref<!tpu.dma_semaphore, #tpu.memory_space<semaphore_mem>>)
      %dma_wait3A = arith.constant 40 : i32
      %dma_wait3A_174 = arith.constant 0 : i32
      %dma_wait3A_175 = tpu.memref_slice %arg2[%run_scoped3A_16, %add3A, %dma_wait3A, %dma_wait3A_174] : memref<4x32x80x128xi32, #tpu.memory_space<hbm>> -> memref<1x1x40x128xi32, #tpu.memory_space<hbm>>
      %dma_wait3A_176 = tpu.memref_squeeze %dma_wait3A_175 : memref<1x1x40x128xi32, #tpu.memory_space<hbm>> -> memref<40x128xi32, #tpu.memory_space<hbm>>
      %dma_wait3A_177 = arith.constant 40 : i32
      %dma_wait3A_178 = arith.constant 0 : i32
      %dma_wait3A_179 = tpu.memref_slice %arg2[%run_scoped3A_16, %add3A, %dma_wait3A_177, %dma_wait3A_178] : memref<4x32x80x128xi32, #tpu.memory_space<hbm>> -> memref<1x1x40x128xi32, #tpu.memory_space<hbm>>
      %dma_wait3A_180 = tpu.memref_squeeze %dma_wait3A_179 : memref<1x1x40x128xi32, #tpu.memory_space<hbm>> -> memref<40x128xi32, #tpu.memory_space<hbm>>
      tpu.wait_dma2 semaphore(%run_scoped3A_165 : memref<!tpu.dma_semaphore, #tpu.memory_space<semaphore_mem>>) src(%dma_wait3A_180 : memref<40x128xi32, #tpu.memory_space<hbm>>) dst(%arg7 : memref<40x128xi32, #tpu.memory_space<vmem>>)
      tpu.yield
    }) : () -> ()
    %run_scoped3A_17 = arith.constant 0 : i32
    "tpu.region"() ({
      %run_scoped3A_165 = tpu.sem_alloc : memref<!tpu.dma_semaphore, #tpu.memory_space<semaphore_mem>>
      %dma_start3A_166 = arith.constant 40 : i32
      %dma_start3A_167 = arith.constant 0 : i32
      %dma_start3A_168 = tpu.memref_slice %arg3[%run_scoped3A_17, %add3A, %dma_start3A_166, %dma_start3A_167] : memref<4x32x80x128xi32, #tpu.memory_space<hbm>> -> memref<1x1x40x128xi32, #tpu.memory_space<hbm>>
      %dma_start3A_169 = tpu.memref_squeeze %dma_start3A_168 : memref<1x1x40x128xi32, #tpu.memory_space<hbm>> -> memref<40x128xi32, #tpu.memory_space<hbm>>
      %dma_start3A_170 = arith.constant 40 : i32
      %dma_start3A_171 = arith.constant 0 : i32
      %dma_start3A_172 = tpu.memref_slice %arg3[%run_scoped3A_17, %add3A, %dma_start3A_170, %dma_start3A_171] : memref<4x32x80x128xi32, #tpu.memory_space<hbm>> -> memref<1x1x40x128xi32, #tpu.memory_space<hbm>>
      %dma_start3A_173 = tpu.memref_squeeze %dma_start3A_172 : memref<1x1x40x128xi32, #tpu.memory_space<hbm>> -> memref<40x128xi32, #tpu.memory_space<hbm>>
      tpu.enqueue_dma source(%dma_start3A_173 : memref<40x128xi32, #tpu.memory_space<hbm>>) target(%arg8 : memref<40x128xi32, #tpu.memory_space<vmem>>) target_semaphore(%run_scoped3A_165 : memref<!tpu.dma_semaphore, #tpu.memory_space<semaphore_mem>>)
      %dma_wait3A = arith.constant 40 : i32
      %dma_wait3A_174 = arith.constant 0 : i32
      %dma_wait3A_175 = tpu.memref_slice %arg3[%run_scoped3A_17, %add3A, %dma_wait3A, %dma_wait3A_174] : memref<4x32x80x128xi32, #tpu.memory_space<hbm>> -> memref<1x1x40x128xi32, #tpu.memory_space<hbm>>
      %dma_wait3A_176 = tpu.memref_squeeze %dma_wait3A_175 : memref<1x1x40x128xi32, #tpu.memory_space<hbm>> -> memref<40x128xi32, #tpu.memory_space<hbm>>
      %dma_wait3A_177 = arith.constant 40 : i32
      %dma_wait3A_178 = arith.constant 0 : i32
      %dma_wait3A_179 = tpu.memref_slice %arg3[%run_scoped3A_17, %add3A, %dma_wait3A_177, %dma_wait3A_178] : memref<4x32x80x128xi32, #tpu.memory_space<hbm>> -> memref<1x1x40x128xi32, #tpu.memory_space<hbm>>
      %dma_wait3A_180 = tpu.memref_squeeze %dma_wait3A_179 : memref<1x1x40x128xi32, #tpu.memory_space<hbm>> -> memref<40x128xi32, #tpu.memory_space<hbm>>
      tpu.wait_dma2 semaphore(%run_scoped3A_165 : memref<!tpu.dma_semaphore, #tpu.memory_space<semaphore_mem>>) src(%dma_wait3A_180 : memref<40x128xi32, #tpu.memory_space<hbm>>) dst(%arg8 : memref<40x128xi32, #tpu.memory_space<vmem>>)
      tpu.yield
    }) : () -> ()
    %dma_start3A_18 = arith.constant 0 : i32
    %dma_start3A_19 = arith.constant 0 : i32
    %dma_start3A_20 = tpu.memref_slice %arg7[%dma_start3A_18, %dma_start3A_19] : memref<40x128xi32, #tpu.memory_space<vmem>> -> memref<1x128xi32, #tpu.memory_space<vmem>>
    %dma_start3A_21 = tpu.memref_squeeze %dma_start3A_20 : memref<1x128xi32, #tpu.memory_space<vmem>> -> memref<128xi32, #tpu.memory_space<vmem>>
    %dma_start3A_22 = arith.constant 0 : i32
    %dma_start3A_23 = arith.constant 0 : i32
    %dma_start3A_24 = tpu.memref_slice %arg4[%dma_start3A_22, %dma_start3A_23] : memref<40000x128xf32, #tpu.memory_space<hbm>> -> memref<40000x128xf32, #tpu.memory_space<hbm>>
    tpu.enqueue_indirect_dma source(%dma_start3A_24 : memref<40000x128xf32, #tpu.memory_space<hbm>>) target(%arg9 : memref<128x128xf32, #tpu.memory_space<vmem>>) offsets(%dma_start3A_21 : memref<128xi32, #tpu.memory_space<vmem>>) semaphore(%arg12 : memref<!tpu.dma_semaphore, #tpu.memory_space<semaphore_mem>>)
    %scan3A_25 = arith.constant 0 : i32
    %scan3A_26 = arith.constant 0 : i32
    %scan3A_27 = arith.constant 20 : i32
    %scan3A_28 = arith.addi %scan3A_26, %scan3A_27 : i32
    %scan3A_29 = arith.constant 1 : i32
    %scan3A_30 = scf.for %scan3A_165 = %scan3A_26 to %scan3A_28 step %scan3A_29 iter_args(%scan3A_166 = %scan3A_25) -> (i32)  : i32 {
      %mul3A_167 = arith.constant 2 : i32
      %mul3A_168 = arith.muli %mul3A_167, %scan3A_165 : i32
      %dma_wait3A = arith.constant 0 : i32
      %dma_wait3A_169 = arith.constant 0 : i32
      %dma_wait3A_170 = tpu.memref_slice %arg7[%dma_wait3A, %dma_wait3A_169] : memref<40x128xi32, #tpu.memory_space<vmem>> -> memref<1x128xi32, #tpu.memory_space<vmem>>
      %dma_wait3A_171 = tpu.memref_squeeze %dma_wait3A_170 : memref<1x128xi32, #tpu.memory_space<vmem>> -> memref<128xi32, #tpu.memory_space<vmem>>
      %dma_wait3A_172 = arith.constant 0 : i32
      %dma_wait3A_173 = arith.constant 0 : i32
      %dma_wait3A_174 = tpu.memref_slice %arg4[%dma_wait3A_172, %dma_wait3A_173] : memref<40000x128xf32, #tpu.memory_space<hbm>> -> memref<40000x128xf32, #tpu.memory_space<hbm>>
      tpu.wait_indirect_dma semaphore(%arg12 : memref<!tpu.dma_semaphore, #tpu.memory_space<semaphore_mem>>) src(%dma_wait3A_174 : memref<40000x128xf32, #tpu.memory_space<hbm>>) dst(%arg9 : memref<128x128xf32, #tpu.memory_space<vmem>>)
      %add3A_175 = arith.constant 1 : i32
      %add3A_176 = arith.addi %mul3A_168, %add3A_175 : i32
      %dma_start3A_177 = arith.constant 0 : i32
      %dma_start3A_178 = tpu.memref_slice %arg7[%add3A_176, %dma_start3A_177] : memref<40x128xi32, #tpu.memory_space<vmem>> -> memref<1x128xi32, #tpu.memory_space<vmem>>
      %dma_start3A_179 = tpu.memref_squeeze %dma_start3A_178 : memref<1x128xi32, #tpu.memory_space<vmem>> -> memref<128xi32, #tpu.memory_space<vmem>>
      %dma_start3A_180 = arith.constant 0 : i32
      %dma_start3A_181 = arith.constant 0 : i32
      %dma_start3A_182 = tpu.memref_slice %arg4[%dma_start3A_180, %dma_start3A_181] : memref<40000x128xf32, #tpu.memory_space<hbm>> -> memref<40000x128xf32, #tpu.memory_space<hbm>>
      tpu.enqueue_indirect_dma source(%dma_start3A_182 : memref<40000x128xf32, #tpu.memory_space<hbm>>) target(%arg10 : memref<128x128xf32, #tpu.memory_space<vmem>>) offsets(%dma_start3A_179 : memref<128xi32, #tpu.memory_space<vmem>>) semaphore(%arg13 : memref<!tpu.dma_semaphore, #tpu.memory_space<semaphore_mem>>)
      "tpu.region"() ({
        %run_scoped3A_197 = tpu.sem_alloc : memref<!tpu.dma_semaphore, #tpu.memory_space<semaphore_mem>>
        %dma_start3A_198 = arith.constant 0 : i32
        %dma_start3A_199 = tpu.memref_slice %arg8[%mul3A_168, %dma_start3A_198] : memref<40x128xi32, #tpu.memory_space<vmem>> -> memref<1x128xi32, #tpu.memory_space<vmem>>
        %dma_start3A_200 = tpu.memref_squeeze %dma_start3A_199 : memref<1x128xi32, #tpu.memory_space<vmem>> -> memref<128xi32, #tpu.memory_space<vmem>>
        %dma_start3A_201 = arith.constant 0 : i32
        %dma_start3A_202 = arith.constant 0 : i32
        %dma_start3A_203 = tpu.memref_slice %arg11[%dma_start3A_201, %dma_start3A_202] : memref<10240x128xf32, #tpu.memory_space<vmem_shared>> -> memref<10240x128xf32, #tpu.memory_space<vmem_shared>>
        tpu.enqueue_indirect_dma source(%arg9 : memref<128x128xf32, #tpu.memory_space<vmem>>) target(%dma_start3A_203 : memref<10240x128xf32, #tpu.memory_space<vmem_shared>>) offsets(%dma_start3A_200 : memref<128xi32, #tpu.memory_space<vmem>>) semaphore(%run_scoped3A_197 : memref<!tpu.dma_semaphore, #tpu.memory_space<semaphore_mem>>) {add = true}
        %dma_wait3A_204 = arith.constant 0 : i32
        %dma_wait3A_205 = tpu.memref_slice %arg8[%mul3A_168, %dma_wait3A_204] : memref<40x128xi32, #tpu.memory_space<vmem>> -> memref<1x128xi32, #tpu.memory_space<vmem>>
        %dma_wait3A_206 = tpu.memref_squeeze %dma_wait3A_205 : memref<1x128xi32, #tpu.memory_space<vmem>> -> memref<128xi32, #tpu.memory_space<vmem>>
        %dma_wait3A_207 = arith.constant 0 : i32
        %dma_wait3A_208 = arith.constant 0 : i32
        %dma_wait3A_209 = tpu.memref_slice %arg11[%dma_wait3A_207, %dma_wait3A_208] : memref<10240x128xf32, #tpu.memory_space<vmem_shared>> -> memref<10240x128xf32, #tpu.memory_space<vmem_shared>>
        tpu.wait_indirect_dma semaphore(%run_scoped3A_197 : memref<!tpu.dma_semaphore, #tpu.memory_space<semaphore_mem>>) src(%arg9 : memref<128x128xf32, #tpu.memory_space<vmem>>) dst(%dma_wait3A_209 : memref<10240x128xf32, #tpu.memory_space<vmem_shared>>)
        tpu.yield
      }) : () -> ()
      %add3A_183 = arith.constant 2 : i32
      %add3A_184 = arith.addi %mul3A_168, %add3A_183 : i32
      %lt3A = arith.constant 40 : i32
      %lt3A_185 = arith.cmpi slt, %add3A_184, %lt3A : i32
      %convert_element_type3A = arith.extui %lt3A_185 : i1 to i32
      %cond3A = arith.constant 0 : i32
      %cond3A_186 = arith.cmpi ne, %convert_element_type3A, %cond3A : i32
      scf.if %cond3A_186 {
        %add3A_197 = arith.constant 2 : i32
        %add3A_198 = arith.addi %mul3A_168, %add3A_197 : i32
        %dma_start3A_199 = arith.constant 0 : i32
        %dma_start3A_200 = tpu.memref_slice %arg7[%add3A_198, %dma_start3A_199] : memref<40x128xi32, #tpu.memory_space<vmem>> -> memref<1x128xi32, #tpu.memory_space<vmem>>
        %dma_start3A_201 = tpu.memref_squeeze %dma_start3A_200 : memref<1x128xi32, #tpu.memory_space<vmem>> -> memref<128xi32, #tpu.memory_space<vmem>>
        %dma_start3A_202 = arith.constant 0 : i32
        %dma_start3A_203 = arith.constant 0 : i32
        %dma_start3A_204 = tpu.memref_slice %arg4[%dma_start3A_202, %dma_start3A_203] : memref<40000x128xf32, #tpu.memory_space<hbm>> -> memref<40000x128xf32, #tpu.memory_space<hbm>>
        tpu.enqueue_indirect_dma source(%dma_start3A_204 : memref<40000x128xf32, #tpu.memory_space<hbm>>) target(%arg9 : memref<128x128xf32, #tpu.memory_space<vmem>>) offsets(%dma_start3A_201 : memref<128xi32, #tpu.memory_space<vmem>>) semaphore(%arg12 : memref<!tpu.dma_semaphore, #tpu.memory_space<semaphore_mem>>)
      } else {
      }
      %dma_wait3A_187 = arith.constant 0 : i32
      %dma_wait3A_188 = arith.constant 0 : i32
      %dma_wait3A_189 = tpu.memref_slice %arg7[%dma_wait3A_187, %dma_wait3A_188] : memref<40x128xi32, #tpu.memory_space<vmem>> -> memref<1x128xi32, #tpu.memory_space<vmem>>
      %dma_wait3A_190 = tpu.memref_squeeze %dma_wait3A_189 : memref<1x128xi32, #tpu.memory_space<vmem>> -> memref<128xi32, #tpu.memory_space<vmem>>
      %dma_wait3A_191 = arith.constant 0 : i32
      %dma_wait3A_192 = arith.constant 0 : i32
      %dma_wait3A_193 = tpu.memref_slice %arg4[%dma_wait3A_191, %dma_wait3A_192] : memref<40000x128xf32, #tpu.memory_space<hbm>> -> memref<40000x128xf32, #tpu.memory_space<hbm>>
      tpu.wait_indirect_dma semaphore(%arg13 : memref<!tpu.dma_semaphore, #tpu.memory_space<semaphore_mem>>) src(%dma_wait3A_193 : memref<40000x128xf32, #tpu.memory_space<hbm>>) dst(%arg10 : memref<128x128xf32, #tpu.memory_space<vmem>>)
      %add3A_194 = arith.constant 1 : i32
      %add3A_195 = arith.addi %mul3A_168, %add3A_194 : i32
      "tpu.region"() ({
        %run_scoped3A_197 = tpu.sem_alloc : memref<!tpu.dma_semaphore, #tpu.memory_space<semaphore_mem>>
        %dma_start3A_198 = arith.constant 0 : i32
        %dma_start3A_199 = tpu.memref_slice %arg8[%add3A_195, %dma_start3A_198] : memref<40x128xi32, #tpu.memory_space<vmem>> -> memref<1x128xi32, #tpu.memory_space<vmem>>
        %dma_start3A_200 = tpu.memref_squeeze %dma_start3A_199 : memref<1x128xi32, #tpu.memory_space<vmem>> -> memref<128xi32, #tpu.memory_space<vmem>>
        %dma_start3A_201 = arith.constant 0 : i32
        %dma_start3A_202 = arith.constant 0 : i32
        %dma_start3A_203 = tpu.memref_slice %arg11[%dma_start3A_201, %dma_start3A_202] : memref<10240x128xf32, #tpu.memory_space<vmem_shared>> -> memref<10240x128xf32, #tpu.memory_space<vmem_shared>>
        tpu.enqueue_indirect_dma source(%arg10 : memref<128x128xf32, #tpu.memory_space<vmem>>) target(%dma_start3A_203 : memref<10240x128xf32, #tpu.memory_space<vmem_shared>>) offsets(%dma_start3A_200 : memref<128xi32, #tpu.memory_space<vmem>>) semaphore(%run_scoped3A_197 : memref<!tpu.dma_semaphore, #tpu.memory_space<semaphore_mem>>) {add = true}
        %dma_wait3A_204 = arith.constant 0 : i32
        %dma_wait3A_205 = tpu.memref_slice %arg8[%add3A_195, %dma_wait3A_204] : memref<40x128xi32, #tpu.memory_space<vmem>> -> memref<1x128xi32, #tpu.memory_space<vmem>>
        %dma_wait3A_206 = tpu.memref_squeeze %dma_wait3A_205 : memref<1x128xi32, #tpu.memory_space<vmem>> -> memref<128xi32, #tpu.memory_space<vmem>>
        %dma_wait3A_207 = arith.constant 0 : i32
        %dma_wait3A_208 = arith.constant 0 : i32
        %dma_wait3A_209 = tpu.memref_slice %arg11[%dma_wait3A_207, %dma_wait3A_208] : memref<10240x128xf32, #tpu.memory_space<vmem_shared>> -> memref<10240x128xf32, #tpu.memory_space<vmem_shared>>
        tpu.wait_indirect_dma semaphore(%run_scoped3A_197 : memref<!tpu.dma_semaphore, #tpu.memory_space<semaphore_mem>>) src(%arg10 : memref<128x128xf32, #tpu.memory_space<vmem>>) dst(%dma_wait3A_209 : memref<10240x128xf32, #tpu.memory_space<vmem_shared>>)
        tpu.yield
      }) : () -> ()
      %scan3A_196 = arith.constant 0 : i32
      scf.yield %scan3A_196 : i32
    }
    %scan3A_31 = arith.constant 20 : i32
    %barrier3A_32 = arith.constant 0 : index
    tpu.barrier barrier_id(%barrier3A_32)
    %mul3A_33 = arith.constant 640 : i32
    %mul3A_34 = arith.muli %arg1, %mul3A_33 : i32
    %mul3A_35 = arith.constant 640 : i32
    %mul3A_36 = arith.muli %arg1, %mul3A_35 : i32
    %run_scoped3A_37 = arith.constant 0 : i32
    "tpu.region"() ({
      %run_scoped3A_165 = tpu.sem_alloc : memref<!tpu.dma_semaphore, #tpu.memory_space<semaphore_mem>>
      %dma_start3A_166 = arith.constant 0 : i32
      %dma_start3A_167 = tpu.memref_slice %arg6[%arg0, %run_scoped3A_37, %mul3A_36, %dma_start3A_166] : memref<2x4x10240x128xf32, #tpu.memory_space<hbm>> -> memref<1x1x640x128xf32, #tpu.memory_space<hbm>>
      %dma_start3A_168 = tpu.memref_squeeze %dma_start3A_167 : memref<1x1x640x128xf32, #tpu.memory_space<hbm>> -> memref<640x128xf32, #tpu.memory_space<hbm>>
      %dma_start3A_169 = arith.constant 0 : i32
      %dma_start3A_170 = tpu.memref_slice %arg11[%mul3A_34, %dma_start3A_169] : memref<10240x128xf32, #tpu.memory_space<vmem_shared>> -> memref<640x128xf32, #tpu.memory_space<vmem_shared>>
      tpu.enqueue_dma source(%dma_start3A_170 : memref<640x128xf32, #tpu.memory_space<vmem_shared>>) target(%dma_start3A_168 : memref<640x128xf32, #tpu.memory_space<hbm>>) target_semaphore(%run_scoped3A_165 : memref<!tpu.dma_semaphore, #tpu.memory_space<semaphore_mem>>)
      %dma_wait3A = arith.constant 0 : i32
      %dma_wait3A_171 = tpu.memref_slice %arg6[%arg0, %run_scoped3A_37, %mul3A_36, %dma_wait3A] : memref<2x4x10240x128xf32, #tpu.memory_space<hbm>> -> memref<1x1x640x128xf32, #tpu.memory_space<hbm>>
      %dma_wait3A_172 = tpu.memref_squeeze %dma_wait3A_171 : memref<1x1x640x128xf32, #tpu.memory_space<hbm>> -> memref<640x128xf32, #tpu.memory_space<hbm>>
      %dma_wait3A_173 = arith.constant 0 : i32
      %dma_wait3A_174 = tpu.memref_slice %arg11[%mul3A_34, %dma_wait3A_173] : memref<10240x128xf32, #tpu.memory_space<vmem_shared>> -> memref<640x128xf32, #tpu.memory_space<vmem_shared>>
      tpu.wait_dma2 semaphore(%run_scoped3A_165 : memref<!tpu.dma_semaphore, #tpu.memory_space<semaphore_mem>>) src(%dma_wait3A_174 : memref<640x128xf32, #tpu.memory_space<vmem_shared>>) dst(%dma_wait3A_172 : memref<640x128xf32, #tpu.memory_space<hbm>>)
      tpu.yield
    }) : () -> ()
    %barrier3A_38 = arith.constant 0 : index
    tpu.barrier barrier_id(%barrier3A_38)
    %mul3A_39 = arith.constant 640 : i32
    %mul3A_40 = arith.muli %arg1, %mul3A_39 : i32
    "tpu.region"() ({
      %run_scoped3A_165 = tpu.sem_alloc : memref<!tpu.dma_semaphore, #tpu.memory_space<semaphore_mem>>
      %dma_start3A_166 = arith.constant 0 : i32
      %dma_start3A_167 = tpu.memref_slice %arg11[%mul3A_40, %dma_start3A_166] : memref<10240x128xf32, #tpu.memory_space<vmem_shared>> -> memref<640x128xf32, #tpu.memory_space<vmem_shared>>
      tpu.enqueue_dma source(%arg5 : memref<640x128xf32, #tpu.memory_space<hbm>>) target(%dma_start3A_167 : memref<640x128xf32, #tpu.memory_space<vmem_shared>>) target_semaphore(%run_scoped3A_165 : memref<!tpu.dma_semaphore, #tpu.memory_space<semaphore_mem>>)
      %dma_wait3A = arith.constant 0 : i32
      %dma_wait3A_168 = tpu.memref_slice %arg11[%mul3A_40, %dma_wait3A] : memref<10240x128xf32, #tpu.memory_space<vmem_shared>> -> memref<640x128xf32, #tpu.memory_space<vmem_shared>>
      tpu.wait_dma2 semaphore(%run_scoped3A_165 : memref<!tpu.dma_semaphore, #tpu.memory_space<semaphore_mem>>) src(%arg5 : memref<640x128xf32, #tpu.memory_space<hbm>>) dst(%dma_wait3A_168 : memref<640x128xf32, #tpu.memory_space<vmem_shared>>)
      tpu.yield
    }) : () -> ()
    %barrier3A_41 = arith.constant 0 : index
    tpu.barrier barrier_id(%barrier3A_41)
    %run_scoped3A_42 = arith.constant 1 : i32
    "tpu.region"() ({
      %run_scoped3A_165 = tpu.sem_alloc : memref<!tpu.dma_semaphore, #tpu.memory_space<semaphore_mem>>
      %dma_start3A_166 = arith.constant 0 : i32
      %dma_start3A_167 = arith.constant 0 : i32
      %dma_start3A_168 = tpu.memref_slice %arg2[%run_scoped3A_42, %add3A, %dma_start3A_166, %dma_start3A_167] : memref<4x32x80x128xi32, #tpu.memory_space<hbm>> -> memref<1x1x40x128xi32, #tpu.memory_space<hbm>>
      %dma_start3A_169 = tpu.memref_squeeze %dma_start3A_168 : memref<1x1x40x128xi32, #tpu.memory_space<hbm>> -> memref<40x128xi32, #tpu.memory_space<hbm>>
      %dma_start3A_170 = arith.constant 0 : i32
      %dma_start3A_171 = arith.constant 0 : i32
      %dma_start3A_172 = tpu.memref_slice %arg2[%run_scoped3A_42, %add3A, %dma_start3A_170, %dma_start3A_171] : memref<4x32x80x128xi32, #tpu.memory_space<hbm>> -> memref<1x1x40x128xi32, #tpu.memory_space<hbm>>
      %dma_start3A_173 = tpu.memref_squeeze %dma_start3A_172 : memref<1x1x40x128xi32, #tpu.memory_space<hbm>> -> memref<40x128xi32, #tpu.memory_space<hbm>>
      tpu.enqueue_dma source(%dma_start3A_173 : memref<40x128xi32, #tpu.memory_space<hbm>>) target(%arg7 : memref<40x128xi32, #tpu.memory_space<vmem>>) target_semaphore(%run_scoped3A_165 : memref<!tpu.dma_semaphore, #tpu.memory_space<semaphore_mem>>)
      %dma_wait3A = arith.constant 0 : i32
      %dma_wait3A_174 = arith.constant 0 : i32
      %dma_wait3A_175 = tpu.memref_slice %arg2[%run_scoped3A_42, %add3A, %dma_wait3A, %dma_wait3A_174] : memref<4x32x80x128xi32, #tpu.memory_space<hbm>> -> memref<1x1x40x128xi32, #tpu.memory_space<hbm>>
      %dma_wait3A_176 = tpu.memref_squeeze %dma_wait3A_175 : memref<1x1x40x128xi32, #tpu.memory_space<hbm>> -> memref<40x128xi32, #tpu.memory_space<hbm>>
      %dma_wait3A_177 = arith.constant 0 : i32
      %dma_wait3A_178 = arith.constant 0 : i32
      %dma_wait3A_179 = tpu.memref_slice %arg2[%run_scoped3A_42, %add3A, %dma_wait3A_177, %dma_wait3A_178] : memref<4x32x80x128xi32, #tpu.memory_space<hbm>> -> memref<1x1x40x128xi32, #tpu.memory_space<hbm>>
      %dma_wait3A_180 = tpu.memref_squeeze %dma_wait3A_179 : memref<1x1x40x128xi32, #tpu.memory_space<hbm>> -> memref<40x128xi32, #tpu.memory_space<hbm>>
      tpu.wait_dma2 semaphore(%run_scoped3A_165 : memref<!tpu.dma_semaphore, #tpu.memory_space<semaphore_mem>>) src(%dma_wait3A_180 : memref<40x128xi32, #tpu.memory_space<hbm>>) dst(%arg7 : memref<40x128xi32, #tpu.memory_space<vmem>>)
      tpu.yield
    }) : () -> ()
    %run_scoped3A_43 = arith.constant 1 : i32
    "tpu.region"() ({
      %run_scoped3A_165 = tpu.sem_alloc : memref<!tpu.dma_semaphore, #tpu.memory_space<semaphore_mem>>
      %dma_start3A_166 = arith.constant 0 : i32
      %dma_start3A_167 = arith.constant 0 : i32
      %dma_start3A_168 = tpu.memref_slice %arg3[%run_scoped3A_43, %add3A, %dma_start3A_166, %dma_start3A_167] : memref<4x32x80x128xi32, #tpu.memory_space<hbm>> -> memref<1x1x40x128xi32, #tpu.memory_space<hbm>>
      %dma_start3A_169 = tpu.memref_squeeze %dma_start3A_168 : memref<1x1x40x128xi32, #tpu.memory_space<hbm>> -> memref<40x128xi32, #tpu.memory_space<hbm>>
      %dma_start3A_170 = arith.constant 0 : i32
      %dma_start3A_171 = arith.constant 0 : i32
      %dma_start3A_172 = tpu.memref_slice %arg3[%run_scoped3A_43, %add3A, %dma_start3A_170, %dma_start3A_171] : memref<4x32x80x128xi32, #tpu.memory_space<hbm>> -> memref<1x1x40x128xi32, #tpu.memory_space<hbm>>
      %dma_start3A_173 = tpu.memref_squeeze %dma_start3A_172 : memref<1x1x40x128xi32, #tpu.memory_space<hbm>> -> memref<40x128xi32, #tpu.memory_space<hbm>>
      tpu.enqueue_dma source(%dma_start3A_173 : memref<40x128xi32, #tpu.memory_space<hbm>>) target(%arg8 : memref<40x128xi32, #tpu.memory_space<vmem>>) target_semaphore(%run_scoped3A_165 : memref<!tpu.dma_semaphore, #tpu.memory_space<semaphore_mem>>)
      %dma_wait3A = arith.constant 0 : i32
      %dma_wait3A_174 = arith.constant 0 : i32
      %dma_wait3A_175 = tpu.memref_slice %arg3[%run_scoped3A_43, %add3A, %dma_wait3A, %dma_wait3A_174] : memref<4x32x80x128xi32, #tpu.memory_space<hbm>> -> memref<1x1x40x128xi32, #tpu.memory_space<hbm>>
      %dma_wait3A_176 = tpu.memref_squeeze %dma_wait3A_175 : memref<1x1x40x128xi32, #tpu.memory_space<hbm>> -> memref<40x128xi32, #tpu.memory_space<hbm>>
      %dma_wait3A_177 = arith.constant 0 : i32
      %dma_wait3A_178 = arith.constant 0 : i32
      %dma_wait3A_179 = tpu.memref_slice %arg3[%run_scoped3A_43, %add3A, %dma_wait3A_177, %dma_wait3A_178] : memref<4x32x80x128xi32, #tpu.memory_space<hbm>> -> memref<1x1x40x128xi32, #tpu.memory_space<hbm>>
      %dma_wait3A_180 = tpu.memref_squeeze %dma_wait3A_179 : memref<1x1x40x128xi32, #tpu.memory_space<hbm>> -> memref<40x128xi32, #tpu.memory_space<hbm>>
      tpu.wait_dma2 semaphore(%run_scoped3A_165 : memref<!tpu.dma_semaphore, #tpu.memory_space<semaphore_mem>>) src(%dma_wait3A_180 : memref<40x128xi32, #tpu.memory_space<hbm>>) dst(%arg8 : memref<40x128xi32, #tpu.memory_space<vmem>>)
      tpu.yield
    }) : () -> ()
    %dma_start3A_44 = arith.constant 0 : i32
    %dma_start3A_45 = arith.constant 0 : i32
    %dma_start3A_46 = tpu.memref_slice %arg7[%dma_start3A_44, %dma_start3A_45] : memref<40x128xi32, #tpu.memory_space<vmem>> -> memref<1x128xi32, #tpu.memory_space<vmem>>
    %dma_start3A_47 = tpu.memref_squeeze %dma_start3A_46 : memref<1x128xi32, #tpu.memory_space<vmem>> -> memref<128xi32, #tpu.memory_space<vmem>>
    %dma_start3A_48 = arith.constant 0 : i32
    %dma_start3A_49 = arith.constant 0 : i32
    %dma_start3A_50 = tpu.memref_slice %arg4[%dma_start3A_48, %dma_start3A_49] : memref<40000x128xf32, #tpu.memory_space<hbm>> -> memref<40000x128xf32, #tpu.memory_space<hbm>>
    tpu.enqueue_indirect_dma source(%dma_start3A_50 : memref<40000x128xf32, #tpu.memory_space<hbm>>) target(%arg9 : memref<128x128xf32, #tpu.memory_space<vmem>>) offsets(%dma_start3A_47 : memref<128xi32, #tpu.memory_space<vmem>>) semaphore(%arg12 : memref<!tpu.dma_semaphore, #tpu.memory_space<semaphore_mem>>)
    %scan3A_51 = arith.constant 0 : i32
    %scan3A_52 = arith.constant 0 : i32
    %scan3A_53 = arith.constant 20 : i32
    %scan3A_54 = arith.addi %scan3A_52, %scan3A_53 : i32
    %scan3A_55 = arith.constant 1 : i32
    %scan3A_56 = scf.for %scan3A_165 = %scan3A_52 to %scan3A_54 step %scan3A_55 iter_args(%scan3A_166 = %scan3A_51) -> (i32)  : i32 {
      %mul3A_167 = arith.constant 2 : i32
      %mul3A_168 = arith.muli %mul3A_167, %scan3A_165 : i32
      %dma_wait3A = arith.constant 0 : i32
      %dma_wait3A_169 = arith.constant 0 : i32
      %dma_wait3A_170 = tpu.memref_slice %arg7[%dma_wait3A, %dma_wait3A_169] : memref<40x128xi32, #tpu.memory_space<vmem>> -> memref<1x128xi32, #tpu.memory_space<vmem>>
      %dma_wait3A_171 = tpu.memref_squeeze %dma_wait3A_170 : memref<1x128xi32, #tpu.memory_space<vmem>> -> memref<128xi32, #tpu.memory_space<vmem>>
      %dma_wait3A_172 = arith.constant 0 : i32
      %dma_wait3A_173 = arith.constant 0 : i32
      %dma_wait3A_174 = tpu.memref_slice %arg4[%dma_wait3A_172, %dma_wait3A_173] : memref<40000x128xf32, #tpu.memory_space<hbm>> -> memref<40000x128xf32, #tpu.memory_space<hbm>>
      tpu.wait_indirect_dma semaphore(%arg12 : memref<!tpu.dma_semaphore, #tpu.memory_space<semaphore_mem>>) src(%dma_wait3A_174 : memref<40000x128xf32, #tpu.memory_space<hbm>>) dst(%arg9 : memref<128x128xf32, #tpu.memory_space<vmem>>)
      %add3A_175 = arith.constant 1 : i32
      %add3A_176 = arith.addi %mul3A_168, %add3A_175 : i32
      %dma_start3A_177 = arith.constant 0 : i32
      %dma_start3A_178 = tpu.memref_slice %arg7[%add3A_176, %dma_start3A_177] : memref<40x128xi32, #tpu.memory_space<vmem>> -> memref<1x128xi32, #tpu.memory_space<vmem>>
      %dma_start3A_179 = tpu.memref_squeeze %dma_start3A_178 : memref<1x128xi32, #tpu.memory_space<vmem>> -> memref<128xi32, #tpu.memory_space<vmem>>
      %dma_start3A_180 = arith.constant 0 : i32
      %dma_start3A_181 = arith.constant 0 : i32
      %dma_start3A_182 = tpu.memref_slice %arg4[%dma_start3A_180, %dma_start3A_181] : memref<40000x128xf32, #tpu.memory_space<hbm>> -> memref<40000x128xf32, #tpu.memory_space<hbm>>
      tpu.enqueue_indirect_dma source(%dma_start3A_182 : memref<40000x128xf32, #tpu.memory_space<hbm>>) target(%arg10 : memref<128x128xf32, #tpu.memory_space<vmem>>) offsets(%dma_start3A_179 : memref<128xi32, #tpu.memory_space<vmem>>) semaphore(%arg13 : memref<!tpu.dma_semaphore, #tpu.memory_space<semaphore_mem>>)
      "tpu.region"() ({
        %run_scoped3A_197 = tpu.sem_alloc : memref<!tpu.dma_semaphore, #tpu.memory_space<semaphore_mem>>
        %dma_start3A_198 = arith.constant 0 : i32
        %dma_start3A_199 = tpu.memref_slice %arg8[%mul3A_168, %dma_start3A_198] : memref<40x128xi32, #tpu.memory_space<vmem>> -> memref<1x128xi32, #tpu.memory_space<vmem>>
        %dma_start3A_200 = tpu.memref_squeeze %dma_start3A_199 : memref<1x128xi32, #tpu.memory_space<vmem>> -> memref<128xi32, #tpu.memory_space<vmem>>
        %dma_start3A_201 = arith.constant 0 : i32
        %dma_start3A_202 = arith.constant 0 : i32
        %dma_start3A_203 = tpu.memref_slice %arg11[%dma_start3A_201, %dma_start3A_202] : memref<10240x128xf32, #tpu.memory_space<vmem_shared>> -> memref<10240x128xf32, #tpu.memory_space<vmem_shared>>
        tpu.enqueue_indirect_dma source(%arg9 : memref<128x128xf32, #tpu.memory_space<vmem>>) target(%dma_start3A_203 : memref<10240x128xf32, #tpu.memory_space<vmem_shared>>) offsets(%dma_start3A_200 : memref<128xi32, #tpu.memory_space<vmem>>) semaphore(%run_scoped3A_197 : memref<!tpu.dma_semaphore, #tpu.memory_space<semaphore_mem>>) {add = true}
        %dma_wait3A_204 = arith.constant 0 : i32
        %dma_wait3A_205 = tpu.memref_slice %arg8[%mul3A_168, %dma_wait3A_204] : memref<40x128xi32, #tpu.memory_space<vmem>> -> memref<1x128xi32, #tpu.memory_space<vmem>>
        %dma_wait3A_206 = tpu.memref_squeeze %dma_wait3A_205 : memref<1x128xi32, #tpu.memory_space<vmem>> -> memref<128xi32, #tpu.memory_space<vmem>>
        %dma_wait3A_207 = arith.constant 0 : i32
        %dma_wait3A_208 = arith.constant 0 : i32
        %dma_wait3A_209 = tpu.memref_slice %arg11[%dma_wait3A_207, %dma_wait3A_208] : memref<10240x128xf32, #tpu.memory_space<vmem_shared>> -> memref<10240x128xf32, #tpu.memory_space<vmem_shared>>
        tpu.wait_indirect_dma semaphore(%run_scoped3A_197 : memref<!tpu.dma_semaphore, #tpu.memory_space<semaphore_mem>>) src(%arg9 : memref<128x128xf32, #tpu.memory_space<vmem>>) dst(%dma_wait3A_209 : memref<10240x128xf32, #tpu.memory_space<vmem_shared>>)
        tpu.yield
      }) : () -> ()
      %add3A_183 = arith.constant 2 : i32
      %add3A_184 = arith.addi %mul3A_168, %add3A_183 : i32
      %lt3A = arith.constant 40 : i32
      %lt3A_185 = arith.cmpi slt, %add3A_184, %lt3A : i32
      %convert_element_type3A = arith.extui %lt3A_185 : i1 to i32
      %cond3A = arith.constant 0 : i32
      %cond3A_186 = arith.cmpi ne, %convert_element_type3A, %cond3A : i32
      scf.if %cond3A_186 {
        %add3A_197 = arith.constant 2 : i32
        %add3A_198 = arith.addi %mul3A_168, %add3A_197 : i32
        %dma_start3A_199 = arith.constant 0 : i32
        %dma_start3A_200 = tpu.memref_slice %arg7[%add3A_198, %dma_start3A_199] : memref<40x128xi32, #tpu.memory_space<vmem>> -> memref<1x128xi32, #tpu.memory_space<vmem>>
        %dma_start3A_201 = tpu.memref_squeeze %dma_start3A_200 : memref<1x128xi32, #tpu.memory_space<vmem>> -> memref<128xi32, #tpu.memory_space<vmem>>
        %dma_start3A_202 = arith.constant 0 : i32
        %dma_start3A_203 = arith.constant 0 : i32
        %dma_start3A_204 = tpu.memref_slice %arg4[%dma_start3A_202, %dma_start3A_203] : memref<40000x128xf32, #tpu.memory_space<hbm>> -> memref<40000x128xf32, #tpu.memory_space<hbm>>
        tpu.enqueue_indirect_dma source(%dma_start3A_204 : memref<40000x128xf32, #tpu.memory_space<hbm>>) target(%arg9 : memref<128x128xf32, #tpu.memory_space<vmem>>) offsets(%dma_start3A_201 : memref<128xi32, #tpu.memory_space<vmem>>) semaphore(%arg12 : memref<!tpu.dma_semaphore, #tpu.memory_space<semaphore_mem>>)
      } else {
      }
      %dma_wait3A_187 = arith.constant 0 : i32
      %dma_wait3A_188 = arith.constant 0 : i32
      %dma_wait3A_189 = tpu.memref_slice %arg7[%dma_wait3A_187, %dma_wait3A_188] : memref<40x128xi32, #tpu.memory_space<vmem>> -> memref<1x128xi32, #tpu.memory_space<vmem>>
      %dma_wait3A_190 = tpu.memref_squeeze %dma_wait3A_189 : memref<1x128xi32, #tpu.memory_space<vmem>> -> memref<128xi32, #tpu.memory_space<vmem>>
      %dma_wait3A_191 = arith.constant 0 : i32
      %dma_wait3A_192 = arith.constant 0 : i32
      %dma_wait3A_193 = tpu.memref_slice %arg4[%dma_wait3A_191, %dma_wait3A_192] : memref<40000x128xf32, #tpu.memory_space<hbm>> -> memref<40000x128xf32, #tpu.memory_space<hbm>>
      tpu.wait_indirect_dma semaphore(%arg13 : memref<!tpu.dma_semaphore, #tpu.memory_space<semaphore_mem>>) src(%dma_wait3A_193 : memref<40000x128xf32, #tpu.memory_space<hbm>>) dst(%arg10 : memref<128x128xf32, #tpu.memory_space<vmem>>)
      %add3A_194 = arith.constant 1 : i32
      %add3A_195 = arith.addi %mul3A_168, %add3A_194 : i32
      "tpu.region"() ({
        %run_scoped3A_197 = tpu.sem_alloc : memref<!tpu.dma_semaphore, #tpu.memory_space<semaphore_mem>>
        %dma_start3A_198 = arith.constant 0 : i32
        %dma_start3A_199 = tpu.memref_slice %arg8[%add3A_195, %dma_start3A_198] : memref<40x128xi32, #tpu.memory_space<vmem>> -> memref<1x128xi32, #tpu.memory_space<vmem>>
        %dma_start3A_200 = tpu.memref_squeeze %dma_start3A_199 : memref<1x128xi32, #tpu.memory_space<vmem>> -> memref<128xi32, #tpu.memory_space<vmem>>
        %dma_start3A_201 = arith.constant 0 : i32
        %dma_start3A_202 = arith.constant 0 : i32
        %dma_start3A_203 = tpu.memref_slice %arg11[%dma_start3A_201, %dma_start3A_202] : memref<10240x128xf32, #tpu.memory_space<vmem_shared>> -> memref<10240x128xf32, #tpu.memory_space<vmem_shared>>
        tpu.enqueue_indirect_dma source(%arg10 : memref<128x128xf32, #tpu.memory_space<vmem>>) target(%dma_start3A_203 : memref<10240x128xf32, #tpu.memory_space<vmem_shared>>) offsets(%dma_start3A_200 : memref<128xi32, #tpu.memory_space<vmem>>) semaphore(%run_scoped3A_197 : memref<!tpu.dma_semaphore, #tpu.memory_space<semaphore_mem>>) {add = true}
        %dma_wait3A_204 = arith.constant 0 : i32
        %dma_wait3A_205 = tpu.memref_slice %arg8[%add3A_195, %dma_wait3A_204] : memref<40x128xi32, #tpu.memory_space<vmem>> -> memref<1x128xi32, #tpu.memory_space<vmem>>
        %dma_wait3A_206 = tpu.memref_squeeze %dma_wait3A_205 : memref<1x128xi32, #tpu.memory_space<vmem>> -> memref<128xi32, #tpu.memory_space<vmem>>
        %dma_wait3A_207 = arith.constant 0 : i32
        %dma_wait3A_208 = arith.constant 0 : i32
        %dma_wait3A_209 = tpu.memref_slice %arg11[%dma_wait3A_207, %dma_wait3A_208] : memref<10240x128xf32, #tpu.memory_space<vmem_shared>> -> memref<10240x128xf32, #tpu.memory_space<vmem_shared>>
        tpu.wait_indirect_dma semaphore(%run_scoped3A_197 : memref<!tpu.dma_semaphore, #tpu.memory_space<semaphore_mem>>) src(%arg10 : memref<128x128xf32, #tpu.memory_space<vmem>>) dst(%dma_wait3A_209 : memref<10240x128xf32, #tpu.memory_space<vmem_shared>>)
        tpu.yield
      }) : () -> ()
      %scan3A_196 = arith.constant 0 : i32
      scf.yield %scan3A_196 : i32
    }
    %scan3A_57 = arith.constant 20 : i32
    %run_scoped3A_58 = arith.constant 1 : i32
    "tpu.region"() ({
      %run_scoped3A_165 = tpu.sem_alloc : memref<!tpu.dma_semaphore, #tpu.memory_space<semaphore_mem>>
      %dma_start3A_166 = arith.constant 40 : i32
      %dma_start3A_167 = arith.constant 0 : i32
      %dma_start3A_168 = tpu.memref_slice %arg2[%run_scoped3A_58, %add3A, %dma_start3A_166, %dma_start3A_167] : memref<4x32x80x128xi32, #tpu.memory_space<hbm>> -> memref<1x1x40x128xi32, #tpu.memory_space<hbm>>
      %dma_start3A_169 = tpu.memref_squeeze %dma_start3A_168 : memref<1x1x40x128xi32, #tpu.memory_space<hbm>> -> memref<40x128xi32, #tpu.memory_space<hbm>>
      %dma_start3A_170 = arith.constant 40 : i32
      %dma_start3A_171 = arith.constant 0 : i32
      %dma_start3A_172 = tpu.memref_slice %arg2[%run_scoped3A_58, %add3A, %dma_start3A_170, %dma_start3A_171] : memref<4x32x80x128xi32, #tpu.memory_space<hbm>> -> memref<1x1x40x128xi32, #tpu.memory_space<hbm>>
      %dma_start3A_173 = tpu.memref_squeeze %dma_start3A_172 : memref<1x1x40x128xi32, #tpu.memory_space<hbm>> -> memref<40x128xi32, #tpu.memory_space<hbm>>
      tpu.enqueue_dma source(%dma_start3A_173 : memref<40x128xi32, #tpu.memory_space<hbm>>) target(%arg7 : memref<40x128xi32, #tpu.memory_space<vmem>>) target_semaphore(%run_scoped3A_165 : memref<!tpu.dma_semaphore, #tpu.memory_space<semaphore_mem>>)
      %dma_wait3A = arith.constant 40 : i32
      %dma_wait3A_174 = arith.constant 0 : i32
      %dma_wait3A_175 = tpu.memref_slice %arg2[%run_scoped3A_58, %add3A, %dma_wait3A, %dma_wait3A_174] : memref<4x32x80x128xi32, #tpu.memory_space<hbm>> -> memref<1x1x40x128xi32, #tpu.memory_space<hbm>>
      %dma_wait3A_176 = tpu.memref_squeeze %dma_wait3A_175 : memref<1x1x40x128xi32, #tpu.memory_space<hbm>> -> memref<40x128xi32, #tpu.memory_space<hbm>>
      %dma_wait3A_177 = arith.constant 40 : i32
      %dma_wait3A_178 = arith.constant 0 : i32
      %dma_wait3A_179 = tpu.memref_slice %arg2[%run_scoped3A_58, %add3A, %dma_wait3A_177, %dma_wait3A_178] : memref<4x32x80x128xi32, #tpu.memory_space<hbm>> -> memref<1x1x40x128xi32, #tpu.memory_space<hbm>>
      %dma_wait3A_180 = tpu.memref_squeeze %dma_wait3A_179 : memref<1x1x40x128xi32, #tpu.memory_space<hbm>> -> memref<40x128xi32, #tpu.memory_space<hbm>>
      tpu.wait_dma2 semaphore(%run_scoped3A_165 : memref<!tpu.dma_semaphore, #tpu.memory_space<semaphore_mem>>) src(%dma_wait3A_180 : memref<40x128xi32, #tpu.memory_space<hbm>>) dst(%arg7 : memref<40x128xi32, #tpu.memory_space<vmem>>)
      tpu.yield
    }) : () -> ()
    %run_scoped3A_59 = arith.constant 1 : i32
    "tpu.region"() ({
      %run_scoped3A_165 = tpu.sem_alloc : memref<!tpu.dma_semaphore, #tpu.memory_space<semaphore_mem>>
      %dma_start3A_166 = arith.constant 40 : i32
      %dma_start3A_167 = arith.constant 0 : i32
      %dma_start3A_168 = tpu.memref_slice %arg3[%run_scoped3A_59, %add3A, %dma_start3A_166, %dma_start3A_167] : memref<4x32x80x128xi32, #tpu.memory_space<hbm>> -> memref<1x1x40x128xi32, #tpu.memory_space<hbm>>
      %dma_start3A_169 = tpu.memref_squeeze %dma_start3A_168 : memref<1x1x40x128xi32, #tpu.memory_space<hbm>> -> memref<40x128xi32, #tpu.memory_space<hbm>>
      %dma_start3A_170 = arith.constant 40 : i32
      %dma_start3A_171 = arith.constant 0 : i32
      %dma_start3A_172 = tpu.memref_slice %arg3[%run_scoped3A_59, %add3A, %dma_start3A_170, %dma_start3A_171] : memref<4x32x80x128xi32, #tpu.memory_space<hbm>> -> memref<1x1x40x128xi32, #tpu.memory_space<hbm>>
      %dma_start3A_173 = tpu.memref_squeeze %dma_start3A_172 : memref<1x1x40x128xi32, #tpu.memory_space<hbm>> -> memref<40x128xi32, #tpu.memory_space<hbm>>
      tpu.enqueue_dma source(%dma_start3A_173 : memref<40x128xi32, #tpu.memory_space<hbm>>) target(%arg8 : memref<40x128xi32, #tpu.memory_space<vmem>>) target_semaphore(%run_scoped3A_165 : memref<!tpu.dma_semaphore, #tpu.memory_space<semaphore_mem>>)
      %dma_wait3A = arith.constant 40 : i32
      %dma_wait3A_174 = arith.constant 0 : i32
      %dma_wait3A_175 = tpu.memref_slice %arg3[%run_scoped3A_59, %add3A, %dma_wait3A, %dma_wait3A_174] : memref<4x32x80x128xi32, #tpu.memory_space<hbm>> -> memref<1x1x40x128xi32, #tpu.memory_space<hbm>>
      %dma_wait3A_176 = tpu.memref_squeeze %dma_wait3A_175 : memref<1x1x40x128xi32, #tpu.memory_space<hbm>> -> memref<40x128xi32, #tpu.memory_space<hbm>>
      %dma_wait3A_177 = arith.constant 40 : i32
      %dma_wait3A_178 = arith.constant 0 : i32
      %dma_wait3A_179 = tpu.memref_slice %arg3[%run_scoped3A_59, %add3A, %dma_wait3A_177, %dma_wait3A_178] : memref<4x32x80x128xi32, #tpu.memory_space<hbm>> -> memref<1x1x40x128xi32, #tpu.memory_space<hbm>>
      %dma_wait3A_180 = tpu.memref_squeeze %dma_wait3A_179 : memref<1x1x40x128xi32, #tpu.memory_space<hbm>> -> memref<40x128xi32, #tpu.memory_space<hbm>>
      tpu.wait_dma2 semaphore(%run_scoped3A_165 : memref<!tpu.dma_semaphore, #tpu.memory_space<semaphore_mem>>) src(%dma_wait3A_180 : memref<40x128xi32, #tpu.memory_space<hbm>>) dst(%arg8 : memref<40x128xi32, #tpu.memory_space<vmem>>)
      tpu.yield
    }) : () -> ()
    %dma_start3A_60 = arith.constant 0 : i32
    %dma_start3A_61 = arith.constant 0 : i32
    %dma_start3A_62 = tpu.memref_slice %arg7[%dma_start3A_60, %dma_start3A_61] : memref<40x128xi32, #tpu.memory_space<vmem>> -> memref<1x128xi32, #tpu.memory_space<vmem>>
    %dma_start3A_63 = tpu.memref_squeeze %dma_start3A_62 : memref<1x128xi32, #tpu.memory_space<vmem>> -> memref<128xi32, #tpu.memory_space<vmem>>
    %dma_start3A_64 = arith.constant 0 : i32
    %dma_start3A_65 = arith.constant 0 : i32
    %dma_start3A_66 = tpu.memref_slice %arg4[%dma_start3A_64, %dma_start3A_65] : memref<40000x128xf32, #tpu.memory_space<hbm>> -> memref<40000x128xf32, #tpu.memory_space<hbm>>
    tpu.enqueue_indirect_dma source(%dma_start3A_66 : memref<40000x128xf32, #tpu.memory_space<hbm>>) target(%arg9 : memref<128x128xf32, #tpu.memory_space<vmem>>) offsets(%dma_start3A_63 : memref<128xi32, #tpu.memory_space<vmem>>) semaphore(%arg12 : memref<!tpu.dma_semaphore, #tpu.memory_space<semaphore_mem>>)
    %scan3A_67 = arith.constant 0 : i32
    %scan3A_68 = arith.constant 0 : i32
    %scan3A_69 = arith.constant 20 : i32
    %scan3A_70 = arith.addi %scan3A_68, %scan3A_69 : i32
    %scan3A_71 = arith.constant 1 : i32
    %scan3A_72 = scf.for %scan3A_165 = %scan3A_68 to %scan3A_70 step %scan3A_71 iter_args(%scan3A_166 = %scan3A_67) -> (i32)  : i32 {
      %mul3A_167 = arith.constant 2 : i32
      %mul3A_168 = arith.muli %mul3A_167, %scan3A_165 : i32
      %dma_wait3A = arith.constant 0 : i32
      %dma_wait3A_169 = arith.constant 0 : i32
      %dma_wait3A_170 = tpu.memref_slice %arg7[%dma_wait3A, %dma_wait3A_169] : memref<40x128xi32, #tpu.memory_space<vmem>> -> memref<1x128xi32, #tpu.memory_space<vmem>>
      %dma_wait3A_171 = tpu.memref_squeeze %dma_wait3A_170 : memref<1x128xi32, #tpu.memory_space<vmem>> -> memref<128xi32, #tpu.memory_space<vmem>>
      %dma_wait3A_172 = arith.constant 0 : i32
      %dma_wait3A_173 = arith.constant 0 : i32
      %dma_wait3A_174 = tpu.memref_slice %arg4[%dma_wait3A_172, %dma_wait3A_173] : memref<40000x128xf32, #tpu.memory_space<hbm>> -> memref<40000x128xf32, #tpu.memory_space<hbm>>
      tpu.wait_indirect_dma semaphore(%arg12 : memref<!tpu.dma_semaphore, #tpu.memory_space<semaphore_mem>>) src(%dma_wait3A_174 : memref<40000x128xf32, #tpu.memory_space<hbm>>) dst(%arg9 : memref<128x128xf32, #tpu.memory_space<vmem>>)
      %add3A_175 = arith.constant 1 : i32
      %add3A_176 = arith.addi %mul3A_168, %add3A_175 : i32
      %dma_start3A_177 = arith.constant 0 : i32
      %dma_start3A_178 = tpu.memref_slice %arg7[%add3A_176, %dma_start3A_177] : memref<40x128xi32, #tpu.memory_space<vmem>> -> memref<1x128xi32, #tpu.memory_space<vmem>>
      %dma_start3A_179 = tpu.memref_squeeze %dma_start3A_178 : memref<1x128xi32, #tpu.memory_space<vmem>> -> memref<128xi32, #tpu.memory_space<vmem>>
      %dma_start3A_180 = arith.constant 0 : i32
      %dma_start3A_181 = arith.constant 0 : i32
      %dma_start3A_182 = tpu.memref_slice %arg4[%dma_start3A_180, %dma_start3A_181] : memref<40000x128xf32, #tpu.memory_space<hbm>> -> memref<40000x128xf32, #tpu.memory_space<hbm>>
      tpu.enqueue_indirect_dma source(%dma_start3A_182 : memref<40000x128xf32, #tpu.memory_space<hbm>>) target(%arg10 : memref<128x128xf32, #tpu.memory_space<vmem>>) offsets(%dma_start3A_179 : memref<128xi32, #tpu.memory_space<vmem>>) semaphore(%arg13 : memref<!tpu.dma_semaphore, #tpu.memory_space<semaphore_mem>>)
      "tpu.region"() ({
        %run_scoped3A_197 = tpu.sem_alloc : memref<!tpu.dma_semaphore, #tpu.memory_space<semaphore_mem>>
        %dma_start3A_198 = arith.constant 0 : i32
        %dma_start3A_199 = tpu.memref_slice %arg8[%mul3A_168, %dma_start3A_198] : memref<40x128xi32, #tpu.memory_space<vmem>> -> memref<1x128xi32, #tpu.memory_space<vmem>>
        %dma_start3A_200 = tpu.memref_squeeze %dma_start3A_199 : memref<1x128xi32, #tpu.memory_space<vmem>> -> memref<128xi32, #tpu.memory_space<vmem>>
        %dma_start3A_201 = arith.constant 0 : i32
        %dma_start3A_202 = arith.constant 0 : i32
        %dma_start3A_203 = tpu.memref_slice %arg11[%dma_start3A_201, %dma_start3A_202] : memref<10240x128xf32, #tpu.memory_space<vmem_shared>> -> memref<10240x128xf32, #tpu.memory_space<vmem_shared>>
        tpu.enqueue_indirect_dma source(%arg9 : memref<128x128xf32, #tpu.memory_space<vmem>>) target(%dma_start3A_203 : memref<10240x128xf32, #tpu.memory_space<vmem_shared>>) offsets(%dma_start3A_200 : memref<128xi32, #tpu.memory_space<vmem>>) semaphore(%run_scoped3A_197 : memref<!tpu.dma_semaphore, #tpu.memory_space<semaphore_mem>>) {add = true}
        %dma_wait3A_204 = arith.constant 0 : i32
        %dma_wait3A_205 = tpu.memref_slice %arg8[%mul3A_168, %dma_wait3A_204] : memref<40x128xi32, #tpu.memory_space<vmem>> -> memref<1x128xi32, #tpu.memory_space<vmem>>
        %dma_wait3A_206 = tpu.memref_squeeze %dma_wait3A_205 : memref<1x128xi32, #tpu.memory_space<vmem>> -> memref<128xi32, #tpu.memory_space<vmem>>
        %dma_wait3A_207 = arith.constant 0 : i32
        %dma_wait3A_208 = arith.constant 0 : i32
        %dma_wait3A_209 = tpu.memref_slice %arg11[%dma_wait3A_207, %dma_wait3A_208] : memref<10240x128xf32, #tpu.memory_space<vmem_shared>> -> memref<10240x128xf32, #tpu.memory_space<vmem_shared>>
        tpu.wait_indirect_dma semaphore(%run_scoped3A_197 : memref<!tpu.dma_semaphore, #tpu.memory_space<semaphore_mem>>) src(%arg9 : memref<128x128xf32, #tpu.memory_space<vmem>>) dst(%dma_wait3A_209 : memref<10240x128xf32, #tpu.memory_space<vmem_shared>>)
        tpu.yield
      }) : () -> ()
      %add3A_183 = arith.constant 2 : i32
      %add3A_184 = arith.addi %mul3A_168, %add3A_183 : i32
      %lt3A = arith.constant 40 : i32
      %lt3A_185 = arith.cmpi slt, %add3A_184, %lt3A : i32
      %convert_element_type3A = arith.extui %lt3A_185 : i1 to i32
      %cond3A = arith.constant 0 : i32
      %cond3A_186 = arith.cmpi ne, %convert_element_type3A, %cond3A : i32
      scf.if %cond3A_186 {
        %add3A_197 = arith.constant 2 : i32
        %add3A_198 = arith.addi %mul3A_168, %add3A_197 : i32
        %dma_start3A_199 = arith.constant 0 : i32
        %dma_start3A_200 = tpu.memref_slice %arg7[%add3A_198, %dma_start3A_199] : memref<40x128xi32, #tpu.memory_space<vmem>> -> memref<1x128xi32, #tpu.memory_space<vmem>>
        %dma_start3A_201 = tpu.memref_squeeze %dma_start3A_200 : memref<1x128xi32, #tpu.memory_space<vmem>> -> memref<128xi32, #tpu.memory_space<vmem>>
        %dma_start3A_202 = arith.constant 0 : i32
        %dma_start3A_203 = arith.constant 0 : i32
        %dma_start3A_204 = tpu.memref_slice %arg4[%dma_start3A_202, %dma_start3A_203] : memref<40000x128xf32, #tpu.memory_space<hbm>> -> memref<40000x128xf32, #tpu.memory_space<hbm>>
        tpu.enqueue_indirect_dma source(%dma_start3A_204 : memref<40000x128xf32, #tpu.memory_space<hbm>>) target(%arg9 : memref<128x128xf32, #tpu.memory_space<vmem>>) offsets(%dma_start3A_201 : memref<128xi32, #tpu.memory_space<vmem>>) semaphore(%arg12 : memref<!tpu.dma_semaphore, #tpu.memory_space<semaphore_mem>>)
      } else {
      }
      %dma_wait3A_187 = arith.constant 0 : i32
      %dma_wait3A_188 = arith.constant 0 : i32
      %dma_wait3A_189 = tpu.memref_slice %arg7[%dma_wait3A_187, %dma_wait3A_188] : memref<40x128xi32, #tpu.memory_space<vmem>> -> memref<1x128xi32, #tpu.memory_space<vmem>>
      %dma_wait3A_190 = tpu.memref_squeeze %dma_wait3A_189 : memref<1x128xi32, #tpu.memory_space<vmem>> -> memref<128xi32, #tpu.memory_space<vmem>>
      %dma_wait3A_191 = arith.constant 0 : i32
      %dma_wait3A_192 = arith.constant 0 : i32
      %dma_wait3A_193 = tpu.memref_slice %arg4[%dma_wait3A_191, %dma_wait3A_192] : memref<40000x128xf32, #tpu.memory_space<hbm>> -> memref<40000x128xf32, #tpu.memory_space<hbm>>
      tpu.wait_indirect_dma semaphore(%arg13 : memref<!tpu.dma_semaphore, #tpu.memory_space<semaphore_mem>>) src(%dma_wait3A_193 : memref<40000x128xf32, #tpu.memory_space<hbm>>) dst(%arg10 : memref<128x128xf32, #tpu.memory_space<vmem>>)
      %add3A_194 = arith.constant 1 : i32
      %add3A_195 = arith.addi %mul3A_168, %add3A_194 : i32
      "tpu.region"() ({
        %run_scoped3A_197 = tpu.sem_alloc : memref<!tpu.dma_semaphore, #tpu.memory_space<semaphore_mem>>
        %dma_start3A_198 = arith.constant 0 : i32
        %dma_start3A_199 = tpu.memref_slice %arg8[%add3A_195, %dma_start3A_198] : memref<40x128xi32, #tpu.memory_space<vmem>> -> memref<1x128xi32, #tpu.memory_space<vmem>>
        %dma_start3A_200 = tpu.memref_squeeze %dma_start3A_199 : memref<1x128xi32, #tpu.memory_space<vmem>> -> memref<128xi32, #tpu.memory_space<vmem>>
        %dma_start3A_201 = arith.constant 0 : i32
        %dma_start3A_202 = arith.constant 0 : i32
        %dma_start3A_203 = tpu.memref_slice %arg11[%dma_start3A_201, %dma_start3A_202] : memref<10240x128xf32, #tpu.memory_space<vmem_shared>> -> memref<10240x128xf32, #tpu.memory_space<vmem_shared>>
        tpu.enqueue_indirect_dma source(%arg10 : memref<128x128xf32, #tpu.memory_space<vmem>>) target(%dma_start3A_203 : memref<10240x128xf32, #tpu.memory_space<vmem_shared>>) offsets(%dma_start3A_200 : memref<128xi32, #tpu.memory_space<vmem>>) semaphore(%run_scoped3A_197 : memref<!tpu.dma_semaphore, #tpu.memory_space<semaphore_mem>>) {add = true}
        %dma_wait3A_204 = arith.constant 0 : i32
        %dma_wait3A_205 = tpu.memref_slice %arg8[%add3A_195, %dma_wait3A_204] : memref<40x128xi32, #tpu.memory_space<vmem>> -> memref<1x128xi32, #tpu.memory_space<vmem>>
        %dma_wait3A_206 = tpu.memref_squeeze %dma_wait3A_205 : memref<1x128xi32, #tpu.memory_space<vmem>> -> memref<128xi32, #tpu.memory_space<vmem>>
        %dma_wait3A_207 = arith.constant 0 : i32
        %dma_wait3A_208 = arith.constant 0 : i32
        %dma_wait3A_209 = tpu.memref_slice %arg11[%dma_wait3A_207, %dma_wait3A_208] : memref<10240x128xf32, #tpu.memory_space<vmem_shared>> -> memref<10240x128xf32, #tpu.memory_space<vmem_shared>>
        tpu.wait_indirect_dma semaphore(%run_scoped3A_197 : memref<!tpu.dma_semaphore, #tpu.memory_space<semaphore_mem>>) src(%arg10 : memref<128x128xf32, #tpu.memory_space<vmem>>) dst(%dma_wait3A_209 : memref<10240x128xf32, #tpu.memory_space<vmem_shared>>)
        tpu.yield
      }) : () -> ()
      %scan3A_196 = arith.constant 0 : i32
      scf.yield %scan3A_196 : i32
    }
    %scan3A_73 = arith.constant 20 : i32
    %barrier3A_74 = arith.constant 0 : index
    tpu.barrier barrier_id(%barrier3A_74)
    %mul3A_75 = arith.constant 640 : i32
    %mul3A_76 = arith.muli %arg1, %mul3A_75 : i32
    %mul3A_77 = arith.constant 640 : i32
    %mul3A_78 = arith.muli %arg1, %mul3A_77 : i32
    %run_scoped3A_79 = arith.constant 1 : i32
    "tpu.region"() ({
      %run_scoped3A_165 = tpu.sem_alloc : memref<!tpu.dma_semaphore, #tpu.memory_space<semaphore_mem>>
      %dma_start3A_166 = arith.constant 0 : i32
      %dma_start3A_167 = tpu.memref_slice %arg6[%arg0, %run_scoped3A_79, %mul3A_78, %dma_start3A_166] : memref<2x4x10240x128xf32, #tpu.memory_space<hbm>> -> memref<1x1x640x128xf32, #tpu.memory_space<hbm>>
      %dma_start3A_168 = tpu.memref_squeeze %dma_start3A_167 : memref<1x1x640x128xf32, #tpu.memory_space<hbm>> -> memref<640x128xf32, #tpu.memory_space<hbm>>
      %dma_start3A_169 = arith.constant 0 : i32
      %dma_start3A_170 = tpu.memref_slice %arg11[%mul3A_76, %dma_start3A_169] : memref<10240x128xf32, #tpu.memory_space<vmem_shared>> -> memref<640x128xf32, #tpu.memory_space<vmem_shared>>
      tpu.enqueue_dma source(%dma_start3A_170 : memref<640x128xf32, #tpu.memory_space<vmem_shared>>) target(%dma_start3A_168 : memref<640x128xf32, #tpu.memory_space<hbm>>) target_semaphore(%run_scoped3A_165 : memref<!tpu.dma_semaphore, #tpu.memory_space<semaphore_mem>>)
      %dma_wait3A = arith.constant 0 : i32
      %dma_wait3A_171 = tpu.memref_slice %arg6[%arg0, %run_scoped3A_79, %mul3A_78, %dma_wait3A] : memref<2x4x10240x128xf32, #tpu.memory_space<hbm>> -> memref<1x1x640x128xf32, #tpu.memory_space<hbm>>
      %dma_wait3A_172 = tpu.memref_squeeze %dma_wait3A_171 : memref<1x1x640x128xf32, #tpu.memory_space<hbm>> -> memref<640x128xf32, #tpu.memory_space<hbm>>
      %dma_wait3A_173 = arith.constant 0 : i32
      %dma_wait3A_174 = tpu.memref_slice %arg11[%mul3A_76, %dma_wait3A_173] : memref<10240x128xf32, #tpu.memory_space<vmem_shared>> -> memref<640x128xf32, #tpu.memory_space<vmem_shared>>
      tpu.wait_dma2 semaphore(%run_scoped3A_165 : memref<!tpu.dma_semaphore, #tpu.memory_space<semaphore_mem>>) src(%dma_wait3A_174 : memref<640x128xf32, #tpu.memory_space<vmem_shared>>) dst(%dma_wait3A_172 : memref<640x128xf32, #tpu.memory_space<hbm>>)
      tpu.yield
    }) : () -> ()
    %barrier3A_80 = arith.constant 0 : index
    tpu.barrier barrier_id(%barrier3A_80)
    %mul3A_81 = arith.constant 640 : i32
    %mul3A_82 = arith.muli %arg1, %mul3A_81 : i32
    "tpu.region"() ({
      %run_scoped3A_165 = tpu.sem_alloc : memref<!tpu.dma_semaphore, #tpu.memory_space<semaphore_mem>>
      %dma_start3A_166 = arith.constant 0 : i32
      %dma_start3A_167 = tpu.memref_slice %arg11[%mul3A_82, %dma_start3A_166] : memref<10240x128xf32, #tpu.memory_space<vmem_shared>> -> memref<640x128xf32, #tpu.memory_space<vmem_shared>>
      tpu.enqueue_dma source(%arg5 : memref<640x128xf32, #tpu.memory_space<hbm>>) target(%dma_start3A_167 : memref<640x128xf32, #tpu.memory_space<vmem_shared>>) target_semaphore(%run_scoped3A_165 : memref<!tpu.dma_semaphore, #tpu.memory_space<semaphore_mem>>)
      %dma_wait3A = arith.constant 0 : i32
      %dma_wait3A_168 = tpu.memref_slice %arg11[%mul3A_82, %dma_wait3A] : memref<10240x128xf32, #tpu.memory_space<vmem_shared>> -> memref<640x128xf32, #tpu.memory_space<vmem_shared>>
      tpu.wait_dma2 semaphore(%run_scoped3A_165 : memref<!tpu.dma_semaphore, #tpu.memory_space<semaphore_mem>>) src(%arg5 : memref<640x128xf32, #tpu.memory_space<hbm>>) dst(%dma_wait3A_168 : memref<640x128xf32, #tpu.memory_space<vmem_shared>>)
      tpu.yield
    }) : () -> ()
    %barrier3A_83 = arith.constant 0 : index
    tpu.barrier barrier_id(%barrier3A_83)
    %run_scoped3A_84 = arith.constant 2 : i32
    "tpu.region"() ({
      %run_scoped3A_165 = tpu.sem_alloc : memref<!tpu.dma_semaphore, #tpu.memory_space<semaphore_mem>>
      %dma_start3A_166 = arith.constant 0 : i32
      %dma_start3A_167 = arith.constant 0 : i32
      %dma_start3A_168 = tpu.memref_slice %arg2[%run_scoped3A_84, %add3A, %dma_start3A_166, %dma_start3A_167] : memref<4x32x80x128xi32, #tpu.memory_space<hbm>> -> memref<1x1x40x128xi32, #tpu.memory_space<hbm>>
      %dma_start3A_169 = tpu.memref_squeeze %dma_start3A_168 : memref<1x1x40x128xi32, #tpu.memory_space<hbm>> -> memref<40x128xi32, #tpu.memory_space<hbm>>
      %dma_start3A_170 = arith.constant 0 : i32
      %dma_start3A_171 = arith.constant 0 : i32
      %dma_start3A_172 = tpu.memref_slice %arg2[%run_scoped3A_84, %add3A, %dma_start3A_170, %dma_start3A_171] : memref<4x32x80x128xi32, #tpu.memory_space<hbm>> -> memref<1x1x40x128xi32, #tpu.memory_space<hbm>>
      %dma_start3A_173 = tpu.memref_squeeze %dma_start3A_172 : memref<1x1x40x128xi32, #tpu.memory_space<hbm>> -> memref<40x128xi32, #tpu.memory_space<hbm>>
      tpu.enqueue_dma source(%dma_start3A_173 : memref<40x128xi32, #tpu.memory_space<hbm>>) target(%arg7 : memref<40x128xi32, #tpu.memory_space<vmem>>) target_semaphore(%run_scoped3A_165 : memref<!tpu.dma_semaphore, #tpu.memory_space<semaphore_mem>>)
      %dma_wait3A = arith.constant 0 : i32
      %dma_wait3A_174 = arith.constant 0 : i32
      %dma_wait3A_175 = tpu.memref_slice %arg2[%run_scoped3A_84, %add3A, %dma_wait3A, %dma_wait3A_174] : memref<4x32x80x128xi32, #tpu.memory_space<hbm>> -> memref<1x1x40x128xi32, #tpu.memory_space<hbm>>
      %dma_wait3A_176 = tpu.memref_squeeze %dma_wait3A_175 : memref<1x1x40x128xi32, #tpu.memory_space<hbm>> -> memref<40x128xi32, #tpu.memory_space<hbm>>
      %dma_wait3A_177 = arith.constant 0 : i32
      %dma_wait3A_178 = arith.constant 0 : i32
      %dma_wait3A_179 = tpu.memref_slice %arg2[%run_scoped3A_84, %add3A, %dma_wait3A_177, %dma_wait3A_178] : memref<4x32x80x128xi32, #tpu.memory_space<hbm>> -> memref<1x1x40x128xi32, #tpu.memory_space<hbm>>
      %dma_wait3A_180 = tpu.memref_squeeze %dma_wait3A_179 : memref<1x1x40x128xi32, #tpu.memory_space<hbm>> -> memref<40x128xi32, #tpu.memory_space<hbm>>
      tpu.wait_dma2 semaphore(%run_scoped3A_165 : memref<!tpu.dma_semaphore, #tpu.memory_space<semaphore_mem>>) src(%dma_wait3A_180 : memref<40x128xi32, #tpu.memory_space<hbm>>) dst(%arg7 : memref<40x128xi32, #tpu.memory_space<vmem>>)
      tpu.yield
    }) : () -> ()
    %run_scoped3A_85 = arith.constant 2 : i32
    "tpu.region"() ({
      %run_scoped3A_165 = tpu.sem_alloc : memref<!tpu.dma_semaphore, #tpu.memory_space<semaphore_mem>>
      %dma_start3A_166 = arith.constant 0 : i32
      %dma_start3A_167 = arith.constant 0 : i32
      %dma_start3A_168 = tpu.memref_slice %arg3[%run_scoped3A_85, %add3A, %dma_start3A_166, %dma_start3A_167] : memref<4x32x80x128xi32, #tpu.memory_space<hbm>> -> memref<1x1x40x128xi32, #tpu.memory_space<hbm>>
      %dma_start3A_169 = tpu.memref_squeeze %dma_start3A_168 : memref<1x1x40x128xi32, #tpu.memory_space<hbm>> -> memref<40x128xi32, #tpu.memory_space<hbm>>
      %dma_start3A_170 = arith.constant 0 : i32
      %dma_start3A_171 = arith.constant 0 : i32
      %dma_start3A_172 = tpu.memref_slice %arg3[%run_scoped3A_85, %add3A, %dma_start3A_170, %dma_start3A_171] : memref<4x32x80x128xi32, #tpu.memory_space<hbm>> -> memref<1x1x40x128xi32, #tpu.memory_space<hbm>>
      %dma_start3A_173 = tpu.memref_squeeze %dma_start3A_172 : memref<1x1x40x128xi32, #tpu.memory_space<hbm>> -> memref<40x128xi32, #tpu.memory_space<hbm>>
      tpu.enqueue_dma source(%dma_start3A_173 : memref<40x128xi32, #tpu.memory_space<hbm>>) target(%arg8 : memref<40x128xi32, #tpu.memory_space<vmem>>) target_semaphore(%run_scoped3A_165 : memref<!tpu.dma_semaphore, #tpu.memory_space<semaphore_mem>>)
      %dma_wait3A = arith.constant 0 : i32
      %dma_wait3A_174 = arith.constant 0 : i32
      %dma_wait3A_175 = tpu.memref_slice %arg3[%run_scoped3A_85, %add3A, %dma_wait3A, %dma_wait3A_174] : memref<4x32x80x128xi32, #tpu.memory_space<hbm>> -> memref<1x1x40x128xi32, #tpu.memory_space<hbm>>
      %dma_wait3A_176 = tpu.memref_squeeze %dma_wait3A_175 : memref<1x1x40x128xi32, #tpu.memory_space<hbm>> -> memref<40x128xi32, #tpu.memory_space<hbm>>
      %dma_wait3A_177 = arith.constant 0 : i32
      %dma_wait3A_178 = arith.constant 0 : i32
      %dma_wait3A_179 = tpu.memref_slice %arg3[%run_scoped3A_85, %add3A, %dma_wait3A_177, %dma_wait3A_178] : memref<4x32x80x128xi32, #tpu.memory_space<hbm>> -> memref<1x1x40x128xi32, #tpu.memory_space<hbm>>
      %dma_wait3A_180 = tpu.memref_squeeze %dma_wait3A_179 : memref<1x1x40x128xi32, #tpu.memory_space<hbm>> -> memref<40x128xi32, #tpu.memory_space<hbm>>
      tpu.wait_dma2 semaphore(%run_scoped3A_165 : memref<!tpu.dma_semaphore, #tpu.memory_space<semaphore_mem>>) src(%dma_wait3A_180 : memref<40x128xi32, #tpu.memory_space<hbm>>) dst(%arg8 : memref<40x128xi32, #tpu.memory_space<vmem>>)
      tpu.yield
    }) : () -> ()
    %dma_start3A_86 = arith.constant 0 : i32
    %dma_start3A_87 = arith.constant 0 : i32
    %dma_start3A_88 = tpu.memref_slice %arg7[%dma_start3A_86, %dma_start3A_87] : memref<40x128xi32, #tpu.memory_space<vmem>> -> memref<1x128xi32, #tpu.memory_space<vmem>>
    %dma_start3A_89 = tpu.memref_squeeze %dma_start3A_88 : memref<1x128xi32, #tpu.memory_space<vmem>> -> memref<128xi32, #tpu.memory_space<vmem>>
    %dma_start3A_90 = arith.constant 0 : i32
    %dma_start3A_91 = arith.constant 0 : i32
    %dma_start3A_92 = tpu.memref_slice %arg4[%dma_start3A_90, %dma_start3A_91] : memref<40000x128xf32, #tpu.memory_space<hbm>> -> memref<40000x128xf32, #tpu.memory_space<hbm>>
    tpu.enqueue_indirect_dma source(%dma_start3A_92 : memref<40000x128xf32, #tpu.memory_space<hbm>>) target(%arg9 : memref<128x128xf32, #tpu.memory_space<vmem>>) offsets(%dma_start3A_89 : memref<128xi32, #tpu.memory_space<vmem>>) semaphore(%arg12 : memref<!tpu.dma_semaphore, #tpu.memory_space<semaphore_mem>>)
    %scan3A_93 = arith.constant 0 : i32
    %scan3A_94 = arith.constant 0 : i32
    %scan3A_95 = arith.constant 20 : i32
    %scan3A_96 = arith.addi %scan3A_94, %scan3A_95 : i32
    %scan3A_97 = arith.constant 1 : i32
    %scan3A_98 = scf.for %scan3A_165 = %scan3A_94 to %scan3A_96 step %scan3A_97 iter_args(%scan3A_166 = %scan3A_93) -> (i32)  : i32 {
      %mul3A_167 = arith.constant 2 : i32
      %mul3A_168 = arith.muli %mul3A_167, %scan3A_165 : i32
      %dma_wait3A = arith.constant 0 : i32
      %dma_wait3A_169 = arith.constant 0 : i32
      %dma_wait3A_170 = tpu.memref_slice %arg7[%dma_wait3A, %dma_wait3A_169] : memref<40x128xi32, #tpu.memory_space<vmem>> -> memref<1x128xi32, #tpu.memory_space<vmem>>
      %dma_wait3A_171 = tpu.memref_squeeze %dma_wait3A_170 : memref<1x128xi32, #tpu.memory_space<vmem>> -> memref<128xi32, #tpu.memory_space<vmem>>
      %dma_wait3A_172 = arith.constant 0 : i32
      %dma_wait3A_173 = arith.constant 0 : i32
      %dma_wait3A_174 = tpu.memref_slice %arg4[%dma_wait3A_172, %dma_wait3A_173] : memref<40000x128xf32, #tpu.memory_space<hbm>> -> memref<40000x128xf32, #tpu.memory_space<hbm>>
      tpu.wait_indirect_dma semaphore(%arg12 : memref<!tpu.dma_semaphore, #tpu.memory_space<semaphore_mem>>) src(%dma_wait3A_174 : memref<40000x128xf32, #tpu.memory_space<hbm>>) dst(%arg9 : memref<128x128xf32, #tpu.memory_space<vmem>>)
      %add3A_175 = arith.constant 1 : i32
      %add3A_176 = arith.addi %mul3A_168, %add3A_175 : i32
      %dma_start3A_177 = arith.constant 0 : i32
      %dma_start3A_178 = tpu.memref_slice %arg7[%add3A_176, %dma_start3A_177] : memref<40x128xi32, #tpu.memory_space<vmem>> -> memref<1x128xi32, #tpu.memory_space<vmem>>
      %dma_start3A_179 = tpu.memref_squeeze %dma_start3A_178 : memref<1x128xi32, #tpu.memory_space<vmem>> -> memref<128xi32, #tpu.memory_space<vmem>>
      %dma_start3A_180 = arith.constant 0 : i32
      %dma_start3A_181 = arith.constant 0 : i32
      %dma_start3A_182 = tpu.memref_slice %arg4[%dma_start3A_180, %dma_start3A_181] : memref<40000x128xf32, #tpu.memory_space<hbm>> -> memref<40000x128xf32, #tpu.memory_space<hbm>>
      tpu.enqueue_indirect_dma source(%dma_start3A_182 : memref<40000x128xf32, #tpu.memory_space<hbm>>) target(%arg10 : memref<128x128xf32, #tpu.memory_space<vmem>>) offsets(%dma_start3A_179 : memref<128xi32, #tpu.memory_space<vmem>>) semaphore(%arg13 : memref<!tpu.dma_semaphore, #tpu.memory_space<semaphore_mem>>)
      "tpu.region"() ({
        %run_scoped3A_197 = tpu.sem_alloc : memref<!tpu.dma_semaphore, #tpu.memory_space<semaphore_mem>>
        %dma_start3A_198 = arith.constant 0 : i32
        %dma_start3A_199 = tpu.memref_slice %arg8[%mul3A_168, %dma_start3A_198] : memref<40x128xi32, #tpu.memory_space<vmem>> -> memref<1x128xi32, #tpu.memory_space<vmem>>
        %dma_start3A_200 = tpu.memref_squeeze %dma_start3A_199 : memref<1x128xi32, #tpu.memory_space<vmem>> -> memref<128xi32, #tpu.memory_space<vmem>>
        %dma_start3A_201 = arith.constant 0 : i32
        %dma_start3A_202 = arith.constant 0 : i32
        %dma_start3A_203 = tpu.memref_slice %arg11[%dma_start3A_201, %dma_start3A_202] : memref<10240x128xf32, #tpu.memory_space<vmem_shared>> -> memref<10240x128xf32, #tpu.memory_space<vmem_shared>>
        tpu.enqueue_indirect_dma source(%arg9 : memref<128x128xf32, #tpu.memory_space<vmem>>) target(%dma_start3A_203 : memref<10240x128xf32, #tpu.memory_space<vmem_shared>>) offsets(%dma_start3A_200 : memref<128xi32, #tpu.memory_space<vmem>>) semaphore(%run_scoped3A_197 : memref<!tpu.dma_semaphore, #tpu.memory_space<semaphore_mem>>) {add = true}
        %dma_wait3A_204 = arith.constant 0 : i32
        %dma_wait3A_205 = tpu.memref_slice %arg8[%mul3A_168, %dma_wait3A_204] : memref<40x128xi32, #tpu.memory_space<vmem>> -> memref<1x128xi32, #tpu.memory_space<vmem>>
        %dma_wait3A_206 = tpu.memref_squeeze %dma_wait3A_205 : memref<1x128xi32, #tpu.memory_space<vmem>> -> memref<128xi32, #tpu.memory_space<vmem>>
        %dma_wait3A_207 = arith.constant 0 : i32
        %dma_wait3A_208 = arith.constant 0 : i32
        %dma_wait3A_209 = tpu.memref_slice %arg11[%dma_wait3A_207, %dma_wait3A_208] : memref<10240x128xf32, #tpu.memory_space<vmem_shared>> -> memref<10240x128xf32, #tpu.memory_space<vmem_shared>>
        tpu.wait_indirect_dma semaphore(%run_scoped3A_197 : memref<!tpu.dma_semaphore, #tpu.memory_space<semaphore_mem>>) src(%arg9 : memref<128x128xf32, #tpu.memory_space<vmem>>) dst(%dma_wait3A_209 : memref<10240x128xf32, #tpu.memory_space<vmem_shared>>)
        tpu.yield
      }) : () -> ()
      %add3A_183 = arith.constant 2 : i32
      %add3A_184 = arith.addi %mul3A_168, %add3A_183 : i32
      %lt3A = arith.constant 40 : i32
      %lt3A_185 = arith.cmpi slt, %add3A_184, %lt3A : i32
      %convert_element_type3A = arith.extui %lt3A_185 : i1 to i32
      %cond3A = arith.constant 0 : i32
      %cond3A_186 = arith.cmpi ne, %convert_element_type3A, %cond3A : i32
      scf.if %cond3A_186 {
        %add3A_197 = arith.constant 2 : i32
        %add3A_198 = arith.addi %mul3A_168, %add3A_197 : i32
        %dma_start3A_199 = arith.constant 0 : i32
        %dma_start3A_200 = tpu.memref_slice %arg7[%add3A_198, %dma_start3A_199] : memref<40x128xi32, #tpu.memory_space<vmem>> -> memref<1x128xi32, #tpu.memory_space<vmem>>
        %dma_start3A_201 = tpu.memref_squeeze %dma_start3A_200 : memref<1x128xi32, #tpu.memory_space<vmem>> -> memref<128xi32, #tpu.memory_space<vmem>>
        %dma_start3A_202 = arith.constant 0 : i32
        %dma_start3A_203 = arith.constant 0 : i32
        %dma_start3A_204 = tpu.memref_slice %arg4[%dma_start3A_202, %dma_start3A_203] : memref<40000x128xf32, #tpu.memory_space<hbm>> -> memref<40000x128xf32, #tpu.memory_space<hbm>>
        tpu.enqueue_indirect_dma source(%dma_start3A_204 : memref<40000x128xf32, #tpu.memory_space<hbm>>) target(%arg9 : memref<128x128xf32, #tpu.memory_space<vmem>>) offsets(%dma_start3A_201 : memref<128xi32, #tpu.memory_space<vmem>>) semaphore(%arg12 : memref<!tpu.dma_semaphore, #tpu.memory_space<semaphore_mem>>)
      } else {
      }
      %dma_wait3A_187 = arith.constant 0 : i32
      %dma_wait3A_188 = arith.constant 0 : i32
      %dma_wait3A_189 = tpu.memref_slice %arg7[%dma_wait3A_187, %dma_wait3A_188] : memref<40x128xi32, #tpu.memory_space<vmem>> -> memref<1x128xi32, #tpu.memory_space<vmem>>
      %dma_wait3A_190 = tpu.memref_squeeze %dma_wait3A_189 : memref<1x128xi32, #tpu.memory_space<vmem>> -> memref<128xi32, #tpu.memory_space<vmem>>
      %dma_wait3A_191 = arith.constant 0 : i32
      %dma_wait3A_192 = arith.constant 0 : i32
      %dma_wait3A_193 = tpu.memref_slice %arg4[%dma_wait3A_191, %dma_wait3A_192] : memref<40000x128xf32, #tpu.memory_space<hbm>> -> memref<40000x128xf32, #tpu.memory_space<hbm>>
      tpu.wait_indirect_dma semaphore(%arg13 : memref<!tpu.dma_semaphore, #tpu.memory_space<semaphore_mem>>) src(%dma_wait3A_193 : memref<40000x128xf32, #tpu.memory_space<hbm>>) dst(%arg10 : memref<128x128xf32, #tpu.memory_space<vmem>>)
      %add3A_194 = arith.constant 1 : i32
      %add3A_195 = arith.addi %mul3A_168, %add3A_194 : i32
      "tpu.region"() ({
        %run_scoped3A_197 = tpu.sem_alloc : memref<!tpu.dma_semaphore, #tpu.memory_space<semaphore_mem>>
        %dma_start3A_198 = arith.constant 0 : i32
        %dma_start3A_199 = tpu.memref_slice %arg8[%add3A_195, %dma_start3A_198] : memref<40x128xi32, #tpu.memory_space<vmem>> -> memref<1x128xi32, #tpu.memory_space<vmem>>
        %dma_start3A_200 = tpu.memref_squeeze %dma_start3A_199 : memref<1x128xi32, #tpu.memory_space<vmem>> -> memref<128xi32, #tpu.memory_space<vmem>>
        %dma_start3A_201 = arith.constant 0 : i32
        %dma_start3A_202 = arith.constant 0 : i32
        %dma_start3A_203 = tpu.memref_slice %arg11[%dma_start3A_201, %dma_start3A_202] : memref<10240x128xf32, #tpu.memory_space<vmem_shared>> -> memref<10240x128xf32, #tpu.memory_space<vmem_shared>>
        tpu.enqueue_indirect_dma source(%arg10 : memref<128x128xf32, #tpu.memory_space<vmem>>) target(%dma_start3A_203 : memref<10240x128xf32, #tpu.memory_space<vmem_shared>>) offsets(%dma_start3A_200 : memref<128xi32, #tpu.memory_space<vmem>>) semaphore(%run_scoped3A_197 : memref<!tpu.dma_semaphore, #tpu.memory_space<semaphore_mem>>) {add = true}
        %dma_wait3A_204 = arith.constant 0 : i32
        %dma_wait3A_205 = tpu.memref_slice %arg8[%add3A_195, %dma_wait3A_204] : memref<40x128xi32, #tpu.memory_space<vmem>> -> memref<1x128xi32, #tpu.memory_space<vmem>>
        %dma_wait3A_206 = tpu.memref_squeeze %dma_wait3A_205 : memref<1x128xi32, #tpu.memory_space<vmem>> -> memref<128xi32, #tpu.memory_space<vmem>>
        %dma_wait3A_207 = arith.constant 0 : i32
        %dma_wait3A_208 = arith.constant 0 : i32
        %dma_wait3A_209 = tpu.memref_slice %arg11[%dma_wait3A_207, %dma_wait3A_208] : memref<10240x128xf32, #tpu.memory_space<vmem_shared>> -> memref<10240x128xf32, #tpu.memory_space<vmem_shared>>
        tpu.wait_indirect_dma semaphore(%run_scoped3A_197 : memref<!tpu.dma_semaphore, #tpu.memory_space<semaphore_mem>>) src(%arg10 : memref<128x128xf32, #tpu.memory_space<vmem>>) dst(%dma_wait3A_209 : memref<10240x128xf32, #tpu.memory_space<vmem_shared>>)
        tpu.yield
      }) : () -> ()
      %scan3A_196 = arith.constant 0 : i32
      scf.yield %scan3A_196 : i32
    }
    %scan3A_99 = arith.constant 20 : i32
    %run_scoped3A_100 = arith.constant 2 : i32
    "tpu.region"() ({
      %run_scoped3A_165 = tpu.sem_alloc : memref<!tpu.dma_semaphore, #tpu.memory_space<semaphore_mem>>
      %dma_start3A_166 = arith.constant 40 : i32
      %dma_start3A_167 = arith.constant 0 : i32
      %dma_start3A_168 = tpu.memref_slice %arg2[%run_scoped3A_100, %add3A, %dma_start3A_166, %dma_start3A_167] : memref<4x32x80x128xi32, #tpu.memory_space<hbm>> -> memref<1x1x40x128xi32, #tpu.memory_space<hbm>>
      %dma_start3A_169 = tpu.memref_squeeze %dma_start3A_168 : memref<1x1x40x128xi32, #tpu.memory_space<hbm>> -> memref<40x128xi32, #tpu.memory_space<hbm>>
      %dma_start3A_170 = arith.constant 40 : i32
      %dma_start3A_171 = arith.constant 0 : i32
      %dma_start3A_172 = tpu.memref_slice %arg2[%run_scoped3A_100, %add3A, %dma_start3A_170, %dma_start3A_171] : memref<4x32x80x128xi32, #tpu.memory_space<hbm>> -> memref<1x1x40x128xi32, #tpu.memory_space<hbm>>
      %dma_start3A_173 = tpu.memref_squeeze %dma_start3A_172 : memref<1x1x40x128xi32, #tpu.memory_space<hbm>> -> memref<40x128xi32, #tpu.memory_space<hbm>>
      tpu.enqueue_dma source(%dma_start3A_173 : memref<40x128xi32, #tpu.memory_space<hbm>>) target(%arg7 : memref<40x128xi32, #tpu.memory_space<vmem>>) target_semaphore(%run_scoped3A_165 : memref<!tpu.dma_semaphore, #tpu.memory_space<semaphore_mem>>)
      %dma_wait3A = arith.constant 40 : i32
      %dma_wait3A_174 = arith.constant 0 : i32
      %dma_wait3A_175 = tpu.memref_slice %arg2[%run_scoped3A_100, %add3A, %dma_wait3A, %dma_wait3A_174] : memref<4x32x80x128xi32, #tpu.memory_space<hbm>> -> memref<1x1x40x128xi32, #tpu.memory_space<hbm>>
      %dma_wait3A_176 = tpu.memref_squeeze %dma_wait3A_175 : memref<1x1x40x128xi32, #tpu.memory_space<hbm>> -> memref<40x128xi32, #tpu.memory_space<hbm>>
      %dma_wait3A_177 = arith.constant 40 : i32
      %dma_wait3A_178 = arith.constant 0 : i32
      %dma_wait3A_179 = tpu.memref_slice %arg2[%run_scoped3A_100, %add3A, %dma_wait3A_177, %dma_wait3A_178] : memref<4x32x80x128xi32, #tpu.memory_space<hbm>> -> memref<1x1x40x128xi32, #tpu.memory_space<hbm>>
      %dma_wait3A_180 = tpu.memref_squeeze %dma_wait3A_179 : memref<1x1x40x128xi32, #tpu.memory_space<hbm>> -> memref<40x128xi32, #tpu.memory_space<hbm>>
      tpu.wait_dma2 semaphore(%run_scoped3A_165 : memref<!tpu.dma_semaphore, #tpu.memory_space<semaphore_mem>>) src(%dma_wait3A_180 : memref<40x128xi32, #tpu.memory_space<hbm>>) dst(%arg7 : memref<40x128xi32, #tpu.memory_space<vmem>>)
      tpu.yield
    }) : () -> ()
    %run_scoped3A_101 = arith.constant 2 : i32
    "tpu.region"() ({
      %run_scoped3A_165 = tpu.sem_alloc : memref<!tpu.dma_semaphore, #tpu.memory_space<semaphore_mem>>
      %dma_start3A_166 = arith.constant 40 : i32
      %dma_start3A_167 = arith.constant 0 : i32
      %dma_start3A_168 = tpu.memref_slice %arg3[%run_scoped3A_101, %add3A, %dma_start3A_166, %dma_start3A_167] : memref<4x32x80x128xi32, #tpu.memory_space<hbm>> -> memref<1x1x40x128xi32, #tpu.memory_space<hbm>>
      %dma_start3A_169 = tpu.memref_squeeze %dma_start3A_168 : memref<1x1x40x128xi32, #tpu.memory_space<hbm>> -> memref<40x128xi32, #tpu.memory_space<hbm>>
      %dma_start3A_170 = arith.constant 40 : i32
      %dma_start3A_171 = arith.constant 0 : i32
      %dma_start3A_172 = tpu.memref_slice %arg3[%run_scoped3A_101, %add3A, %dma_start3A_170, %dma_start3A_171] : memref<4x32x80x128xi32, #tpu.memory_space<hbm>> -> memref<1x1x40x128xi32, #tpu.memory_space<hbm>>
      %dma_start3A_173 = tpu.memref_squeeze %dma_start3A_172 : memref<1x1x40x128xi32, #tpu.memory_space<hbm>> -> memref<40x128xi32, #tpu.memory_space<hbm>>
      tpu.enqueue_dma source(%dma_start3A_173 : memref<40x128xi32, #tpu.memory_space<hbm>>) target(%arg8 : memref<40x128xi32, #tpu.memory_space<vmem>>) target_semaphore(%run_scoped3A_165 : memref<!tpu.dma_semaphore, #tpu.memory_space<semaphore_mem>>)
      %dma_wait3A = arith.constant 40 : i32
      %dma_wait3A_174 = arith.constant 0 : i32
      %dma_wait3A_175 = tpu.memref_slice %arg3[%run_scoped3A_101, %add3A, %dma_wait3A, %dma_wait3A_174] : memref<4x32x80x128xi32, #tpu.memory_space<hbm>> -> memref<1x1x40x128xi32, #tpu.memory_space<hbm>>
      %dma_wait3A_176 = tpu.memref_squeeze %dma_wait3A_175 : memref<1x1x40x128xi32, #tpu.memory_space<hbm>> -> memref<40x128xi32, #tpu.memory_space<hbm>>
      %dma_wait3A_177 = arith.constant 40 : i32
      %dma_wait3A_178 = arith.constant 0 : i32
      %dma_wait3A_179 = tpu.memref_slice %arg3[%run_scoped3A_101, %add3A, %dma_wait3A_177, %dma_wait3A_178] : memref<4x32x80x128xi32, #tpu.memory_space<hbm>> -> memref<1x1x40x128xi32, #tpu.memory_space<hbm>>
      %dma_wait3A_180 = tpu.memref_squeeze %dma_wait3A_179 : memref<1x1x40x128xi32, #tpu.memory_space<hbm>> -> memref<40x128xi32, #tpu.memory_space<hbm>>
      tpu.wait_dma2 semaphore(%run_scoped3A_165 : memref<!tpu.dma_semaphore, #tpu.memory_space<semaphore_mem>>) src(%dma_wait3A_180 : memref<40x128xi32, #tpu.memory_space<hbm>>) dst(%arg8 : memref<40x128xi32, #tpu.memory_space<vmem>>)
      tpu.yield
    }) : () -> ()
    %dma_start3A_102 = arith.constant 0 : i32
    %dma_start3A_103 = arith.constant 0 : i32
    %dma_start3A_104 = tpu.memref_slice %arg7[%dma_start3A_102, %dma_start3A_103] : memref<40x128xi32, #tpu.memory_space<vmem>> -> memref<1x128xi32, #tpu.memory_space<vmem>>
    %dma_start3A_105 = tpu.memref_squeeze %dma_start3A_104 : memref<1x128xi32, #tpu.memory_space<vmem>> -> memref<128xi32, #tpu.memory_space<vmem>>
    %dma_start3A_106 = arith.constant 0 : i32
    %dma_start3A_107 = arith.constant 0 : i32
    %dma_start3A_108 = tpu.memref_slice %arg4[%dma_start3A_106, %dma_start3A_107] : memref<40000x128xf32, #tpu.memory_space<hbm>> -> memref<40000x128xf32, #tpu.memory_space<hbm>>
    tpu.enqueue_indirect_dma source(%dma_start3A_108 : memref<40000x128xf32, #tpu.memory_space<hbm>>) target(%arg9 : memref<128x128xf32, #tpu.memory_space<vmem>>) offsets(%dma_start3A_105 : memref<128xi32, #tpu.memory_space<vmem>>) semaphore(%arg12 : memref<!tpu.dma_semaphore, #tpu.memory_space<semaphore_mem>>)
    %scan3A_109 = arith.constant 0 : i32
    %scan3A_110 = arith.constant 0 : i32
    %scan3A_111 = arith.constant 20 : i32
    %scan3A_112 = arith.addi %scan3A_110, %scan3A_111 : i32
    %scan3A_113 = arith.constant 1 : i32
    %scan3A_114 = scf.for %scan3A_165 = %scan3A_110 to %scan3A_112 step %scan3A_113 iter_args(%scan3A_166 = %scan3A_109) -> (i32)  : i32 {
      %mul3A_167 = arith.constant 2 : i32
      %mul3A_168 = arith.muli %mul3A_167, %scan3A_165 : i32
      %dma_wait3A = arith.constant 0 : i32
      %dma_wait3A_169 = arith.constant 0 : i32
      %dma_wait3A_170 = tpu.memref_slice %arg7[%dma_wait3A, %dma_wait3A_169] : memref<40x128xi32, #tpu.memory_space<vmem>> -> memref<1x128xi32, #tpu.memory_space<vmem>>
      %dma_wait3A_171 = tpu.memref_squeeze %dma_wait3A_170 : memref<1x128xi32, #tpu.memory_space<vmem>> -> memref<128xi32, #tpu.memory_space<vmem>>
      %dma_wait3A_172 = arith.constant 0 : i32
      %dma_wait3A_173 = arith.constant 0 : i32
      %dma_wait3A_174 = tpu.memref_slice %arg4[%dma_wait3A_172, %dma_wait3A_173] : memref<40000x128xf32, #tpu.memory_space<hbm>> -> memref<40000x128xf32, #tpu.memory_space<hbm>>
      tpu.wait_indirect_dma semaphore(%arg12 : memref<!tpu.dma_semaphore, #tpu.memory_space<semaphore_mem>>) src(%dma_wait3A_174 : memref<40000x128xf32, #tpu.memory_space<hbm>>) dst(%arg9 : memref<128x128xf32, #tpu.memory_space<vmem>>)
      %add3A_175 = arith.constant 1 : i32
      %add3A_176 = arith.addi %mul3A_168, %add3A_175 : i32
      %dma_start3A_177 = arith.constant 0 : i32
      %dma_start3A_178 = tpu.memref_slice %arg7[%add3A_176, %dma_start3A_177] : memref<40x128xi32, #tpu.memory_space<vmem>> -> memref<1x128xi32, #tpu.memory_space<vmem>>
      %dma_start3A_179 = tpu.memref_squeeze %dma_start3A_178 : memref<1x128xi32, #tpu.memory_space<vmem>> -> memref<128xi32, #tpu.memory_space<vmem>>
      %dma_start3A_180 = arith.constant 0 : i32
      %dma_start3A_181 = arith.constant 0 : i32
      %dma_start3A_182 = tpu.memref_slice %arg4[%dma_start3A_180, %dma_start3A_181] : memref<40000x128xf32, #tpu.memory_space<hbm>> -> memref<40000x128xf32, #tpu.memory_space<hbm>>
      tpu.enqueue_indirect_dma source(%dma_start3A_182 : memref<40000x128xf32, #tpu.memory_space<hbm>>) target(%arg10 : memref<128x128xf32, #tpu.memory_space<vmem>>) offsets(%dma_start3A_179 : memref<128xi32, #tpu.memory_space<vmem>>) semaphore(%arg13 : memref<!tpu.dma_semaphore, #tpu.memory_space<semaphore_mem>>)
      "tpu.region"() ({
        %run_scoped3A_197 = tpu.sem_alloc : memref<!tpu.dma_semaphore, #tpu.memory_space<semaphore_mem>>
        %dma_start3A_198 = arith.constant 0 : i32
        %dma_start3A_199 = tpu.memref_slice %arg8[%mul3A_168, %dma_start3A_198] : memref<40x128xi32, #tpu.memory_space<vmem>> -> memref<1x128xi32, #tpu.memory_space<vmem>>
        %dma_start3A_200 = tpu.memref_squeeze %dma_start3A_199 : memref<1x128xi32, #tpu.memory_space<vmem>> -> memref<128xi32, #tpu.memory_space<vmem>>
        %dma_start3A_201 = arith.constant 0 : i32
        %dma_start3A_202 = arith.constant 0 : i32
        %dma_start3A_203 = tpu.memref_slice %arg11[%dma_start3A_201, %dma_start3A_202] : memref<10240x128xf32, #tpu.memory_space<vmem_shared>> -> memref<10240x128xf32, #tpu.memory_space<vmem_shared>>
        tpu.enqueue_indirect_dma source(%arg9 : memref<128x128xf32, #tpu.memory_space<vmem>>) target(%dma_start3A_203 : memref<10240x128xf32, #tpu.memory_space<vmem_shared>>) offsets(%dma_start3A_200 : memref<128xi32, #tpu.memory_space<vmem>>) semaphore(%run_scoped3A_197 : memref<!tpu.dma_semaphore, #tpu.memory_space<semaphore_mem>>) {add = true}
        %dma_wait3A_204 = arith.constant 0 : i32
        %dma_wait3A_205 = tpu.memref_slice %arg8[%mul3A_168, %dma_wait3A_204] : memref<40x128xi32, #tpu.memory_space<vmem>> -> memref<1x128xi32, #tpu.memory_space<vmem>>
        %dma_wait3A_206 = tpu.memref_squeeze %dma_wait3A_205 : memref<1x128xi32, #tpu.memory_space<vmem>> -> memref<128xi32, #tpu.memory_space<vmem>>
        %dma_wait3A_207 = arith.constant 0 : i32
        %dma_wait3A_208 = arith.constant 0 : i32
        %dma_wait3A_209 = tpu.memref_slice %arg11[%dma_wait3A_207, %dma_wait3A_208] : memref<10240x128xf32, #tpu.memory_space<vmem_shared>> -> memref<10240x128xf32, #tpu.memory_space<vmem_shared>>
        tpu.wait_indirect_dma semaphore(%run_scoped3A_197 : memref<!tpu.dma_semaphore, #tpu.memory_space<semaphore_mem>>) src(%arg9 : memref<128x128xf32, #tpu.memory_space<vmem>>) dst(%dma_wait3A_209 : memref<10240x128xf32, #tpu.memory_space<vmem_shared>>)
        tpu.yield
      }) : () -> ()
      %add3A_183 = arith.constant 2 : i32
      %add3A_184 = arith.addi %mul3A_168, %add3A_183 : i32
      %lt3A = arith.constant 40 : i32
      %lt3A_185 = arith.cmpi slt, %add3A_184, %lt3A : i32
      %convert_element_type3A = arith.extui %lt3A_185 : i1 to i32
      %cond3A = arith.constant 0 : i32
      %cond3A_186 = arith.cmpi ne, %convert_element_type3A, %cond3A : i32
      scf.if %cond3A_186 {
        %add3A_197 = arith.constant 2 : i32
        %add3A_198 = arith.addi %mul3A_168, %add3A_197 : i32
        %dma_start3A_199 = arith.constant 0 : i32
        %dma_start3A_200 = tpu.memref_slice %arg7[%add3A_198, %dma_start3A_199] : memref<40x128xi32, #tpu.memory_space<vmem>> -> memref<1x128xi32, #tpu.memory_space<vmem>>
        %dma_start3A_201 = tpu.memref_squeeze %dma_start3A_200 : memref<1x128xi32, #tpu.memory_space<vmem>> -> memref<128xi32, #tpu.memory_space<vmem>>
        %dma_start3A_202 = arith.constant 0 : i32
        %dma_start3A_203 = arith.constant 0 : i32
        %dma_start3A_204 = tpu.memref_slice %arg4[%dma_start3A_202, %dma_start3A_203] : memref<40000x128xf32, #tpu.memory_space<hbm>> -> memref<40000x128xf32, #tpu.memory_space<hbm>>
        tpu.enqueue_indirect_dma source(%dma_start3A_204 : memref<40000x128xf32, #tpu.memory_space<hbm>>) target(%arg9 : memref<128x128xf32, #tpu.memory_space<vmem>>) offsets(%dma_start3A_201 : memref<128xi32, #tpu.memory_space<vmem>>) semaphore(%arg12 : memref<!tpu.dma_semaphore, #tpu.memory_space<semaphore_mem>>)
      } else {
      }
      %dma_wait3A_187 = arith.constant 0 : i32
      %dma_wait3A_188 = arith.constant 0 : i32
      %dma_wait3A_189 = tpu.memref_slice %arg7[%dma_wait3A_187, %dma_wait3A_188] : memref<40x128xi32, #tpu.memory_space<vmem>> -> memref<1x128xi32, #tpu.memory_space<vmem>>
      %dma_wait3A_190 = tpu.memref_squeeze %dma_wait3A_189 : memref<1x128xi32, #tpu.memory_space<vmem>> -> memref<128xi32, #tpu.memory_space<vmem>>
      %dma_wait3A_191 = arith.constant 0 : i32
      %dma_wait3A_192 = arith.constant 0 : i32
      %dma_wait3A_193 = tpu.memref_slice %arg4[%dma_wait3A_191, %dma_wait3A_192] : memref<40000x128xf32, #tpu.memory_space<hbm>> -> memref<40000x128xf32, #tpu.memory_space<hbm>>
      tpu.wait_indirect_dma semaphore(%arg13 : memref<!tpu.dma_semaphore, #tpu.memory_space<semaphore_mem>>) src(%dma_wait3A_193 : memref<40000x128xf32, #tpu.memory_space<hbm>>) dst(%arg10 : memref<128x128xf32, #tpu.memory_space<vmem>>)
      %add3A_194 = arith.constant 1 : i32
      %add3A_195 = arith.addi %mul3A_168, %add3A_194 : i32
      "tpu.region"() ({
        %run_scoped3A_197 = tpu.sem_alloc : memref<!tpu.dma_semaphore, #tpu.memory_space<semaphore_mem>>
        %dma_start3A_198 = arith.constant 0 : i32
        %dma_start3A_199 = tpu.memref_slice %arg8[%add3A_195, %dma_start3A_198] : memref<40x128xi32, #tpu.memory_space<vmem>> -> memref<1x128xi32, #tpu.memory_space<vmem>>
        %dma_start3A_200 = tpu.memref_squeeze %dma_start3A_199 : memref<1x128xi32, #tpu.memory_space<vmem>> -> memref<128xi32, #tpu.memory_space<vmem>>
        %dma_start3A_201 = arith.constant 0 : i32
        %dma_start3A_202 = arith.constant 0 : i32
        %dma_start3A_203 = tpu.memref_slice %arg11[%dma_start3A_201, %dma_start3A_202] : memref<10240x128xf32, #tpu.memory_space<vmem_shared>> -> memref<10240x128xf32, #tpu.memory_space<vmem_shared>>
        tpu.enqueue_indirect_dma source(%arg10 : memref<128x128xf32, #tpu.memory_space<vmem>>) target(%dma_start3A_203 : memref<10240x128xf32, #tpu.memory_space<vmem_shared>>) offsets(%dma_start3A_200 : memref<128xi32, #tpu.memory_space<vmem>>) semaphore(%run_scoped3A_197 : memref<!tpu.dma_semaphore, #tpu.memory_space<semaphore_mem>>) {add = true}
        %dma_wait3A_204 = arith.constant 0 : i32
        %dma_wait3A_205 = tpu.memref_slice %arg8[%add3A_195, %dma_wait3A_204] : memref<40x128xi32, #tpu.memory_space<vmem>> -> memref<1x128xi32, #tpu.memory_space<vmem>>
        %dma_wait3A_206 = tpu.memref_squeeze %dma_wait3A_205 : memref<1x128xi32, #tpu.memory_space<vmem>> -> memref<128xi32, #tpu.memory_space<vmem>>
        %dma_wait3A_207 = arith.constant 0 : i32
        %dma_wait3A_208 = arith.constant 0 : i32
        %dma_wait3A_209 = tpu.memref_slice %arg11[%dma_wait3A_207, %dma_wait3A_208] : memref<10240x128xf32, #tpu.memory_space<vmem_shared>> -> memref<10240x128xf32, #tpu.memory_space<vmem_shared>>
        tpu.wait_indirect_dma semaphore(%run_scoped3A_197 : memref<!tpu.dma_semaphore, #tpu.memory_space<semaphore_mem>>) src(%arg10 : memref<128x128xf32, #tpu.memory_space<vmem>>) dst(%dma_wait3A_209 : memref<10240x128xf32, #tpu.memory_space<vmem_shared>>)
        tpu.yield
      }) : () -> ()
      %scan3A_196 = arith.constant 0 : i32
      scf.yield %scan3A_196 : i32
    }
    %scan3A_115 = arith.constant 20 : i32
    %barrier3A_116 = arith.constant 0 : index
    tpu.barrier barrier_id(%barrier3A_116)
    %mul3A_117 = arith.constant 640 : i32
    %mul3A_118 = arith.muli %arg1, %mul3A_117 : i32
    %mul3A_119 = arith.constant 640 : i32
    %mul3A_120 = arith.muli %arg1, %mul3A_119 : i32
    %run_scoped3A_121 = arith.constant 2 : i32
    "tpu.region"() ({
      %run_scoped3A_165 = tpu.sem_alloc : memref<!tpu.dma_semaphore, #tpu.memory_space<semaphore_mem>>
      %dma_start3A_166 = arith.constant 0 : i32
      %dma_start3A_167 = tpu.memref_slice %arg6[%arg0, %run_scoped3A_121, %mul3A_120, %dma_start3A_166] : memref<2x4x10240x128xf32, #tpu.memory_space<hbm>> -> memref<1x1x640x128xf32, #tpu.memory_space<hbm>>
      %dma_start3A_168 = tpu.memref_squeeze %dma_start3A_167 : memref<1x1x640x128xf32, #tpu.memory_space<hbm>> -> memref<640x128xf32, #tpu.memory_space<hbm>>
      %dma_start3A_169 = arith.constant 0 : i32
      %dma_start3A_170 = tpu.memref_slice %arg11[%mul3A_118, %dma_start3A_169] : memref<10240x128xf32, #tpu.memory_space<vmem_shared>> -> memref<640x128xf32, #tpu.memory_space<vmem_shared>>
      tpu.enqueue_dma source(%dma_start3A_170 : memref<640x128xf32, #tpu.memory_space<vmem_shared>>) target(%dma_start3A_168 : memref<640x128xf32, #tpu.memory_space<hbm>>) target_semaphore(%run_scoped3A_165 : memref<!tpu.dma_semaphore, #tpu.memory_space<semaphore_mem>>)
      %dma_wait3A = arith.constant 0 : i32
      %dma_wait3A_171 = tpu.memref_slice %arg6[%arg0, %run_scoped3A_121, %mul3A_120, %dma_wait3A] : memref<2x4x10240x128xf32, #tpu.memory_space<hbm>> -> memref<1x1x640x128xf32, #tpu.memory_space<hbm>>
      %dma_wait3A_172 = tpu.memref_squeeze %dma_wait3A_171 : memref<1x1x640x128xf32, #tpu.memory_space<hbm>> -> memref<640x128xf32, #tpu.memory_space<hbm>>
      %dma_wait3A_173 = arith.constant 0 : i32
      %dma_wait3A_174 = tpu.memref_slice %arg11[%mul3A_118, %dma_wait3A_173] : memref<10240x128xf32, #tpu.memory_space<vmem_shared>> -> memref<640x128xf32, #tpu.memory_space<vmem_shared>>
      tpu.wait_dma2 semaphore(%run_scoped3A_165 : memref<!tpu.dma_semaphore, #tpu.memory_space<semaphore_mem>>) src(%dma_wait3A_174 : memref<640x128xf32, #tpu.memory_space<vmem_shared>>) dst(%dma_wait3A_172 : memref<640x128xf32, #tpu.memory_space<hbm>>)
      tpu.yield
    }) : () -> ()
    %barrier3A_122 = arith.constant 0 : index
    tpu.barrier barrier_id(%barrier3A_122)
    %mul3A_123 = arith.constant 640 : i32
    %mul3A_124 = arith.muli %arg1, %mul3A_123 : i32
    "tpu.region"() ({
      %run_scoped3A_165 = tpu.sem_alloc : memref<!tpu.dma_semaphore, #tpu.memory_space<semaphore_mem>>
      %dma_start3A_166 = arith.constant 0 : i32
      %dma_start3A_167 = tpu.memref_slice %arg11[%mul3A_124, %dma_start3A_166] : memref<10240x128xf32, #tpu.memory_space<vmem_shared>> -> memref<640x128xf32, #tpu.memory_space<vmem_shared>>
      tpu.enqueue_dma source(%arg5 : memref<640x128xf32, #tpu.memory_space<hbm>>) target(%dma_start3A_167 : memref<640x128xf32, #tpu.memory_space<vmem_shared>>) target_semaphore(%run_scoped3A_165 : memref<!tpu.dma_semaphore, #tpu.memory_space<semaphore_mem>>)
      %dma_wait3A = arith.constant 0 : i32
      %dma_wait3A_168 = tpu.memref_slice %arg11[%mul3A_124, %dma_wait3A] : memref<10240x128xf32, #tpu.memory_space<vmem_shared>> -> memref<640x128xf32, #tpu.memory_space<vmem_shared>>
      tpu.wait_dma2 semaphore(%run_scoped3A_165 : memref<!tpu.dma_semaphore, #tpu.memory_space<semaphore_mem>>) src(%arg5 : memref<640x128xf32, #tpu.memory_space<hbm>>) dst(%dma_wait3A_168 : memref<640x128xf32, #tpu.memory_space<vmem_shared>>)
      tpu.yield
    }) : () -> ()
    %barrier3A_125 = arith.constant 0 : index
    tpu.barrier barrier_id(%barrier3A_125)
    %run_scoped3A_126 = arith.constant 3 : i32
    "tpu.region"() ({
      %run_scoped3A_165 = tpu.sem_alloc : memref<!tpu.dma_semaphore, #tpu.memory_space<semaphore_mem>>
      %dma_start3A_166 = arith.constant 0 : i32
      %dma_start3A_167 = arith.constant 0 : i32
      %dma_start3A_168 = tpu.memref_slice %arg2[%run_scoped3A_126, %add3A, %dma_start3A_166, %dma_start3A_167] : memref<4x32x80x128xi32, #tpu.memory_space<hbm>> -> memref<1x1x40x128xi32, #tpu.memory_space<hbm>>
      %dma_start3A_169 = tpu.memref_squeeze %dma_start3A_168 : memref<1x1x40x128xi32, #tpu.memory_space<hbm>> -> memref<40x128xi32, #tpu.memory_space<hbm>>
      %dma_start3A_170 = arith.constant 0 : i32
      %dma_start3A_171 = arith.constant 0 : i32
      %dma_start3A_172 = tpu.memref_slice %arg2[%run_scoped3A_126, %add3A, %dma_start3A_170, %dma_start3A_171] : memref<4x32x80x128xi32, #tpu.memory_space<hbm>> -> memref<1x1x40x128xi32, #tpu.memory_space<hbm>>
      %dma_start3A_173 = tpu.memref_squeeze %dma_start3A_172 : memref<1x1x40x128xi32, #tpu.memory_space<hbm>> -> memref<40x128xi32, #tpu.memory_space<hbm>>
      tpu.enqueue_dma source(%dma_start3A_173 : memref<40x128xi32, #tpu.memory_space<hbm>>) target(%arg7 : memref<40x128xi32, #tpu.memory_space<vmem>>) target_semaphore(%run_scoped3A_165 : memref<!tpu.dma_semaphore, #tpu.memory_space<semaphore_mem>>)
      %dma_wait3A = arith.constant 0 : i32
      %dma_wait3A_174 = arith.constant 0 : i32
      %dma_wait3A_175 = tpu.memref_slice %arg2[%run_scoped3A_126, %add3A, %dma_wait3A, %dma_wait3A_174] : memref<4x32x80x128xi32, #tpu.memory_space<hbm>> -> memref<1x1x40x128xi32, #tpu.memory_space<hbm>>
      %dma_wait3A_176 = tpu.memref_squeeze %dma_wait3A_175 : memref<1x1x40x128xi32, #tpu.memory_space<hbm>> -> memref<40x128xi32, #tpu.memory_space<hbm>>
      %dma_wait3A_177 = arith.constant 0 : i32
      %dma_wait3A_178 = arith.constant 0 : i32
      %dma_wait3A_179 = tpu.memref_slice %arg2[%run_scoped3A_126, %add3A, %dma_wait3A_177, %dma_wait3A_178] : memref<4x32x80x128xi32, #tpu.memory_space<hbm>> -> memref<1x1x40x128xi32, #tpu.memory_space<hbm>>
      %dma_wait3A_180 = tpu.memref_squeeze %dma_wait3A_179 : memref<1x1x40x128xi32, #tpu.memory_space<hbm>> -> memref<40x128xi32, #tpu.memory_space<hbm>>
      tpu.wait_dma2 semaphore(%run_scoped3A_165 : memref<!tpu.dma_semaphore, #tpu.memory_space<semaphore_mem>>) src(%dma_wait3A_180 : memref<40x128xi32, #tpu.memory_space<hbm>>) dst(%arg7 : memref<40x128xi32, #tpu.memory_space<vmem>>)
      tpu.yield
    }) : () -> ()
    %run_scoped3A_127 = arith.constant 3 : i32
    "tpu.region"() ({
      %run_scoped3A_165 = tpu.sem_alloc : memref<!tpu.dma_semaphore, #tpu.memory_space<semaphore_mem>>
      %dma_start3A_166 = arith.constant 0 : i32
      %dma_start3A_167 = arith.constant 0 : i32
      %dma_start3A_168 = tpu.memref_slice %arg3[%run_scoped3A_127, %add3A, %dma_start3A_166, %dma_start3A_167] : memref<4x32x80x128xi32, #tpu.memory_space<hbm>> -> memref<1x1x40x128xi32, #tpu.memory_space<hbm>>
      %dma_start3A_169 = tpu.memref_squeeze %dma_start3A_168 : memref<1x1x40x128xi32, #tpu.memory_space<hbm>> -> memref<40x128xi32, #tpu.memory_space<hbm>>
      %dma_start3A_170 = arith.constant 0 : i32
      %dma_start3A_171 = arith.constant 0 : i32
      %dma_start3A_172 = tpu.memref_slice %arg3[%run_scoped3A_127, %add3A, %dma_start3A_170, %dma_start3A_171] : memref<4x32x80x128xi32, #tpu.memory_space<hbm>> -> memref<1x1x40x128xi32, #tpu.memory_space<hbm>>
      %dma_start3A_173 = tpu.memref_squeeze %dma_start3A_172 : memref<1x1x40x128xi32, #tpu.memory_space<hbm>> -> memref<40x128xi32, #tpu.memory_space<hbm>>
      tpu.enqueue_dma source(%dma_start3A_173 : memref<40x128xi32, #tpu.memory_space<hbm>>) target(%arg8 : memref<40x128xi32, #tpu.memory_space<vmem>>) target_semaphore(%run_scoped3A_165 : memref<!tpu.dma_semaphore, #tpu.memory_space<semaphore_mem>>)
      %dma_wait3A = arith.constant 0 : i32
      %dma_wait3A_174 = arith.constant 0 : i32
      %dma_wait3A_175 = tpu.memref_slice %arg3[%run_scoped3A_127, %add3A, %dma_wait3A, %dma_wait3A_174] : memref<4x32x80x128xi32, #tpu.memory_space<hbm>> -> memref<1x1x40x128xi32, #tpu.memory_space<hbm>>
      %dma_wait3A_176 = tpu.memref_squeeze %dma_wait3A_175 : memref<1x1x40x128xi32, #tpu.memory_space<hbm>> -> memref<40x128xi32, #tpu.memory_space<hbm>>
      %dma_wait3A_177 = arith.constant 0 : i32
      %dma_wait3A_178 = arith.constant 0 : i32
      %dma_wait3A_179 = tpu.memref_slice %arg3[%run_scoped3A_127, %add3A, %dma_wait3A_177, %dma_wait3A_178] : memref<4x32x80x128xi32, #tpu.memory_space<hbm>> -> memref<1x1x40x128xi32, #tpu.memory_space<hbm>>
      %dma_wait3A_180 = tpu.memref_squeeze %dma_wait3A_179 : memref<1x1x40x128xi32, #tpu.memory_space<hbm>> -> memref<40x128xi32, #tpu.memory_space<hbm>>
      tpu.wait_dma2 semaphore(%run_scoped3A_165 : memref<!tpu.dma_semaphore, #tpu.memory_space<semaphore_mem>>) src(%dma_wait3A_180 : memref<40x128xi32, #tpu.memory_space<hbm>>) dst(%arg8 : memref<40x128xi32, #tpu.memory_space<vmem>>)
      tpu.yield
    }) : () -> ()
    %dma_start3A_128 = arith.constant 0 : i32
    %dma_start3A_129 = arith.constant 0 : i32
    %dma_start3A_130 = tpu.memref_slice %arg7[%dma_start3A_128, %dma_start3A_129] : memref<40x128xi32, #tpu.memory_space<vmem>> -> memref<1x128xi32, #tpu.memory_space<vmem>>
    %dma_start3A_131 = tpu.memref_squeeze %dma_start3A_130 : memref<1x128xi32, #tpu.memory_space<vmem>> -> memref<128xi32, #tpu.memory_space<vmem>>
    %dma_start3A_132 = arith.constant 0 : i32
    %dma_start3A_133 = arith.constant 0 : i32
    %dma_start3A_134 = tpu.memref_slice %arg4[%dma_start3A_132, %dma_start3A_133] : memref<40000x128xf32, #tpu.memory_space<hbm>> -> memref<40000x128xf32, #tpu.memory_space<hbm>>
    tpu.enqueue_indirect_dma source(%dma_start3A_134 : memref<40000x128xf32, #tpu.memory_space<hbm>>) target(%arg9 : memref<128x128xf32, #tpu.memory_space<vmem>>) offsets(%dma_start3A_131 : memref<128xi32, #tpu.memory_space<vmem>>) semaphore(%arg12 : memref<!tpu.dma_semaphore, #tpu.memory_space<semaphore_mem>>)
    %scan3A_135 = arith.constant 0 : i32
    %scan3A_136 = arith.constant 0 : i32
    %scan3A_137 = arith.constant 20 : i32
    %scan3A_138 = arith.addi %scan3A_136, %scan3A_137 : i32
    %scan3A_139 = arith.constant 1 : i32
    %scan3A_140 = scf.for %scan3A_165 = %scan3A_136 to %scan3A_138 step %scan3A_139 iter_args(%scan3A_166 = %scan3A_135) -> (i32)  : i32 {
      %mul3A_167 = arith.constant 2 : i32
      %mul3A_168 = arith.muli %mul3A_167, %scan3A_165 : i32
      %dma_wait3A = arith.constant 0 : i32
      %dma_wait3A_169 = arith.constant 0 : i32
      %dma_wait3A_170 = tpu.memref_slice %arg7[%dma_wait3A, %dma_wait3A_169] : memref<40x128xi32, #tpu.memory_space<vmem>> -> memref<1x128xi32, #tpu.memory_space<vmem>>
      %dma_wait3A_171 = tpu.memref_squeeze %dma_wait3A_170 : memref<1x128xi32, #tpu.memory_space<vmem>> -> memref<128xi32, #tpu.memory_space<vmem>>
      %dma_wait3A_172 = arith.constant 0 : i32
      %dma_wait3A_173 = arith.constant 0 : i32
      %dma_wait3A_174 = tpu.memref_slice %arg4[%dma_wait3A_172, %dma_wait3A_173] : memref<40000x128xf32, #tpu.memory_space<hbm>> -> memref<40000x128xf32, #tpu.memory_space<hbm>>
      tpu.wait_indirect_dma semaphore(%arg12 : memref<!tpu.dma_semaphore, #tpu.memory_space<semaphore_mem>>) src(%dma_wait3A_174 : memref<40000x128xf32, #tpu.memory_space<hbm>>) dst(%arg9 : memref<128x128xf32, #tpu.memory_space<vmem>>)
      %add3A_175 = arith.constant 1 : i32
      %add3A_176 = arith.addi %mul3A_168, %add3A_175 : i32
      %dma_start3A_177 = arith.constant 0 : i32
      %dma_start3A_178 = tpu.memref_slice %arg7[%add3A_176, %dma_start3A_177] : memref<40x128xi32, #tpu.memory_space<vmem>> -> memref<1x128xi32, #tpu.memory_space<vmem>>
      %dma_start3A_179 = tpu.memref_squeeze %dma_start3A_178 : memref<1x128xi32, #tpu.memory_space<vmem>> -> memref<128xi32, #tpu.memory_space<vmem>>
      %dma_start3A_180 = arith.constant 0 : i32
      %dma_start3A_181 = arith.constant 0 : i32
      %dma_start3A_182 = tpu.memref_slice %arg4[%dma_start3A_180, %dma_start3A_181] : memref<40000x128xf32, #tpu.memory_space<hbm>> -> memref<40000x128xf32, #tpu.memory_space<hbm>>
      tpu.enqueue_indirect_dma source(%dma_start3A_182 : memref<40000x128xf32, #tpu.memory_space<hbm>>) target(%arg10 : memref<128x128xf32, #tpu.memory_space<vmem>>) offsets(%dma_start3A_179 : memref<128xi32, #tpu.memory_space<vmem>>) semaphore(%arg13 : memref<!tpu.dma_semaphore, #tpu.memory_space<semaphore_mem>>)
      "tpu.region"() ({
        %run_scoped3A_197 = tpu.sem_alloc : memref<!tpu.dma_semaphore, #tpu.memory_space<semaphore_mem>>
        %dma_start3A_198 = arith.constant 0 : i32
        %dma_start3A_199 = tpu.memref_slice %arg8[%mul3A_168, %dma_start3A_198] : memref<40x128xi32, #tpu.memory_space<vmem>> -> memref<1x128xi32, #tpu.memory_space<vmem>>
        %dma_start3A_200 = tpu.memref_squeeze %dma_start3A_199 : memref<1x128xi32, #tpu.memory_space<vmem>> -> memref<128xi32, #tpu.memory_space<vmem>>
        %dma_start3A_201 = arith.constant 0 : i32
        %dma_start3A_202 = arith.constant 0 : i32
        %dma_start3A_203 = tpu.memref_slice %arg11[%dma_start3A_201, %dma_start3A_202] : memref<10240x128xf32, #tpu.memory_space<vmem_shared>> -> memref<10240x128xf32, #tpu.memory_space<vmem_shared>>
        tpu.enqueue_indirect_dma source(%arg9 : memref<128x128xf32, #tpu.memory_space<vmem>>) target(%dma_start3A_203 : memref<10240x128xf32, #tpu.memory_space<vmem_shared>>) offsets(%dma_start3A_200 : memref<128xi32, #tpu.memory_space<vmem>>) semaphore(%run_scoped3A_197 : memref<!tpu.dma_semaphore, #tpu.memory_space<semaphore_mem>>) {add = true}
        %dma_wait3A_204 = arith.constant 0 : i32
        %dma_wait3A_205 = tpu.memref_slice %arg8[%mul3A_168, %dma_wait3A_204] : memref<40x128xi32, #tpu.memory_space<vmem>> -> memref<1x128xi32, #tpu.memory_space<vmem>>
        %dma_wait3A_206 = tpu.memref_squeeze %dma_wait3A_205 : memref<1x128xi32, #tpu.memory_space<vmem>> -> memref<128xi32, #tpu.memory_space<vmem>>
        %dma_wait3A_207 = arith.constant 0 : i32
        %dma_wait3A_208 = arith.constant 0 : i32
        %dma_wait3A_209 = tpu.memref_slice %arg11[%dma_wait3A_207, %dma_wait3A_208] : memref<10240x128xf32, #tpu.memory_space<vmem_shared>> -> memref<10240x128xf32, #tpu.memory_space<vmem_shared>>
        tpu.wait_indirect_dma semaphore(%run_scoped3A_197 : memref<!tpu.dma_semaphore, #tpu.memory_space<semaphore_mem>>) src(%arg9 : memref<128x128xf32, #tpu.memory_space<vmem>>) dst(%dma_wait3A_209 : memref<10240x128xf32, #tpu.memory_space<vmem_shared>>)
        tpu.yield
      }) : () -> ()
      %add3A_183 = arith.constant 2 : i32
      %add3A_184 = arith.addi %mul3A_168, %add3A_183 : i32
      %lt3A = arith.constant 40 : i32
      %lt3A_185 = arith.cmpi slt, %add3A_184, %lt3A : i32
      %convert_element_type3A = arith.extui %lt3A_185 : i1 to i32
      %cond3A = arith.constant 0 : i32
      %cond3A_186 = arith.cmpi ne, %convert_element_type3A, %cond3A : i32
      scf.if %cond3A_186 {
        %add3A_197 = arith.constant 2 : i32
        %add3A_198 = arith.addi %mul3A_168, %add3A_197 : i32
        %dma_start3A_199 = arith.constant 0 : i32
        %dma_start3A_200 = tpu.memref_slice %arg7[%add3A_198, %dma_start3A_199] : memref<40x128xi32, #tpu.memory_space<vmem>> -> memref<1x128xi32, #tpu.memory_space<vmem>>
        %dma_start3A_201 = tpu.memref_squeeze %dma_start3A_200 : memref<1x128xi32, #tpu.memory_space<vmem>> -> memref<128xi32, #tpu.memory_space<vmem>>
        %dma_start3A_202 = arith.constant 0 : i32
        %dma_start3A_203 = arith.constant 0 : i32
        %dma_start3A_204 = tpu.memref_slice %arg4[%dma_start3A_202, %dma_start3A_203] : memref<40000x128xf32, #tpu.memory_space<hbm>> -> memref<40000x128xf32, #tpu.memory_space<hbm>>
        tpu.enqueue_indirect_dma source(%dma_start3A_204 : memref<40000x128xf32, #tpu.memory_space<hbm>>) target(%arg9 : memref<128x128xf32, #tpu.memory_space<vmem>>) offsets(%dma_start3A_201 : memref<128xi32, #tpu.memory_space<vmem>>) semaphore(%arg12 : memref<!tpu.dma_semaphore, #tpu.memory_space<semaphore_mem>>)
      } else {
      }
      %dma_wait3A_187 = arith.constant 0 : i32
      %dma_wait3A_188 = arith.constant 0 : i32
      %dma_wait3A_189 = tpu.memref_slice %arg7[%dma_wait3A_187, %dma_wait3A_188] : memref<40x128xi32, #tpu.memory_space<vmem>> -> memref<1x128xi32, #tpu.memory_space<vmem>>
      %dma_wait3A_190 = tpu.memref_squeeze %dma_wait3A_189 : memref<1x128xi32, #tpu.memory_space<vmem>> -> memref<128xi32, #tpu.memory_space<vmem>>
      %dma_wait3A_191 = arith.constant 0 : i32
      %dma_wait3A_192 = arith.constant 0 : i32
      %dma_wait3A_193 = tpu.memref_slice %arg4[%dma_wait3A_191, %dma_wait3A_192] : memref<40000x128xf32, #tpu.memory_space<hbm>> -> memref<40000x128xf32, #tpu.memory_space<hbm>>
      tpu.wait_indirect_dma semaphore(%arg13 : memref<!tpu.dma_semaphore, #tpu.memory_space<semaphore_mem>>) src(%dma_wait3A_193 : memref<40000x128xf32, #tpu.memory_space<hbm>>) dst(%arg10 : memref<128x128xf32, #tpu.memory_space<vmem>>)
      %add3A_194 = arith.constant 1 : i32
      %add3A_195 = arith.addi %mul3A_168, %add3A_194 : i32
      "tpu.region"() ({
        %run_scoped3A_197 = tpu.sem_alloc : memref<!tpu.dma_semaphore, #tpu.memory_space<semaphore_mem>>
        %dma_start3A_198 = arith.constant 0 : i32
        %dma_start3A_199 = tpu.memref_slice %arg8[%add3A_195, %dma_start3A_198] : memref<40x128xi32, #tpu.memory_space<vmem>> -> memref<1x128xi32, #tpu.memory_space<vmem>>
        %dma_start3A_200 = tpu.memref_squeeze %dma_start3A_199 : memref<1x128xi32, #tpu.memory_space<vmem>> -> memref<128xi32, #tpu.memory_space<vmem>>
        %dma_start3A_201 = arith.constant 0 : i32
        %dma_start3A_202 = arith.constant 0 : i32
        %dma_start3A_203 = tpu.memref_slice %arg11[%dma_start3A_201, %dma_start3A_202] : memref<10240x128xf32, #tpu.memory_space<vmem_shared>> -> memref<10240x128xf32, #tpu.memory_space<vmem_shared>>
        tpu.enqueue_indirect_dma source(%arg10 : memref<128x128xf32, #tpu.memory_space<vmem>>) target(%dma_start3A_203 : memref<10240x128xf32, #tpu.memory_space<vmem_shared>>) offsets(%dma_start3A_200 : memref<128xi32, #tpu.memory_space<vmem>>) semaphore(%run_scoped3A_197 : memref<!tpu.dma_semaphore, #tpu.memory_space<semaphore_mem>>) {add = true}
        %dma_wait3A_204 = arith.constant 0 : i32
        %dma_wait3A_205 = tpu.memref_slice %arg8[%add3A_195, %dma_wait3A_204] : memref<40x128xi32, #tpu.memory_space<vmem>> -> memref<1x128xi32, #tpu.memory_space<vmem>>
        %dma_wait3A_206 = tpu.memref_squeeze %dma_wait3A_205 : memref<1x128xi32, #tpu.memory_space<vmem>> -> memref<128xi32, #tpu.memory_space<vmem>>
        %dma_wait3A_207 = arith.constant 0 : i32
        %dma_wait3A_208 = arith.constant 0 : i32
        %dma_wait3A_209 = tpu.memref_slice %arg11[%dma_wait3A_207, %dma_wait3A_208] : memref<10240x128xf32, #tpu.memory_space<vmem_shared>> -> memref<10240x128xf32, #tpu.memory_space<vmem_shared>>
        tpu.wait_indirect_dma semaphore(%run_scoped3A_197 : memref<!tpu.dma_semaphore, #tpu.memory_space<semaphore_mem>>) src(%arg10 : memref<128x128xf32, #tpu.memory_space<vmem>>) dst(%dma_wait3A_209 : memref<10240x128xf32, #tpu.memory_space<vmem_shared>>)
        tpu.yield
      }) : () -> ()
      %scan3A_196 = arith.constant 0 : i32
      scf.yield %scan3A_196 : i32
    }
    %scan3A_141 = arith.constant 20 : i32
    %run_scoped3A_142 = arith.constant 3 : i32
    "tpu.region"() ({
      %run_scoped3A_165 = tpu.sem_alloc : memref<!tpu.dma_semaphore, #tpu.memory_space<semaphore_mem>>
      %dma_start3A_166 = arith.constant 40 : i32
      %dma_start3A_167 = arith.constant 0 : i32
      %dma_start3A_168 = tpu.memref_slice %arg2[%run_scoped3A_142, %add3A, %dma_start3A_166, %dma_start3A_167] : memref<4x32x80x128xi32, #tpu.memory_space<hbm>> -> memref<1x1x40x128xi32, #tpu.memory_space<hbm>>
      %dma_start3A_169 = tpu.memref_squeeze %dma_start3A_168 : memref<1x1x40x128xi32, #tpu.memory_space<hbm>> -> memref<40x128xi32, #tpu.memory_space<hbm>>
      %dma_start3A_170 = arith.constant 40 : i32
      %dma_start3A_171 = arith.constant 0 : i32
      %dma_start3A_172 = tpu.memref_slice %arg2[%run_scoped3A_142, %add3A, %dma_start3A_170, %dma_start3A_171] : memref<4x32x80x128xi32, #tpu.memory_space<hbm>> -> memref<1x1x40x128xi32, #tpu.memory_space<hbm>>
      %dma_start3A_173 = tpu.memref_squeeze %dma_start3A_172 : memref<1x1x40x128xi32, #tpu.memory_space<hbm>> -> memref<40x128xi32, #tpu.memory_space<hbm>>
      tpu.enqueue_dma source(%dma_start3A_173 : memref<40x128xi32, #tpu.memory_space<hbm>>) target(%arg7 : memref<40x128xi32, #tpu.memory_space<vmem>>) target_semaphore(%run_scoped3A_165 : memref<!tpu.dma_semaphore, #tpu.memory_space<semaphore_mem>>)
      %dma_wait3A = arith.constant 40 : i32
      %dma_wait3A_174 = arith.constant 0 : i32
      %dma_wait3A_175 = tpu.memref_slice %arg2[%run_scoped3A_142, %add3A, %dma_wait3A, %dma_wait3A_174] : memref<4x32x80x128xi32, #tpu.memory_space<hbm>> -> memref<1x1x40x128xi32, #tpu.memory_space<hbm>>
      %dma_wait3A_176 = tpu.memref_squeeze %dma_wait3A_175 : memref<1x1x40x128xi32, #tpu.memory_space<hbm>> -> memref<40x128xi32, #tpu.memory_space<hbm>>
      %dma_wait3A_177 = arith.constant 40 : i32
      %dma_wait3A_178 = arith.constant 0 : i32
      %dma_wait3A_179 = tpu.memref_slice %arg2[%run_scoped3A_142, %add3A, %dma_wait3A_177, %dma_wait3A_178] : memref<4x32x80x128xi32, #tpu.memory_space<hbm>> -> memref<1x1x40x128xi32, #tpu.memory_space<hbm>>
      %dma_wait3A_180 = tpu.memref_squeeze %dma_wait3A_179 : memref<1x1x40x128xi32, #tpu.memory_space<hbm>> -> memref<40x128xi32, #tpu.memory_space<hbm>>
      tpu.wait_dma2 semaphore(%run_scoped3A_165 : memref<!tpu.dma_semaphore, #tpu.memory_space<semaphore_mem>>) src(%dma_wait3A_180 : memref<40x128xi32, #tpu.memory_space<hbm>>) dst(%arg7 : memref<40x128xi32, #tpu.memory_space<vmem>>)
      tpu.yield
    }) : () -> ()
    %run_scoped3A_143 = arith.constant 3 : i32
    "tpu.region"() ({
      %run_scoped3A_165 = tpu.sem_alloc : memref<!tpu.dma_semaphore, #tpu.memory_space<semaphore_mem>>
      %dma_start3A_166 = arith.constant 40 : i32
      %dma_start3A_167 = arith.constant 0 : i32
      %dma_start3A_168 = tpu.memref_slice %arg3[%run_scoped3A_143, %add3A, %dma_start3A_166, %dma_start3A_167] : memref<4x32x80x128xi32, #tpu.memory_space<hbm>> -> memref<1x1x40x128xi32, #tpu.memory_space<hbm>>
      %dma_start3A_169 = tpu.memref_squeeze %dma_start3A_168 : memref<1x1x40x128xi32, #tpu.memory_space<hbm>> -> memref<40x128xi32, #tpu.memory_space<hbm>>
      %dma_start3A_170 = arith.constant 40 : i32
      %dma_start3A_171 = arith.constant 0 : i32
      %dma_start3A_172 = tpu.memref_slice %arg3[%run_scoped3A_143, %add3A, %dma_start3A_170, %dma_start3A_171] : memref<4x32x80x128xi32, #tpu.memory_space<hbm>> -> memref<1x1x40x128xi32, #tpu.memory_space<hbm>>
      %dma_start3A_173 = tpu.memref_squeeze %dma_start3A_172 : memref<1x1x40x128xi32, #tpu.memory_space<hbm>> -> memref<40x128xi32, #tpu.memory_space<hbm>>
      tpu.enqueue_dma source(%dma_start3A_173 : memref<40x128xi32, #tpu.memory_space<hbm>>) target(%arg8 : memref<40x128xi32, #tpu.memory_space<vmem>>) target_semaphore(%run_scoped3A_165 : memref<!tpu.dma_semaphore, #tpu.memory_space<semaphore_mem>>)
      %dma_wait3A = arith.constant 40 : i32
      %dma_wait3A_174 = arith.constant 0 : i32
      %dma_wait3A_175 = tpu.memref_slice %arg3[%run_scoped3A_143, %add3A, %dma_wait3A, %dma_wait3A_174] : memref<4x32x80x128xi32, #tpu.memory_space<hbm>> -> memref<1x1x40x128xi32, #tpu.memory_space<hbm>>
      %dma_wait3A_176 = tpu.memref_squeeze %dma_wait3A_175 : memref<1x1x40x128xi32, #tpu.memory_space<hbm>> -> memref<40x128xi32, #tpu.memory_space<hbm>>
      %dma_wait3A_177 = arith.constant 40 : i32
      %dma_wait3A_178 = arith.constant 0 : i32
      %dma_wait3A_179 = tpu.memref_slice %arg3[%run_scoped3A_143, %add3A, %dma_wait3A_177, %dma_wait3A_178] : memref<4x32x80x128xi32, #tpu.memory_space<hbm>> -> memref<1x1x40x128xi32, #tpu.memory_space<hbm>>
      %dma_wait3A_180 = tpu.memref_squeeze %dma_wait3A_179 : memref<1x1x40x128xi32, #tpu.memory_space<hbm>> -> memref<40x128xi32, #tpu.memory_space<hbm>>
      tpu.wait_dma2 semaphore(%run_scoped3A_165 : memref<!tpu.dma_semaphore, #tpu.memory_space<semaphore_mem>>) src(%dma_wait3A_180 : memref<40x128xi32, #tpu.memory_space<hbm>>) dst(%arg8 : memref<40x128xi32, #tpu.memory_space<vmem>>)
      tpu.yield
    }) : () -> ()
    %dma_start3A_144 = arith.constant 0 : i32
    %dma_start3A_145 = arith.constant 0 : i32
    %dma_start3A_146 = tpu.memref_slice %arg7[%dma_start3A_144, %dma_start3A_145] : memref<40x128xi32, #tpu.memory_space<vmem>> -> memref<1x128xi32, #tpu.memory_space<vmem>>
    %dma_start3A_147 = tpu.memref_squeeze %dma_start3A_146 : memref<1x128xi32, #tpu.memory_space<vmem>> -> memref<128xi32, #tpu.memory_space<vmem>>
    %dma_start3A_148 = arith.constant 0 : i32
    %dma_start3A_149 = arith.constant 0 : i32
    %dma_start3A_150 = tpu.memref_slice %arg4[%dma_start3A_148, %dma_start3A_149] : memref<40000x128xf32, #tpu.memory_space<hbm>> -> memref<40000x128xf32, #tpu.memory_space<hbm>>
    tpu.enqueue_indirect_dma source(%dma_start3A_150 : memref<40000x128xf32, #tpu.memory_space<hbm>>) target(%arg9 : memref<128x128xf32, #tpu.memory_space<vmem>>) offsets(%dma_start3A_147 : memref<128xi32, #tpu.memory_space<vmem>>) semaphore(%arg12 : memref<!tpu.dma_semaphore, #tpu.memory_space<semaphore_mem>>)
    %scan3A_151 = arith.constant 0 : i32
    %scan3A_152 = arith.constant 0 : i32
    %scan3A_153 = arith.constant 20 : i32
    %scan3A_154 = arith.addi %scan3A_152, %scan3A_153 : i32
    %scan3A_155 = arith.constant 1 : i32
    %scan3A_156 = scf.for %scan3A_165 = %scan3A_152 to %scan3A_154 step %scan3A_155 iter_args(%scan3A_166 = %scan3A_151) -> (i32)  : i32 {
      %mul3A_167 = arith.constant 2 : i32
      %mul3A_168 = arith.muli %mul3A_167, %scan3A_165 : i32
      %dma_wait3A = arith.constant 0 : i32
      %dma_wait3A_169 = arith.constant 0 : i32
      %dma_wait3A_170 = tpu.memref_slice %arg7[%dma_wait3A, %dma_wait3A_169] : memref<40x128xi32, #tpu.memory_space<vmem>> -> memref<1x128xi32, #tpu.memory_space<vmem>>
      %dma_wait3A_171 = tpu.memref_squeeze %dma_wait3A_170 : memref<1x128xi32, #tpu.memory_space<vmem>> -> memref<128xi32, #tpu.memory_space<vmem>>
      %dma_wait3A_172 = arith.constant 0 : i32
      %dma_wait3A_173 = arith.constant 0 : i32
      %dma_wait3A_174 = tpu.memref_slice %arg4[%dma_wait3A_172, %dma_wait3A_173] : memref<40000x128xf32, #tpu.memory_space<hbm>> -> memref<40000x128xf32, #tpu.memory_space<hbm>>
      tpu.wait_indirect_dma semaphore(%arg12 : memref<!tpu.dma_semaphore, #tpu.memory_space<semaphore_mem>>) src(%dma_wait3A_174 : memref<40000x128xf32, #tpu.memory_space<hbm>>) dst(%arg9 : memref<128x128xf32, #tpu.memory_space<vmem>>)
      %add3A_175 = arith.constant 1 : i32
      %add3A_176 = arith.addi %mul3A_168, %add3A_175 : i32
      %dma_start3A_177 = arith.constant 0 : i32
      %dma_start3A_178 = tpu.memref_slice %arg7[%add3A_176, %dma_start3A_177] : memref<40x128xi32, #tpu.memory_space<vmem>> -> memref<1x128xi32, #tpu.memory_space<vmem>>
      %dma_start3A_179 = tpu.memref_squeeze %dma_start3A_178 : memref<1x128xi32, #tpu.memory_space<vmem>> -> memref<128xi32, #tpu.memory_space<vmem>>
      %dma_start3A_180 = arith.constant 0 : i32
      %dma_start3A_181 = arith.constant 0 : i32
      %dma_start3A_182 = tpu.memref_slice %arg4[%dma_start3A_180, %dma_start3A_181] : memref<40000x128xf32, #tpu.memory_space<hbm>> -> memref<40000x128xf32, #tpu.memory_space<hbm>>
      tpu.enqueue_indirect_dma source(%dma_start3A_182 : memref<40000x128xf32, #tpu.memory_space<hbm>>) target(%arg10 : memref<128x128xf32, #tpu.memory_space<vmem>>) offsets(%dma_start3A_179 : memref<128xi32, #tpu.memory_space<vmem>>) semaphore(%arg13 : memref<!tpu.dma_semaphore, #tpu.memory_space<semaphore_mem>>)
      "tpu.region"() ({
        %run_scoped3A_197 = tpu.sem_alloc : memref<!tpu.dma_semaphore, #tpu.memory_space<semaphore_mem>>
        %dma_start3A_198 = arith.constant 0 : i32
        %dma_start3A_199 = tpu.memref_slice %arg8[%mul3A_168, %dma_start3A_198] : memref<40x128xi32, #tpu.memory_space<vmem>> -> memref<1x128xi32, #tpu.memory_space<vmem>>
        %dma_start3A_200 = tpu.memref_squeeze %dma_start3A_199 : memref<1x128xi32, #tpu.memory_space<vmem>> -> memref<128xi32, #tpu.memory_space<vmem>>
        %dma_start3A_201 = arith.constant 0 : i32
        %dma_start3A_202 = arith.constant 0 : i32
        %dma_start3A_203 = tpu.memref_slice %arg11[%dma_start3A_201, %dma_start3A_202] : memref<10240x128xf32, #tpu.memory_space<vmem_shared>> -> memref<10240x128xf32, #tpu.memory_space<vmem_shared>>
        tpu.enqueue_indirect_dma source(%arg9 : memref<128x128xf32, #tpu.memory_space<vmem>>) target(%dma_start3A_203 : memref<10240x128xf32, #tpu.memory_space<vmem_shared>>) offsets(%dma_start3A_200 : memref<128xi32, #tpu.memory_space<vmem>>) semaphore(%run_scoped3A_197 : memref<!tpu.dma_semaphore, #tpu.memory_space<semaphore_mem>>) {add = true}
        %dma_wait3A_204 = arith.constant 0 : i32
        %dma_wait3A_205 = tpu.memref_slice %arg8[%mul3A_168, %dma_wait3A_204] : memref<40x128xi32, #tpu.memory_space<vmem>> -> memref<1x128xi32, #tpu.memory_space<vmem>>
        %dma_wait3A_206 = tpu.memref_squeeze %dma_wait3A_205 : memref<1x128xi32, #tpu.memory_space<vmem>> -> memref<128xi32, #tpu.memory_space<vmem>>
        %dma_wait3A_207 = arith.constant 0 : i32
        %dma_wait3A_208 = arith.constant 0 : i32
        %dma_wait3A_209 = tpu.memref_slice %arg11[%dma_wait3A_207, %dma_wait3A_208] : memref<10240x128xf32, #tpu.memory_space<vmem_shared>> -> memref<10240x128xf32, #tpu.memory_space<vmem_shared>>
        tpu.wait_indirect_dma semaphore(%run_scoped3A_197 : memref<!tpu.dma_semaphore, #tpu.memory_space<semaphore_mem>>) src(%arg9 : memref<128x128xf32, #tpu.memory_space<vmem>>) dst(%dma_wait3A_209 : memref<10240x128xf32, #tpu.memory_space<vmem_shared>>)
        tpu.yield
      }) : () -> ()
      %add3A_183 = arith.constant 2 : i32
      %add3A_184 = arith.addi %mul3A_168, %add3A_183 : i32
      %lt3A = arith.constant 40 : i32
      %lt3A_185 = arith.cmpi slt, %add3A_184, %lt3A : i32
      %convert_element_type3A = arith.extui %lt3A_185 : i1 to i32
      %cond3A = arith.constant 0 : i32
      %cond3A_186 = arith.cmpi ne, %convert_element_type3A, %cond3A : i32
      scf.if %cond3A_186 {
        %add3A_197 = arith.constant 2 : i32
        %add3A_198 = arith.addi %mul3A_168, %add3A_197 : i32
        %dma_start3A_199 = arith.constant 0 : i32
        %dma_start3A_200 = tpu.memref_slice %arg7[%add3A_198, %dma_start3A_199] : memref<40x128xi32, #tpu.memory_space<vmem>> -> memref<1x128xi32, #tpu.memory_space<vmem>>
        %dma_start3A_201 = tpu.memref_squeeze %dma_start3A_200 : memref<1x128xi32, #tpu.memory_space<vmem>> -> memref<128xi32, #tpu.memory_space<vmem>>
        %dma_start3A_202 = arith.constant 0 : i32
        %dma_start3A_203 = arith.constant 0 : i32
        %dma_start3A_204 = tpu.memref_slice %arg4[%dma_start3A_202, %dma_start3A_203] : memref<40000x128xf32, #tpu.memory_space<hbm>> -> memref<40000x128xf32, #tpu.memory_space<hbm>>
        tpu.enqueue_indirect_dma source(%dma_start3A_204 : memref<40000x128xf32, #tpu.memory_space<hbm>>) target(%arg9 : memref<128x128xf32, #tpu.memory_space<vmem>>) offsets(%dma_start3A_201 : memref<128xi32, #tpu.memory_space<vmem>>) semaphore(%arg12 : memref<!tpu.dma_semaphore, #tpu.memory_space<semaphore_mem>>)
      } else {
      }
      %dma_wait3A_187 = arith.constant 0 : i32
      %dma_wait3A_188 = arith.constant 0 : i32
      %dma_wait3A_189 = tpu.memref_slice %arg7[%dma_wait3A_187, %dma_wait3A_188] : memref<40x128xi32, #tpu.memory_space<vmem>> -> memref<1x128xi32, #tpu.memory_space<vmem>>
      %dma_wait3A_190 = tpu.memref_squeeze %dma_wait3A_189 : memref<1x128xi32, #tpu.memory_space<vmem>> -> memref<128xi32, #tpu.memory_space<vmem>>
      %dma_wait3A_191 = arith.constant 0 : i32
      %dma_wait3A_192 = arith.constant 0 : i32
      %dma_wait3A_193 = tpu.memref_slice %arg4[%dma_wait3A_191, %dma_wait3A_192] : memref<40000x128xf32, #tpu.memory_space<hbm>> -> memref<40000x128xf32, #tpu.memory_space<hbm>>
      tpu.wait_indirect_dma semaphore(%arg13 : memref<!tpu.dma_semaphore, #tpu.memory_space<semaphore_mem>>) src(%dma_wait3A_193 : memref<40000x128xf32, #tpu.memory_space<hbm>>) dst(%arg10 : memref<128x128xf32, #tpu.memory_space<vmem>>)
      %add3A_194 = arith.constant 1 : i32
      %add3A_195 = arith.addi %mul3A_168, %add3A_194 : i32
      "tpu.region"() ({
        %run_scoped3A_197 = tpu.sem_alloc : memref<!tpu.dma_semaphore, #tpu.memory_space<semaphore_mem>>
        %dma_start3A_198 = arith.constant 0 : i32
        %dma_start3A_199 = tpu.memref_slice %arg8[%add3A_195, %dma_start3A_198] : memref<40x128xi32, #tpu.memory_space<vmem>> -> memref<1x128xi32, #tpu.memory_space<vmem>>
        %dma_start3A_200 = tpu.memref_squeeze %dma_start3A_199 : memref<1x128xi32, #tpu.memory_space<vmem>> -> memref<128xi32, #tpu.memory_space<vmem>>
        %dma_start3A_201 = arith.constant 0 : i32
        %dma_start3A_202 = arith.constant 0 : i32
        %dma_start3A_203 = tpu.memref_slice %arg11[%dma_start3A_201, %dma_start3A_202] : memref<10240x128xf32, #tpu.memory_space<vmem_shared>> -> memref<10240x128xf32, #tpu.memory_space<vmem_shared>>
        tpu.enqueue_indirect_dma source(%arg10 : memref<128x128xf32, #tpu.memory_space<vmem>>) target(%dma_start3A_203 : memref<10240x128xf32, #tpu.memory_space<vmem_shared>>) offsets(%dma_start3A_200 : memref<128xi32, #tpu.memory_space<vmem>>) semaphore(%run_scoped3A_197 : memref<!tpu.dma_semaphore, #tpu.memory_space<semaphore_mem>>) {add = true}
        %dma_wait3A_204 = arith.constant 0 : i32
        %dma_wait3A_205 = tpu.memref_slice %arg8[%add3A_195, %dma_wait3A_204] : memref<40x128xi32, #tpu.memory_space<vmem>> -> memref<1x128xi32, #tpu.memory_space<vmem>>
        %dma_wait3A_206 = tpu.memref_squeeze %dma_wait3A_205 : memref<1x128xi32, #tpu.memory_space<vmem>> -> memref<128xi32, #tpu.memory_space<vmem>>
        %dma_wait3A_207 = arith.constant 0 : i32
        %dma_wait3A_208 = arith.constant 0 : i32
        %dma_wait3A_209 = tpu.memref_slice %arg11[%dma_wait3A_207, %dma_wait3A_208] : memref<10240x128xf32, #tpu.memory_space<vmem_shared>> -> memref<10240x128xf32, #tpu.memory_space<vmem_shared>>
        tpu.wait_indirect_dma semaphore(%run_scoped3A_197 : memref<!tpu.dma_semaphore, #tpu.memory_space<semaphore_mem>>) src(%arg10 : memref<128x128xf32, #tpu.memory_space<vmem>>) dst(%dma_wait3A_209 : memref<10240x128xf32, #tpu.memory_space<vmem_shared>>)
        tpu.yield
      }) : () -> ()
      %scan3A_196 = arith.constant 0 : i32
      scf.yield %scan3A_196 : i32
    }
    %scan3A_157 = arith.constant 20 : i32
    %barrier3A_158 = arith.constant 0 : index
    tpu.barrier barrier_id(%barrier3A_158)
    %mul3A_159 = arith.constant 640 : i32
    %mul3A_160 = arith.muli %arg1, %mul3A_159 : i32
    %mul3A_161 = arith.constant 640 : i32
    %mul3A_162 = arith.muli %arg1, %mul3A_161 : i32
    %run_scoped3A_163 = arith.constant 3 : i32
    "tpu.region"() ({
      %run_scoped3A_165 = tpu.sem_alloc : memref<!tpu.dma_semaphore, #tpu.memory_space<semaphore_mem>>
      %dma_start3A_166 = arith.constant 0 : i32
      %dma_start3A_167 = tpu.memref_slice %arg6[%arg0, %run_scoped3A_163, %mul3A_162, %dma_start3A_166] : memref<2x4x10240x128xf32, #tpu.memory_space<hbm>> -> memref<1x1x640x128xf32, #tpu.memory_space<hbm>>
      %dma_start3A_168 = tpu.memref_squeeze %dma_start3A_167 : memref<1x1x640x128xf32, #tpu.memory_space<hbm>> -> memref<640x128xf32, #tpu.memory_space<hbm>>
      %dma_start3A_169 = arith.constant 0 : i32
      %dma_start3A_170 = tpu.memref_slice %arg11[%mul3A_160, %dma_start3A_169] : memref<10240x128xf32, #tpu.memory_space<vmem_shared>> -> memref<640x128xf32, #tpu.memory_space<vmem_shared>>
      tpu.enqueue_dma source(%dma_start3A_170 : memref<640x128xf32, #tpu.memory_space<vmem_shared>>) target(%dma_start3A_168 : memref<640x128xf32, #tpu.memory_space<hbm>>) target_semaphore(%run_scoped3A_165 : memref<!tpu.dma_semaphore, #tpu.memory_space<semaphore_mem>>)
      %dma_wait3A = arith.constant 0 : i32
      %dma_wait3A_171 = tpu.memref_slice %arg6[%arg0, %run_scoped3A_163, %mul3A_162, %dma_wait3A] : memref<2x4x10240x128xf32, #tpu.memory_space<hbm>> -> memref<1x1x640x128xf32, #tpu.memory_space<hbm>>
      %dma_wait3A_172 = tpu.memref_squeeze %dma_wait3A_171 : memref<1x1x640x128xf32, #tpu.memory_space<hbm>> -> memref<640x128xf32, #tpu.memory_space<hbm>>
      %dma_wait3A_173 = arith.constant 0 : i32
      %dma_wait3A_174 = tpu.memref_slice %arg11[%mul3A_160, %dma_wait3A_173] : memref<10240x128xf32, #tpu.memory_space<vmem_shared>> -> memref<640x128xf32, #tpu.memory_space<vmem_shared>>
      tpu.wait_dma2 semaphore(%run_scoped3A_165 : memref<!tpu.dma_semaphore, #tpu.memory_space<semaphore_mem>>) src(%dma_wait3A_174 : memref<640x128xf32, #tpu.memory_space<vmem_shared>>) dst(%dma_wait3A_172 : memref<640x128xf32, #tpu.memory_space<hbm>>)
      tpu.yield
    }) : () -> ()
    %barrier3A_164 = arith.constant 0 : index
    tpu.barrier barrier_id(%barrier3A_164)
    return
  }
}

#map = affine_map<(d0, d1) -> (0, 0, 0, 0)>
#map1 = affine_map<(d0, d1) -> (0, 0)>
module attributes {stable_mosaic.version = 14 : i64} {
  func.func @_deg_sc(%arg0: i32, %arg1: i32, %arg2: memref<4x32x80x128xi32, #tpu.memory_space<hbm>>, %arg3: memref<128x128xf32, #tpu.memory_space<hbm>>, %arg4: memref<640x128xf32, #tpu.memory_space<hbm>>, %arg5: memref<2x4x10240x128xf32, #tpu.memory_space<hbm>>, %arg6: memref<40x128xi32, #tpu.memory_space<vmem>>, %arg7: memref<128x128xf32, #tpu.memory_space<vmem>>, %arg8: memref<10240x128xf32, #tpu.memory_space<vmem_shared>>) attributes {dimension_semantics = [#tpu.dimension_semantics<core_parallel>, #tpu.dimension_semantics<subcore_parallel>], iteration_bounds = array<i64: 2, 16>, scalar_prefetch = 0 : i64, scratch_operands = 3 : i64, tpu.core_type = #tpu.core_type<sc_vector_subcore>, window_params = [{transform_indices = #map}, {transform_indices = #map1}, {transform_indices = #map1}, {transform_indices = #map}]} {
    %mul3A = arith.constant 16 : i32
    %mul3A_0 = arith.muli %arg0, %mul3A : i32
    %add3A = arith.addi %mul3A_0, %arg1 : i32
    "tpu.region"() ({
      %run_scoped3A_102 = tpu.sem_alloc : memref<!tpu.dma_semaphore, #tpu.memory_space<semaphore_mem>>
      tpu.enqueue_dma source(%arg3 : memref<128x128xf32, #tpu.memory_space<hbm>>) target(%arg7 : memref<128x128xf32, #tpu.memory_space<vmem>>) target_semaphore(%run_scoped3A_102 : memref<!tpu.dma_semaphore, #tpu.memory_space<semaphore_mem>>)
      tpu.wait_dma2 semaphore(%run_scoped3A_102 : memref<!tpu.dma_semaphore, #tpu.memory_space<semaphore_mem>>) src(%arg3 : memref<128x128xf32, #tpu.memory_space<hbm>>) dst(%arg7 : memref<128x128xf32, #tpu.memory_space<vmem>>)
      tpu.yield
    }) : () -> ()
    %mul3A_1 = arith.constant 640 : i32
    %mul3A_2 = arith.muli %arg1, %mul3A_1 : i32
    "tpu.region"() ({
      %run_scoped3A_102 = tpu.sem_alloc : memref<!tpu.dma_semaphore, #tpu.memory_space<semaphore_mem>>
      %dma_start3A = arith.constant 0 : i32
      %dma_start3A_103 = tpu.memref_slice %arg8[%mul3A_2, %dma_start3A] : memref<10240x128xf32, #tpu.memory_space<vmem_shared>> -> memref<640x128xf32, #tpu.memory_space<vmem_shared>>
      tpu.enqueue_dma source(%arg4 : memref<640x128xf32, #tpu.memory_space<hbm>>) target(%dma_start3A_103 : memref<640x128xf32, #tpu.memory_space<vmem_shared>>) target_semaphore(%run_scoped3A_102 : memref<!tpu.dma_semaphore, #tpu.memory_space<semaphore_mem>>)
      %dma_wait3A = arith.constant 0 : i32
      %dma_wait3A_104 = tpu.memref_slice %arg8[%mul3A_2, %dma_wait3A] : memref<10240x128xf32, #tpu.memory_space<vmem_shared>> -> memref<640x128xf32, #tpu.memory_space<vmem_shared>>
      tpu.wait_dma2 semaphore(%run_scoped3A_102 : memref<!tpu.dma_semaphore, #tpu.memory_space<semaphore_mem>>) src(%arg4 : memref<640x128xf32, #tpu.memory_space<hbm>>) dst(%dma_wait3A_104 : memref<640x128xf32, #tpu.memory_space<vmem_shared>>)
      tpu.yield
    }) : () -> ()
    %barrier3A = arith.constant 0 : index
    tpu.barrier barrier_id(%barrier3A)
    %run_scoped3A = arith.constant 0 : i32
    "tpu.region"() ({
      %run_scoped3A_102 = tpu.sem_alloc : memref<!tpu.dma_semaphore, #tpu.memory_space<semaphore_mem>>
      %dma_start3A = arith.constant 0 : i32
      %dma_start3A_103 = arith.constant 0 : i32
      %dma_start3A_104 = tpu.memref_slice %arg2[%run_scoped3A, %add3A, %dma_start3A, %dma_start3A_103] : memref<4x32x80x128xi32, #tpu.memory_space<hbm>> -> memref<1x1x40x128xi32, #tpu.memory_space<hbm>>
      %dma_start3A_105 = tpu.memref_squeeze %dma_start3A_104 : memref<1x1x40x128xi32, #tpu.memory_space<hbm>> -> memref<40x128xi32, #tpu.memory_space<hbm>>
      %dma_start3A_106 = arith.constant 0 : i32
      %dma_start3A_107 = arith.constant 0 : i32
      %dma_start3A_108 = tpu.memref_slice %arg2[%run_scoped3A, %add3A, %dma_start3A_106, %dma_start3A_107] : memref<4x32x80x128xi32, #tpu.memory_space<hbm>> -> memref<1x1x40x128xi32, #tpu.memory_space<hbm>>
      %dma_start3A_109 = tpu.memref_squeeze %dma_start3A_108 : memref<1x1x40x128xi32, #tpu.memory_space<hbm>> -> memref<40x128xi32, #tpu.memory_space<hbm>>
      tpu.enqueue_dma source(%dma_start3A_109 : memref<40x128xi32, #tpu.memory_space<hbm>>) target(%arg6 : memref<40x128xi32, #tpu.memory_space<vmem>>) target_semaphore(%run_scoped3A_102 : memref<!tpu.dma_semaphore, #tpu.memory_space<semaphore_mem>>)
      %dma_wait3A = arith.constant 0 : i32
      %dma_wait3A_110 = arith.constant 0 : i32
      %dma_wait3A_111 = tpu.memref_slice %arg2[%run_scoped3A, %add3A, %dma_wait3A, %dma_wait3A_110] : memref<4x32x80x128xi32, #tpu.memory_space<hbm>> -> memref<1x1x40x128xi32, #tpu.memory_space<hbm>>
      %dma_wait3A_112 = tpu.memref_squeeze %dma_wait3A_111 : memref<1x1x40x128xi32, #tpu.memory_space<hbm>> -> memref<40x128xi32, #tpu.memory_space<hbm>>
      %dma_wait3A_113 = arith.constant 0 : i32
      %dma_wait3A_114 = arith.constant 0 : i32
      %dma_wait3A_115 = tpu.memref_slice %arg2[%run_scoped3A, %add3A, %dma_wait3A_113, %dma_wait3A_114] : memref<4x32x80x128xi32, #tpu.memory_space<hbm>> -> memref<1x1x40x128xi32, #tpu.memory_space<hbm>>
      %dma_wait3A_116 = tpu.memref_squeeze %dma_wait3A_115 : memref<1x1x40x128xi32, #tpu.memory_space<hbm>> -> memref<40x128xi32, #tpu.memory_space<hbm>>
      tpu.wait_dma2 semaphore(%run_scoped3A_102 : memref<!tpu.dma_semaphore, #tpu.memory_space<semaphore_mem>>) src(%dma_wait3A_116 : memref<40x128xi32, #tpu.memory_space<hbm>>) dst(%arg6 : memref<40x128xi32, #tpu.memory_space<vmem>>)
      tpu.yield
    }) : () -> ()
    %scan3A = arith.constant 0 : i32
    %scan3A_3 = arith.constant 0 : i32
    %scan3A_4 = arith.constant 40 : i32
    %scan3A_5 = arith.addi %scan3A_3, %scan3A_4 : i32
    %scan3A_6 = arith.constant 1 : i32
    %scan3A_7 = scf.for %scan3A_102 = %scan3A_3 to %scan3A_5 step %scan3A_6 iter_args(%scan3A_103 = %scan3A) -> (i32)  : i32 {
      "tpu.region"() ({
        %run_scoped3A_105 = tpu.sem_alloc : memref<!tpu.dma_semaphore, #tpu.memory_space<semaphore_mem>>
        %dma_start3A = arith.constant 0 : i32
        %dma_start3A_106 = tpu.memref_slice %arg6[%scan3A_102, %dma_start3A] : memref<40x128xi32, #tpu.memory_space<vmem>> -> memref<1x128xi32, #tpu.memory_space<vmem>>
        %dma_start3A_107 = tpu.memref_squeeze %dma_start3A_106 : memref<1x128xi32, #tpu.memory_space<vmem>> -> memref<128xi32, #tpu.memory_space<vmem>>
        %dma_start3A_108 = arith.constant 0 : i32
        %dma_start3A_109 = arith.constant 0 : i32
        %dma_start3A_110 = tpu.memref_slice %arg8[%dma_start3A_108, %dma_start3A_109] : memref<10240x128xf32, #tpu.memory_space<vmem_shared>> -> memref<10240x128xf32, #tpu.memory_space<vmem_shared>>
        tpu.enqueue_indirect_dma source(%arg7 : memref<128x128xf32, #tpu.memory_space<vmem>>) target(%dma_start3A_110 : memref<10240x128xf32, #tpu.memory_space<vmem_shared>>) offsets(%dma_start3A_107 : memref<128xi32, #tpu.memory_space<vmem>>) semaphore(%run_scoped3A_105 : memref<!tpu.dma_semaphore, #tpu.memory_space<semaphore_mem>>) {add = true}
        %dma_wait3A = arith.constant 0 : i32
        %dma_wait3A_111 = tpu.memref_slice %arg6[%scan3A_102, %dma_wait3A] : memref<40x128xi32, #tpu.memory_space<vmem>> -> memref<1x128xi32, #tpu.memory_space<vmem>>
        %dma_wait3A_112 = tpu.memref_squeeze %dma_wait3A_111 : memref<1x128xi32, #tpu.memory_space<vmem>> -> memref<128xi32, #tpu.memory_space<vmem>>
        %dma_wait3A_113 = arith.constant 0 : i32
        %dma_wait3A_114 = arith.constant 0 : i32
        %dma_wait3A_115 = tpu.memref_slice %arg8[%dma_wait3A_113, %dma_wait3A_114] : memref<10240x128xf32, #tpu.memory_space<vmem_shared>> -> memref<10240x128xf32, #tpu.memory_space<vmem_shared>>
        tpu.wait_indirect_dma semaphore(%run_scoped3A_105 : memref<!tpu.dma_semaphore, #tpu.memory_space<semaphore_mem>>) src(%arg7 : memref<128x128xf32, #tpu.memory_space<vmem>>) dst(%dma_wait3A_115 : memref<10240x128xf32, #tpu.memory_space<vmem_shared>>)
        tpu.yield
      }) : () -> ()
      %scan3A_104 = arith.constant 0 : i32
      scf.yield %scan3A_104 : i32
    }
    %scan3A_8 = arith.constant 40 : i32
    %run_scoped3A_9 = arith.constant 0 : i32
    "tpu.region"() ({
      %run_scoped3A_102 = tpu.sem_alloc : memref<!tpu.dma_semaphore, #tpu.memory_space<semaphore_mem>>
      %dma_start3A = arith.constant 40 : i32
      %dma_start3A_103 = arith.constant 0 : i32
      %dma_start3A_104 = tpu.memref_slice %arg2[%run_scoped3A_9, %add3A, %dma_start3A, %dma_start3A_103] : memref<4x32x80x128xi32, #tpu.memory_space<hbm>> -> memref<1x1x40x128xi32, #tpu.memory_space<hbm>>
      %dma_start3A_105 = tpu.memref_squeeze %dma_start3A_104 : memref<1x1x40x128xi32, #tpu.memory_space<hbm>> -> memref<40x128xi32, #tpu.memory_space<hbm>>
      %dma_start3A_106 = arith.constant 40 : i32
      %dma_start3A_107 = arith.constant 0 : i32
      %dma_start3A_108 = tpu.memref_slice %arg2[%run_scoped3A_9, %add3A, %dma_start3A_106, %dma_start3A_107] : memref<4x32x80x128xi32, #tpu.memory_space<hbm>> -> memref<1x1x40x128xi32, #tpu.memory_space<hbm>>
      %dma_start3A_109 = tpu.memref_squeeze %dma_start3A_108 : memref<1x1x40x128xi32, #tpu.memory_space<hbm>> -> memref<40x128xi32, #tpu.memory_space<hbm>>
      tpu.enqueue_dma source(%dma_start3A_109 : memref<40x128xi32, #tpu.memory_space<hbm>>) target(%arg6 : memref<40x128xi32, #tpu.memory_space<vmem>>) target_semaphore(%run_scoped3A_102 : memref<!tpu.dma_semaphore, #tpu.memory_space<semaphore_mem>>)
      %dma_wait3A = arith.constant 40 : i32
      %dma_wait3A_110 = arith.constant 0 : i32
      %dma_wait3A_111 = tpu.memref_slice %arg2[%run_scoped3A_9, %add3A, %dma_wait3A, %dma_wait3A_110] : memref<4x32x80x128xi32, #tpu.memory_space<hbm>> -> memref<1x1x40x128xi32, #tpu.memory_space<hbm>>
      %dma_wait3A_112 = tpu.memref_squeeze %dma_wait3A_111 : memref<1x1x40x128xi32, #tpu.memory_space<hbm>> -> memref<40x128xi32, #tpu.memory_space<hbm>>
      %dma_wait3A_113 = arith.constant 40 : i32
      %dma_wait3A_114 = arith.constant 0 : i32
      %dma_wait3A_115 = tpu.memref_slice %arg2[%run_scoped3A_9, %add3A, %dma_wait3A_113, %dma_wait3A_114] : memref<4x32x80x128xi32, #tpu.memory_space<hbm>> -> memref<1x1x40x128xi32, #tpu.memory_space<hbm>>
      %dma_wait3A_116 = tpu.memref_squeeze %dma_wait3A_115 : memref<1x1x40x128xi32, #tpu.memory_space<hbm>> -> memref<40x128xi32, #tpu.memory_space<hbm>>
      tpu.wait_dma2 semaphore(%run_scoped3A_102 : memref<!tpu.dma_semaphore, #tpu.memory_space<semaphore_mem>>) src(%dma_wait3A_116 : memref<40x128xi32, #tpu.memory_space<hbm>>) dst(%arg6 : memref<40x128xi32, #tpu.memory_space<vmem>>)
      tpu.yield
    }) : () -> ()
    %scan3A_10 = arith.constant 0 : i32
    %scan3A_11 = arith.constant 0 : i32
    %scan3A_12 = arith.constant 40 : i32
    %scan3A_13 = arith.addi %scan3A_11, %scan3A_12 : i32
    %scan3A_14 = arith.constant 1 : i32
    %scan3A_15 = scf.for %scan3A_102 = %scan3A_11 to %scan3A_13 step %scan3A_14 iter_args(%scan3A_103 = %scan3A_10) -> (i32)  : i32 {
      "tpu.region"() ({
        %run_scoped3A_105 = tpu.sem_alloc : memref<!tpu.dma_semaphore, #tpu.memory_space<semaphore_mem>>
        %dma_start3A = arith.constant 0 : i32
        %dma_start3A_106 = tpu.memref_slice %arg6[%scan3A_102, %dma_start3A] : memref<40x128xi32, #tpu.memory_space<vmem>> -> memref<1x128xi32, #tpu.memory_space<vmem>>
        %dma_start3A_107 = tpu.memref_squeeze %dma_start3A_106 : memref<1x128xi32, #tpu.memory_space<vmem>> -> memref<128xi32, #tpu.memory_space<vmem>>
        %dma_start3A_108 = arith.constant 0 : i32
        %dma_start3A_109 = arith.constant 0 : i32
        %dma_start3A_110 = tpu.memref_slice %arg8[%dma_start3A_108, %dma_start3A_109] : memref<10240x128xf32, #tpu.memory_space<vmem_shared>> -> memref<10240x128xf32, #tpu.memory_space<vmem_shared>>
        tpu.enqueue_indirect_dma source(%arg7 : memref<128x128xf32, #tpu.memory_space<vmem>>) target(%dma_start3A_110 : memref<10240x128xf32, #tpu.memory_space<vmem_shared>>) offsets(%dma_start3A_107 : memref<128xi32, #tpu.memory_space<vmem>>) semaphore(%run_scoped3A_105 : memref<!tpu.dma_semaphore, #tpu.memory_space<semaphore_mem>>) {add = true}
        %dma_wait3A = arith.constant 0 : i32
        %dma_wait3A_111 = tpu.memref_slice %arg6[%scan3A_102, %dma_wait3A] : memref<40x128xi32, #tpu.memory_space<vmem>> -> memref<1x128xi32, #tpu.memory_space<vmem>>
        %dma_wait3A_112 = tpu.memref_squeeze %dma_wait3A_111 : memref<1x128xi32, #tpu.memory_space<vmem>> -> memref<128xi32, #tpu.memory_space<vmem>>
        %dma_wait3A_113 = arith.constant 0 : i32
        %dma_wait3A_114 = arith.constant 0 : i32
        %dma_wait3A_115 = tpu.memref_slice %arg8[%dma_wait3A_113, %dma_wait3A_114] : memref<10240x128xf32, #tpu.memory_space<vmem_shared>> -> memref<10240x128xf32, #tpu.memory_space<vmem_shared>>
        tpu.wait_indirect_dma semaphore(%run_scoped3A_105 : memref<!tpu.dma_semaphore, #tpu.memory_space<semaphore_mem>>) src(%arg7 : memref<128x128xf32, #tpu.memory_space<vmem>>) dst(%dma_wait3A_115 : memref<10240x128xf32, #tpu.memory_space<vmem_shared>>)
        tpu.yield
      }) : () -> ()
      %scan3A_104 = arith.constant 0 : i32
      scf.yield %scan3A_104 : i32
    }
    %scan3A_16 = arith.constant 40 : i32
    %barrier3A_17 = arith.constant 0 : index
    tpu.barrier barrier_id(%barrier3A_17)
    %mul3A_18 = arith.constant 640 : i32
    %mul3A_19 = arith.muli %arg1, %mul3A_18 : i32
    %mul3A_20 = arith.constant 640 : i32
    %mul3A_21 = arith.muli %arg1, %mul3A_20 : i32
    %run_scoped3A_22 = arith.constant 0 : i32
    "tpu.region"() ({
      %run_scoped3A_102 = tpu.sem_alloc : memref<!tpu.dma_semaphore, #tpu.memory_space<semaphore_mem>>
      %dma_start3A = arith.constant 0 : i32
      %dma_start3A_103 = tpu.memref_slice %arg5[%arg0, %run_scoped3A_22, %mul3A_21, %dma_start3A] : memref<2x4x10240x128xf32, #tpu.memory_space<hbm>> -> memref<1x1x640x128xf32, #tpu.memory_space<hbm>>
      %dma_start3A_104 = tpu.memref_squeeze %dma_start3A_103 : memref<1x1x640x128xf32, #tpu.memory_space<hbm>> -> memref<640x128xf32, #tpu.memory_space<hbm>>
      %dma_start3A_105 = arith.constant 0 : i32
      %dma_start3A_106 = tpu.memref_slice %arg8[%mul3A_19, %dma_start3A_105] : memref<10240x128xf32, #tpu.memory_space<vmem_shared>> -> memref<640x128xf32, #tpu.memory_space<vmem_shared>>
      tpu.enqueue_dma source(%dma_start3A_106 : memref<640x128xf32, #tpu.memory_space<vmem_shared>>) target(%dma_start3A_104 : memref<640x128xf32, #tpu.memory_space<hbm>>) target_semaphore(%run_scoped3A_102 : memref<!tpu.dma_semaphore, #tpu.memory_space<semaphore_mem>>)
      %dma_wait3A = arith.constant 0 : i32
      %dma_wait3A_107 = tpu.memref_slice %arg5[%arg0, %run_scoped3A_22, %mul3A_21, %dma_wait3A] : memref<2x4x10240x128xf32, #tpu.memory_space<hbm>> -> memref<1x1x640x128xf32, #tpu.memory_space<hbm>>
      %dma_wait3A_108 = tpu.memref_squeeze %dma_wait3A_107 : memref<1x1x640x128xf32, #tpu.memory_space<hbm>> -> memref<640x128xf32, #tpu.memory_space<hbm>>
      %dma_wait3A_109 = arith.constant 0 : i32
      %dma_wait3A_110 = tpu.memref_slice %arg8[%mul3A_19, %dma_wait3A_109] : memref<10240x128xf32, #tpu.memory_space<vmem_shared>> -> memref<640x128xf32, #tpu.memory_space<vmem_shared>>
      tpu.wait_dma2 semaphore(%run_scoped3A_102 : memref<!tpu.dma_semaphore, #tpu.memory_space<semaphore_mem>>) src(%dma_wait3A_110 : memref<640x128xf32, #tpu.memory_space<vmem_shared>>) dst(%dma_wait3A_108 : memref<640x128xf32, #tpu.memory_space<hbm>>)
      tpu.yield
    }) : () -> ()
    %barrier3A_23 = arith.constant 0 : index
    tpu.barrier barrier_id(%barrier3A_23)
    %mul3A_24 = arith.constant 640 : i32
    %mul3A_25 = arith.muli %arg1, %mul3A_24 : i32
    "tpu.region"() ({
      %run_scoped3A_102 = tpu.sem_alloc : memref<!tpu.dma_semaphore, #tpu.memory_space<semaphore_mem>>
      %dma_start3A = arith.constant 0 : i32
      %dma_start3A_103 = tpu.memref_slice %arg8[%mul3A_25, %dma_start3A] : memref<10240x128xf32, #tpu.memory_space<vmem_shared>> -> memref<640x128xf32, #tpu.memory_space<vmem_shared>>
      tpu.enqueue_dma source(%arg4 : memref<640x128xf32, #tpu.memory_space<hbm>>) target(%dma_start3A_103 : memref<640x128xf32, #tpu.memory_space<vmem_shared>>) target_semaphore(%run_scoped3A_102 : memref<!tpu.dma_semaphore, #tpu.memory_space<semaphore_mem>>)
      %dma_wait3A = arith.constant 0 : i32
      %dma_wait3A_104 = tpu.memref_slice %arg8[%mul3A_25, %dma_wait3A] : memref<10240x128xf32, #tpu.memory_space<vmem_shared>> -> memref<640x128xf32, #tpu.memory_space<vmem_shared>>
      tpu.wait_dma2 semaphore(%run_scoped3A_102 : memref<!tpu.dma_semaphore, #tpu.memory_space<semaphore_mem>>) src(%arg4 : memref<640x128xf32, #tpu.memory_space<hbm>>) dst(%dma_wait3A_104 : memref<640x128xf32, #tpu.memory_space<vmem_shared>>)
      tpu.yield
    }) : () -> ()
    %barrier3A_26 = arith.constant 0 : index
    tpu.barrier barrier_id(%barrier3A_26)
    %run_scoped3A_27 = arith.constant 1 : i32
    "tpu.region"() ({
      %run_scoped3A_102 = tpu.sem_alloc : memref<!tpu.dma_semaphore, #tpu.memory_space<semaphore_mem>>
      %dma_start3A = arith.constant 0 : i32
      %dma_start3A_103 = arith.constant 0 : i32
      %dma_start3A_104 = tpu.memref_slice %arg2[%run_scoped3A_27, %add3A, %dma_start3A, %dma_start3A_103] : memref<4x32x80x128xi32, #tpu.memory_space<hbm>> -> memref<1x1x40x128xi32, #tpu.memory_space<hbm>>
      %dma_start3A_105 = tpu.memref_squeeze %dma_start3A_104 : memref<1x1x40x128xi32, #tpu.memory_space<hbm>> -> memref<40x128xi32, #tpu.memory_space<hbm>>
      %dma_start3A_106 = arith.constant 0 : i32
      %dma_start3A_107 = arith.constant 0 : i32
      %dma_start3A_108 = tpu.memref_slice %arg2[%run_scoped3A_27, %add3A, %dma_start3A_106, %dma_start3A_107] : memref<4x32x80x128xi32, #tpu.memory_space<hbm>> -> memref<1x1x40x128xi32, #tpu.memory_space<hbm>>
      %dma_start3A_109 = tpu.memref_squeeze %dma_start3A_108 : memref<1x1x40x128xi32, #tpu.memory_space<hbm>> -> memref<40x128xi32, #tpu.memory_space<hbm>>
      tpu.enqueue_dma source(%dma_start3A_109 : memref<40x128xi32, #tpu.memory_space<hbm>>) target(%arg6 : memref<40x128xi32, #tpu.memory_space<vmem>>) target_semaphore(%run_scoped3A_102 : memref<!tpu.dma_semaphore, #tpu.memory_space<semaphore_mem>>)
      %dma_wait3A = arith.constant 0 : i32
      %dma_wait3A_110 = arith.constant 0 : i32
      %dma_wait3A_111 = tpu.memref_slice %arg2[%run_scoped3A_27, %add3A, %dma_wait3A, %dma_wait3A_110] : memref<4x32x80x128xi32, #tpu.memory_space<hbm>> -> memref<1x1x40x128xi32, #tpu.memory_space<hbm>>
      %dma_wait3A_112 = tpu.memref_squeeze %dma_wait3A_111 : memref<1x1x40x128xi32, #tpu.memory_space<hbm>> -> memref<40x128xi32, #tpu.memory_space<hbm>>
      %dma_wait3A_113 = arith.constant 0 : i32
      %dma_wait3A_114 = arith.constant 0 : i32
      %dma_wait3A_115 = tpu.memref_slice %arg2[%run_scoped3A_27, %add3A, %dma_wait3A_113, %dma_wait3A_114] : memref<4x32x80x128xi32, #tpu.memory_space<hbm>> -> memref<1x1x40x128xi32, #tpu.memory_space<hbm>>
      %dma_wait3A_116 = tpu.memref_squeeze %dma_wait3A_115 : memref<1x1x40x128xi32, #tpu.memory_space<hbm>> -> memref<40x128xi32, #tpu.memory_space<hbm>>
      tpu.wait_dma2 semaphore(%run_scoped3A_102 : memref<!tpu.dma_semaphore, #tpu.memory_space<semaphore_mem>>) src(%dma_wait3A_116 : memref<40x128xi32, #tpu.memory_space<hbm>>) dst(%arg6 : memref<40x128xi32, #tpu.memory_space<vmem>>)
      tpu.yield
    }) : () -> ()
    %scan3A_28 = arith.constant 0 : i32
    %scan3A_29 = arith.constant 0 : i32
    %scan3A_30 = arith.constant 40 : i32
    %scan3A_31 = arith.addi %scan3A_29, %scan3A_30 : i32
    %scan3A_32 = arith.constant 1 : i32
    %scan3A_33 = scf.for %scan3A_102 = %scan3A_29 to %scan3A_31 step %scan3A_32 iter_args(%scan3A_103 = %scan3A_28) -> (i32)  : i32 {
      "tpu.region"() ({
        %run_scoped3A_105 = tpu.sem_alloc : memref<!tpu.dma_semaphore, #tpu.memory_space<semaphore_mem>>
        %dma_start3A = arith.constant 0 : i32
        %dma_start3A_106 = tpu.memref_slice %arg6[%scan3A_102, %dma_start3A] : memref<40x128xi32, #tpu.memory_space<vmem>> -> memref<1x128xi32, #tpu.memory_space<vmem>>
        %dma_start3A_107 = tpu.memref_squeeze %dma_start3A_106 : memref<1x128xi32, #tpu.memory_space<vmem>> -> memref<128xi32, #tpu.memory_space<vmem>>
        %dma_start3A_108 = arith.constant 0 : i32
        %dma_start3A_109 = arith.constant 0 : i32
        %dma_start3A_110 = tpu.memref_slice %arg8[%dma_start3A_108, %dma_start3A_109] : memref<10240x128xf32, #tpu.memory_space<vmem_shared>> -> memref<10240x128xf32, #tpu.memory_space<vmem_shared>>
        tpu.enqueue_indirect_dma source(%arg7 : memref<128x128xf32, #tpu.memory_space<vmem>>) target(%dma_start3A_110 : memref<10240x128xf32, #tpu.memory_space<vmem_shared>>) offsets(%dma_start3A_107 : memref<128xi32, #tpu.memory_space<vmem>>) semaphore(%run_scoped3A_105 : memref<!tpu.dma_semaphore, #tpu.memory_space<semaphore_mem>>) {add = true}
        %dma_wait3A = arith.constant 0 : i32
        %dma_wait3A_111 = tpu.memref_slice %arg6[%scan3A_102, %dma_wait3A] : memref<40x128xi32, #tpu.memory_space<vmem>> -> memref<1x128xi32, #tpu.memory_space<vmem>>
        %dma_wait3A_112 = tpu.memref_squeeze %dma_wait3A_111 : memref<1x128xi32, #tpu.memory_space<vmem>> -> memref<128xi32, #tpu.memory_space<vmem>>
        %dma_wait3A_113 = arith.constant 0 : i32
        %dma_wait3A_114 = arith.constant 0 : i32
        %dma_wait3A_115 = tpu.memref_slice %arg8[%dma_wait3A_113, %dma_wait3A_114] : memref<10240x128xf32, #tpu.memory_space<vmem_shared>> -> memref<10240x128xf32, #tpu.memory_space<vmem_shared>>
        tpu.wait_indirect_dma semaphore(%run_scoped3A_105 : memref<!tpu.dma_semaphore, #tpu.memory_space<semaphore_mem>>) src(%arg7 : memref<128x128xf32, #tpu.memory_space<vmem>>) dst(%dma_wait3A_115 : memref<10240x128xf32, #tpu.memory_space<vmem_shared>>)
        tpu.yield
      }) : () -> ()
      %scan3A_104 = arith.constant 0 : i32
      scf.yield %scan3A_104 : i32
    }
    %scan3A_34 = arith.constant 40 : i32
    %run_scoped3A_35 = arith.constant 1 : i32
    "tpu.region"() ({
      %run_scoped3A_102 = tpu.sem_alloc : memref<!tpu.dma_semaphore, #tpu.memory_space<semaphore_mem>>
      %dma_start3A = arith.constant 40 : i32
      %dma_start3A_103 = arith.constant 0 : i32
      %dma_start3A_104 = tpu.memref_slice %arg2[%run_scoped3A_35, %add3A, %dma_start3A, %dma_start3A_103] : memref<4x32x80x128xi32, #tpu.memory_space<hbm>> -> memref<1x1x40x128xi32, #tpu.memory_space<hbm>>
      %dma_start3A_105 = tpu.memref_squeeze %dma_start3A_104 : memref<1x1x40x128xi32, #tpu.memory_space<hbm>> -> memref<40x128xi32, #tpu.memory_space<hbm>>
      %dma_start3A_106 = arith.constant 40 : i32
      %dma_start3A_107 = arith.constant 0 : i32
      %dma_start3A_108 = tpu.memref_slice %arg2[%run_scoped3A_35, %add3A, %dma_start3A_106, %dma_start3A_107] : memref<4x32x80x128xi32, #tpu.memory_space<hbm>> -> memref<1x1x40x128xi32, #tpu.memory_space<hbm>>
      %dma_start3A_109 = tpu.memref_squeeze %dma_start3A_108 : memref<1x1x40x128xi32, #tpu.memory_space<hbm>> -> memref<40x128xi32, #tpu.memory_space<hbm>>
      tpu.enqueue_dma source(%dma_start3A_109 : memref<40x128xi32, #tpu.memory_space<hbm>>) target(%arg6 : memref<40x128xi32, #tpu.memory_space<vmem>>) target_semaphore(%run_scoped3A_102 : memref<!tpu.dma_semaphore, #tpu.memory_space<semaphore_mem>>)
      %dma_wait3A = arith.constant 40 : i32
      %dma_wait3A_110 = arith.constant 0 : i32
      %dma_wait3A_111 = tpu.memref_slice %arg2[%run_scoped3A_35, %add3A, %dma_wait3A, %dma_wait3A_110] : memref<4x32x80x128xi32, #tpu.memory_space<hbm>> -> memref<1x1x40x128xi32, #tpu.memory_space<hbm>>
      %dma_wait3A_112 = tpu.memref_squeeze %dma_wait3A_111 : memref<1x1x40x128xi32, #tpu.memory_space<hbm>> -> memref<40x128xi32, #tpu.memory_space<hbm>>
      %dma_wait3A_113 = arith.constant 40 : i32
      %dma_wait3A_114 = arith.constant 0 : i32
      %dma_wait3A_115 = tpu.memref_slice %arg2[%run_scoped3A_35, %add3A, %dma_wait3A_113, %dma_wait3A_114] : memref<4x32x80x128xi32, #tpu.memory_space<hbm>> -> memref<1x1x40x128xi32, #tpu.memory_space<hbm>>
      %dma_wait3A_116 = tpu.memref_squeeze %dma_wait3A_115 : memref<1x1x40x128xi32, #tpu.memory_space<hbm>> -> memref<40x128xi32, #tpu.memory_space<hbm>>
      tpu.wait_dma2 semaphore(%run_scoped3A_102 : memref<!tpu.dma_semaphore, #tpu.memory_space<semaphore_mem>>) src(%dma_wait3A_116 : memref<40x128xi32, #tpu.memory_space<hbm>>) dst(%arg6 : memref<40x128xi32, #tpu.memory_space<vmem>>)
      tpu.yield
    }) : () -> ()
    %scan3A_36 = arith.constant 0 : i32
    %scan3A_37 = arith.constant 0 : i32
    %scan3A_38 = arith.constant 40 : i32
    %scan3A_39 = arith.addi %scan3A_37, %scan3A_38 : i32
    %scan3A_40 = arith.constant 1 : i32
    %scan3A_41 = scf.for %scan3A_102 = %scan3A_37 to %scan3A_39 step %scan3A_40 iter_args(%scan3A_103 = %scan3A_36) -> (i32)  : i32 {
      "tpu.region"() ({
        %run_scoped3A_105 = tpu.sem_alloc : memref<!tpu.dma_semaphore, #tpu.memory_space<semaphore_mem>>
        %dma_start3A = arith.constant 0 : i32
        %dma_start3A_106 = tpu.memref_slice %arg6[%scan3A_102, %dma_start3A] : memref<40x128xi32, #tpu.memory_space<vmem>> -> memref<1x128xi32, #tpu.memory_space<vmem>>
        %dma_start3A_107 = tpu.memref_squeeze %dma_start3A_106 : memref<1x128xi32, #tpu.memory_space<vmem>> -> memref<128xi32, #tpu.memory_space<vmem>>
        %dma_start3A_108 = arith.constant 0 : i32
        %dma_start3A_109 = arith.constant 0 : i32
        %dma_start3A_110 = tpu.memref_slice %arg8[%dma_start3A_108, %dma_start3A_109] : memref<10240x128xf32, #tpu.memory_space<vmem_shared>> -> memref<10240x128xf32, #tpu.memory_space<vmem_shared>>
        tpu.enqueue_indirect_dma source(%arg7 : memref<128x128xf32, #tpu.memory_space<vmem>>) target(%dma_start3A_110 : memref<10240x128xf32, #tpu.memory_space<vmem_shared>>) offsets(%dma_start3A_107 : memref<128xi32, #tpu.memory_space<vmem>>) semaphore(%run_scoped3A_105 : memref<!tpu.dma_semaphore, #tpu.memory_space<semaphore_mem>>) {add = true}
        %dma_wait3A = arith.constant 0 : i32
        %dma_wait3A_111 = tpu.memref_slice %arg6[%scan3A_102, %dma_wait3A] : memref<40x128xi32, #tpu.memory_space<vmem>> -> memref<1x128xi32, #tpu.memory_space<vmem>>
        %dma_wait3A_112 = tpu.memref_squeeze %dma_wait3A_111 : memref<1x128xi32, #tpu.memory_space<vmem>> -> memref<128xi32, #tpu.memory_space<vmem>>
        %dma_wait3A_113 = arith.constant 0 : i32
        %dma_wait3A_114 = arith.constant 0 : i32
        %dma_wait3A_115 = tpu.memref_slice %arg8[%dma_wait3A_113, %dma_wait3A_114] : memref<10240x128xf32, #tpu.memory_space<vmem_shared>> -> memref<10240x128xf32, #tpu.memory_space<vmem_shared>>
        tpu.wait_indirect_dma semaphore(%run_scoped3A_105 : memref<!tpu.dma_semaphore, #tpu.memory_space<semaphore_mem>>) src(%arg7 : memref<128x128xf32, #tpu.memory_space<vmem>>) dst(%dma_wait3A_115 : memref<10240x128xf32, #tpu.memory_space<vmem_shared>>)
        tpu.yield
      }) : () -> ()
      %scan3A_104 = arith.constant 0 : i32
      scf.yield %scan3A_104 : i32
    }
    %scan3A_42 = arith.constant 40 : i32
    %barrier3A_43 = arith.constant 0 : index
    tpu.barrier barrier_id(%barrier3A_43)
    %mul3A_44 = arith.constant 640 : i32
    %mul3A_45 = arith.muli %arg1, %mul3A_44 : i32
    %mul3A_46 = arith.constant 640 : i32
    %mul3A_47 = arith.muli %arg1, %mul3A_46 : i32
    %run_scoped3A_48 = arith.constant 1 : i32
    "tpu.region"() ({
      %run_scoped3A_102 = tpu.sem_alloc : memref<!tpu.dma_semaphore, #tpu.memory_space<semaphore_mem>>
      %dma_start3A = arith.constant 0 : i32
      %dma_start3A_103 = tpu.memref_slice %arg5[%arg0, %run_scoped3A_48, %mul3A_47, %dma_start3A] : memref<2x4x10240x128xf32, #tpu.memory_space<hbm>> -> memref<1x1x640x128xf32, #tpu.memory_space<hbm>>
      %dma_start3A_104 = tpu.memref_squeeze %dma_start3A_103 : memref<1x1x640x128xf32, #tpu.memory_space<hbm>> -> memref<640x128xf32, #tpu.memory_space<hbm>>
      %dma_start3A_105 = arith.constant 0 : i32
      %dma_start3A_106 = tpu.memref_slice %arg8[%mul3A_45, %dma_start3A_105] : memref<10240x128xf32, #tpu.memory_space<vmem_shared>> -> memref<640x128xf32, #tpu.memory_space<vmem_shared>>
      tpu.enqueue_dma source(%dma_start3A_106 : memref<640x128xf32, #tpu.memory_space<vmem_shared>>) target(%dma_start3A_104 : memref<640x128xf32, #tpu.memory_space<hbm>>) target_semaphore(%run_scoped3A_102 : memref<!tpu.dma_semaphore, #tpu.memory_space<semaphore_mem>>)
      %dma_wait3A = arith.constant 0 : i32
      %dma_wait3A_107 = tpu.memref_slice %arg5[%arg0, %run_scoped3A_48, %mul3A_47, %dma_wait3A] : memref<2x4x10240x128xf32, #tpu.memory_space<hbm>> -> memref<1x1x640x128xf32, #tpu.memory_space<hbm>>
      %dma_wait3A_108 = tpu.memref_squeeze %dma_wait3A_107 : memref<1x1x640x128xf32, #tpu.memory_space<hbm>> -> memref<640x128xf32, #tpu.memory_space<hbm>>
      %dma_wait3A_109 = arith.constant 0 : i32
      %dma_wait3A_110 = tpu.memref_slice %arg8[%mul3A_45, %dma_wait3A_109] : memref<10240x128xf32, #tpu.memory_space<vmem_shared>> -> memref<640x128xf32, #tpu.memory_space<vmem_shared>>
      tpu.wait_dma2 semaphore(%run_scoped3A_102 : memref<!tpu.dma_semaphore, #tpu.memory_space<semaphore_mem>>) src(%dma_wait3A_110 : memref<640x128xf32, #tpu.memory_space<vmem_shared>>) dst(%dma_wait3A_108 : memref<640x128xf32, #tpu.memory_space<hbm>>)
      tpu.yield
    }) : () -> ()
    %barrier3A_49 = arith.constant 0 : index
    tpu.barrier barrier_id(%barrier3A_49)
    %mul3A_50 = arith.constant 640 : i32
    %mul3A_51 = arith.muli %arg1, %mul3A_50 : i32
    "tpu.region"() ({
      %run_scoped3A_102 = tpu.sem_alloc : memref<!tpu.dma_semaphore, #tpu.memory_space<semaphore_mem>>
      %dma_start3A = arith.constant 0 : i32
      %dma_start3A_103 = tpu.memref_slice %arg8[%mul3A_51, %dma_start3A] : memref<10240x128xf32, #tpu.memory_space<vmem_shared>> -> memref<640x128xf32, #tpu.memory_space<vmem_shared>>
      tpu.enqueue_dma source(%arg4 : memref<640x128xf32, #tpu.memory_space<hbm>>) target(%dma_start3A_103 : memref<640x128xf32, #tpu.memory_space<vmem_shared>>) target_semaphore(%run_scoped3A_102 : memref<!tpu.dma_semaphore, #tpu.memory_space<semaphore_mem>>)
      %dma_wait3A = arith.constant 0 : i32
      %dma_wait3A_104 = tpu.memref_slice %arg8[%mul3A_51, %dma_wait3A] : memref<10240x128xf32, #tpu.memory_space<vmem_shared>> -> memref<640x128xf32, #tpu.memory_space<vmem_shared>>
      tpu.wait_dma2 semaphore(%run_scoped3A_102 : memref<!tpu.dma_semaphore, #tpu.memory_space<semaphore_mem>>) src(%arg4 : memref<640x128xf32, #tpu.memory_space<hbm>>) dst(%dma_wait3A_104 : memref<640x128xf32, #tpu.memory_space<vmem_shared>>)
      tpu.yield
    }) : () -> ()
    %barrier3A_52 = arith.constant 0 : index
    tpu.barrier barrier_id(%barrier3A_52)
    %run_scoped3A_53 = arith.constant 2 : i32
    "tpu.region"() ({
      %run_scoped3A_102 = tpu.sem_alloc : memref<!tpu.dma_semaphore, #tpu.memory_space<semaphore_mem>>
      %dma_start3A = arith.constant 0 : i32
      %dma_start3A_103 = arith.constant 0 : i32
      %dma_start3A_104 = tpu.memref_slice %arg2[%run_scoped3A_53, %add3A, %dma_start3A, %dma_start3A_103] : memref<4x32x80x128xi32, #tpu.memory_space<hbm>> -> memref<1x1x40x128xi32, #tpu.memory_space<hbm>>
      %dma_start3A_105 = tpu.memref_squeeze %dma_start3A_104 : memref<1x1x40x128xi32, #tpu.memory_space<hbm>> -> memref<40x128xi32, #tpu.memory_space<hbm>>
      %dma_start3A_106 = arith.constant 0 : i32
      %dma_start3A_107 = arith.constant 0 : i32
      %dma_start3A_108 = tpu.memref_slice %arg2[%run_scoped3A_53, %add3A, %dma_start3A_106, %dma_start3A_107] : memref<4x32x80x128xi32, #tpu.memory_space<hbm>> -> memref<1x1x40x128xi32, #tpu.memory_space<hbm>>
      %dma_start3A_109 = tpu.memref_squeeze %dma_start3A_108 : memref<1x1x40x128xi32, #tpu.memory_space<hbm>> -> memref<40x128xi32, #tpu.memory_space<hbm>>
      tpu.enqueue_dma source(%dma_start3A_109 : memref<40x128xi32, #tpu.memory_space<hbm>>) target(%arg6 : memref<40x128xi32, #tpu.memory_space<vmem>>) target_semaphore(%run_scoped3A_102 : memref<!tpu.dma_semaphore, #tpu.memory_space<semaphore_mem>>)
      %dma_wait3A = arith.constant 0 : i32
      %dma_wait3A_110 = arith.constant 0 : i32
      %dma_wait3A_111 = tpu.memref_slice %arg2[%run_scoped3A_53, %add3A, %dma_wait3A, %dma_wait3A_110] : memref<4x32x80x128xi32, #tpu.memory_space<hbm>> -> memref<1x1x40x128xi32, #tpu.memory_space<hbm>>
      %dma_wait3A_112 = tpu.memref_squeeze %dma_wait3A_111 : memref<1x1x40x128xi32, #tpu.memory_space<hbm>> -> memref<40x128xi32, #tpu.memory_space<hbm>>
      %dma_wait3A_113 = arith.constant 0 : i32
      %dma_wait3A_114 = arith.constant 0 : i32
      %dma_wait3A_115 = tpu.memref_slice %arg2[%run_scoped3A_53, %add3A, %dma_wait3A_113, %dma_wait3A_114] : memref<4x32x80x128xi32, #tpu.memory_space<hbm>> -> memref<1x1x40x128xi32, #tpu.memory_space<hbm>>
      %dma_wait3A_116 = tpu.memref_squeeze %dma_wait3A_115 : memref<1x1x40x128xi32, #tpu.memory_space<hbm>> -> memref<40x128xi32, #tpu.memory_space<hbm>>
      tpu.wait_dma2 semaphore(%run_scoped3A_102 : memref<!tpu.dma_semaphore, #tpu.memory_space<semaphore_mem>>) src(%dma_wait3A_116 : memref<40x128xi32, #tpu.memory_space<hbm>>) dst(%arg6 : memref<40x128xi32, #tpu.memory_space<vmem>>)
      tpu.yield
    }) : () -> ()
    %scan3A_54 = arith.constant 0 : i32
    %scan3A_55 = arith.constant 0 : i32
    %scan3A_56 = arith.constant 40 : i32
    %scan3A_57 = arith.addi %scan3A_55, %scan3A_56 : i32
    %scan3A_58 = arith.constant 1 : i32
    %scan3A_59 = scf.for %scan3A_102 = %scan3A_55 to %scan3A_57 step %scan3A_58 iter_args(%scan3A_103 = %scan3A_54) -> (i32)  : i32 {
      "tpu.region"() ({
        %run_scoped3A_105 = tpu.sem_alloc : memref<!tpu.dma_semaphore, #tpu.memory_space<semaphore_mem>>
        %dma_start3A = arith.constant 0 : i32
        %dma_start3A_106 = tpu.memref_slice %arg6[%scan3A_102, %dma_start3A] : memref<40x128xi32, #tpu.memory_space<vmem>> -> memref<1x128xi32, #tpu.memory_space<vmem>>
        %dma_start3A_107 = tpu.memref_squeeze %dma_start3A_106 : memref<1x128xi32, #tpu.memory_space<vmem>> -> memref<128xi32, #tpu.memory_space<vmem>>
        %dma_start3A_108 = arith.constant 0 : i32
        %dma_start3A_109 = arith.constant 0 : i32
        %dma_start3A_110 = tpu.memref_slice %arg8[%dma_start3A_108, %dma_start3A_109] : memref<10240x128xf32, #tpu.memory_space<vmem_shared>> -> memref<10240x128xf32, #tpu.memory_space<vmem_shared>>
        tpu.enqueue_indirect_dma source(%arg7 : memref<128x128xf32, #tpu.memory_space<vmem>>) target(%dma_start3A_110 : memref<10240x128xf32, #tpu.memory_space<vmem_shared>>) offsets(%dma_start3A_107 : memref<128xi32, #tpu.memory_space<vmem>>) semaphore(%run_scoped3A_105 : memref<!tpu.dma_semaphore, #tpu.memory_space<semaphore_mem>>) {add = true}
        %dma_wait3A = arith.constant 0 : i32
        %dma_wait3A_111 = tpu.memref_slice %arg6[%scan3A_102, %dma_wait3A] : memref<40x128xi32, #tpu.memory_space<vmem>> -> memref<1x128xi32, #tpu.memory_space<vmem>>
        %dma_wait3A_112 = tpu.memref_squeeze %dma_wait3A_111 : memref<1x128xi32, #tpu.memory_space<vmem>> -> memref<128xi32, #tpu.memory_space<vmem>>
        %dma_wait3A_113 = arith.constant 0 : i32
        %dma_wait3A_114 = arith.constant 0 : i32
        %dma_wait3A_115 = tpu.memref_slice %arg8[%dma_wait3A_113, %dma_wait3A_114] : memref<10240x128xf32, #tpu.memory_space<vmem_shared>> -> memref<10240x128xf32, #tpu.memory_space<vmem_shared>>
        tpu.wait_indirect_dma semaphore(%run_scoped3A_105 : memref<!tpu.dma_semaphore, #tpu.memory_space<semaphore_mem>>) src(%arg7 : memref<128x128xf32, #tpu.memory_space<vmem>>) dst(%dma_wait3A_115 : memref<10240x128xf32, #tpu.memory_space<vmem_shared>>)
        tpu.yield
      }) : () -> ()
      %scan3A_104 = arith.constant 0 : i32
      scf.yield %scan3A_104 : i32
    }
    %scan3A_60 = arith.constant 40 : i32
    %run_scoped3A_61 = arith.constant 2 : i32
    "tpu.region"() ({
      %run_scoped3A_102 = tpu.sem_alloc : memref<!tpu.dma_semaphore, #tpu.memory_space<semaphore_mem>>
      %dma_start3A = arith.constant 40 : i32
      %dma_start3A_103 = arith.constant 0 : i32
      %dma_start3A_104 = tpu.memref_slice %arg2[%run_scoped3A_61, %add3A, %dma_start3A, %dma_start3A_103] : memref<4x32x80x128xi32, #tpu.memory_space<hbm>> -> memref<1x1x40x128xi32, #tpu.memory_space<hbm>>
      %dma_start3A_105 = tpu.memref_squeeze %dma_start3A_104 : memref<1x1x40x128xi32, #tpu.memory_space<hbm>> -> memref<40x128xi32, #tpu.memory_space<hbm>>
      %dma_start3A_106 = arith.constant 40 : i32
      %dma_start3A_107 = arith.constant 0 : i32
      %dma_start3A_108 = tpu.memref_slice %arg2[%run_scoped3A_61, %add3A, %dma_start3A_106, %dma_start3A_107] : memref<4x32x80x128xi32, #tpu.memory_space<hbm>> -> memref<1x1x40x128xi32, #tpu.memory_space<hbm>>
      %dma_start3A_109 = tpu.memref_squeeze %dma_start3A_108 : memref<1x1x40x128xi32, #tpu.memory_space<hbm>> -> memref<40x128xi32, #tpu.memory_space<hbm>>
      tpu.enqueue_dma source(%dma_start3A_109 : memref<40x128xi32, #tpu.memory_space<hbm>>) target(%arg6 : memref<40x128xi32, #tpu.memory_space<vmem>>) target_semaphore(%run_scoped3A_102 : memref<!tpu.dma_semaphore, #tpu.memory_space<semaphore_mem>>)
      %dma_wait3A = arith.constant 40 : i32
      %dma_wait3A_110 = arith.constant 0 : i32
      %dma_wait3A_111 = tpu.memref_slice %arg2[%run_scoped3A_61, %add3A, %dma_wait3A, %dma_wait3A_110] : memref<4x32x80x128xi32, #tpu.memory_space<hbm>> -> memref<1x1x40x128xi32, #tpu.memory_space<hbm>>
      %dma_wait3A_112 = tpu.memref_squeeze %dma_wait3A_111 : memref<1x1x40x128xi32, #tpu.memory_space<hbm>> -> memref<40x128xi32, #tpu.memory_space<hbm>>
      %dma_wait3A_113 = arith.constant 40 : i32
      %dma_wait3A_114 = arith.constant 0 : i32
      %dma_wait3A_115 = tpu.memref_slice %arg2[%run_scoped3A_61, %add3A, %dma_wait3A_113, %dma_wait3A_114] : memref<4x32x80x128xi32, #tpu.memory_space<hbm>> -> memref<1x1x40x128xi32, #tpu.memory_space<hbm>>
      %dma_wait3A_116 = tpu.memref_squeeze %dma_wait3A_115 : memref<1x1x40x128xi32, #tpu.memory_space<hbm>> -> memref<40x128xi32, #tpu.memory_space<hbm>>
      tpu.wait_dma2 semaphore(%run_scoped3A_102 : memref<!tpu.dma_semaphore, #tpu.memory_space<semaphore_mem>>) src(%dma_wait3A_116 : memref<40x128xi32, #tpu.memory_space<hbm>>) dst(%arg6 : memref<40x128xi32, #tpu.memory_space<vmem>>)
      tpu.yield
    }) : () -> ()
    %scan3A_62 = arith.constant 0 : i32
    %scan3A_63 = arith.constant 0 : i32
    %scan3A_64 = arith.constant 40 : i32
    %scan3A_65 = arith.addi %scan3A_63, %scan3A_64 : i32
    %scan3A_66 = arith.constant 1 : i32
    %scan3A_67 = scf.for %scan3A_102 = %scan3A_63 to %scan3A_65 step %scan3A_66 iter_args(%scan3A_103 = %scan3A_62) -> (i32)  : i32 {
      "tpu.region"() ({
        %run_scoped3A_105 = tpu.sem_alloc : memref<!tpu.dma_semaphore, #tpu.memory_space<semaphore_mem>>
        %dma_start3A = arith.constant 0 : i32
        %dma_start3A_106 = tpu.memref_slice %arg6[%scan3A_102, %dma_start3A] : memref<40x128xi32, #tpu.memory_space<vmem>> -> memref<1x128xi32, #tpu.memory_space<vmem>>
        %dma_start3A_107 = tpu.memref_squeeze %dma_start3A_106 : memref<1x128xi32, #tpu.memory_space<vmem>> -> memref<128xi32, #tpu.memory_space<vmem>>
        %dma_start3A_108 = arith.constant 0 : i32
        %dma_start3A_109 = arith.constant 0 : i32
        %dma_start3A_110 = tpu.memref_slice %arg8[%dma_start3A_108, %dma_start3A_109] : memref<10240x128xf32, #tpu.memory_space<vmem_shared>> -> memref<10240x128xf32, #tpu.memory_space<vmem_shared>>
        tpu.enqueue_indirect_dma source(%arg7 : memref<128x128xf32, #tpu.memory_space<vmem>>) target(%dma_start3A_110 : memref<10240x128xf32, #tpu.memory_space<vmem_shared>>) offsets(%dma_start3A_107 : memref<128xi32, #tpu.memory_space<vmem>>) semaphore(%run_scoped3A_105 : memref<!tpu.dma_semaphore, #tpu.memory_space<semaphore_mem>>) {add = true}
        %dma_wait3A = arith.constant 0 : i32
        %dma_wait3A_111 = tpu.memref_slice %arg6[%scan3A_102, %dma_wait3A] : memref<40x128xi32, #tpu.memory_space<vmem>> -> memref<1x128xi32, #tpu.memory_space<vmem>>
        %dma_wait3A_112 = tpu.memref_squeeze %dma_wait3A_111 : memref<1x128xi32, #tpu.memory_space<vmem>> -> memref<128xi32, #tpu.memory_space<vmem>>
        %dma_wait3A_113 = arith.constant 0 : i32
        %dma_wait3A_114 = arith.constant 0 : i32
        %dma_wait3A_115 = tpu.memref_slice %arg8[%dma_wait3A_113, %dma_wait3A_114] : memref<10240x128xf32, #tpu.memory_space<vmem_shared>> -> memref<10240x128xf32, #tpu.memory_space<vmem_shared>>
        tpu.wait_indirect_dma semaphore(%run_scoped3A_105 : memref<!tpu.dma_semaphore, #tpu.memory_space<semaphore_mem>>) src(%arg7 : memref<128x128xf32, #tpu.memory_space<vmem>>) dst(%dma_wait3A_115 : memref<10240x128xf32, #tpu.memory_space<vmem_shared>>)
        tpu.yield
      }) : () -> ()
      %scan3A_104 = arith.constant 0 : i32
      scf.yield %scan3A_104 : i32
    }
    %scan3A_68 = arith.constant 40 : i32
    %barrier3A_69 = arith.constant 0 : index
    tpu.barrier barrier_id(%barrier3A_69)
    %mul3A_70 = arith.constant 640 : i32
    %mul3A_71 = arith.muli %arg1, %mul3A_70 : i32
    %mul3A_72 = arith.constant 640 : i32
    %mul3A_73 = arith.muli %arg1, %mul3A_72 : i32
    %run_scoped3A_74 = arith.constant 2 : i32
    "tpu.region"() ({
      %run_scoped3A_102 = tpu.sem_alloc : memref<!tpu.dma_semaphore, #tpu.memory_space<semaphore_mem>>
      %dma_start3A = arith.constant 0 : i32
      %dma_start3A_103 = tpu.memref_slice %arg5[%arg0, %run_scoped3A_74, %mul3A_73, %dma_start3A] : memref<2x4x10240x128xf32, #tpu.memory_space<hbm>> -> memref<1x1x640x128xf32, #tpu.memory_space<hbm>>
      %dma_start3A_104 = tpu.memref_squeeze %dma_start3A_103 : memref<1x1x640x128xf32, #tpu.memory_space<hbm>> -> memref<640x128xf32, #tpu.memory_space<hbm>>
      %dma_start3A_105 = arith.constant 0 : i32
      %dma_start3A_106 = tpu.memref_slice %arg8[%mul3A_71, %dma_start3A_105] : memref<10240x128xf32, #tpu.memory_space<vmem_shared>> -> memref<640x128xf32, #tpu.memory_space<vmem_shared>>
      tpu.enqueue_dma source(%dma_start3A_106 : memref<640x128xf32, #tpu.memory_space<vmem_shared>>) target(%dma_start3A_104 : memref<640x128xf32, #tpu.memory_space<hbm>>) target_semaphore(%run_scoped3A_102 : memref<!tpu.dma_semaphore, #tpu.memory_space<semaphore_mem>>)
      %dma_wait3A = arith.constant 0 : i32
      %dma_wait3A_107 = tpu.memref_slice %arg5[%arg0, %run_scoped3A_74, %mul3A_73, %dma_wait3A] : memref<2x4x10240x128xf32, #tpu.memory_space<hbm>> -> memref<1x1x640x128xf32, #tpu.memory_space<hbm>>
      %dma_wait3A_108 = tpu.memref_squeeze %dma_wait3A_107 : memref<1x1x640x128xf32, #tpu.memory_space<hbm>> -> memref<640x128xf32, #tpu.memory_space<hbm>>
      %dma_wait3A_109 = arith.constant 0 : i32
      %dma_wait3A_110 = tpu.memref_slice %arg8[%mul3A_71, %dma_wait3A_109] : memref<10240x128xf32, #tpu.memory_space<vmem_shared>> -> memref<640x128xf32, #tpu.memory_space<vmem_shared>>
      tpu.wait_dma2 semaphore(%run_scoped3A_102 : memref<!tpu.dma_semaphore, #tpu.memory_space<semaphore_mem>>) src(%dma_wait3A_110 : memref<640x128xf32, #tpu.memory_space<vmem_shared>>) dst(%dma_wait3A_108 : memref<640x128xf32, #tpu.memory_space<hbm>>)
      tpu.yield
    }) : () -> ()
    %barrier3A_75 = arith.constant 0 : index
    tpu.barrier barrier_id(%barrier3A_75)
    %mul3A_76 = arith.constant 640 : i32
    %mul3A_77 = arith.muli %arg1, %mul3A_76 : i32
    "tpu.region"() ({
      %run_scoped3A_102 = tpu.sem_alloc : memref<!tpu.dma_semaphore, #tpu.memory_space<semaphore_mem>>
      %dma_start3A = arith.constant 0 : i32
      %dma_start3A_103 = tpu.memref_slice %arg8[%mul3A_77, %dma_start3A] : memref<10240x128xf32, #tpu.memory_space<vmem_shared>> -> memref<640x128xf32, #tpu.memory_space<vmem_shared>>
      tpu.enqueue_dma source(%arg4 : memref<640x128xf32, #tpu.memory_space<hbm>>) target(%dma_start3A_103 : memref<640x128xf32, #tpu.memory_space<vmem_shared>>) target_semaphore(%run_scoped3A_102 : memref<!tpu.dma_semaphore, #tpu.memory_space<semaphore_mem>>)
      %dma_wait3A = arith.constant 0 : i32
      %dma_wait3A_104 = tpu.memref_slice %arg8[%mul3A_77, %dma_wait3A] : memref<10240x128xf32, #tpu.memory_space<vmem_shared>> -> memref<640x128xf32, #tpu.memory_space<vmem_shared>>
      tpu.wait_dma2 semaphore(%run_scoped3A_102 : memref<!tpu.dma_semaphore, #tpu.memory_space<semaphore_mem>>) src(%arg4 : memref<640x128xf32, #tpu.memory_space<hbm>>) dst(%dma_wait3A_104 : memref<640x128xf32, #tpu.memory_space<vmem_shared>>)
      tpu.yield
    }) : () -> ()
    %barrier3A_78 = arith.constant 0 : index
    tpu.barrier barrier_id(%barrier3A_78)
    %run_scoped3A_79 = arith.constant 3 : i32
    "tpu.region"() ({
      %run_scoped3A_102 = tpu.sem_alloc : memref<!tpu.dma_semaphore, #tpu.memory_space<semaphore_mem>>
      %dma_start3A = arith.constant 0 : i32
      %dma_start3A_103 = arith.constant 0 : i32
      %dma_start3A_104 = tpu.memref_slice %arg2[%run_scoped3A_79, %add3A, %dma_start3A, %dma_start3A_103] : memref<4x32x80x128xi32, #tpu.memory_space<hbm>> -> memref<1x1x40x128xi32, #tpu.memory_space<hbm>>
      %dma_start3A_105 = tpu.memref_squeeze %dma_start3A_104 : memref<1x1x40x128xi32, #tpu.memory_space<hbm>> -> memref<40x128xi32, #tpu.memory_space<hbm>>
      %dma_start3A_106 = arith.constant 0 : i32
      %dma_start3A_107 = arith.constant 0 : i32
      %dma_start3A_108 = tpu.memref_slice %arg2[%run_scoped3A_79, %add3A, %dma_start3A_106, %dma_start3A_107] : memref<4x32x80x128xi32, #tpu.memory_space<hbm>> -> memref<1x1x40x128xi32, #tpu.memory_space<hbm>>
      %dma_start3A_109 = tpu.memref_squeeze %dma_start3A_108 : memref<1x1x40x128xi32, #tpu.memory_space<hbm>> -> memref<40x128xi32, #tpu.memory_space<hbm>>
      tpu.enqueue_dma source(%dma_start3A_109 : memref<40x128xi32, #tpu.memory_space<hbm>>) target(%arg6 : memref<40x128xi32, #tpu.memory_space<vmem>>) target_semaphore(%run_scoped3A_102 : memref<!tpu.dma_semaphore, #tpu.memory_space<semaphore_mem>>)
      %dma_wait3A = arith.constant 0 : i32
      %dma_wait3A_110 = arith.constant 0 : i32
      %dma_wait3A_111 = tpu.memref_slice %arg2[%run_scoped3A_79, %add3A, %dma_wait3A, %dma_wait3A_110] : memref<4x32x80x128xi32, #tpu.memory_space<hbm>> -> memref<1x1x40x128xi32, #tpu.memory_space<hbm>>
      %dma_wait3A_112 = tpu.memref_squeeze %dma_wait3A_111 : memref<1x1x40x128xi32, #tpu.memory_space<hbm>> -> memref<40x128xi32, #tpu.memory_space<hbm>>
      %dma_wait3A_113 = arith.constant 0 : i32
      %dma_wait3A_114 = arith.constant 0 : i32
      %dma_wait3A_115 = tpu.memref_slice %arg2[%run_scoped3A_79, %add3A, %dma_wait3A_113, %dma_wait3A_114] : memref<4x32x80x128xi32, #tpu.memory_space<hbm>> -> memref<1x1x40x128xi32, #tpu.memory_space<hbm>>
      %dma_wait3A_116 = tpu.memref_squeeze %dma_wait3A_115 : memref<1x1x40x128xi32, #tpu.memory_space<hbm>> -> memref<40x128xi32, #tpu.memory_space<hbm>>
      tpu.wait_dma2 semaphore(%run_scoped3A_102 : memref<!tpu.dma_semaphore, #tpu.memory_space<semaphore_mem>>) src(%dma_wait3A_116 : memref<40x128xi32, #tpu.memory_space<hbm>>) dst(%arg6 : memref<40x128xi32, #tpu.memory_space<vmem>>)
      tpu.yield
    }) : () -> ()
    %scan3A_80 = arith.constant 0 : i32
    %scan3A_81 = arith.constant 0 : i32
    %scan3A_82 = arith.constant 40 : i32
    %scan3A_83 = arith.addi %scan3A_81, %scan3A_82 : i32
    %scan3A_84 = arith.constant 1 : i32
    %scan3A_85 = scf.for %scan3A_102 = %scan3A_81 to %scan3A_83 step %scan3A_84 iter_args(%scan3A_103 = %scan3A_80) -> (i32)  : i32 {
      "tpu.region"() ({
        %run_scoped3A_105 = tpu.sem_alloc : memref<!tpu.dma_semaphore, #tpu.memory_space<semaphore_mem>>
        %dma_start3A = arith.constant 0 : i32
        %dma_start3A_106 = tpu.memref_slice %arg6[%scan3A_102, %dma_start3A] : memref<40x128xi32, #tpu.memory_space<vmem>> -> memref<1x128xi32, #tpu.memory_space<vmem>>
        %dma_start3A_107 = tpu.memref_squeeze %dma_start3A_106 : memref<1x128xi32, #tpu.memory_space<vmem>> -> memref<128xi32, #tpu.memory_space<vmem>>
        %dma_start3A_108 = arith.constant 0 : i32
        %dma_start3A_109 = arith.constant 0 : i32
        %dma_start3A_110 = tpu.memref_slice %arg8[%dma_start3A_108, %dma_start3A_109] : memref<10240x128xf32, #tpu.memory_space<vmem_shared>> -> memref<10240x128xf32, #tpu.memory_space<vmem_shared>>
        tpu.enqueue_indirect_dma source(%arg7 : memref<128x128xf32, #tpu.memory_space<vmem>>) target(%dma_start3A_110 : memref<10240x128xf32, #tpu.memory_space<vmem_shared>>) offsets(%dma_start3A_107 : memref<128xi32, #tpu.memory_space<vmem>>) semaphore(%run_scoped3A_105 : memref<!tpu.dma_semaphore, #tpu.memory_space<semaphore_mem>>) {add = true}
        %dma_wait3A = arith.constant 0 : i32
        %dma_wait3A_111 = tpu.memref_slice %arg6[%scan3A_102, %dma_wait3A] : memref<40x128xi32, #tpu.memory_space<vmem>> -> memref<1x128xi32, #tpu.memory_space<vmem>>
        %dma_wait3A_112 = tpu.memref_squeeze %dma_wait3A_111 : memref<1x128xi32, #tpu.memory_space<vmem>> -> memref<128xi32, #tpu.memory_space<vmem>>
        %dma_wait3A_113 = arith.constant 0 : i32
        %dma_wait3A_114 = arith.constant 0 : i32
        %dma_wait3A_115 = tpu.memref_slice %arg8[%dma_wait3A_113, %dma_wait3A_114] : memref<10240x128xf32, #tpu.memory_space<vmem_shared>> -> memref<10240x128xf32, #tpu.memory_space<vmem_shared>>
        tpu.wait_indirect_dma semaphore(%run_scoped3A_105 : memref<!tpu.dma_semaphore, #tpu.memory_space<semaphore_mem>>) src(%arg7 : memref<128x128xf32, #tpu.memory_space<vmem>>) dst(%dma_wait3A_115 : memref<10240x128xf32, #tpu.memory_space<vmem_shared>>)
        tpu.yield
      }) : () -> ()
      %scan3A_104 = arith.constant 0 : i32
      scf.yield %scan3A_104 : i32
    }
    %scan3A_86 = arith.constant 40 : i32
    %run_scoped3A_87 = arith.constant 3 : i32
    "tpu.region"() ({
      %run_scoped3A_102 = tpu.sem_alloc : memref<!tpu.dma_semaphore, #tpu.memory_space<semaphore_mem>>
      %dma_start3A = arith.constant 40 : i32
      %dma_start3A_103 = arith.constant 0 : i32
      %dma_start3A_104 = tpu.memref_slice %arg2[%run_scoped3A_87, %add3A, %dma_start3A, %dma_start3A_103] : memref<4x32x80x128xi32, #tpu.memory_space<hbm>> -> memref<1x1x40x128xi32, #tpu.memory_space<hbm>>
      %dma_start3A_105 = tpu.memref_squeeze %dma_start3A_104 : memref<1x1x40x128xi32, #tpu.memory_space<hbm>> -> memref<40x128xi32, #tpu.memory_space<hbm>>
      %dma_start3A_106 = arith.constant 40 : i32
      %dma_start3A_107 = arith.constant 0 : i32
      %dma_start3A_108 = tpu.memref_slice %arg2[%run_scoped3A_87, %add3A, %dma_start3A_106, %dma_start3A_107] : memref<4x32x80x128xi32, #tpu.memory_space<hbm>> -> memref<1x1x40x128xi32, #tpu.memory_space<hbm>>
      %dma_start3A_109 = tpu.memref_squeeze %dma_start3A_108 : memref<1x1x40x128xi32, #tpu.memory_space<hbm>> -> memref<40x128xi32, #tpu.memory_space<hbm>>
      tpu.enqueue_dma source(%dma_start3A_109 : memref<40x128xi32, #tpu.memory_space<hbm>>) target(%arg6 : memref<40x128xi32, #tpu.memory_space<vmem>>) target_semaphore(%run_scoped3A_102 : memref<!tpu.dma_semaphore, #tpu.memory_space<semaphore_mem>>)
      %dma_wait3A = arith.constant 40 : i32
      %dma_wait3A_110 = arith.constant 0 : i32
      %dma_wait3A_111 = tpu.memref_slice %arg2[%run_scoped3A_87, %add3A, %dma_wait3A, %dma_wait3A_110] : memref<4x32x80x128xi32, #tpu.memory_space<hbm>> -> memref<1x1x40x128xi32, #tpu.memory_space<hbm>>
      %dma_wait3A_112 = tpu.memref_squeeze %dma_wait3A_111 : memref<1x1x40x128xi32, #tpu.memory_space<hbm>> -> memref<40x128xi32, #tpu.memory_space<hbm>>
      %dma_wait3A_113 = arith.constant 40 : i32
      %dma_wait3A_114 = arith.constant 0 : i32
      %dma_wait3A_115 = tpu.memref_slice %arg2[%run_scoped3A_87, %add3A, %dma_wait3A_113, %dma_wait3A_114] : memref<4x32x80x128xi32, #tpu.memory_space<hbm>> -> memref<1x1x40x128xi32, #tpu.memory_space<hbm>>
      %dma_wait3A_116 = tpu.memref_squeeze %dma_wait3A_115 : memref<1x1x40x128xi32, #tpu.memory_space<hbm>> -> memref<40x128xi32, #tpu.memory_space<hbm>>
      tpu.wait_dma2 semaphore(%run_scoped3A_102 : memref<!tpu.dma_semaphore, #tpu.memory_space<semaphore_mem>>) src(%dma_wait3A_116 : memref<40x128xi32, #tpu.memory_space<hbm>>) dst(%arg6 : memref<40x128xi32, #tpu.memory_space<vmem>>)
      tpu.yield
    }) : () -> ()
    %scan3A_88 = arith.constant 0 : i32
    %scan3A_89 = arith.constant 0 : i32
    %scan3A_90 = arith.constant 40 : i32
    %scan3A_91 = arith.addi %scan3A_89, %scan3A_90 : i32
    %scan3A_92 = arith.constant 1 : i32
    %scan3A_93 = scf.for %scan3A_102 = %scan3A_89 to %scan3A_91 step %scan3A_92 iter_args(%scan3A_103 = %scan3A_88) -> (i32)  : i32 {
      "tpu.region"() ({
        %run_scoped3A_105 = tpu.sem_alloc : memref<!tpu.dma_semaphore, #tpu.memory_space<semaphore_mem>>
        %dma_start3A = arith.constant 0 : i32
        %dma_start3A_106 = tpu.memref_slice %arg6[%scan3A_102, %dma_start3A] : memref<40x128xi32, #tpu.memory_space<vmem>> -> memref<1x128xi32, #tpu.memory_space<vmem>>
        %dma_start3A_107 = tpu.memref_squeeze %dma_start3A_106 : memref<1x128xi32, #tpu.memory_space<vmem>> -> memref<128xi32, #tpu.memory_space<vmem>>
        %dma_start3A_108 = arith.constant 0 : i32
        %dma_start3A_109 = arith.constant 0 : i32
        %dma_start3A_110 = tpu.memref_slice %arg8[%dma_start3A_108, %dma_start3A_109] : memref<10240x128xf32, #tpu.memory_space<vmem_shared>> -> memref<10240x128xf32, #tpu.memory_space<vmem_shared>>
        tpu.enqueue_indirect_dma source(%arg7 : memref<128x128xf32, #tpu.memory_space<vmem>>) target(%dma_start3A_110 : memref<10240x128xf32, #tpu.memory_space<vmem_shared>>) offsets(%dma_start3A_107 : memref<128xi32, #tpu.memory_space<vmem>>) semaphore(%run_scoped3A_105 : memref<!tpu.dma_semaphore, #tpu.memory_space<semaphore_mem>>) {add = true}
        %dma_wait3A = arith.constant 0 : i32
        %dma_wait3A_111 = tpu.memref_slice %arg6[%scan3A_102, %dma_wait3A] : memref<40x128xi32, #tpu.memory_space<vmem>> -> memref<1x128xi32, #tpu.memory_space<vmem>>
        %dma_wait3A_112 = tpu.memref_squeeze %dma_wait3A_111 : memref<1x128xi32, #tpu.memory_space<vmem>> -> memref<128xi32, #tpu.memory_space<vmem>>
        %dma_wait3A_113 = arith.constant 0 : i32
        %dma_wait3A_114 = arith.constant 0 : i32
        %dma_wait3A_115 = tpu.memref_slice %arg8[%dma_wait3A_113, %dma_wait3A_114] : memref<10240x128xf32, #tpu.memory_space<vmem_shared>> -> memref<10240x128xf32, #tpu.memory_space<vmem_shared>>
        tpu.wait_indirect_dma semaphore(%run_scoped3A_105 : memref<!tpu.dma_semaphore, #tpu.memory_space<semaphore_mem>>) src(%arg7 : memref<128x128xf32, #tpu.memory_space<vmem>>) dst(%dma_wait3A_115 : memref<10240x128xf32, #tpu.memory_space<vmem_shared>>)
        tpu.yield
      }) : () -> ()
      %scan3A_104 = arith.constant 0 : i32
      scf.yield %scan3A_104 : i32
    }
    %scan3A_94 = arith.constant 40 : i32
    %barrier3A_95 = arith.constant 0 : index
    tpu.barrier barrier_id(%barrier3A_95)
    %mul3A_96 = arith.constant 640 : i32
    %mul3A_97 = arith.muli %arg1, %mul3A_96 : i32
    %mul3A_98 = arith.constant 640 : i32
    %mul3A_99 = arith.muli %arg1, %mul3A_98 : i32
    %run_scoped3A_100 = arith.constant 3 : i32
    "tpu.region"() ({
      %run_scoped3A_102 = tpu.sem_alloc : memref<!tpu.dma_semaphore, #tpu.memory_space<semaphore_mem>>
      %dma_start3A = arith.constant 0 : i32
      %dma_start3A_103 = tpu.memref_slice %arg5[%arg0, %run_scoped3A_100, %mul3A_99, %dma_start3A] : memref<2x4x10240x128xf32, #tpu.memory_space<hbm>> -> memref<1x1x640x128xf32, #tpu.memory_space<hbm>>
      %dma_start3A_104 = tpu.memref_squeeze %dma_start3A_103 : memref<1x1x640x128xf32, #tpu.memory_space<hbm>> -> memref<640x128xf32, #tpu.memory_space<hbm>>
      %dma_start3A_105 = arith.constant 0 : i32
      %dma_start3A_106 = tpu.memref_slice %arg8[%mul3A_97, %dma_start3A_105] : memref<10240x128xf32, #tpu.memory_space<vmem_shared>> -> memref<640x128xf32, #tpu.memory_space<vmem_shared>>
      tpu.enqueue_dma source(%dma_start3A_106 : memref<640x128xf32, #tpu.memory_space<vmem_shared>>) target(%dma_start3A_104 : memref<640x128xf32, #tpu.memory_space<hbm>>) target_semaphore(%run_scoped3A_102 : memref<!tpu.dma_semaphore, #tpu.memory_space<semaphore_mem>>)
      %dma_wait3A = arith.constant 0 : i32
      %dma_wait3A_107 = tpu.memref_slice %arg5[%arg0, %run_scoped3A_100, %mul3A_99, %dma_wait3A] : memref<2x4x10240x128xf32, #tpu.memory_space<hbm>> -> memref<1x1x640x128xf32, #tpu.memory_space<hbm>>
      %dma_wait3A_108 = tpu.memref_squeeze %dma_wait3A_107 : memref<1x1x640x128xf32, #tpu.memory_space<hbm>> -> memref<640x128xf32, #tpu.memory_space<hbm>>
      %dma_wait3A_109 = arith.constant 0 : i32
      %dma_wait3A_110 = tpu.memref_slice %arg8[%mul3A_97, %dma_wait3A_109] : memref<10240x128xf32, #tpu.memory_space<vmem_shared>> -> memref<640x128xf32, #tpu.memory_space<vmem_shared>>
      tpu.wait_dma2 semaphore(%run_scoped3A_102 : memref<!tpu.dma_semaphore, #tpu.memory_space<semaphore_mem>>) src(%dma_wait3A_110 : memref<640x128xf32, #tpu.memory_space<vmem_shared>>) dst(%dma_wait3A_108 : memref<640x128xf32, #tpu.memory_space<hbm>>)
      tpu.yield
    }) : () -> ()
    %barrier3A_101 = arith.constant 0 : index
    tpu.barrier barrier_id(%barrier3A_101)
    return
  }
}

module attributes {stable_mosaic.version = 14 : i64} {
  func.func @_u_body(%arg0: i32, %arg1: memref<1x10000x128xf32, #tpu.memory_space<vmem>>, %arg2: memref<2x1x10240x128xf32, #tpu.memory_space<vmem>>, %arg3: memref<1x10000x128xf32, #tpu.memory_space<vmem>>) attributes {dimension_semantics = [#tpu.dimension_semantics<arbitrary>], iteration_bounds = array<i64: 4>, scalar_prefetch = 0 : i64, scratch_operands = 0 : i64, tpu.core_type = #tpu.core_type<tc>, window_params = [{transform_indices = @transform_0, window_bounds = array<i64: 1, 10000, 128>}, {transform_indices = @transform_1, window_bounds = array<i64: 2, 1, 10240, 128>}, {transform_indices = @transform_2, window_bounds = array<i64: 1, 10000, 128>}]} {
    %get3A = arith.constant 0 : index
    %get3A_0 = arith.constant 0 : index
    %get3A_1 = arith.constant 0 : index
    %get3A_2 = arith.constant 0 : index
    %get3A_3 = vector.load %arg2[%get3A, %get3A_0, %get3A_1, %get3A_2] : memref<2x1x10240x128xf32, #tpu.memory_space<vmem>>, vector<1x1x10000x1xf32>
    %get3A_4 = vector.shape_cast %get3A_3 : vector<1x1x10000x1xf32> to vector<10000x1xf32>
    %get3A_5 = arith.constant 1 : index
    %get3A_6 = arith.constant 0 : index
    %get3A_7 = arith.constant 0 : index
    %get3A_8 = arith.constant 0 : index
    %get3A_9 = vector.load %arg2[%get3A_5, %get3A_6, %get3A_7, %get3A_8] : memref<2x1x10240x128xf32, #tpu.memory_space<vmem>>, vector<1x1x10000x1xf32>
    %get3A_10 = vector.shape_cast %get3A_9 : vector<1x1x10000x1xf32> to vector<10000x1xf32>
    %add3A = arith.addf %get3A_4, %get3A_10 : vector<10000x1xf32>
    %add3A_11 = arith.constant 1.000000e+00 : f32
    %add3A_12 = vector.broadcast %add3A_11 : f32 to vector<10000x1xf32>
    %add3A_13 = arith.addf %add3A, %add3A_12 : vector<10000x1xf32>
    %get3A_14 = arith.constant 0 : index
    %get3A_15 = arith.constant 0 : index
    %get3A_16 = arith.constant 0 : index
    %get3A_17 = vector.load %arg1[%get3A_14, %get3A_15, %get3A_16] : memref<1x10000x128xf32, #tpu.memory_space<vmem>>, vector<1x10000x128xf32>
    %get3A_18 = vector.shape_cast %get3A_17 : vector<1x10000x128xf32> to vector<10000x128xf32>
    %sqrt3A = math.sqrt %add3A_13 : vector<10000x1xf32>
    %div3A = arith.constant 1.000000e+00 : f32
    %div3A_19 = vector.broadcast %div3A : f32 to vector<10000x1xf32>
    %div3A_20 = arith.divf %div3A_19, %sqrt3A : vector<10000x1xf32>
    %mul3A = vector.broadcast %div3A_20 : vector<10000x1xf32> to vector<10000x128xf32>
    %mul3A_21 = arith.mulf %get3A_18, %mul3A : vector<10000x128xf32>
    %swap3A = arith.constant 0 : index
    %swap3A_22 = arith.constant 0 : index
    %swap3A_23 = arith.constant 0 : index
    %swap3A_24 = vector.load %arg3[%swap3A, %swap3A_22, %swap3A_23] : memref<1x10000x128xf32, #tpu.memory_space<vmem>>, vector<1x10000x128xf32>
    %swap3A_25 = vector.shape_cast %swap3A_24 : vector<1x10000x128xf32> to vector<10000x128xf32>
    %swap3A_26 = vector.shape_cast %mul3A_21 : vector<10000x128xf32> to vector<1x10000x128xf32>
    tpu.vector_store %arg3[%swap3A, %swap3A_22, %swap3A_23], %swap3A_26 {strides = array<i32>} : memref<1x10000x128xf32, #tpu.memory_space<vmem>>, vector<1x10000x128xf32>,
    return
  }
  func.func @transform_0(%arg0: i32) -> (i32, i32, i32) {
    %c0_i32 = arith.constant 0 : i32
    %c0_i32_0 = arith.constant 0 : i32
    %c0_i32_1 = arith.constant 0 : i32
    return %arg0, %c0_i32, %c0_i32_0 : i32, i32, i32
  }
  func.func @transform_1(%arg0: i32) -> (i32, i32, i32, i32) {
    %c0_i32 = arith.constant 0 : i32
    %c0_i32_0 = arith.constant 0 : i32
    %c0_i32_1 = arith.constant 0 : i32
    %c0_i32_2 = arith.constant 0 : i32
    return %c0_i32, %arg0, %c0_i32_0, %c0_i32_1 : i32, i32, i32, i32
  }
  func.func @transform_2(%arg0: i32) -> (i32, i32, i32) {
    %c0_i32 = arith.constant 0 : i32
    %c0_i32_0 = arith.constant 0 : i32
    %c0_i32_1 = arith.constant 0 : i32
    return %arg0, %c0_i32, %c0_i32_0 : i32, i32, i32
  }
}

module attributes {stable_mosaic.version = 14 : i64} {
  func.func @_head_body(%arg0: i32, %arg1: memref<2x4x1000x128xf32, #tpu.memory_space<vmem>>, %arg2: memref<4x1000x128xf32, #tpu.memory_space<vmem>>, %arg3: memref<2x4x1000x128xf32, #tpu.memory_space<vmem>>, %arg4: memref<4x128x64xf32, #tpu.memory_space<vmem>>, %arg5: memref<4x64xf32, #tpu.memory_space<vmem>>, %arg6: memref<64x32xf32, #tpu.memory_space<vmem>>, %arg7: memref<1x32xf32, #tpu.memory_space<vmem>>, %arg8: memref<32x16xf32, #tpu.memory_space<vmem>>, %arg9: memref<1x16xf32, #tpu.memory_space<vmem>>, %arg10: memref<16x4xf32, #tpu.memory_space<vmem>>, %arg11: memref<1x4xf32, #tpu.memory_space<vmem>>, %arg12: memref<1000x4xf32, #tpu.memory_space<vmem>>) attributes {dimension_semantics = [#tpu.dimension_semantics<arbitrary>], iteration_bounds = array<i64: 10>, scalar_prefetch = 0 : i64, scratch_operands = 0 : i64, tpu.core_type = #tpu.core_type<tc>, window_params = [{transform_indices = @transform_0, window_bounds = array<i64: 2, 4, 1000, 128>}, {transform_indices = @transform_1, window_bounds = array<i64: 4, 1000, 128>}, {transform_indices = @transform_2, window_bounds = array<i64: 2, 4, 1000, 128>}, {pipeline_mode = #tpu.pipeline_mode<synchronous>, transform_indices = @transform_3, window_bounds = array<i64: 4, 128, 64>}, {pipeline_mode = #tpu.pipeline_mode<synchronous>, transform_indices = @transform_4, window_bounds = array<i64: 4, 64>}, {pipeline_mode = #tpu.pipeline_mode<synchronous>, transform_indices = @transform_5, window_bounds = array<i64: 64, 32>}, {pipeline_mode = #tpu.pipeline_mode<synchronous>, transform_indices = @transform_6, window_bounds = array<i64: 1, 32>}, {pipeline_mode = #tpu.pipeline_mode<synchronous>, transform_indices = @transform_7, window_bounds = array<i64: 32, 16>}, {pipeline_mode = #tpu.pipeline_mode<synchronous>, transform_indices = @transform_8, window_bounds = array<i64: 1, 16>}, {pipeline_mode = #tpu.pipeline_mode<synchronous>, transform_indices = @transform_9, window_bounds = array<i64: 16, 4>}, {pipeline_mode = #tpu.pipeline_mode<synchronous>, transform_indices = @transform_10, window_bounds = array<i64: 1, 4>}, {transform_indices = @transform_11, window_bounds = array<i64: 1000, 4>}]} {
    %get3A = arith.constant 0 : index
    %get3A_0 = arith.constant 0 : index
    %get3A_1 = arith.constant 0 : index
    %get3A_2 = arith.constant 0 : index
    %get3A_3 = vector.load %arg3[%get3A, %get3A_0, %get3A_1, %get3A_2] : memref<2x4x1000x128xf32, #tpu.memory_space<vmem>>, vector<1x4x1000x1xf32>
    %get3A_4 = vector.shape_cast %get3A_3 : vector<1x4x1000x1xf32> to vector<4x1000x1xf32>
    %get3A_5 = arith.constant 1 : index
    %get3A_6 = arith.constant 0 : index
    %get3A_7 = arith.constant 0 : index
    %get3A_8 = arith.constant 0 : index
    %get3A_9 = vector.load %arg3[%get3A_5, %get3A_6, %get3A_7, %get3A_8] : memref<2x4x1000x128xf32, #tpu.memory_space<vmem>>, vector<1x4x1000x1xf32>
    %get3A_10 = vector.shape_cast %get3A_9 : vector<1x4x1000x1xf32> to vector<4x1000x1xf32>
    %add3A = arith.addf %get3A_4, %get3A_10 : vector<4x1000x1xf32>
    %add3A_11 = arith.constant 1.000000e+00 : f32
    %add3A_12 = vector.broadcast %add3A_11 : f32 to vector<4x1000x1xf32>
    %add3A_13 = arith.addf %add3A, %add3A_12 : vector<4x1000x1xf32>
    %sqrt3A = math.sqrt %add3A_13 : vector<4x1000x1xf32>
    %div3A = arith.constant 1.000000e+00 : f32
    %div3A_14 = vector.broadcast %div3A : f32 to vector<4x1000x1xf32>
    %div3A_15 = arith.divf %div3A_14, %sqrt3A : vector<4x1000x1xf32>
    %broadcast_in_dim3A = arith.constant 0.000000e+00 : f32
    %broadcast_in_dim3A_16 = vector.broadcast %broadcast_in_dim3A : f32 to vector<1000x64xf32>
    %slice3A = vector.extract_strided_slice %div3A_15 {offsets = [0, 0, 0], sizes = [1, 1000, 1], strides = [1, 1, 1]} : vector<4x1000x1xf32> to vector<1x1000x1xf32>
    %squeeze3A = vector.shape_cast %slice3A : vector<1x1000x1xf32> to vector<1000x1xf32>
    %get3A_17 = arith.constant 0 : index
    %get3A_18 = arith.constant 0 : index
    %get3A_19 = arith.constant 0 : index
    %get3A_20 = arith.constant 0 : index
    %get3A_21 = vector.load %arg1[%get3A_17, %get3A_18, %get3A_19, %get3A_20] : memref<2x4x1000x128xf32, #tpu.memory_space<vmem>>, vector<1x1x1000x128xf32>
    %get3A_22 = vector.shape_cast %get3A_21 : vector<1x1x1000x128xf32> to vector<1000x128xf32>
    %get3A_23 = arith.constant 1 : index
    %get3A_24 = arith.constant 0 : index
    %get3A_25 = arith.constant 0 : index
    %get3A_26 = arith.constant 0 : index
    %get3A_27 = vector.load %arg1[%get3A_23, %get3A_24, %get3A_25, %get3A_26] : memref<2x4x1000x128xf32, #tpu.memory_space<vmem>>, vector<1x1x1000x128xf32>
    %get3A_28 = vector.shape_cast %get3A_27 : vector<1x1x1000x128xf32> to vector<1000x128xf32>
    %add3A_29 = arith.addf %get3A_22, %get3A_28 : vector<1000x128xf32>
    %mul3A = vector.broadcast %squeeze3A : vector<1000x1xf32> to vector<1000x128xf32>
    %mul3A_30 = arith.mulf %mul3A, %add3A_29 : vector<1000x128xf32>
    %slice3A_31 = vector.extract_strided_slice %div3A_15 {offsets = [0, 0, 0], sizes = [1, 1000, 1], strides = [1, 1, 1]} : vector<4x1000x1xf32> to vector<1x1000x1xf32>
    %squeeze3A_32 = vector.shape_cast %slice3A_31 : vector<1x1000x1xf32> to vector<1000x1xf32>
    %slice3A_33 = vector.extract_strided_slice %div3A_15 {offsets = [0, 0, 0], sizes = [1, 1000, 1], strides = [1, 1, 1]} : vector<4x1000x1xf32> to vector<1x1000x1xf32>
    %squeeze3A_34 = vector.shape_cast %slice3A_33 : vector<1x1000x1xf32> to vector<1000x1xf32>
    %mul3A_35 = arith.mulf %squeeze3A_32, %squeeze3A_34 : vector<1000x1xf32>
    %get3A_36 = arith.constant 0 : index
    %get3A_37 = arith.constant 0 : index
    %get3A_38 = arith.constant 0 : index
    %get3A_39 = vector.load %arg2[%get3A_36, %get3A_37, %get3A_38] : memref<4x1000x128xf32, #tpu.memory_space<vmem>>, vector<1x1000x128xf32>
    %get3A_40 = vector.shape_cast %get3A_39 : vector<1x1000x128xf32> to vector<1000x128xf32>
    %mul3A_41 = vector.broadcast %mul3A_35 : vector<1000x1xf32> to vector<1000x128xf32>
    %mul3A_42 = arith.mulf %mul3A_41, %get3A_40 : vector<1000x128xf32>
    %add3A_43 = arith.addf %mul3A_30, %mul3A_42 : vector<1000x128xf32>
    %get3A_44 = arith.constant 0 : index
    %get3A_45 = arith.constant 0 : index
    %get3A_46 = arith.constant 0 : index
    %get3A_47 = vector.load %arg4[%get3A_44, %get3A_45, %get3A_46] : memref<4x128x64xf32, #tpu.memory_space<vmem>>, vector<1x128x64xf32>
    %get3A_48 = vector.shape_cast %get3A_47 : vector<1x128x64xf32> to vector<128x64xf32>
    %dot_general3A = arith.constant dense<0.000000e+00> : vector<1000x64xf32>
    %dot_general3A_49 = tpu.matmul %add3A_43, %get3A_48, %dot_general3A {dimension_numbers = #tpu.dot_dimension_numbers<[1], [0], [0], [1], [0, 0, 1, 1], [], []>, transpose_lhs_hint = false} : vector<1000x128xf32>, vector<128x64xf32>, vector<1000x64xf32> -> vector<1000x64xf32>
    %get3A_50 = arith.constant 0 : index
    %get3A_51 = arith.constant 0 : index
    %get3A_52 = vector.load %arg5[%get3A_50, %get3A_51] : memref<4x64xf32, #tpu.memory_space<vmem>>, vector<1x64xf32>
    %get3A_53 = vector.shape_cast %get3A_52 : vector<1x64xf32> to vector<64xf32>
    %broadcast_in_dim3A_54 = vector.shape_cast %get3A_53 : vector<64xf32> to vector<1x64xf32>
    %add3A_55 = vector.broadcast %broadcast_in_dim3A_54 : vector<1x64xf32> to vector<1000x64xf32>
    %add3A_56 = arith.addf %dot_general3A_49, %add3A_55 : vector<1000x64xf32>
    %max3A = arith.constant 0.000000e+00 : f32
    %max3A_57 = vector.broadcast %max3A : f32 to vector<1000x64xf32>
    %max3A_58 = arith.maximumf %add3A_56, %max3A_57 : vector<1000x64xf32>
    %add3A_59 = arith.addf %broadcast_in_dim3A_16, %max3A_58 : vector<1000x64xf32>
    %slice3A_60 = vector.extract_strided_slice %div3A_15 {offsets = [1, 0, 0], sizes = [1, 1000, 1], strides = [1, 1, 1]} : vector<4x1000x1xf32> to vector<1x1000x1xf32>
    %squeeze3A_61 = vector.shape_cast %slice3A_60 : vector<1x1000x1xf32> to vector<1000x1xf32>
    %get3A_62 = arith.constant 0 : index
    %get3A_63 = arith.constant 1 : index
    %get3A_64 = arith.constant 0 : index
    %get3A_65 = arith.constant 0 : index
    %get3A_66 = vector.load %arg1[%get3A_62, %get3A_63, %get3A_64, %get3A_65] : memref<2x4x1000x128xf32, #tpu.memory_space<vmem>>, vector<1x1x1000x128xf32>
    %get3A_67 = vector.shape_cast %get3A_66 : vector<1x1x1000x128xf32> to vector<1000x128xf32>
    %get3A_68 = arith.constant 1 : index
    %get3A_69 = arith.constant 1 : index
    %get3A_70 = arith.constant 0 : index
    %get3A_71 = arith.constant 0 : index
    %get3A_72 = vector.load %arg1[%get3A_68, %get3A_69, %get3A_70, %get3A_71] : memref<2x4x1000x128xf32, #tpu.memory_space<vmem>>, vector<1x1x1000x128xf32>
    %get3A_73 = vector.shape_cast %get3A_72 : vector<1x1x1000x128xf32> to vector<1000x128xf32>
    %add3A_74 = arith.addf %get3A_67, %get3A_73 : vector<1000x128xf32>
    %mul3A_75 = vector.broadcast %squeeze3A_61 : vector<1000x1xf32> to vector<1000x128xf32>
    %mul3A_76 = arith.mulf %mul3A_75, %add3A_74 : vector<1000x128xf32>
    %slice3A_77 = vector.extract_strided_slice %div3A_15 {offsets = [1, 0, 0], sizes = [1, 1000, 1], strides = [1, 1, 1]} : vector<4x1000x1xf32> to vector<1x1000x1xf32>
    %squeeze3A_78 = vector.shape_cast %slice3A_77 : vector<1x1000x1xf32> to vector<1000x1xf32>
    %slice3A_79 = vector.extract_strided_slice %div3A_15 {offsets = [1, 0, 0], sizes = [1, 1000, 1], strides = [1, 1, 1]} : vector<4x1000x1xf32> to vector<1x1000x1xf32>
    %squeeze3A_80 = vector.shape_cast %slice3A_79 : vector<1x1000x1xf32> to vector<1000x1xf32>
    %mul3A_81 = arith.mulf %squeeze3A_78, %squeeze3A_80 : vector<1000x1xf32>
    %get3A_82 = arith.constant 1 : index
    %get3A_83 = arith.constant 0 : index
    %get3A_84 = arith.constant 0 : index
    %get3A_85 = vector.load %arg2[%get3A_82, %get3A_83, %get3A_84] : memref<4x1000x128xf32, #tpu.memory_space<vmem>>, vector<1x1000x128xf32>
    %get3A_86 = vector.shape_cast %get3A_85 : vector<1x1000x128xf32> to vector<1000x128xf32>
    %mul3A_87 = vector.broadcast %mul3A_81 : vector<1000x1xf32> to vector<1000x128xf32>
    %mul3A_88 = arith.mulf %mul3A_87, %get3A_86 : vector<1000x128xf32>
    %add3A_89 = arith.addf %mul3A_76, %mul3A_88 : vector<1000x128xf32>
    %get3A_90 = arith.constant 1 : index
    %get3A_91 = arith.constant 0 : index
    %get3A_92 = arith.constant 0 : index
    %get3A_93 = vector.load %arg4[%get3A_90, %get3A_91, %get3A_92] : memref<4x128x64xf32, #tpu.memory_space<vmem>>, vector<1x128x64xf32>
    %get3A_94 = vector.shape_cast %get3A_93 : vector<1x128x64xf32> to vector<128x64xf32>
    %dot_general3A_95 = arith.constant dense<0.000000e+00> : vector<1000x64xf32>
    %dot_general3A_96 = tpu.matmul %add3A_89, %get3A_94, %dot_general3A_95 {dimension_numbers = #tpu.dot_dimension_numbers<[1], [0], [0], [1], [0, 0, 1, 1], [], []>, transpose_lhs_hint = false} : vector<1000x128xf32>, vector<128x64xf32>, vector<1000x64xf32> -> vector<1000x64xf32>
    %get3A_97 = arith.constant 1 : index
    %get3A_98 = arith.constant 0 : index
    %get3A_99 = vector.load %arg5[%get3A_97, %get3A_98] : memref<4x64xf32, #tpu.memory_space<vmem>>, vector<1x64xf32>
    %get3A_100 = vector.shape_cast %get3A_99 : vector<1x64xf32> to vector<64xf32>
    %broadcast_in_dim3A_101 = vector.shape_cast %get3A_100 : vector<64xf32> to vector<1x64xf32>
    %add3A_102 = vector.broadcast %broadcast_in_dim3A_101 : vector<1x64xf32> to vector<1000x64xf32>
    %add3A_103 = arith.addf %dot_general3A_96, %add3A_102 : vector<1000x64xf32>
    %max3A_104 = arith.constant 0.000000e+00 : f32
    %max3A_105 = vector.broadcast %max3A_104 : f32 to vector<1000x64xf32>
    %max3A_106 = arith.maximumf %add3A_103, %max3A_105 : vector<1000x64xf32>
    %add3A_107 = arith.addf %add3A_59, %max3A_106 : vector<1000x64xf32>
    %slice3A_108 = vector.extract_strided_slice %div3A_15 {offsets = [2, 0, 0], sizes = [1, 1000, 1], strides = [1, 1, 1]} : vector<4x1000x1xf32> to vector<1x1000x1xf32>
    %squeeze3A_109 = vector.shape_cast %slice3A_108 : vector<1x1000x1xf32> to vector<1000x1xf32>
    %get3A_110 = arith.constant 0 : index
    %get3A_111 = arith.constant 2 : index
    %get3A_112 = arith.constant 0 : index
    %get3A_113 = arith.constant 0 : index
    %get3A_114 = vector.load %arg1[%get3A_110, %get3A_111, %get3A_112, %get3A_113] : memref<2x4x1000x128xf32, #tpu.memory_space<vmem>>, vector<1x1x1000x128xf32>
    %get3A_115 = vector.shape_cast %get3A_114 : vector<1x1x1000x128xf32> to vector<1000x128xf32>
    %get3A_116 = arith.constant 1 : index
    %get3A_117 = arith.constant 2 : index
    %get3A_118 = arith.constant 0 : index
    %get3A_119 = arith.constant 0 : index
    %get3A_120 = vector.load %arg1[%get3A_116, %get3A_117, %get3A_118, %get3A_119] : memref<2x4x1000x128xf32, #tpu.memory_space<vmem>>, vector<1x1x1000x128xf32>
    %get3A_121 = vector.shape_cast %get3A_120 : vector<1x1x1000x128xf32> to vector<1000x128xf32>
    %add3A_122 = arith.addf %get3A_115, %get3A_121 : vector<1000x128xf32>
    %mul3A_123 = vector.broadcast %squeeze3A_109 : vector<1000x1xf32> to vector<1000x128xf32>
    %mul3A_124 = arith.mulf %mul3A_123, %add3A_122 : vector<1000x128xf32>
    %slice3A_125 = vector.extract_strided_slice %div3A_15 {offsets = [2, 0, 0], sizes = [1, 1000, 1], strides = [1, 1, 1]} : vector<4x1000x1xf32> to vector<1x1000x1xf32>
    %squeeze3A_126 = vector.shape_cast %slice3A_125 : vector<1x1000x1xf32> to vector<1000x1xf32>
    %slice3A_127 = vector.extract_strided_slice %div3A_15 {offsets = [2, 0, 0], sizes = [1, 1000, 1], strides = [1, 1, 1]} : vector<4x1000x1xf32> to vector<1x1000x1xf32>
    %squeeze3A_128 = vector.shape_cast %slice3A_127 : vector<1x1000x1xf32> to vector<1000x1xf32>
    %mul3A_129 = arith.mulf %squeeze3A_126, %squeeze3A_128 : vector<1000x1xf32>
    %get3A_130 = arith.constant 2 : index
    %get3A_131 = arith.constant 0 : index
    %get3A_132 = arith.constant 0 : index
    %get3A_133 = vector.load %arg2[%get3A_130, %get3A_131, %get3A_132] : memref<4x1000x128xf32, #tpu.memory_space<vmem>>, vector<1x1000x128xf32>
    %get3A_134 = vector.shape_cast %get3A_133 : vector<1x1000x128xf32> to vector<1000x128xf32>
    %mul3A_135 = vector.broadcast %mul3A_129 : vector<1000x1xf32> to vector<1000x128xf32>
    %mul3A_136 = arith.mulf %mul3A_135, %get3A_134 : vector<1000x128xf32>
    %add3A_137 = arith.addf %mul3A_124, %mul3A_136 : vector<1000x128xf32>
    %get3A_138 = arith.constant 2 : index
    %get3A_139 = arith.constant 0 : index
    %get3A_140 = arith.constant 0 : index
    %get3A_141 = vector.load %arg4[%get3A_138, %get3A_139, %get3A_140] : memref<4x128x64xf32, #tpu.memory_space<vmem>>, vector<1x128x64xf32>
    %get3A_142 = vector.shape_cast %get3A_141 : vector<1x128x64xf32> to vector<128x64xf32>
    %dot_general3A_143 = arith.constant dense<0.000000e+00> : vector<1000x64xf32>
    %dot_general3A_144 = tpu.matmul %add3A_137, %get3A_142, %dot_general3A_143 {dimension_numbers = #tpu.dot_dimension_numbers<[1], [0], [0], [1], [0, 0, 1, 1], [], []>, transpose_lhs_hint = false} : vector<1000x128xf32>, vector<128x64xf32>, vector<1000x64xf32> -> vector<1000x64xf32>
    %get3A_145 = arith.constant 2 : index
    %get3A_146 = arith.constant 0 : index
    %get3A_147 = vector.load %arg5[%get3A_145, %get3A_146] : memref<4x64xf32, #tpu.memory_space<vmem>>, vector<1x64xf32>
    %get3A_148 = vector.shape_cast %get3A_147 : vector<1x64xf32> to vector<64xf32>
    %broadcast_in_dim3A_149 = vector.shape_cast %get3A_148 : vector<64xf32> to vector<1x64xf32>
    %add3A_150 = vector.broadcast %broadcast_in_dim3A_149 : vector<1x64xf32> to vector<1000x64xf32>
    %add3A_151 = arith.addf %dot_general3A_144, %add3A_150 : vector<1000x64xf32>
    %max3A_152 = arith.constant 0.000000e+00 : f32
    %max3A_153 = vector.broadcast %max3A_152 : f32 to vector<1000x64xf32>
    %max3A_154 = arith.maximumf %add3A_151, %max3A_153 : vector<1000x64xf32>
    %add3A_155 = arith.addf %add3A_107, %max3A_154 : vector<1000x64xf32>
    %slice3A_156 = vector.extract_strided_slice %div3A_15 {offsets = [3, 0, 0], sizes = [1, 1000, 1], strides = [1, 1, 1]} : vector<4x1000x1xf32> to vector<1x1000x1xf32>
    %squeeze3A_157 = vector.shape_cast %slice3A_156 : vector<1x1000x1xf32> to vector<1000x1xf32>
    %get3A_158 = arith.constant 0 : index
    %get3A_159 = arith.constant 3 : index
    %get3A_160 = arith.constant 0 : index
    %get3A_161 = arith.constant 0 : index
    %get3A_162 = vector.load %arg1[%get3A_158, %get3A_159, %get3A_160, %get3A_161] : memref<2x4x1000x128xf32, #tpu.memory_space<vmem>>, vector<1x1x1000x128xf32>
    %get3A_163 = vector.shape_cast %get3A_162 : vector<1x1x1000x128xf32> to vector<1000x128xf32>
    %get3A_164 = arith.constant 1 : index
    %get3A_165 = arith.constant 3 : index
    %get3A_166 = arith.constant 0 : index
    %get3A_167 = arith.constant 0 : index
    %get3A_168 = vector.load %arg1[%get3A_164, %get3A_165, %get3A_166, %get3A_167] : memref<2x4x1000x128xf32, #tpu.memory_space<vmem>>, vector<1x1x1000x128xf32>
    %get3A_169 = vector.shape_cast %get3A_168 : vector<1x1x1000x128xf32> to vector<1000x128xf32>
    %add3A_170 = arith.addf %get3A_163, %get3A_169 : vector<1000x128xf32>
    %mul3A_171 = vector.broadcast %squeeze3A_157 : vector<1000x1xf32> to vector<1000x128xf32>
    %mul3A_172 = arith.mulf %mul3A_171, %add3A_170 : vector<1000x128xf32>
    %slice3A_173 = vector.extract_strided_slice %div3A_15 {offsets = [3, 0, 0], sizes = [1, 1000, 1], strides = [1, 1, 1]} : vector<4x1000x1xf32> to vector<1x1000x1xf32>
    %squeeze3A_174 = vector.shape_cast %slice3A_173 : vector<1x1000x1xf32> to vector<1000x1xf32>
    %slice3A_175 = vector.extract_strided_slice %div3A_15 {offsets = [3, 0, 0], sizes = [1, 1000, 1], strides = [1, 1, 1]} : vector<4x1000x1xf32> to vector<1x1000x1xf32>
    %squeeze3A_176 = vector.shape_cast %slice3A_175 : vector<1x1000x1xf32> to vector<1000x1xf32>
    %mul3A_177 = arith.mulf %squeeze3A_174, %squeeze3A_176 : vector<1000x1xf32>
    %get3A_178 = arith.constant 3 : index
    %get3A_179 = arith.constant 0 : index
    %get3A_180 = arith.constant 0 : index
    %get3A_181 = vector.load %arg2[%get3A_178, %get3A_179, %get3A_180] : memref<4x1000x128xf32, #tpu.memory_space<vmem>>, vector<1x1000x128xf32>
    %get3A_182 = vector.shape_cast %get3A_181 : vector<1x1000x128xf32> to vector<1000x128xf32>
    %mul3A_183 = vector.broadcast %mul3A_177 : vector<1000x1xf32> to vector<1000x128xf32>
    %mul3A_184 = arith.mulf %mul3A_183, %get3A_182 : vector<1000x128xf32>
    %add3A_185 = arith.addf %mul3A_172, %mul3A_184 : vector<1000x128xf32>
    %get3A_186 = arith.constant 3 : index
    %get3A_187 = arith.constant 0 : index
    %get3A_188 = arith.constant 0 : index
    %get3A_189 = vector.load %arg4[%get3A_186, %get3A_187, %get3A_188] : memref<4x128x64xf32, #tpu.memory_space<vmem>>, vector<1x128x64xf32>
    %get3A_190 = vector.shape_cast %get3A_189 : vector<1x128x64xf32> to vector<128x64xf32>
    %dot_general3A_191 = arith.constant dense<0.000000e+00> : vector<1000x64xf32>
    %dot_general3A_192 = tpu.matmul %add3A_185, %get3A_190, %dot_general3A_191 {dimension_numbers = #tpu.dot_dimension_numbers<[1], [0], [0], [1], [0, 0, 1, 1], [], []>, transpose_lhs_hint = false} : vector<1000x128xf32>, vector<128x64xf32>, vector<1000x64xf32> -> vector<1000x64xf32>
    %get3A_193 = arith.constant 3 : index
    %get3A_194 = arith.constant 0 : index
    %get3A_195 = vector.load %arg5[%get3A_193, %get3A_194] : memref<4x64xf32, #tpu.memory_space<vmem>>, vector<1x64xf32>
    %get3A_196 = vector.shape_cast %get3A_195 : vector<1x64xf32> to vector<64xf32>
    %broadcast_in_dim3A_197 = vector.shape_cast %get3A_196 : vector<64xf32> to vector<1x64xf32>
    %add3A_198 = vector.broadcast %broadcast_in_dim3A_197 : vector<1x64xf32> to vector<1000x64xf32>
    %add3A_199 = arith.addf %dot_general3A_192, %add3A_198 : vector<1000x64xf32>
    %max3A_200 = arith.constant 0.000000e+00 : f32
    %max3A_201 = vector.broadcast %max3A_200 : f32 to vector<1000x64xf32>
    %max3A_202 = arith.maximumf %add3A_199, %max3A_201 : vector<1000x64xf32>
    %add3A_203 = arith.addf %add3A_155, %max3A_202 : vector<1000x64xf32>
    %max3A_204 = arith.constant 0.000000e+00 : f32
    %max3A_205 = vector.broadcast %max3A_204 : f32 to vector<1000x64xf32>
    %max3A_206 = arith.maximumf %add3A_203, %max3A_205 : vector<1000x64xf32>
    %get3A_207 = arith.constant 0 : index
    %get3A_208 = arith.constant 0 : index
    %get3A_209 = vector.load %arg6[%get3A_207, %get3A_208] : memref<64x32xf32, #tpu.memory_space<vmem>>, vector<64x32xf32>
    %dot_general3A_210 = arith.constant dense<0.000000e+00> : vector<1000x32xf32>
    %dot_general3A_211 = tpu.matmul %max3A_206, %get3A_209, %dot_general3A_210 {dimension_numbers = #tpu.dot_dimension_numbers<[1], [0], [0], [1], [0, 0, 1, 1], [], []>, transpose_lhs_hint = false} : vector<1000x64xf32>, vector<64x32xf32>, vector<1000x32xf32> -> vector<1000x32xf32>
    %get3A_212 = arith.constant 0 : index
    %get3A_213 = arith.constant 0 : index
    %get3A_214 = vector.load %arg7[%get3A_212, %get3A_213] : memref<1x32xf32, #tpu.memory_space<vmem>>, vector<1x32xf32>
    %get3A_215 = vector.shape_cast %get3A_214 : vector<1x32xf32> to vector<32xf32>
    %broadcast_in_dim3A_216 = vector.shape_cast %get3A_215 : vector<32xf32> to vector<1x32xf32>
    %add3A_217 = vector.broadcast %broadcast_in_dim3A_216 : vector<1x32xf32> to vector<1000x32xf32>
    %add3A_218 = arith.addf %dot_general3A_211, %add3A_217 : vector<1000x32xf32>
    %max3A_219 = arith.constant 0.000000e+00 : f32
    %max3A_220 = vector.broadcast %max3A_219 : f32 to vector<1000x32xf32>
    %max3A_221 = arith.maximumf %add3A_218, %max3A_220 : vector<1000x32xf32>
    %get3A_222 = arith.constant 0 : index
    %get3A_223 = arith.constant 0 : index
    %get3A_224 = vector.load %arg8[%get3A_222, %get3A_223] : memref<32x16xf32, #tpu.memory_space<vmem>>, vector<32x16xf32>
    %dot_general3A_225 = arith.constant dense<0.000000e+00> : vector<1000x16xf32>
    %dot_general3A_226 = tpu.matmul %max3A_221, %get3A_224, %dot_general3A_225 {dimension_numbers = #tpu.dot_dimension_numbers<[1], [0], [0], [1], [0, 0, 1, 1], [], []>, transpose_lhs_hint = false} : vector<1000x32xf32>, vector<32x16xf32>, vector<1000x16xf32> -> vector<1000x16xf32>
    %get3A_227 = arith.constant 0 : index
    %get3A_228 = arith.constant 0 : index
    %get3A_229 = vector.load %arg9[%get3A_227, %get3A_228] : memref<1x16xf32, #tpu.memory_space<vmem>>, vector<1x16xf32>
    %get3A_230 = vector.shape_cast %get3A_229 : vector<1x16xf32> to vector<16xf32>
    %broadcast_in_dim3A_231 = vector.shape_cast %get3A_230 : vector<16xf32> to vector<1x16xf32>
    %add3A_232 = vector.broadcast %broadcast_in_dim3A_231 : vector<1x16xf32> to vector<1000x16xf32>
    %add3A_233 = arith.addf %dot_general3A_226, %add3A_232 : vector<1000x16xf32>
    %max3A_234 = arith.constant 0.000000e+00 : f32
    %max3A_235 = vector.broadcast %max3A_234 : f32 to vector<1000x16xf32>
    %max3A_236 = arith.maximumf %add3A_233, %max3A_235 : vector<1000x16xf32>
    %get3A_237 = arith.constant 0 : index
    %get3A_238 = arith.constant 0 : index
    %get3A_239 = vector.load %arg10[%get3A_237, %get3A_238] : memref<16x4xf32, #tpu.memory_space<vmem>>, vector<16x4xf32>
    %dot_general3A_240 = arith.constant dense<0.000000e+00> : vector<1000x4xf32>
    %dot_general3A_241 = tpu.matmul %max3A_236, %get3A_239, %dot_general3A_240 {dimension_numbers = #tpu.dot_dimension_numbers<[1], [0], [0], [1], [0, 0, 1, 1], [], []>, transpose_lhs_hint = false} : vector<1000x16xf32>, vector<16x4xf32>, vector<1000x4xf32> -> vector<1000x4xf32>
    %get3A_242 = arith.constant 0 : index
    %get3A_243 = arith.constant 0 : index
    %get3A_244 = vector.load %arg11[%get3A_242, %get3A_243] : memref<1x4xf32, #tpu.memory_space<vmem>>, vector<1x4xf32>
    %get3A_245 = vector.shape_cast %get3A_244 : vector<1x4xf32> to vector<4xf32>
    %broadcast_in_dim3A_246 = vector.shape_cast %get3A_245 : vector<4xf32> to vector<1x4xf32>
    %add3A_247 = vector.broadcast %broadcast_in_dim3A_246 : vector<1x4xf32> to vector<1000x4xf32>
    %add3A_248 = arith.addf %dot_general3A_241, %add3A_247 : vector<1000x4xf32>
    %reduce_max3A = arith.constant dense<0xFF800000> : vector<1000xf32>
    %reduce_max3A_249 = vector.multi_reduction <maximumf>, %add3A_248, %reduce_max3A [1] : vector<1000x4xf32> to vector<1000xf32>
    %broadcast_in_dim3A_250 = vector.shape_cast %reduce_max3A_249 : vector<1000xf32> to vector<1000x1xf32>
    %sub3A = vector.broadcast %broadcast_in_dim3A_250 : vector<1000x1xf32> to vector<1000x4xf32>
    %sub3A_251 = arith.subf %add3A_248, %sub3A : vector<1000x4xf32>
    %exp3A = math.exp %sub3A_251 : vector<1000x4xf32>
    %reduce_sum3A = arith.constant dense<0.000000e+00> : vector<1000xf32>
    %reduce_sum3A_252 = vector.multi_reduction <add>, %exp3A, %reduce_sum3A [1] : vector<1000x4xf32> to vector<1000xf32>
    %broadcast_in_dim3A_253 = vector.shape_cast %reduce_sum3A_252 : vector<1000xf32> to vector<1000x1xf32>
    %log3A = math.log %broadcast_in_dim3A_253 : vector<1000x1xf32>
    %add3A_254 = arith.addf %broadcast_in_dim3A_250, %log3A : vector<1000x1xf32>
    %sub3A_255 = vector.broadcast %add3A_254 : vector<1000x1xf32> to vector<1000x4xf32>
    %sub3A_256 = arith.subf %add3A_248, %sub3A_255 : vector<1000x4xf32>
    %swap3A = arith.constant 0 : index
    %swap3A_257 = arith.constant 0 : index
    %swap3A_258 = vector.load %arg12[%swap3A, %swap3A_257] : memref<1000x4xf32, #tpu.memory_space<vmem>>, vector<1000x4xf32>
    tpu.vector_store %arg12[%swap3A, %swap3A_257], %sub3A_256 {strides = array<i32>} : memref<1000x4xf32, #tpu.memory_space<vmem>>, vector<1000x4xf32>,
    return
  }
  func.func @transform_0(%arg0: i32) -> (i32, i32, i32, i32) {
    %c0_i32 = arith.constant 0 : i32
    %c0_i32_0 = arith.constant 0 : i32
    %c0_i32_1 = arith.constant 0 : i32
    %c0_i32_2 = arith.constant 0 : i32
    return %c0_i32, %c0_i32_0, %arg0, %c0_i32_1 : i32, i32, i32, i32
  }
  func.func @transform_1(%arg0: i32) -> (i32, i32, i32) {
    %c0_i32 = arith.constant 0 : i32
    %c0_i32_0 = arith.constant 0 : i32
    %c0_i32_1 = arith.constant 0 : i32
    return %c0_i32, %arg0, %c0_i32_0 : i32, i32, i32
  }
  func.func @transform_2(%arg0: i32) -> (i32, i32, i32, i32) {
    %c0_i32 = arith.constant 0 : i32
    %c0_i32_0 = arith.constant 0 : i32
    %c0_i32_1 = arith.constant 0 : i32
    %c0_i32_2 = arith.constant 0 : i32
    return %c0_i32, %c0_i32_0, %arg0, %c0_i32_1 : i32, i32, i32, i32
  }
  func.func @transform_3(%arg0: i32) -> (i32, i32, i32) {
    %c0_i32 = arith.constant 0 : i32
    %c0_i32_0 = arith.constant 0 : i32
    %c0_i32_1 = arith.constant 0 : i32
    %c0_i32_2 = arith.constant 0 : i32
    return %c0_i32, %c0_i32_0, %c0_i32_1 : i32, i32, i32
  }
  func.func @transform_4(%arg0: i32) -> (i32, i32) {
    %c0_i32 = arith.constant 0 : i32
    %c0_i32_0 = arith.constant 0 : i32
    %c0_i32_1 = arith.constant 0 : i32
    return %c0_i32, %c0_i32_0 : i32, i32
  }
  func.func @transform_5(%arg0: i32) -> (i32, i32) {
    %c0_i32 = arith.constant 0 : i32
    %c0_i32_0 = arith.constant 0 : i32
    %c0_i32_1 = arith.constant 0 : i32
    return %c0_i32, %c0_i32_0 : i32, i32
  }
  func.func @transform_6(%arg0: i32) -> (i32, i32) {
    %c0_i32 = arith.constant 0 : i32
    %c0_i32_0 = arith.constant 0 : i32
    %c0_i32_1 = arith.constant 0 : i32
    return %c0_i32, %c0_i32_0 : i32, i32
  }
  func.func @transform_7(%arg0: i32) -> (i32, i32) {
    %c0_i32 = arith.constant 0 : i32
    %c0_i32_0 = arith.constant 0 : i32
    %c0_i32_1 = arith.constant 0 : i32
    return %c0_i32, %c0_i32_0 : i32, i32
  }
  func.func @transform_8(%arg0: i32) -> (i32, i32) {
    %c0_i32 = arith.constant 0 : i32
    %c0_i32_0 = arith.constant 0 : i32
    %c0_i32_1 = arith.constant 0 : i32
    return %c0_i32, %c0_i32_0 : i32, i32
  }
  func.func @transform_9(%arg0: i32) -> (i32, i32) {
    %c0_i32 = arith.constant 0 : i32
    %c0_i32_0 = arith.constant 0 : i32
    %c0_i32_1 = arith.constant 0 : i32
    return %c0_i32, %c0_i32_0 : i32, i32
  }
  func.func @transform_10(%arg0: i32) -> (i32, i32) {
    %c0_i32 = arith.constant 0 : i32
    %c0_i32_0 = arith.constant 0 : i32
    %c0_i32_1 = arith.constant 0 : i32
    return %c0_i32, %c0_i32_0 : i32, i32
  }
  func.func @transform_11(%arg0: i32) -> (i32, i32) {
    %c0_i32 = arith.constant 0 : i32
    %c0_i32_0 = arith.constant 0 : i32
    return %arg0, %c0_i32 : i32, i32
  }
}

</mosaic_0001>

<sc_bundles>
// kernel: kernel.6.cloned.1.call-start
scs
__scs_entry_jumppad:
0x0: {  	(pc) =	sbr.rel $0x88, $3  }
0x1: {  	(tag) =	ssettag $0x0;
	lr =	simm.s32 $0x1  }
0x2: {  	[smem:$0x3F97] =	sst lr;
	_ =	strace $0xD0000000  }
0x3: {  	_ = 	snop  }
0x4: {  	_ = 	snop  }
0x5: {  	_ = 	snop  }
0x6: {  	_ = 	snop  }
0x7: {  	_ = 	snop  }
__scs_overlays_trampoline_lowered:
0x8: {  	[smem:$0x3FA6] =	sst s0  }
0x9: {  	[smem:$0x3FA7] =	sst s1  }
0xa: {  	[smem:$0x3FA8] =	sst s2  }
0xb: {  	[smem:$0x3FA9] =	sst s3  }
0xc: {  	[smem:$0x3FAA] =	sst s4  }
0xd: {  	[smem:$0x3FAB] =	sst s5  }
0xe: {  	[smem:$0x3FAC] =	sst s6  }
0xf: {  	[smem:$0x3FAD] =	sst s7  }
0x10: {  	[smem:$0x3FAE] =	sst s8  }
0x11: {  	[smem:$0x3FAF] =	sst s9;
	s0 =	simm.s32 @!p0 $0x0  }
0x12: {  	s1 =	sld [smem:$0x3F95];
	s0 =	simm.s32 @p0 $0x1  }
0x13: {  	[smem:$0x3FB0] =	sst s0;
	s0 =	simm.s32 @!p1 $0x0  }
0x14: {  	s2 =	sld [smem:$0x3F94];
	s0 =	simm.s32 @p1 $0x1  }
0x15: {  	[smem:$0x3FB1] =	sst s0;
	s0 =	simm.s32 @!p2 $0x0  }
0x16: {  	s3 =	sld [smem:$0x3FDB];
	s0 =	simm.s32 @p2 $0x1  }
0x17: {  	s4 =	simm.s32 $0x1BF5;
	[smem:$0x3FB3] =	sst s0  }
0x18: {  	s0 =	sld [smem:$0x3F96];
	_ =	swait.ge [sflag:s4], $0x0  }
0x19: {  	s7 =	sld [smem:$0x3F97]  }
0x1a: {  	s8 =	sadd.s32 $0xFFFFE003, lr  }
0x1b: {  	s9 =	sadd.s32 $0xFFFFFEF7, lr;
	s5 =	simm.s32 $0xFFFFFFFF;
	p2 =	slt.u32 s8, $0xFFFFF086  }
0x1c: {  	p1 =	slt.u32 s9, $0xF7A;
	s5 =	simm.s32 @!p2 $0x0  }
0x1d: {  	s5 =	simm.s32 @p1 $0x1;
	p0 =	seq.s32 s7, s2  }
0x1e: {  	s7 =	smul.u32 @!p0 $0xF7A, s2;
	p2 =	seq.s32 @!p0 s5, $0x0  }
0x1f: {  	s9 =	smul.u32 $0xF7A, s1;
	s8 =	simm.s32 @!p0 $0x1BF5;
	p2 =	por !p2, p0  }
0x20: {  	[sflag:s8] =	ssyncset.s32 @!p0 $0xFFFFF086;
	s6 =	sadd.s32 @!p0 s3, s7;
	s7 =	simm.s32 @!p0 $0x108  }
0x21: {  	s3 =	sadd.s32 s3, s9;
	s6 =	sadd.s32 @!p0 $0x88, s6;
	s7 =	simm.s32 @p2 $0x1082  }
0x22: {  	[simem:s7], [sflag:s8] =	dma.local @!p0 [hbm:s6], $0xF7A  }
0x23: {  	s9 =	sor.u32 $0xD0000000, s2;
	s6 =	simm.s32 $0x108;
	_ =	swait.ge @!p0 [sflag:s8], $0x0  }
0x24: {  	s3 =	sadd.s32 $0x88, s3;
	s6 =	simm.s32 @!p1 $0x1082;
	[sflag:s4] =	ssyncset.s32 $0xFFFFF086  }
0x25: {  	[simem:s6], [sflag:s4] =	dma.local [hbm:s3], $0xF7A  }
0x26: {  	[smem:$0x3F97] =	sst s1;
	(tag) =	ssettag s2;
	_ =	strace s9  }
0x27: {  	s1 =	sld [smem:$0x3FA7]  }
0x28: {  	s2 =	sld [smem:$0x3FA8]  }
0x29: {  	s4 =	sld [smem:$0x3FAA]  }
0x2a: {  	p0 =	seq.s32 s5, $0x0;
	s5 =	sld [smem:$0x3FAB]  }
0x2b: {  	s6 =	sld [smem:$0x3FAC]  }
0x2c: {  	s7 =	sld [smem:$0x3FAD]  }
0x2d: {  	s3 =	simm.s32 $0x108;
	s8 =	sld [smem:$0x3FAE]  }
0x2e: {  	s3 =	simm.s32 @!p0 $0x1082;
	s9 =	sld [smem:$0x3FAF]  }
0x2f: {  	lr =	sadd.s32 s0, s3;
	s0 =	sld [smem:$0x3FA6]  }
0x30: {  	s3 =	sld [smem:$0x3FA9]  }
0x31: {  	[smem:$0x3FB2] =	sst s10  }
0x32: {  	s10 =	sld [smem:$0x3FB0];
	_ =	sdelay $0x3  }
0x33: {  	p0 =	seq.s32 s10, $0x1;
	s10 =	sld [smem:$0x3FB2];
	_ =	sdelay $0x3  }
0x34: {  	[smem:$0x3FB2] =	sst s10  }
0x35: {  	s10 =	sld [smem:$0x3FB1];
	_ =	sdelay $0x3  }
0x36: {  	p1 =	seq.s32 s10, $0x1;
	s10 =	sld [smem:$0x3FB2];
	_ =	sdelay $0x3  }
0x37: {  	[smem:$0x3FB2] =	sst s10  }
0x38: {  	s10 =	sld [smem:$0x3FB3]  }
0x39: {  	_ = 	snop;
	(pc) =	sbr.ind lr, $3  }
0x3a: {  	_ = 	snop  }
0x3b: {  	_ = 	snop  }
0x3c: {  	p2 =	seq.s32 s10, $0x1;
	s10 =	sld [smem:$0x3FB2]  }
0x3d: {  	_ =	shalt  }
0x3e: {  	_ =	shalt  }
0x3f: {  	_ =	shalt  }
0x40: {  	_ =	shalt  }
0x41: {  	_ =	shalt  }
0x42: {  	_ =	shalt  }
0x43: {  	_ =	shalt  }
0x44: {  	_ =	shalt  }
0x45: {  	_ =	shalt  }
0x46: {  	_ =	shalt  }
0x47: {  	_ =	shalt  }
0x48: {  	_ =	shalt  }
0x49: {  	_ =	shalt  }
0x4a: {  	_ =	shalt  }
0x4b: {  	_ =	shalt  }
0x4c: {  	_ =	shalt  }
0x4d: {  	_ =	shalt  }
0x4e: {  	_ =	shalt  }
0x4f: {  	_ =	shalt  }
0x50: {  	_ =	shalt  }
0x51: {  	_ =	shalt  }
0x52: {  	_ =	shalt  }
0x53: {  	_ =	shalt  }
0x54: {  	_ =	shalt  }
0x55: {  	_ =	shalt  }
0x56: {  	_ =	shalt  }
0x57: {  	_ =	shalt  }
0x58: {  	_ =	shalt  }
0x59: {  	_ =	shalt  }
0x5a: {  	_ =	shalt  }
0x5b: {  	_ =	shalt  }
0x5c: {  	_ =	shalt  }
0x5d: {  	_ =	shalt  }
0x5e: {  	_ =	shalt  }
0x5f: {  	_ =	shalt  }
0x60: {  	_ =	shalt  }
0x61: {  	_ =	shalt  }
0x62: {  	_ =	shalt  }
0x63: {  	_ =	shalt  }
0x64: {  	_ =	shalt  }
0x65: {  	_ =	shalt  }
0x66: {  	_ =	shalt  }
0x67: {  	_ =	shalt  }
0x68: {  	_ =	shalt  }
0x69: {  	_ =	shalt  }
0x6a: {  	_ =	shalt  }
0x6b: {  	_ =	shalt  }
0x6c: {  	_ =	shalt  }
0x6d: {  	_ =	shalt  }
0x6e: {  	_ =	shalt  }
0x6f: {  	_ =	shalt  }
0x70: {  	_ =	shalt  }
0x71: {  	_ =	shalt  }
0x72: {  	_ =	shalt  }
0x73: {  	_ =	shalt  }
0x74: {  	_ =	shalt  }
0x75: {  	_ =	shalt  }
0x76: {  	_ =	shalt  }
0x77: {  	_ =	shalt  }
0x78: {  	_ =	shalt  }
0x79: {  	_ =	shalt  }
0x7a: {  	_ =	shalt  }
0x7b: {  	_ =	shalt  }
0x7c: {  	_ =	shalt  }
0x7d: {  	_ =	shalt  }
0x7e: {  	_ =	shalt  }
0x7f: {  	_ =	shalt  }
0x80: {  	_ =	shalt  }
0x81: {  	_ =	shalt  }
0x82: {  	_ =	shalt  }
0x83: {  	_ =	shalt  }
0x84: {  	_ =	shalt  }
0x85: {  	_ =	shalt  }
0x86: {  	_ =	shalt  }
0x87: {  	_ =	shalt  }
.Lfunc_end0:
.L_simem_size_0:
called_computation_lowered:
.L_overlay_start_0:
0x88: {  	s2 =	sld [smem:$0x3FD9]  }
0x89: {  	s3 =	sld [smem:$0x3FFE];
	_ =	sdelay $0x1  }
0x8a: {  	s1 =	srdreg.scid  }
0x8b: {  	s0 =	sand.u32 $0x1, s1  }
0x8c: {  	s17 =	sshll.u32 s0, $0xA;
	s2 =	sadd.s32 s3, s2  }
0x8d: {  	s2 =	sadd.s32 s2, s17  }
0x8e: {  	[smem:$0x3FBE] =	sst s2  }
0x8f: {  	_ = 	snop  }
0x90: {  	s2 =	sld [smem:$0x3FD0];
	(tm) =	ssettm $0x1  }
0x91: {  	s18 =	sld [smem:$0x3FFB];
	_ =	sdelay $0x3  }
0x92: {  	_ =	strace s18  }
0x93: {  	s3 =	sld [smem:$0x3FFC];
	_ =	sdelay $0x3  }
0x94: {  	_ =	strace s3  }
0x95: {  	s3 =	sld [smem:$0x3FFD];
	_ =	sdelay $0x3  }
0x96: {  	_ =	strace s3  }
0x97: {  	_ =	strace $0x8FFFFFFF  }
0x98: {  	s19 =	sld [smem:$0x3FDB];
	_ =	sdelay $0x1  }
0x99: {  	s4 =	simm.s32 $_scs_section_size  }
0x9a: {  	s5 =	simm.s32 $_size__tile_overlayer_lowered;
	s6 =	simm.s32 $_tile_overlayer_lowered  }
0x9b: {  	s22 =	simm.s32 $0x1BFF;
	s21 =	sshll.u32 s6, $0x1;
	s3 =	sadd.s32 s4, s19  }
0x9c: {  	s7 =	simm.s32 $0x0;
	s20 =	sshll.u32 s5, $0x1;
	s5 =	sadd.s32 s21, s3  }
0x9d: {  	[timem:s7], [sflag:s22] =	dma.local [hbm:s5], s20  }
0x9e: {  	_ =	swait.ge [sflag:s22], s20  }
0x9f: {  	s4 =	ssub.s32 $0x0, s20;
	[sflag:s22] =	ssyncset.done $0x0  }
0xa0: {  	[sflag:s22] =	ssyncadd.s32 s4;
	_ =	sdelay $0x1  }
0xa1: {  	s23 =	simm.s32 $0x1B8B  }
0xa2: {  	_ =	swait.ge [sflag:s23], $0x1  }
0xa3: {  	[sflag:s23] =	ssyncset.done $0x0  }
0xa4: {  	s25 =	simm.s32 $0x1B8E;
	s24 =	sld [smem:$0x3FFE];
	[sflag:s23] =	ssyncadd.s32 $0xFFFFFFFF  }
0xa5: {  	s26 =	simm.s32 $execute0_lowered;
	[smem:$0x3FD2] =	sst s25  }
0xa6: {  	s5 =	sshll.u32 s26, $0x1;
	_ =	strace $0x80000046;
	[dreg:$0x1] =	wrdreg $0xFFFFFFFF  }
0xa7: {  	s28 =	simm.s32 $_size_execute0_lowered;
	s3 =	sadd.s32 s3, s5;
	[dreg:$0x0] =	wrdreg $0x0  }
0xa8: {  	s5 =	sshll.u32 s28, $0x1;
	[dreg:$0x2] =	wrdreg s3  }
0xa9: {  	[dreg:$0x3] =	wrdreg s5  }
0xaa: {  	[dreg:$0x4] =	wrdreg $0xC0  }
0xab: {  	_ =	task [dreg:s7], $0x5FFFF  }
0xac: {  	[dreg:$0x1] =	wrdreg $0xFFFFFFFF  }
0xad: {  	[dreg:$0x0] =	wrdreg $0x60  }
0xae: {  	[dreg:$0x2] =	wrdreg s24  }
0xaf: {  	[dreg:$0x3] =	wrdreg s2  }
0xb0: {  	[dreg:$0x4] =	wrdreg $0x54000  }
0xb1: {  	[dreg:$0x5] =	wrdreg $0x9  }
0xb2: {  	_ =	task.clear_ibuf [dreg:s7], $0x6FFFF;
	_ =	strace $0x90000046  }
0xb3: {  	s29 =	simm.s32 $0x9;
	_ =	strace $0x80000048  }
0xb4: {  	_ =	swait.ge [sflag:s29], $0x1  }
0xb5: {  	[sflag:s29] =	ssyncadd.s32 $0xFFFFFFFF  }
0xb6: {  	_ =	strace $0x90000048  }
0xb7: {  	_ =	sfence  }
0xb8: {  	s30 =	sld [smem:$0x0];
	_ =	sdelay $0x2  }
0xb9: {  	s31 =	sshll.u32 s1, $0xD;
	s1 =	sshrl.u32 s1, $0x2  }
0xba: {  	s3 =	sand.u32 $0x4000, s31;
	s1 =	sadd.s32 s1, s30  }
0xbb: {  	s0 =	sor.u32 s3, s0;
	s1 =	sshll.u32 s1, $0x11  }
0xbc: {  	s0 =	sor.u32 s1, s0  }
0xbd: {  	s0 =	sadd.s32 $0x8F2B, s0  }
0xbe: {  	[sflag:s0] =	ssyncadd.remote.s32 $0x1  }
0xbf: {  	_ =	sfence.sel $0xFFFF  }
0xc0: {  	[dreg:$0x0] =	wrdreg $0xFFFFFFFF;
	(pc) =	sbr.abs _section_cstart, $3  }
0xc1: {  	[dreg:$0x1] =	wrdreg $0xFFFFFFFF  }
0xc2: {  	_ =	task.clear_ibuf [dreg:s7], $0x2FFFF;
	_ =	strace $0x9FFFFFFF  }
0xc3: {  	(tm) =	ssettm $0x7FFFFFFF  }
tec
execute0_lowered:
.L_overlay_start_1:
0x0: {  	(tag) =	ssettag $0x1  }
0x1: {  	s6 =	rddreg [dreg:$0x0]  }
0x2: {  	s2 =	rddreg [dreg:$0x1]  }
0x3: {  	s0 =	srdreg.scid;
	s3 =	rddreg [dreg:$0x2];
	s4 =	simm.s32 $0x0  }
0x4: {  	s19 =	simm.s32 $0x1400;
	s20 =	simm.s32 $0x1;
	s5 =	sand.u32 $0x1, s0  }
0x5: {  	s23 =	simm.s32 $0x80;
	s0 =	stileid.u32;
	s8 =	smul.u32 $0x500000, s5  }
0x6: {  	s24 =	simm.s32 $0x0;
	[smem:$0x7FF] =	sst s4;
	s9 =	smul.u32 $0x14000, s0  }
0x7: {  	s1 =	sshll.u32 s5, $0x4;
	s29 =	ssub.s32 $0x2, s5;
	s30 =	smul.u32 $0x50000, s0  }
0x8: {  	s5 =	sadd.s32 $0x29200, s6;
	s21 =	sshll.u32 s0, $0x6;
	s1 =	sor.u32 s0, s1  }
0x9: {  	s10 =	sshrl.u32 s29, $0x1;
	s21 =	sor.u32 $0x1C01, s21;
	s7 =	smul.u32 $0x2800, s1  }
0xa: {  	s1 =	rddreg [dreg:$0x3];
	_ =	strace $0x80000047;
	s28 =	sadd.s32 s9, s8  }
0xb: {  	s18 =	ssub.s32 s29, s10;
	s31 =	sshrl.u32 s30, $0x2;
	s7 =	sshrl.u32 s7, $0x3  }
0xc: {  	s22 =	sadd.s32 s31, s3;
	s16 =	sadd.s32 s7, s6;
	s7 =	sshrl.u32 s28, $0x3  }
0xd: {  	s18 =	smax.u32 s18, $0x1;
	s22 =	sshrl.u32 s22, $0x3;
	s17 =	sadd.s32 s7, s6  }
0xe: {  	s6 =	sadd.s32 $0x1200, s16;
	s7 =	sadd.s32 $0x1480, s16;
	s9 =	sadd.s32 $0xB200, s16  }
0xf: {  	s10 =	sadd.s32 $0xB480, s16;
	s12 =	sadd.s32 $0x15200, s16;
	s13 =	sadd.s32 $0x15480, s16  }
0x10: {  	s15 =	sadd.s32 $0x1F200, s16;
	s16 =	sadd.s32 $0x1F480, s16;
	s8 =	sadd.s32 $0x2BA00, s17  }
0x11: {  	s11 =	sadd.s32 $0x53A00, s17;
	s14 =	sadd.s32 $0x7BA00, s17;
	s17 =	sadd.s32 $0xA3A00, s17  }
.LBB2_1:
0x12: {  	[tilespmem:s19], [sflag:$0x1] =	stream.linear.gather [hbm4b:s2+s4], $0x4000, $0x38;
	[tilespmem:$0x19400] =	vst v63  }
0x13: {  	_ =	swait.ge [sflag:s20], $0x4000  }
0x14: {  	[sflag:s20] =	ssyncset.done $0x0  }
0x15: {  	[sflag:s20] =	ssyncadd.s32 $0xFFFFC000  }
0x16: {  	[spmem:s22], [sflag:s21] =	dma.local [hbm:s5], $0x2800  }
0x17: {  	_ =	swait.ge [sflag:s20], $0x2800  }
0x18: {  	[sflag:s20] =	ssyncset.done $0x0  }
0x19: {  	[sflag:s20] =	ssyncadd.s32 $0xFFFFD800  }
0x1a: {  	[bflag:$0x0] =	sbarrier.arrive $0xFFFF  }
0x1b: {  	[tilespmem:s4], [sflag:$0x1] =	stream.linear.gather [hbm4b:s6+s4], $0x1400, $0x38;
	[tilespmem:$0x19400] =	vst v63  }
0x1c: {  	_ =	swait.ge [sflag:s20], $0x1400  }
0x1d: {  	[sflag:s20] =	ssyncset.done $0x0  }
0x1e: {  	s25 =	simm.s32 $0x0;
	[sflag:s20] =	ssyncadd.s32 $0xFFFFEC00  }
0x1f: {  	[spmem:s3] =	stream.indirect.scatter.add.f32 [tilespmem:s19], [sflag:$0x1], $0x80, s25, s23, $0xb8;
	[tilespmem:$0x19400] =	vst v63  }
0x20: {  	_ =	swait.ge [sflag:s20], $0x4000  }
0x21: {  	s25 =	simm.s32 $0x200;
	[sflag:s20] =	ssyncset.done $0x0  }
.LBB2_2:
0x22: {  	s26 =	sshra.s32 s25, $0x2;
	[sflag:s20] =	ssyncadd.s32 $0xFFFFC000;
	p0 =	sne.s32 s25, $0x4E00  }
0x23: {  	[spmem:s3] =	stream.indirect.scatter.add.f32 [tilespmem:s19], [sflag:$0x1], $0x80, s26, s23, $0xb8;
	[tilespmem:$0x19400] =	vst v63  }
.Ltmp0:
0x24: {  	_ = 	snop;
	(pc) =	sbr.rel @p0 .LBB2_2-.Ltmp0, $4  }
0x25: {  	_ = 	snop  }
0x26: {  	s25 =	sadd.s32 $0x200, s25  }
0x27: {  	_ =	swait.ge [sflag:s20], $0x4000  }
0x28: {  	[sflag:s20] =	ssyncset.done $0x0  }
0x29: {  	[sflag:s20] =	ssyncadd.s32 $0xFFFFC000;
	s25 =	simm.s32 $0x0  }
0x2a: {  	[tilespmem:s25], [sflag:$0x1] =	stream.linear.gather [hbm4b:s7+s25], $0x1400, $0x38;
	[tilespmem:$0x19400] =	vst v63  }
0x2b: {  	_ =	swait.ge [sflag:s20], $0x1400  }
0x2c: {  	[sflag:s20] =	ssyncset.done $0x0  }
0x2d: {  	s31 =	simm.s32 $0x0;
	[sflag:s20] =	ssyncadd.s32 $0xFFFFEC00  }
0x2e: {  	[spmem:s3] =	stream.indirect.scatter.add.f32 [tilespmem:s19], [sflag:$0x1], $0x80, s31, s23, $0xb8;
	[tilespmem:$0x19400] =	vst v63  }
0x2f: {  	_ =	swait.ge [sflag:s20], $0x4000  }
0x30: {  	s25 =	simm.s32 $0x200;
	[sflag:s20] =	ssyncset.done $0x0  }
.LBB2_4:
0x31: {  	s26 =	sshra.s32 s25, $0x2;
	[sflag:s20] =	ssyncadd.s32 $0xFFFFC000;
	p0 =	sne.s32 s25, $0x4E00  }
0x32: {  	[spmem:s3] =	stream.indirect.scatter.add.f32 [tilespmem:s19], [sflag:$0x1], $0x80, s26, s23, $0xb8;
	[tilespmem:$0x19400] =	vst v63  }
.Ltmp1:
0x33: {  	_ = 	snop;
	(pc) =	sbr.rel @p0 .LBB2_4-.Ltmp1, $4  }
0x34: {  	_ = 	snop  }
0x35: {  	s25 =	sadd.s32 $0x200, s25  }
0x36: {  	_ =	swait.ge [sflag:s20], $0x4000  }
0x37: {  	[sflag:s20] =	ssyncset.done $0x0  }
0x38: {  	[sflag:s20] =	ssyncadd.s32 $0xFFFFC000  }
0x39: {  	[bflag:$0x0] =	sbarrier.arrive $0xFFFF  }
0x3a: {  	[hbm:s8], [sflag:s21] =	dma.local [spmem:s22], $0x2800  }
0x3b: {  	_ =	swait.ge [sflag:s20], $0x2800  }
0x3c: {  	[sflag:s20] =	ssyncset.done $0x0  }
0x3d: {  	[sflag:s20] =	ssyncadd.s32 $0xFFFFD800  }
0x3e: {  	[bflag:$0x0] =	sbarrier.arrive $0xFFFF  }
0x3f: {  	[spmem:s22], [sflag:s21] =	dma.local [hbm:s5], $0x2800  }
0x40: {  	_ =	swait.ge [sflag:s20], $0x2800  }
0x41: {  	[sflag:s20] =	ssyncset.done $0x0  }
0x42: {  	[sflag:s20] =	ssyncadd.s32 $0xFFFFD800  }
0x43: {  	s25 =	simm.s32 $0x0;
	[bflag:$0x0] =	sbarrier.arrive $0xFFFF  }
0x44: {  	[tilespmem:s25], [sflag:$0x1] =	stream.linear.gather [hbm4b:s9+s25], $0x1400, $0x38;
	[tilespmem:$0x19400] =	vst v63  }
0x45: {  	_ =	swait.ge [sflag:s20], $0x1400  }
0x46: {  	[sflag:s20] =	ssyncset.done $0x0  }
0x47: {  	s31 =	simm.s32 $0x0;
	[sflag:s20] =	ssyncadd.s32 $0xFFFFEC00  }
0x48: {  	[spmem:s3] =	stream.indirect.scatter.add.f32 [tilespmem:s19], [sflag:$0x1], $0x80, s31, s23, $0xb8;
	[tilespmem:$0x19400] =	vst v63  }
0x49: {  	_ =	swait.ge [sflag:s20], $0x4000  }
0x4a: {  	s25 =	simm.s32 $0x200;
	[sflag:s20] =	ssyncset.done $0x0  }
.LBB2_6:
0x4b: {  	s26 =	sshra.s32 s25, $0x2;
	[sflag:s20] =	ssyncadd.s32 $0xFFFFC000;
	p0 =	sne.s32 s25, $0x4E00  }
0x4c: {  	[spmem:s3] =	stream.indirect.scatter.add.f32 [tilespmem:s19], [sflag:$0x1], $0x80, s26, s23, $0xb8;
	[tilespmem:$0x19400] =	vst v63  }
.Ltmp2:
0x4d: {  	_ = 	snop;
	(pc) =	sbr.rel @p0 .LBB2_6-.Ltmp2, $4  }
0x4e: {  	_ = 	snop  }
0x4f: {  	s25 =	sadd.s32 $0x200, s25  }
0x50: {  	_ =	swait.ge [sflag:s20], $0x4000  }
0x51: {  	[sflag:s20] =	ssyncset.done $0x0  }
0x52: {  	[sflag:s20] =	ssyncadd.s32 $0xFFFFC000;
	s25 =	simm.s32 $0x0  }
0x53: {  	[tilespmem:s25], [sflag:$0x1] =	stream.linear.gather [hbm4b:s10+s25], $0x1400, $0x38;
	[tilespmem:$0x19400] =	vst v63  }
0x54: {  	_ =	swait.ge [sflag:s20], $0x1400  }
0x55: {  	[sflag:s20] =	ssyncset.done $0x0  }
0x56: {  	s31 =	simm.s32 $0x0;
	[sflag:s20] =	ssyncadd.s32 $0xFFFFEC00  }
0x57: {  	[spmem:s3] =	stream.indirect.scatter.add.f32 [tilespmem:s19], [sflag:$0x1], $0x80, s31, s23, $0xb8;
	[tilespmem:$0x19400] =	vst v63  }
0x58: {  	_ =	swait.ge [sflag:s20], $0x4000  }
0x59: {  	s25 =	simm.s32 $0x200;
	[sflag:s20] =	ssyncset.done $0x0  }
.LBB2_8:
0x5a: {  	s26 =	sshra.s32 s25, $0x2;
	[sflag:s20] =	ssyncadd.s32 $0xFFFFC000;
	p0 =	sne.s32 s25, $0x4E00  }
0x5b: {  	[spmem:s3] =	stream.indirect.scatter.add.f32 [tilespmem:s19], [sflag:$0x1], $0x80, s26, s23, $0xb8;
	[tilespmem:$0x19400] =	vst v63  }
.Ltmp3:
0x5c: {  	_ = 	snop;
	(pc) =	sbr.rel @p0 .LBB2_8-.Ltmp3, $4  }
0x5d: {  	_ = 	snop  }
0x5e: {  	s25 =	sadd.s32 $0x200, s25  }
0x5f: {  	_ =	swait.ge [sflag:s20], $0x4000  }
0x60: {  	[sflag:s20] =	ssyncset.done $0x0  }
0x61: {  	[sflag:s20] =	ssyncadd.s32 $0xFFFFC000  }
0x62: {  	[bflag:$0x0] =	sbarrier.arrive $0xFFFF  }
0x63: {  	[hbm:s11], [sflag:s21] =	dma.local [spmem:s22], $0x2800  }
0x64: {  	_ =	swait.ge [sflag:s20], $0x2800  }
0x65: {  	[sflag:s20] =	ssyncset.done $0x0  }
0x66: {  	[sflag:s20] =	ssyncadd.s32 $0xFFFFD800  }
0x67: {  	[bflag:$0x0] =	sbarrier.arrive $0xFFFF  }
0x68: {  	[spmem:s22], [sflag:s21] =	dma.local [hbm:s5], $0x2800  }
0x69: {  	_ =	swait.ge [sflag:s20], $0x2800  }
0x6a: {  	[sflag:s20] =	ssyncset.done $0x0  }
0x6b: {  	[sflag:s20] =	ssyncadd.s32 $0xFFFFD800  }
0x6c: {  	s25 =	simm.s32 $0x0;
	[bflag:$0x0] =	sbarrier.arrive $0xFFFF  }
0x6d: {  	[tilespmem:s25], [sflag:$0x1] =	stream.linear.gather [hbm4b:s12+s25], $0x1400, $0x38;
	[tilespmem:$0x19400] =	vst v63  }
0x6e: {  	_ =	swait.ge [sflag:s20], $0x1400  }
0x6f: {  	[sflag:s20] =	ssyncset.done $0x0  }
0x70: {  	s31 =	simm.s32 $0x0;
	[sflag:s20] =	ssyncadd.s32 $0xFFFFEC00  }
0x71: {  	[spmem:s3] =	stream.indirect.scatter.add.f32 [tilespmem:s19], [sflag:$0x1], $0x80, s31, s23, $0xb8;
	[tilespmem:$0x19400] =	vst v63  }
0x72: {  	_ =	swait.ge [sflag:s20], $0x4000  }
0x73: {  	s25 =	simm.s32 $0x200;
	[sflag:s20] =	ssyncset.done $0x0  }
.LBB2_10:
0x74: {  	s26 =	sshra.s32 s25, $0x2;
	[sflag:s20] =	ssyncadd.s32 $0xFFFFC000;
	p0 =	sne.s32 s25, $0x4E00  }
0x75: {  	[spmem:s3] =	stream.indirect.scatter.add.f32 [tilespmem:s19], [sflag:$0x1], $0x80, s26, s23, $0xb8;
	[tilespmem:$0x19400] =	vst v63  }
.Ltmp4:
0x76: {  	_ = 	snop;
	(pc) =	sbr.rel @p0 .LBB2_10-.Ltmp4, $4  }
0x77: {  	_ = 	snop  }
0x78: {  	s25 =	sadd.s32 $0x200, s25  }
0x79: {  	_ =	swait.ge [sflag:s20], $0x4000  }
0x7a: {  	[sflag:s20] =	ssyncset.done $0x0  }
0x7b: {  	[sflag:s20] =	ssyncadd.s32 $0xFFFFC000;
	s25 =	simm.s32 $0x0  }
0x7c: {  	[tilespmem:s25], [sflag:$0x1] =	stream.linear.gather [hbm4b:s13+s25], $0x1400, $0x38;
	[tilespmem:$0x19400] =	vst v63  }
0x7d: {  	_ =	swait.ge [sflag:s20], $0x1400  }
0x7e: {  	[sflag:s20] =	ssyncset.done $0x0  }
0x7f: {  	s31 =	simm.s32 $0x0;
	[sflag:s20] =	ssyncadd.s32 $0xFFFFEC00  }
0x80: {  	[spmem:s3] =	stream.indirect.scatter.add.f32 [tilespmem:s19], [sflag:$0x1], $0x80, s31, s23, $0xb8;
	[tilespmem:$0x19400] =	vst v63  }
0x81: {  	_ =	swait.ge [sflag:s20], $0x4000  }
0x82: {  	s25 =	simm.s32 $0x200;
	[sflag:s20] =	ssyncset.done $0x0  }
.LBB2_12:
0x83: {  	s26 =	sshra.s32 s25, $0x2;
	[sflag:s20] =	ssyncadd.s32 $0xFFFFC000;
	p0 =	sne.s32 s25, $0x4E00  }
0x84: {  	[spmem:s3] =	stream.indirect.scatter.add.f32 [tilespmem:s19], [sflag:$0x1], $0x80, s26, s23, $0xb8;
	[tilespmem:$0x19400] =	vst v63  }
.Ltmp5:
0x85: {  	_ = 	snop;
	(pc) =	sbr.rel @p0 .LBB2_12-.Ltmp5, $4  }
0x86: {  	_ = 	snop  }
0x87: {  	s25 =	sadd.s32 $0x200, s25  }
0x88: {  	_ =	swait.ge [sflag:s20], $0x4000  }
0x89: {  	[sflag:s20] =	ssyncset.done $0x0  }
0x8a: {  	[sflag:s20] =	ssyncadd.s32 $0xFFFFC000  }
0x8b: {  	[bflag:$0x0] =	sbarrier.arrive $0xFFFF  }
0x8c: {  	[hbm:s14], [sflag:s21] =	dma.local [spmem:s22], $0x2800  }
0x8d: {  	_ =	swait.ge [sflag:s20], $0x2800  }
0x8e: {  	[sflag:s20] =	ssyncset.done $0x0  }
0x8f: {  	[sflag:s20] =	ssyncadd.s32 $0xFFFFD800  }
0x90: {  	[bflag:$0x0] =	sbarrier.arrive $0xFFFF  }
0x91: {  	[spmem:s22], [sflag:s21] =	dma.local [hbm:s5], $0x2800  }
0x92: {  	_ =	swait.ge [sflag:s20], $0x2800  }
0x93: {  	[sflag:s20] =	ssyncset.done $0x0  }
0x94: {  	[sflag:s20] =	ssyncadd.s32 $0xFFFFD800  }
0x95: {  	s25 =	simm.s32 $0x0;
	[bflag:$0x0] =	sbarrier.arrive $0xFFFF  }
0x96: {  	[tilespmem:s25], [sflag:$0x1] =	stream.linear.gather [hbm4b:s15+s25], $0x1400, $0x38;
	[tilespmem:$0x19400] =	vst v63  }
0x97: {  	_ =	swait.ge [sflag:s20], $0x1400  }
0x98: {  	[sflag:s20] =	ssyncset.done $0x0  }
0x99: {  	s31 =	simm.s32 $0x0;
	[sflag:s20] =	ssyncadd.s32 $0xFFFFEC00  }
0x9a: {  	[spmem:s3] =	stream.indirect.scatter.add.f32 [tilespmem:s19], [sflag:$0x1], $0x80, s31, s23, $0xb8;
	[tilespmem:$0x19400] =	vst v63  }
0x9b: {  	_ =	swait.ge [sflag:s20], $0x4000  }
0x9c: {  	s25 =	simm.s32 $0x200;
	[sflag:s20] =	ssyncset.done $0x0  }
.LBB2_14:
0x9d: {  	s26 =	sshra.s32 s25, $0x2;
	[sflag:s20] =	ssyncadd.s32 $0xFFFFC000;
	p0 =	sne.s32 s25, $0x4E00  }
0x9e: {  	[spmem:s3] =	stream.indirect.scatter.add.f32 [tilespmem:s19], [sflag:$0x1], $0x80, s26, s23, $0xb8;
	[tilespmem:$0x19400] =	vst v63  }
.Ltmp6:
0x9f: {  	_ = 	snop;
	(pc) =	sbr.rel @p0 .LBB2_14-.Ltmp6, $4  }
0xa0: {  	_ = 	snop  }
0xa1: {  	s25 =	sadd.s32 $0x200, s25  }
0xa2: {  	_ =	swait.ge [sflag:s20], $0x4000  }
0xa3: {  	[sflag:s20] =	ssyncset.done $0x0  }
0xa4: {  	[sflag:s20] =	ssyncadd.s32 $0xFFFFC000;
	s25 =	simm.s32 $0x0  }
0xa5: {  	[tilespmem:s25], [sflag:$0x1] =	stream.linear.gather [hbm4b:s16+s25], $0x1400, $0x38;
	[tilespmem:$0x19400] =	vst v63  }
0xa6: {  	_ =	swait.ge [sflag:s20], $0x1400  }
0xa7: {  	[sflag:s20] =	ssyncset.done $0x0  }
0xa8: {  	s31 =	simm.s32 $0x0;
	[sflag:s20] =	ssyncadd.s32 $0xFFFFEC00  }
0xa9: {  	[spmem:s3] =	stream.indirect.scatter.add.f32 [tilespmem:s19], [sflag:$0x1], $0x80, s31, s23, $0xb8;
	[tilespmem:$0x19400] =	vst v63  }
0xaa: {  	_ =	swait.ge [sflag:s20], $0x4000  }
0xab: {  	s25 =	simm.s32 $0x200;
	[sflag:s20] =	ssyncset.done $0x0  }
.LBB2_16:
0xac: {  	s26 =	sshra.s32 s25, $0x2;
	[sflag:s20] =	ssyncadd.s32 $0xFFFFC000;
	p0 =	sne.s32 s25, $0x4E00  }
0xad: {  	[spmem:s3] =	stream.indirect.scatter.add.f32 [tilespmem:s19], [sflag:$0x1], $0x80, s26, s23, $0xb8;
	[tilespmem:$0x19400] =	vst v63  }
.Ltmp7:
0xae: {  	_ = 	snop;
	(pc) =	sbr.rel @p0 .LBB2_16-.Ltmp7, $4  }
0xaf: {  	_ = 	snop  }
0xb0: {  	s25 =	sadd.s32 $0x200, s25  }
0xb1: {  	_ =	swait.ge [sflag:s20], $0x4000  }
0xb2: {  	[sflag:s20] =	ssyncset.done $0x0  }
0xb3: {  	[sflag:s20] =	ssyncadd.s32 $0xFFFFC000;
	s24 =	sadd.s32 $0x1, s24  }
0xb4: {  	[bflag:$0x0] =	sbarrier.arrive $0xFFFF;
	p0 =	sne.s32 s24, s18  }
0xb5: {  	[hbm:s17], [sflag:s21] =	dma.local [spmem:s22], $0x2800  }
.Ltmp8:
0xb6: {  	_ =	swait.ge [sflag:s20], $0x2800;
	(pc) =	sbr.rel @p0 .LBB2_1-.Ltmp8, $3  }
0xb7: {  	[sflag:s20] =	ssyncset.done $0x0  }
0xb8: {  	[sflag:s20] =	ssyncadd.s32 $0xFFFFD800  }
0xb9: {  	[bflag:$0x0] =	sbarrier.arrive $0xFFFF;
	_ =	sdelay $0x1  }
0xba: {  	_ =	sfence.sel $0x180000  }
0xbb: {  	[bflag:$0x0] =	sbarrier.arrive $0xFFFF  }
0xbc: {  	p0 =	sne.s32 s0, $0x0;
	_ =	strace $0x90000047  }
0xbd: {  	s0 =	sadd.s32 @!p0 $0x100000, s1;
	[bflag:$0x2] =	sbarrier.arrive $0xFFFF  }
0xbe: {  	[sflag:s0] =	ssyncadd.tile.s32 @!p0 $0x1;
	_ =	shalt  }
.Lfunc_end2:
_tile_overlayer_lowered:
.L_overlay_start_2:
0xbf: {  	(tag) =	ssettag $0x2  }
0xc0: {  	s0 =	rddreg [dreg:$0x0];
	s2 =	stileid.u32  }
0xc1: {  	s1 =	rddreg [dreg:$0x1];
	p0 =	sne.s32 s2, $0x0  }
0xc2: {  	s3 =	rddreg [dreg:$0x2];
	[bflag:$0x3] =	sbarrier.arrive $0xFFFF;
	s2 =	simm.s32 @!p0 $0x1C01  }
0xc3: {  	[timem:s3], [sflag:s2] =	dma.local @!p0 [hbm:s0], s1  }
0xc4: {  	s0 =	simm.s32 @!p0 $0x1  }
0xc5: {  	_ =	swait.ge @!p0 [sflag:s0], s1  }
0xc6: {  	s1 =	ssub.s32 @!p0 $0x0, s1;
	[sflag:s0] =	ssyncset.done @!p0 $0x0  }
0xc7: {  	[sflag:s0] =	ssyncadd.s32 @!p0 s1  }
0xc8: {  	[bflag:$0x3] =	sbarrier.arrive $0xFFFF  }
0xc9: {  	_ =	shalt  }

// kernel: kernel.9.cloned.1.call-start
scs
__scs_entry_jumppad:
0x0: {  	(pc) =	sbr.rel $0x88, $3  }
0x1: {  	(tag) =	ssettag $0x0;
	lr =	simm.s32 $0x1  }
0x2: {  	[smem:$0x3F97] =	sst lr;
	_ =	strace $0xD0000000  }
0x3: {  	_ = 	snop  }
0x4: {  	_ = 	snop  }
0x5: {  	_ = 	snop  }
0x6: {  	_ = 	snop  }
0x7: {  	_ = 	snop  }
__scs_overlays_trampoline_lowered:
0x8: {  	[smem:$0x3FA6] =	sst s0  }
0x9: {  	[smem:$0x3FA7] =	sst s1  }
0xa: {  	[smem:$0x3FA8] =	sst s2  }
0xb: {  	[smem:$0x3FA9] =	sst s3  }
0xc: {  	[smem:$0x3FAA] =	sst s4  }
0xd: {  	[smem:$0x3FAB] =	sst s5  }
0xe: {  	[smem:$0x3FAC] =	sst s6  }
0xf: {  	[smem:$0x3FAD] =	sst s7  }
0x10: {  	[smem:$0x3FAE] =	sst s8  }
0x11: {  	[smem:$0x3FAF] =	sst s9;
	s0 =	simm.s32 @!p0 $0x0  }
0x12: {  	s1 =	sld [smem:$0x3F95];
	s0 =	simm.s32 @p0 $0x1  }
0x13: {  	[smem:$0x3FB0] =	sst s0;
	s0 =	simm.s32 @!p1 $0x0  }
0x14: {  	s2 =	sld [smem:$0x3F94];
	s0 =	simm.s32 @p1 $0x1  }
0x15: {  	[smem:$0x3FB1] =	sst s0;
	s0 =	simm.s32 @!p2 $0x0  }
0x16: {  	s3 =	sld [smem:$0x3FDB];
	s0 =	simm.s32 @p2 $0x1  }
0x17: {  	s4 =	simm.s32 $0x1BF5;
	[smem:$0x3FB3] =	sst s0  }
0x18: {  	s0 =	sld [smem:$0x3F96];
	_ =	swait.ge [sflag:s4], $0x0  }
0x19: {  	s7 =	sld [smem:$0x3F97]  }
0x1a: {  	s8 =	sadd.s32 $0xFFFFE003, lr  }
0x1b: {  	s9 =	sadd.s32 $0xFFFFFEF7, lr;
	s5 =	simm.s32 $0xFFFFFFFF;
	p2 =	slt.u32 s8, $0xFFFFF086  }
0x1c: {  	p1 =	slt.u32 s9, $0xF7A;
	s5 =	simm.s32 @!p2 $0x0  }
0x1d: {  	s5 =	simm.s32 @p1 $0x1;
	p0 =	seq.s32 s7, s2  }
0x1e: {  	s7 =	smul.u32 @!p0 $0xF7A, s2;
	p2 =	seq.s32 @!p0 s5, $0x0  }
0x1f: {  	s9 =	smul.u32 $0xF7A, s1;
	s8 =	simm.s32 @!p0 $0x1BF5;
	p2 =	por !p2, p0  }
0x20: {  	[sflag:s8] =	ssyncset.s32 @!p0 $0xFFFFF086;
	s6 =	sadd.s32 @!p0 s3, s7;
	s7 =	simm.s32 @!p0 $0x108  }
0x21: {  	s3 =	sadd.s32 s3, s9;
	s6 =	sadd.s32 @!p0 $0x88, s6;
	s7 =	simm.s32 @p2 $0x1082  }
0x22: {  	[simem:s7], [sflag:s8] =	dma.local @!p0 [hbm:s6], $0xF7A  }
0x23: {  	s9 =	sor.u32 $0xD0000000, s2;
	s6 =	simm.s32 $0x108;
	_ =	swait.ge @!p0 [sflag:s8], $0x0  }
0x24: {  	s3 =	sadd.s32 $0x88, s3;
	s6 =	simm.s32 @!p1 $0x1082;
	[sflag:s4] =	ssyncset.s32 $0xFFFFF086  }
0x25: {  	[simem:s6], [sflag:s4] =	dma.local [hbm:s3], $0xF7A  }
0x26: {  	[smem:$0x3F97] =	sst s1;
	(tag) =	ssettag s2;
	_ =	strace s9  }
0x27: {  	s1 =	sld [smem:$0x3FA7]  }
0x28: {  	s2 =	sld [smem:$0x3FA8]  }
0x29: {  	s4 =	sld [smem:$0x3FAA]  }
0x2a: {  	p0 =	seq.s32 s5, $0x0;
	s5 =	sld [smem:$0x3FAB]  }
0x2b: {  	s6 =	sld [smem:$0x3FAC]  }
0x2c: {  	s7 =	sld [smem:$0x3FAD]  }
0x2d: {  	s3 =	simm.s32 $0x108;
	s8 =	sld [smem:$0x3FAE]  }
0x2e: {  	s3 =	simm.s32 @!p0 $0x1082;
	s9 =	sld [smem:$0x3FAF]  }
0x2f: {  	lr =	sadd.s32 s0, s3;
	s0 =	sld [smem:$0x3FA6]  }
0x30: {  	s3 =	sld [smem:$0x3FA9]  }
0x31: {  	[smem:$0x3FB2] =	sst s10  }
0x32: {  	s10 =	sld [smem:$0x3FB0];
	_ =	sdelay $0x3  }
0x33: {  	p0 =	seq.s32 s10, $0x1;
	s10 =	sld [smem:$0x3FB2];
	_ =	sdelay $0x3  }
0x34: {  	[smem:$0x3FB2] =	sst s10  }
0x35: {  	s10 =	sld [smem:$0x3FB1];
	_ =	sdelay $0x3  }
0x36: {  	p1 =	seq.s32 s10, $0x1;
	s10 =	sld [smem:$0x3FB2];
	_ =	sdelay $0x3  }
0x37: {  	[smem:$0x3FB2] =	sst s10  }
0x38: {  	s10 =	sld [smem:$0x3FB3]  }
0x39: {  	_ = 	snop;
	(pc) =	sbr.ind lr, $3  }
0x3a: {  	_ = 	snop  }
0x3b: {  	_ = 	snop  }
0x3c: {  	p2 =	seq.s32 s10, $0x1;
	s10 =	sld [smem:$0x3FB2]  }
0x3d: {  	_ =	shalt  }
0x3e: {  	_ =	shalt  }
0x3f: {  	_ =	shalt  }
0x40: {  	_ =	shalt  }
0x41: {  	_ =	shalt  }
0x42: {  	_ =	shalt  }
0x43: {  	_ =	shalt  }
0x44: {  	_ =	shalt  }
0x45: {  	_ =	shalt  }
0x46: {  	_ =	shalt  }
0x47: {  	_ =	shalt  }
0x48: {  	_ =	shalt  }
0x49: {  	_ =	shalt  }
0x4a: {  	_ =	shalt  }
0x4b: {  	_ =	shalt  }
0x4c: {  	_ =	shalt  }
0x4d: {  	_ =	shalt  }
0x4e: {  	_ =	shalt  }
0x4f: {  	_ =	shalt  }
0x50: {  	_ =	shalt  }
0x51: {  	_ =	shalt  }
0x52: {  	_ =	shalt  }
0x53: {  	_ =	shalt  }
0x54: {  	_ =	shalt  }
0x55: {  	_ =	shalt  }
0x56: {  	_ =	shalt  }
0x57: {  	_ =	shalt  }
0x58: {  	_ =	shalt  }
0x59: {  	_ =	shalt  }
0x5a: {  	_ =	shalt  }
0x5b: {  	_ =	shalt  }
0x5c: {  	_ =	shalt  }
0x5d: {  	_ =	shalt  }
0x5e: {  	_ =	shalt  }
0x5f: {  	_ =	shalt  }
0x60: {  	_ =	shalt  }
0x61: {  	_ =	shalt  }
0x62: {  	_ =	shalt  }
0x63: {  	_ =	shalt  }
0x64: {  	_ =	shalt  }
0x65: {  	_ =	shalt  }
0x66: {  	_ =	shalt  }
0x67: {  	_ =	shalt  }
0x68: {  	_ =	shalt  }
0x69: {  	_ =	shalt  }
0x6a: {  	_ =	shalt  }
0x6b: {  	_ =	shalt  }
0x6c: {  	_ =	shalt  }
0x6d: {  	_ =	shalt  }
0x6e: {  	_ =	shalt  }
0x6f: {  	_ =	shalt  }
0x70: {  	_ =	shalt  }
0x71: {  	_ =	shalt  }
0x72: {  	_ =	shalt  }
0x73: {  	_ =	shalt  }
0x74: {  	_ =	shalt  }
0x75: {  	_ =	shalt  }
0x76: {  	_ =	shalt  }
0x77: {  	_ =	shalt  }
0x78: {  	_ =	shalt  }
0x79: {  	_ =	shalt  }
0x7a: {  	_ =	shalt  }
0x7b: {  	_ =	shalt  }
0x7c: {  	_ =	shalt  }
0x7d: {  	_ =	shalt  }
0x7e: {  	_ =	shalt  }
0x7f: {  	_ =	shalt  }
0x80: {  	_ =	shalt  }
0x81: {  	_ =	shalt  }
0x82: {  	_ =	shalt  }
0x83: {  	_ =	shalt  }
0x84: {  	_ =	shalt  }
0x85: {  	_ =	shalt  }
0x86: {  	_ =	shalt  }
0x87: {  	_ =	shalt  }
.Lfunc_end0:
.L_simem_size_0:
called_computation.1_lowered:
.L_overlay_start_0:
0x88: {  	s2 =	sld [smem:$0x3FD9]  }
0x89: {  	s3 =	sld [smem:$0x3FFE];
	_ =	sdelay $0x1  }
0x8a: {  	s1 =	srdreg.scid  }
0x8b: {  	s0 =	sand.u32 $0x1, s1  }
0x8c: {  	s16 =	sshll.u32 s0, $0xA;
	s2 =	sadd.s32 s3, s2  }
0x8d: {  	s2 =	sadd.s32 s2, s16  }
0x8e: {  	[smem:$0x3FBE] =	sst s2  }
0x8f: {  	_ = 	snop  }
0x90: {  	(tm) =	ssettm $0x1  }
0x91: {  	s17 =	sld [smem:$0x3FFB];
	_ =	sdelay $0x3  }
0x92: {  	_ =	strace s17  }
0x93: {  	s2 =	sld [smem:$0x3FFC];
	_ =	sdelay $0x3  }
0x94: {  	_ =	strace s2  }
0x95: {  	s2 =	sld [smem:$0x3FFD];
	_ =	sdelay $0x3  }
0x96: {  	_ =	strace s2  }
0x97: {  	_ =	strace $0x8FFFFFFF  }
0x98: {  	s18 =	sld [smem:$0x3FDB];
	_ =	sdelay $0x1  }
0x99: {  	s19 =	simm.s32 $_scs_section_size  }
0x9a: {  	s4 =	simm.s32 $_size__tile_overlayer_lowered;
	s5 =	simm.s32 $_tile_overlayer_lowered  }
0x9b: {  	s22 =	simm.s32 $0x1BFF;
	s21 =	sshll.u32 s5, $0x1;
	s2 =	sadd.s32 s19, s18  }
0x9c: {  	s6 =	simm.s32 $0x0;
	s20 =	sshll.u32 s4, $0x1;
	s4 =	sadd.s32 s21, s2  }
0x9d: {  	[timem:s6], [sflag:s22] =	dma.local [hbm:s4], s20  }
0x9e: {  	_ =	swait.ge [sflag:s22], s20  }
0x9f: {  	s3 =	ssub.s32 $0x0, s20;
	[sflag:s22] =	ssyncset.done $0x0  }
0xa0: {  	[sflag:s22] =	ssyncadd.s32 s3;
	_ =	sdelay $0x1  }
0xa1: {  	s23 =	simm.s32 $0x1B8B  }
0xa2: {  	_ =	swait.ge [sflag:s23], $0x1  }
0xa3: {  	[sflag:s23] =	ssyncset.done $0x0  }
0xa4: {  	s25 =	simm.s32 $0x1B8E;
	s24 =	sld [smem:$0x3FFE];
	[sflag:s23] =	ssyncadd.s32 $0xFFFFFFFF  }
0xa5: {  	s26 =	simm.s32 $execute0_lowered;
	[smem:$0x3FD2] =	sst s25  }
0xa6: {  	s4 =	sshll.u32 s26, $0x1;
	_ =	strace $0x80000049;
	[dreg:$0x1] =	wrdreg $0xFFFFFFFF  }
0xa7: {  	s28 =	simm.s32 $_size_execute0_lowered;
	s2 =	sadd.s32 s2, s4;
	[dreg:$0x0] =	wrdreg $0x0  }
0xa8: {  	s4 =	sshll.u32 s28, $0x1;
	[dreg:$0x2] =	wrdreg s2  }
0xa9: {  	[dreg:$0x3] =	wrdreg s4  }
0xaa: {  	[dreg:$0x4] =	wrdreg $0xC0  }
0xab: {  	_ =	task [dreg:s6], $0x5FFFF  }
0xac: {  	[dreg:$0x1] =	wrdreg $0xFFFFFFFF  }
0xad: {  	[dreg:$0x0] =	wrdreg $0x60  }
0xae: {  	[dreg:$0x2] =	wrdreg s24  }
0xaf: {  	[dreg:$0x3] =	wrdreg $0xA8000  }
0xb0: {  	[dreg:$0x4] =	wrdreg $0x9  }
0xb1: {  	_ =	task.clear_ibuf [dreg:s6], $0x5FFFF;
	_ =	strace $0x90000049  }
0xb2: {  	s29 =	simm.s32 $0x9;
	_ =	strace $0x8000004B  }
0xb3: {  	_ =	swait.ge [sflag:s29], $0x1  }
0xb4: {  	[sflag:s29] =	ssyncadd.s32 $0xFFFFFFFF  }
0xb5: {  	_ =	strace $0x9000004B  }
0xb6: {  	_ =	sfence  }
0xb7: {  	s30 =	sld [smem:$0x0];
	_ =	sdelay $0x2  }
0xb8: {  	s31 =	sshll.u32 s1, $0xD;
	s1 =	sshrl.u32 s1, $0x2  }
0xb9: {  	s3 =	sand.u32 $0x4000, s31;
	s1 =	sadd.s32 s1, s30  }
0xba: {  	s0 =	sor.u32 s3, s0;
	s1 =	sshll.u32 s1, $0x11  }
0xbb: {  	s0 =	sor.u32 s1, s0  }
0xbc: {  	s0 =	sadd.s32 $0x8F2B, s0  }
0xbd: {  	[sflag:s0] =	ssyncadd.remote.s32 $0x1  }
0xbe: {  	_ =	sfence.sel $0xFFFF  }
0xbf: {  	[dreg:$0x0] =	wrdreg $0xFFFFFFFF;
	(pc) =	sbr.abs _section_cstart, $3  }
0xc0: {  	[dreg:$0x1] =	wrdreg $0xFFFFFFFF  }
0xc1: {  	_ =	task.clear_ibuf [dreg:s6], $0x2FFFF;
	_ =	strace $0x9FFFFFFF  }
0xc2: {  	(tm) =	ssettm $0x7FFFFFFF  }
0xc3: {  	_ =	shalt  }
tec
execute0_lowered:
.L_overlay_start_1:
0x0: {  	(tag) =	ssettag $0x1  }
0x1: {  	s0 =	rddreg [dreg:$0x0]  }
0x2: {  	s1 =	rddreg [dreg:$0x1];
	s3 =	simm.s32 $0x0;
	s2 =	srdreg.scid  }
0x3: {  	s11 =	stileid.u32;
	s30 =	simm.s32 $0x3;
	s31 =	simm.s32 $0x1400  }
0x4: {  	[smem:$0x7FF] =	sst s3;
	s2 =	sand.u32 $0x1, s2;
	s5 =	smul.u32 $0x14000, s11  }
0x5: {  	s7 =	sadd.s32 $0x16BA00, s0;
	s8 =	sadd.s32 $0x1200, s0;
	s13 =	smul.u32 $0x50000, s11  }
0x6: {  	s25 =	sshll.u32 s11, $0x6;
	s4 =	smul.u32 $0x500000, s2;
	s6 =	sshll.u32 s2, $0x4  }
0x7: {  	_ =	strace $0x8000004A;
	s2 =	ssub.s32 $0x2, s2;
	s6 =	sor.u32 s11, s6  }
0x8: {  	s9 =	sshrl.u32 s2, $0x1;
	s26 =	sshrl.u32 s13, $0x2;
	s11 =	simm.s32 $0x0  }
0x9: {  	s5 =	sadd.s32 s5, s4;
	s6 =	smul.u32 $0x2800, s6;
	s4 =	sadd.s32 $0x193A00, s0  }
0xa: {  	s2 =	ssub.s32 s2, s9;
	s9 =	simm.s32 $0x2700;
	s5 =	sshrl.u32 s5, $0x3  }
0xb: {  	s29 =	smax.u32 s2, $0x1;
	s2 =	simm.s32 $0x2800;
	s6 =	sshrl.u32 s6, $0x3  }
0xc: {  	s5 =	sadd.s32 s5, s0;
	s10 =	sadd.s32 s7, s6;
	s14 =	sadd.s32 s8, s6  }
0xd: {  	s15 =	sadd.s32 $0x280, s6;
	s16 =	sadd.s32 $0xA000, s6;
	[dreg:$0x3] =	wrdreg s10  }
0xe: {  	s18 =	sadd.s32 $0xA280, s6;
	[dreg:$0x4] =	wrdreg s14;
	s12 =	sadd.s32 s7, s15  }
0xf: {  	s20 =	sadd.s32 $0x14000, s6;
	s10 =	sadd.s32 s8, s15;
	[dreg:$0x5] =	wrdreg s12  }
0x10: {  	s22 =	sadd.s32 $0x14280, s6;
	s17 =	sadd.s32 s7, s16;
	[dreg:$0x6] =	wrdreg s10  }
0x11: {  	s24 =	sadd.s32 $0x1E000, s6;
	s19 =	sadd.s32 s7, s18;
	[dreg:$0x7] =	wrdreg s17  }
0x12: {  	s6 =	sadd.s32 $0x1E280, s6;
	s21 =	sadd.s32 s7, s20;
	[dreg:$0x9] =	wrdreg s19  }
0x13: {  	s28 =	sadd.s32 $0x2A7E00, s5;
	s23 =	sadd.s32 s7, s22;
	[dreg:$0xb] =	wrdreg s21  }
0x14: {  	s10 =	sadd.s32 s8, s16;
	[dreg:$0xd] =	wrdreg s23;
	s16 =	sadd.s32 s8, s22  }
0x15: {  	s17 =	sadd.s32 s7, s24;
	s19 =	sadd.s32 s7, s6;
	s21 =	sadd.s32 $0x29200, s0  }
0x16: {  	s22 =	sor.u32 $0x1C03, s25;
	s23 =	sadd.s32 $0x22FE00, s5;
	s25 =	sadd.s32 s26, s1  }
0x17: {  	s26 =	sadd.s32 $0x27FE00, s5;
	s0 =	simm.s32 $0x80;
	s7 =	simm.s32 $0x2  }
0x18: {  	[dreg:$0x8] =	wrdreg s10;
	s10 =	sadd.s32 s8, s18;
	s18 =	sadd.s32 s8, s24  }
0x19: {  	s24 =	sadd.s32 $0x257E00, s5;
	s5 =	simm.s32 $0x1;
	[dreg:$0xa] =	wrdreg s10  }
0x1a: {  	s10 =	sadd.s32 s8, s20;
	s20 =	sadd.s32 s8, s6;
	s6 =	simm.s32 $0x6800  }
0x1b: {  	s8 =	simm.s32 $0x1380;
	[dreg:$0xc] =	wrdreg s10;
	s10 =	simm.s32 $0x2780  }
.LBB2_1:
0x1c: {  	s12 =	sshrl.u32 s25, $0x3  }
0x1d: {  	[spmem:s12], [sflag:s22] =	dma.local [hbm:s21], $0x2800  }
0x1e: {  	_ =	swait.ge [sflag:s30], $0x2800  }
0x1f: {  	[sflag:s30] =	ssyncset.done $0x0  }
0x20: {  	[sflag:s30] =	ssyncadd.s32 $0xFFFFD800  }
0x21: {  	[bflag:$0x0] =	sbarrier.arrive $0xFFFF  }
0x22: {  	s13 =	rddreg [dreg:$0x3]  }
0x23: {  	[tilespmem:s3], [sflag:$0x3] =	stream.linear.gather [hbm4b:s13+s3], $0x1400, $0x38;
	[tilespmem:$0x1E800] =	vst v63  }
0x24: {  	_ =	swait.ge [sflag:s30], $0x1400  }
0x25: {  	[sflag:s30] =	ssyncset.done $0x0  }
0x26: {  	s15 =	rddreg [dreg:$0x4];
	[sflag:s30] =	ssyncadd.s32 $0xFFFFEC00  }
0x27: {  	[tilespmem:s31], [sflag:$0x3] =	stream.linear.gather [hbm4b:s15+s3], $0x1400, $0x38;
	[tilespmem:$0x1E800] =	vst v63  }
0x28: {  	_ =	swait.ge [sflag:s30], $0x1400  }
0x29: {  	[sflag:s30] =	ssyncset.done $0x0  }
0x2a: {  	[sflag:s30] =	ssyncadd.s32 $0xFFFFEC00  }
0x2b: {  	[tilespmem:s2], [sflag:$0x1] =	stream.indirect.gather [hbm4b:s4+s0], $0x80, s3, s0, $0xb8;
	[tilespmem:$0x1E800] =	vst v63  }
0x2c: {  	_ =	swait.ge [sflag:s5], $0x4000  }
0x2d: {  	[sflag:s5] =	ssyncset.done $0x0  }
0x2e: {  	s14 =	simm.s32 $0x80;
	[sflag:s5] =	ssyncadd.s32 $0xFFFFC000  }
0x2f: {  	[tilespmem:s6], [sflag:$0x2] =	stream.indirect.gather [hbm4b:s4+s0], $0x80, s14, s0, $0xb8;
	[tilespmem:$0x1E800] =	vst v63  }
0x30: {  	s15 =	simm.s32 $0x1400  }
0x31: {  	[spmem:s1] =	stream.indirect.scatter.add.f32 [tilespmem:s2], [sflag:$0x3], $0x80, s15, s0, $0xb8;
	[tilespmem:$0x1E800] =	vst v63  }
0x32: {  	_ =	swait.ge [sflag:s30], $0x4000  }
0x33: {  	[sflag:s30] =	ssyncset.done $0x0  }
0x34: {  	s14 =	simm.s32 $0x100;
	[sflag:s30] =	ssyncadd.s32 $0xFFFFC000  }
0x35: {  	[tilespmem:s2], [sflag:$0x1] =	stream.indirect.gather [hbm4b:s4+s0], $0x80, s14, s0, $0xb8;
	[tilespmem:$0x1E800] =	vst v63  }
0x36: {  	_ =	swait.ge [sflag:s7], $0x4000  }
0x37: {  	[sflag:s7] =	ssyncset.done $0x0  }
0x38: {  	s15 =	simm.s32 $0x1480;
	[sflag:s7] =	ssyncadd.s32 $0xFFFFC000  }
0x39: {  	[spmem:s1] =	stream.indirect.scatter.add.f32 [tilespmem:s6], [sflag:$0x3], $0x80, s15, s0, $0xb8;
	[tilespmem:$0x1E800] =	vst v63  }
0x3a: {  	_ =	swait.ge [sflag:s30], $0x4000  }
0x3b: {  	s13 =	simm.s32 $0x400;
	[sflag:s30] =	ssyncset.done $0x0  }
.LBB2_2:
0x3c: {  	p0 =	sne.s32 s13, $0x4800  }
0x3d: {  	[sflag:s30] =	ssyncadd.s32 $0xFFFFC000;
	s14 =	smov.u32 s13;
	s13 =	sadd.s32 $0x400, s13  }
0x3e: {  	_ =	swait.ge [sflag:s5], $0x4000  }
0x3f: {  	s14 =	sshra.s32 s14, $0x2;
	[sflag:s5] =	ssyncset.done $0x0  }
0x40: {  	s15 =	sadd.s32 $0x80, s14;
	[sflag:s5] =	ssyncadd.s32 $0xFFFFC000  }
0x41: {  	[tilespmem:s6], [sflag:$0x2] =	stream.indirect.gather [hbm4b:s4+s0], $0x80, s15, s0, $0xb8;
	[tilespmem:$0x1E800] =	vst v63  }
0x42: {  	s15 =	sadd.s32 $0x1400, s14  }
0x43: {  	[spmem:s1] =	stream.indirect.scatter.add.f32 [tilespmem:s2], [sflag:$0x3], $0x80, s15, s0, $0xb8;
	[tilespmem:$0x1E800] =	vst v63  }
0x44: {  	_ =	swait.ge [sflag:s30], $0x4000  }
0x45: {  	[sflag:s30] =	ssyncset.done $0x0  }
0x46: {  	s15 =	sadd.s32 $0x100, s14;
	[sflag:s30] =	ssyncadd.s32 $0xFFFFC000  }
0x47: {  	[tilespmem:s2], [sflag:$0x1] =	stream.indirect.gather [hbm4b:s4+s0], $0x80, s15, s0, $0xb8;
	[tilespmem:$0x1E800] =	vst v63  }
0x48: {  	_ =	swait.ge [sflag:s7], $0x4000  }
.Ltmp0:
0x49: {  	[sflag:s7] =	ssyncset.done $0x0;
	(pc) =	sbr.rel @p0 .LBB2_2-.Ltmp0, $4  }
0x4a: {  	s14 =	sadd.s32 $0x1480, s14;
	[sflag:s7] =	ssyncadd.s32 $0xFFFFC000  }
0x4b: {  	[spmem:s1] =	stream.indirect.scatter.add.f32 [tilespmem:s6], [sflag:$0x3], $0x80, s14, s0, $0xb8;
	[tilespmem:$0x1E800] =	vst v63  }
0x4c: {  	_ =	swait.ge [sflag:s30], $0x4000  }
0x4d: {  	[sflag:s30] =	ssyncset.done $0x0  }
0x4e: {  	[sflag:s30] =	ssyncadd.s32 $0xFFFFC000  }
0x4f: {  	_ =	swait.ge [sflag:s5], $0x4000  }
0x50: {  	[sflag:s5] =	ssyncset.done $0x0  }
0x51: {  	[sflag:s5] =	ssyncadd.s32 $0xFFFFC000  }
0x52: {  	[tilespmem:s6], [sflag:$0x2] =	stream.indirect.gather [hbm4b:s4+s0], $0x80, s8, s0, $0xb8;
	[tilespmem:$0x1E800] =	vst v63  }
0x53: {  	_ = 	snop  }
0x54: {  	[spmem:s1] =	stream.indirect.scatter.add.f32 [tilespmem:s2], [sflag:$0x3], $0x80, s9, s0, $0xb8;
	[tilespmem:$0x1E800] =	vst v63  }
0x55: {  	_ =	swait.ge [sflag:s30], $0x4000  }
0x56: {  	[sflag:s30] =	ssyncset.done $0x0  }
0x57: {  	[sflag:s30] =	ssyncadd.s32 $0xFFFFC000  }
0x58: {  	_ =	swait.ge [sflag:s7], $0x4000  }
0x59: {  	[sflag:s7] =	ssyncset.done $0x0  }
0x5a: {  	[sflag:s7] =	ssyncadd.s32 $0xFFFFC000  }
0x5b: {  	[spmem:s1] =	stream.indirect.scatter.add.f32 [tilespmem:s6], [sflag:$0x3], $0x80, s10, s0, $0xb8;
	[tilespmem:$0x1E800] =	vst v63  }
0x5c: {  	_ =	swait.ge [sflag:s30], $0x4000  }
0x5d: {  	[sflag:s30] =	ssyncset.done $0x0  }
0x5e: {  	s13 =	simm.s32 $0x0;
	s14 =	rddreg [dreg:$0x5];
	[sflag:s30] =	ssyncadd.s32 $0xFFFFC000  }
0x5f: {  	[tilespmem:s13], [sflag:$0x3] =	stream.linear.gather [hbm4b:s14+s13], $0x1400, $0x38;
	[tilespmem:$0x1E800] =	vst v63  }
0x60: {  	_ =	swait.ge [sflag:s30], $0x1400  }
0x61: {  	[sflag:s30] =	ssyncset.done $0x0  }
0x62: {  	s15 =	rddreg [dreg:$0x6];
	[sflag:s30] =	ssyncadd.s32 $0xFFFFEC00  }
0x63: {  	[tilespmem:s31], [sflag:$0x3] =	stream.linear.gather [hbm4b:s15+s13], $0x1400, $0x38;
	[tilespmem:$0x1E800] =	vst v63  }
0x64: {  	_ =	swait.ge [sflag:s30], $0x1400  }
0x65: {  	[sflag:s30] =	ssyncset.done $0x0  }
0x66: {  	[sflag:s30] =	ssyncadd.s32 $0xFFFFEC00  }
0x67: {  	[tilespmem:s2], [sflag:$0x1] =	stream.indirect.gather [hbm4b:s4+s0], $0x80, s13, s0, $0xb8;
	[tilespmem:$0x1E800] =	vst v63  }
0x68: {  	_ =	swait.ge [sflag:s5], $0x4000  }
0x69: {  	[sflag:s5] =	ssyncset.done $0x0  }
0x6a: {  	s14 =	simm.s32 $0x80;
	[sflag:s5] =	ssyncadd.s32 $0xFFFFC000  }
0x6b: {  	[tilespmem:s6], [sflag:$0x2] =	stream.indirect.gather [hbm4b:s4+s0], $0x80, s14, s0, $0xb8;
	[tilespmem:$0x1E800] =	vst v63  }
0x6c: {  	s15 =	simm.s32 $0x1400  }
0x6d: {  	[spmem:s1] =	stream.indirect.scatter.add.f32 [tilespmem:s2], [sflag:$0x3], $0x80, s15, s0, $0xb8;
	[tilespmem:$0x1E800] =	vst v63  }
0x6e: {  	_ =	swait.ge [sflag:s30], $0x4000  }
0x6f: {  	[sflag:s30] =	ssyncset.done $0x0  }
0x70: {  	s14 =	simm.s32 $0x100;
	[sflag:s30] =	ssyncadd.s32 $0xFFFFC000  }
0x71: {  	[tilespmem:s2], [sflag:$0x1] =	stream.indirect.gather [hbm4b:s4+s0], $0x80, s14, s0, $0xb8;
	[tilespmem:$0x1E800] =	vst v63  }
0x72: {  	_ =	swait.ge [sflag:s7], $0x4000  }
0x73: {  	[sflag:s7] =	ssyncset.done $0x0  }
0x74: {  	s15 =	simm.s32 $0x1480;
	[sflag:s7] =	ssyncadd.s32 $0xFFFFC000  }
0x75: {  	[spmem:s1] =	stream.indirect.scatter.add.f32 [tilespmem:s6], [sflag:$0x3], $0x80, s15, s0, $0xb8;
	[tilespmem:$0x1E800] =	vst v63  }
0x76: {  	_ =	swait.ge [sflag:s30], $0x4000  }
0x77: {  	s13 =	simm.s32 $0x400;
	[sflag:s30] =	ssyncset.done $0x0  }
.LBB2_4:
0x78: {  	p0 =	sne.s32 s13, $0x4800  }
0x79: {  	[sflag:s30] =	ssyncadd.s32 $0xFFFFC000;
	s14 =	smov.u32 s13;
	s13 =	sadd.s32 $0x400, s13  }
0x7a: {  	_ =	swait.ge [sflag:s5], $0x4000  }
0x7b: {  	s14 =	sshra.s32 s14, $0x2;
	[sflag:s5] =	ssyncset.done $0x0  }
0x7c: {  	s15 =	sadd.s32 $0x80, s14;
	[sflag:s5] =	ssyncadd.s32 $0xFFFFC000  }
0x7d: {  	[tilespmem:s6], [sflag:$0x2] =	stream.indirect.gather [hbm4b:s4+s0], $0x80, s15, s0, $0xb8;
	[tilespmem:$0x1E800] =	vst v63  }
0x7e: {  	s15 =	sadd.s32 $0x1400, s14  }
0x7f: {  	[spmem:s1] =	stream.indirect.scatter.add.f32 [tilespmem:s2], [sflag:$0x3], $0x80, s15, s0, $0xb8;
	[tilespmem:$0x1E800] =	vst v63  }
0x80: {  	_ =	swait.ge [sflag:s30], $0x4000  }
0x81: {  	[sflag:s30] =	ssyncset.done $0x0  }
0x82: {  	s15 =	sadd.s32 $0x100, s14;
	[sflag:s30] =	ssyncadd.s32 $0xFFFFC000  }
0x83: {  	[tilespmem:s2], [sflag:$0x1] =	stream.indirect.gather [hbm4b:s4+s0], $0x80, s15, s0, $0xb8;
	[tilespmem:$0x1E800] =	vst v63  }
0x84: {  	_ =	swait.ge [sflag:s7], $0x4000  }
.Ltmp1:
0x85: {  	[sflag:s7] =	ssyncset.done $0x0;
	(pc) =	sbr.rel @p0 .LBB2_4-.Ltmp1, $4  }
0x86: {  	s14 =	sadd.s32 $0x1480, s14;
	[sflag:s7] =	ssyncadd.s32 $0xFFFFC000  }
0x87: {  	[spmem:s1] =	stream.indirect.scatter.add.f32 [tilespmem:s6], [sflag:$0x3], $0x80, s14, s0, $0xb8;
	[tilespmem:$0x1E800] =	vst v63  }
0x88: {  	_ =	swait.ge [sflag:s30], $0x4000  }
0x89: {  	[sflag:s30] =	ssyncset.done $0x0  }
0x8a: {  	[sflag:s30] =	ssyncadd.s32 $0xFFFFC000  }
0x8b: {  	_ =	swait.ge [sflag:s5], $0x4000  }
0x8c: {  	[sflag:s5] =	ssyncset.done $0x0  }
0x8d: {  	[sflag:s5] =	ssyncadd.s32 $0xFFFFC000  }
0x8e: {  	[tilespmem:s6], [sflag:$0x2] =	stream.indirect.gather [hbm4b:s4+s0], $0x80, s8, s0, $0xb8;
	[tilespmem:$0x1E800] =	vst v63  }
0x8f: {  	_ = 	snop  }
0x90: {  	[spmem:s1] =	stream.indirect.scatter.add.f32 [tilespmem:s2], [sflag:$0x3], $0x80, s9, s0, $0xb8;
	[tilespmem:$0x1E800] =	vst v63  }
0x91: {  	_ =	swait.ge [sflag:s30], $0x4000  }
0x92: {  	[sflag:s30] =	ssyncset.done $0x0  }
0x93: {  	[sflag:s30] =	ssyncadd.s32 $0xFFFFC000  }
0x94: {  	_ =	swait.ge [sflag:s7], $0x4000  }
0x95: {  	[sflag:s7] =	ssyncset.done $0x0  }
0x96: {  	[sflag:s7] =	ssyncadd.s32 $0xFFFFC000  }
0x97: {  	[spmem:s1] =	stream.indirect.scatter.add.f32 [tilespmem:s6], [sflag:$0x3], $0x80, s10, s0, $0xb8;
	[tilespmem:$0x1E800] =	vst v63  }
0x98: {  	_ =	swait.ge [sflag:s30], $0x4000  }
0x99: {  	[sflag:s30] =	ssyncset.done $0x0  }
0x9a: {  	[sflag:s30] =	ssyncadd.s32 $0xFFFFC000  }
0x9b: {  	[bflag:$0x0] =	sbarrier.arrive $0xFFFF  }
0x9c: {  	[hbm:s23], [sflag:s22] =	dma.local [spmem:s12], $0x2800  }
0x9d: {  	_ =	swait.ge [sflag:s30], $0x2800  }
0x9e: {  	[sflag:s30] =	ssyncset.done $0x0  }
0x9f: {  	[sflag:s30] =	ssyncadd.s32 $0xFFFFD800  }
0xa0: {  	[bflag:$0x0] =	sbarrier.arrive $0xFFFF  }
0xa1: {  	[spmem:s12], [sflag:s22] =	dma.local [hbm:s21], $0x2800  }
0xa2: {  	_ =	swait.ge [sflag:s30], $0x2800  }
0xa3: {  	[sflag:s30] =	ssyncset.done $0x0  }
0xa4: {  	[sflag:s30] =	ssyncadd.s32 $0xFFFFD800  }
0xa5: {  	[bflag:$0x0] =	sbarrier.arrive $0xFFFF  }
0xa6: {  	s13 =	simm.s32 $0x0;
	s14 =	rddreg [dreg:$0x7]  }
0xa7: {  	[tilespmem:s13], [sflag:$0x3] =	stream.linear.gather [hbm4b:s14+s13], $0x1400, $0x38;
	[tilespmem:$0x1E800] =	vst v63  }
0xa8: {  	_ =	swait.ge [sflag:s30], $0x1400  }
0xa9: {  	[sflag:s30] =	ssyncset.done $0x0  }
0xaa: {  	s15 =	rddreg [dreg:$0x8];
	[sflag:s30] =	ssyncadd.s32 $0xFFFFEC00  }
0xab: {  	[tilespmem:s31], [sflag:$0x3] =	stream.linear.gather [hbm4b:s15+s13], $0x1400, $0x38;
	[tilespmem:$0x1E800] =	vst v63  }
0xac: {  	_ =	swait.ge [sflag:s30], $0x1400  }
0xad: {  	[sflag:s30] =	ssyncset.done $0x0  }
0xae: {  	[sflag:s30] =	ssyncadd.s32 $0xFFFFEC00  }
0xaf: {  	[tilespmem:s2], [sflag:$0x1] =	stream.indirect.gather [hbm4b:s4+s0], $0x80, s13, s0, $0xb8;
	[tilespmem:$0x1E800] =	vst v63  }
0xb0: {  	_ =	swait.ge [sflag:s5], $0x4000  }
0xb1: {  	[sflag:s5] =	ssyncset.done $0x0  }
0xb2: {  	s14 =	simm.s32 $0x80;
	[sflag:s5] =	ssyncadd.s32 $0xFFFFC000  }
0xb3: {  	[tilespmem:s6], [sflag:$0x2] =	stream.indirect.gather [hbm4b:s4+s0], $0x80, s14, s0, $0xb8;
	[tilespmem:$0x1E800] =	vst v63  }
0xb4: {  	s15 =	simm.s32 $0x1400  }
0xb5: {  	[spmem:s1] =	stream.indirect.scatter.add.f32 [tilespmem:s2], [sflag:$0x3], $0x80, s15, s0, $0xb8;
	[tilespmem:$0x1E800] =	vst v63  }
0xb6: {  	_ =	swait.ge [sflag:s30], $0x4000  }
0xb7: {  	[sflag:s30] =	ssyncset.done $0x0  }
0xb8: {  	s14 =	simm.s32 $0x100;
	[sflag:s30] =	ssyncadd.s32 $0xFFFFC000  }
0xb9: {  	[tilespmem:s2], [sflag:$0x1] =	stream.indirect.gather [hbm4b:s4+s0], $0x80, s14, s0, $0xb8;
	[tilespmem:$0x1E800] =	vst v63  }
0xba: {  	_ =	swait.ge [sflag:s7], $0x4000  }
0xbb: {  	[sflag:s7] =	ssyncset.done $0x0  }
0xbc: {  	s15 =	simm.s32 $0x1480;
	[sflag:s7] =	ssyncadd.s32 $0xFFFFC000  }
0xbd: {  	[spmem:s1] =	stream.indirect.scatter.add.f32 [tilespmem:s6], [sflag:$0x3], $0x80, s15, s0, $0xb8;
	[tilespmem:$0x1E800] =	vst v63  }
0xbe: {  	_ =	swait.ge [sflag:s30], $0x4000  }
0xbf: {  	s13 =	simm.s32 $0x400;
	[sflag:s30] =	ssyncset.done $0x0  }
.LBB2_6:
0xc0: {  	p0 =	sne.s32 s13, $0x4800  }
0xc1: {  	[sflag:s30] =	ssyncadd.s32 $0xFFFFC000;
	s14 =	smov.u32 s13;
	s13 =	sadd.s32 $0x400, s13  }
0xc2: {  	_ =	swait.ge [sflag:s5], $0x4000  }
0xc3: {  	s14 =	sshra.s32 s14, $0x2;
	[sflag:s5] =	ssyncset.done $0x0  }
0xc4: {  	s15 =	sadd.s32 $0x80, s14;
	[sflag:s5] =	ssyncadd.s32 $0xFFFFC000  }
0xc5: {  	[tilespmem:s6], [sflag:$0x2] =	stream.indirect.gather [hbm4b:s4+s0], $0x80, s15, s0, $0xb8;
	[tilespmem:$0x1E800] =	vst v63  }
0xc6: {  	s15 =	sadd.s32 $0x1400, s14  }
0xc7: {  	[spmem:s1] =	stream.indirect.scatter.add.f32 [tilespmem:s2], [sflag:$0x3], $0x80, s15, s0, $0xb8;
	[tilespmem:$0x1E800] =	vst v63  }
0xc8: {  	_ =	swait.ge [sflag:s30], $0x4000  }
0xc9: {  	[sflag:s30] =	ssyncset.done $0x0  }
0xca: {  	s15 =	sadd.s32 $0x100, s14;
	[sflag:s30] =	ssyncadd.s32 $0xFFFFC000  }
0xcb: {  	[tilespmem:s2], [sflag:$0x1] =	stream.indirect.gather [hbm4b:s4+s0], $0x80, s15, s0, $0xb8;
	[tilespmem:$0x1E800] =	vst v63  }
0xcc: {  	_ =	swait.ge [sflag:s7], $0x4000  }
.Ltmp2:
0xcd: {  	[sflag:s7] =	ssyncset.done $0x0;
	(pc) =	sbr.rel @p0 .LBB2_6-.Ltmp2, $4  }
0xce: {  	s14 =	sadd.s32 $0x1480, s14;
	[sflag:s7] =	ssyncadd.s32 $0xFFFFC000  }
0xcf: {  	[spmem:s1] =	stream.indirect.scatter.add.f32 [tilespmem:s6], [sflag:$0x3], $0x80, s14, s0, $0xb8;
	[tilespmem:$0x1E800] =	vst v63  }
0xd0: {  	_ =	swait.ge [sflag:s30], $0x4000  }
0xd1: {  	[sflag:s30] =	ssyncset.done $0x0  }
0xd2: {  	[sflag:s30] =	ssyncadd.s32 $0xFFFFC000  }
0xd3: {  	_ =	swait.ge [sflag:s5], $0x4000  }
0xd4: {  	[sflag:s5] =	ssyncset.done $0x0  }
0xd5: {  	[sflag:s5] =	ssyncadd.s32 $0xFFFFC000  }
0xd6: {  	[tilespmem:s6], [sflag:$0x2] =	stream.indirect.gather [hbm4b:s4+s0], $0x80, s8, s0, $0xb8;
	[tilespmem:$0x1E800] =	vst v63  }
0xd7: {  	_ = 	snop  }
0xd8: {  	[spmem:s1] =	stream.indirect.scatter.add.f32 [tilespmem:s2], [sflag:$0x3], $0x80, s9, s0, $0xb8;
	[tilespmem:$0x1E800] =	vst v63  }
0xd9: {  	_ =	swait.ge [sflag:s30], $0x4000  }
0xda: {  	[sflag:s30] =	ssyncset.done $0x0  }
0xdb: {  	[sflag:s30] =	ssyncadd.s32 $0xFFFFC000  }
0xdc: {  	_ =	swait.ge [sflag:s7], $0x4000  }
0xdd: {  	[sflag:s7] =	ssyncset.done $0x0  }
0xde: {  	[sflag:s7] =	ssyncadd.s32 $0xFFFFC000  }
0xdf: {  	[spmem:s1] =	stream.indirect.scatter.add.f32 [tilespmem:s6], [sflag:$0x3], $0x80, s10, s0, $0xb8;
	[tilespmem:$0x1E800] =	vst v63  }
0xe0: {  	_ =	swait.ge [sflag:s30], $0x4000  }
0xe1: {  	[sflag:s30] =	ssyncset.done $0x0  }
0xe2: {  	s13 =	simm.s32 $0x0;
	s14 =	rddreg [dreg:$0x9];
	[sflag:s30] =	ssyncadd.s32 $0xFFFFC000  }
0xe3: {  	[tilespmem:s13], [sflag:$0x3] =	stream.linear.gather [hbm4b:s14+s13], $0x1400, $0x38;
	[tilespmem:$0x1E800] =	vst v63  }
0xe4: {  	_ =	swait.ge [sflag:s30], $0x1400  }
0xe5: {  	[sflag:s30] =	ssyncset.done $0x0  }
0xe6: {  	s15 =	rddreg [dreg:$0xa];
	[sflag:s30] =	ssyncadd.s32 $0xFFFFEC00  }
0xe7: {  	[tilespmem:s31], [sflag:$0x3] =	stream.linear.gather [hbm4b:s15+s13], $0x1400, $0x38;
	[tilespmem:$0x1E800] =	vst v63  }
0xe8: {  	_ =	swait.ge [sflag:s30], $0x1400  }
0xe9: {  	[sflag:s30] =	ssyncset.done $0x0  }
0xea: {  	[sflag:s30] =	ssyncadd.s32 $0xFFFFEC00  }
0xeb: {  	[tilespmem:s2], [sflag:$0x1] =	stream.indirect.gather [hbm4b:s4+s0], $0x80, s13, s0, $0xb8;
	[tilespmem:$0x1E800] =	vst v63  }
0xec: {  	_ =	swait.ge [sflag:s5], $0x4000  }
0xed: {  	[sflag:s5] =	ssyncset.done $0x0  }
0xee: {  	s14 =	simm.s32 $0x80;
	[sflag:s5] =	ssyncadd.s32 $0xFFFFC000  }
0xef: {  	[tilespmem:s6], [sflag:$0x2] =	stream.indirect.gather [hbm4b:s4+s0], $0x80, s14, s0, $0xb8;
	[tilespmem:$0x1E800] =	vst v63  }
0xf0: {  	s15 =	simm.s32 $0x1400  }
0xf1: {  	[spmem:s1] =	stream.indirect.scatter.add.f32 [tilespmem:s2], [sflag:$0x3], $0x80, s15, s0, $0xb8;
	[tilespmem:$0x1E800] =	vst v63  }
0xf2: {  	_ =	swait.ge [sflag:s30], $0x4000  }
0xf3: {  	[sflag:s30] =	ssyncset.done $0x0  }
0xf4: {  	s14 =	simm.s32 $0x100;
	[sflag:s30] =	ssyncadd.s32 $0xFFFFC000  }
0xf5: {  	[tilespmem:s2], [sflag:$0x1] =	stream.indirect.gather [hbm4b:s4+s0], $0x80, s14, s0, $0xb8;
	[tilespmem:$0x1E800] =	vst v63  }
0xf6: {  	_ =	swait.ge [sflag:s7], $0x4000  }
0xf7: {  	[sflag:s7] =	ssyncset.done $0x0  }
0xf8: {  	s15 =	simm.s32 $0x1480;
	[sflag:s7] =	ssyncadd.s32 $0xFFFFC000  }
0xf9: {  	[spmem:s1] =	stream.indirect.scatter.add.f32 [tilespmem:s6], [sflag:$0x3], $0x80, s15, s0, $0xb8;
	[tilespmem:$0x1E800] =	vst v63  }
0xfa: {  	_ =	swait.ge [sflag:s30], $0x4000  }
0xfb: {  	s13 =	simm.s32 $0x400;
	[sflag:s30] =	ssyncset.done $0x0  }
.LBB2_8:
0xfc: {  	p0 =	sne.s32 s13, $0x4800  }
0xfd: {  	[sflag:s30] =	ssyncadd.s32 $0xFFFFC000;
	s14 =	smov.u32 s13;
	s13 =	sadd.s32 $0x400, s13  }
0xfe: {  	_ =	swait.ge [sflag:s5], $0x4000  }
0xff: {  	s14 =	sshra.s32 s14, $0x2;
	[sflag:s5] =	ssyncset.done $0x0  }
0x100: {  	s15 =	sadd.s32 $0x80, s14;
	[sflag:s5] =	ssyncadd.s32 $0xFFFFC000  }
0x101: {  	[tilespmem:s6], [sflag:$0x2] =	stream.indirect.gather [hbm4b:s4+s0], $0x80, s15, s0, $0xb8;
	[tilespmem:$0x1E800] =	vst v63  }
0x102: {  	s15 =	sadd.s32 $0x1400, s14  }
0x103: {  	[spmem:s1] =	stream.indirect.scatter.add.f32 [tilespmem:s2], [sflag:$0x3], $0x80, s15, s0, $0xb8;
	[tilespmem:$0x1E800] =	vst v63  }
0x104: {  	_ =	swait.ge [sflag:s30], $0x4000  }
0x105: {  	[sflag:s30] =	ssyncset.done $0x0  }
0x106: {  	s15 =	sadd.s32 $0x100, s14;
	[sflag:s30] =	ssyncadd.s32 $0xFFFFC000  }
0x107: {  	[tilespmem:s2], [sflag:$0x1] =	stream.indirect.gather [hbm4b:s4+s0], $0x80, s15, s0, $0xb8;
	[tilespmem:$0x1E800] =	vst v63  }
0x108: {  	_ =	swait.ge [sflag:s7], $0x4000  }
.Ltmp3:
0x109: {  	[sflag:s7] =	ssyncset.done $0x0;
	(pc) =	sbr.rel @p0 .LBB2_8-.Ltmp3, $4  }
0x10a: {  	s14 =	sadd.s32 $0x1480, s14;
	[sflag:s7] =	ssyncadd.s32 $0xFFFFC000  }
0x10b: {  	[spmem:s1] =	stream.indirect.scatter.add.f32 [tilespmem:s6], [sflag:$0x3], $0x80, s14, s0, $0xb8;
	[tilespmem:$0x1E800] =	vst v63  }
0x10c: {  	_ =	swait.ge [sflag:s30], $0x4000  }
0x10d: {  	[sflag:s30] =	ssyncset.done $0x0  }
0x10e: {  	[sflag:s30] =	ssyncadd.s32 $0xFFFFC000  }
0x10f: {  	_ =	swait.ge [sflag:s5], $0x4000  }
0x110: {  	[sflag:s5] =	ssyncset.done $0x0  }
0x111: {  	[sflag:s5] =	ssyncadd.s32 $0xFFFFC000  }
0x112: {  	[tilespmem:s6], [sflag:$0x2] =	stream.indirect.gather [hbm4b:s4+s0], $0x80, s8, s0, $0xb8;
	[tilespmem:$0x1E800] =	vst v63  }
0x113: {  	_ = 	snop  }
0x114: {  	[spmem:s1] =	stream.indirect.scatter.add.f32 [tilespmem:s2], [sflag:$0x3], $0x80, s9, s0, $0xb8;
	[tilespmem:$0x1E800] =	vst v63  }
0x115: {  	_ =	swait.ge [sflag:s30], $0x4000  }
0x116: {  	[sflag:s30] =	ssyncset.done $0x0  }
0x117: {  	[sflag:s30] =	ssyncadd.s32 $0xFFFFC000  }
0x118: {  	_ =	swait.ge [sflag:s7], $0x4000  }
0x119: {  	[sflag:s7] =	ssyncset.done $0x0  }
0x11a: {  	[sflag:s7] =	ssyncadd.s32 $0xFFFFC000  }
0x11b: {  	[spmem:s1] =	stream.indirect.scatter.add.f32 [tilespmem:s6], [sflag:$0x3], $0x80, s10, s0, $0xb8;
	[tilespmem:$0x1E800] =	vst v63  }
0x11c: {  	_ =	swait.ge [sflag:s30], $0x4000  }
0x11d: {  	[sflag:s30] =	ssyncset.done $0x0  }
0x11e: {  	[sflag:s30] =	ssyncadd.s32 $0xFFFFC000  }
0x11f: {  	[bflag:$0x0] =	sbarrier.arrive $0xFFFF  }
0x120: {  	[hbm:s24], [sflag:s22] =	dma.local [spmem:s12], $0x2800  }
0x121: {  	_ =	swait.ge [sflag:s30], $0x2800  }
0x122: {  	[sflag:s30] =	ssyncset.done $0x0  }
0x123: {  	[sflag:s30] =	ssyncadd.s32 $0xFFFFD800  }
0x124: {  	[bflag:$0x0] =	sbarrier.arrive $0xFFFF  }
0x125: {  	[spmem:s12], [sflag:s22] =	dma.local [hbm:s21], $0x2800  }
0x126: {  	_ =	swait.ge [sflag:s30], $0x2800  }
0x127: {  	[sflag:s30] =	ssyncset.done $0x0  }
0x128: {  	[sflag:s30] =	ssyncadd.s32 $0xFFFFD800  }
0x129: {  	[bflag:$0x0] =	sbarrier.arrive $0xFFFF  }
0x12a: {  	s13 =	simm.s32 $0x0;
	s14 =	rddreg [dreg:$0xb]  }
0x12b: {  	[tilespmem:s13], [sflag:$0x3] =	stream.linear.gather [hbm4b:s14+s13], $0x1400, $0x38;
	[tilespmem:$0x1E800] =	vst v63  }
0x12c: {  	_ =	swait.ge [sflag:s30], $0x1400  }
0x12d: {  	[sflag:s30] =	ssyncset.done $0x0  }
0x12e: {  	s15 =	rddreg [dreg:$0xc];
	[sflag:s30] =	ssyncadd.s32 $0xFFFFEC00  }
0x12f: {  	[tilespmem:s31], [sflag:$0x3] =	stream.linear.gather [hbm4b:s15+s13], $0x1400, $0x38;
	[tilespmem:$0x1E800] =	vst v63  }
0x130: {  	_ =	swait.ge [sflag:s30], $0x1400  }
0x131: {  	[sflag:s30] =	ssyncset.done $0x0  }
0x132: {  	[sflag:s30] =	ssyncadd.s32 $0xFFFFEC00  }
0x133: {  	[tilespmem:s2], [sflag:$0x1] =	stream.indirect.gather [hbm4b:s4+s0], $0x80, s13, s0, $0xb8;
	[tilespmem:$0x1E800] =	vst v63  }
0x134: {  	_ =	swait.ge [sflag:s5], $0x4000  }
0x135: {  	[sflag:s5] =	ssyncset.done $0x0  }
0x136: {  	s14 =	simm.s32 $0x80;
	[sflag:s5] =	ssyncadd.s32 $0xFFFFC000  }
0x137: {  	[tilespmem:s6], [sflag:$0x2] =	stream.indirect.gather [hbm4b:s4+s0], $0x80, s14, s0, $0xb8;
	[tilespmem:$0x1E800] =	vst v63  }
0x138: {  	s15 =	simm.s32 $0x1400  }
0x139: {  	[spmem:s1] =	stream.indirect.scatter.add.f32 [tilespmem:s2], [sflag:$0x3], $0x80, s15, s0, $0xb8;
	[tilespmem:$0x1E800] =	vst v63  }
0x13a: {  	_ =	swait.ge [sflag:s30], $0x4000  }
0x13b: {  	[sflag:s30] =	ssyncset.done $0x0  }
0x13c: {  	s14 =	simm.s32 $0x100;
	[sflag:s30] =	ssyncadd.s32 $0xFFFFC000  }
0x13d: {  	[tilespmem:s2], [sflag:$0x1] =	stream.indirect.gather [hbm4b:s4+s0], $0x80, s14, s0, $0xb8;
	[tilespmem:$0x1E800] =	vst v63  }
0x13e: {  	_ =	swait.ge [sflag:s7], $0x4000  }
0x13f: {  	[sflag:s7] =	ssyncset.done $0x0  }
0x140: {  	s15 =	simm.s32 $0x1480;
	[sflag:s7] =	ssyncadd.s32 $0xFFFFC000  }
0x141: {  	[spmem:s1] =	stream.indirect.scatter.add.f32 [tilespmem:s6], [sflag:$0x3], $0x80, s15, s0, $0xb8;
	[tilespmem:$0x1E800] =	vst v63  }
0x142: {  	_ =	swait.ge [sflag:s30], $0x4000  }
0x143: {  	s13 =	simm.s32 $0x400;
	[sflag:s30] =	ssyncset.done $0x0  }
.LBB2_10:
0x144: {  	p0 =	sne.s32 s13, $0x4800  }
0x145: {  	[sflag:s30] =	ssyncadd.s32 $0xFFFFC000;
	s14 =	smov.u32 s13;
	s13 =	sadd.s32 $0x400, s13  }
0x146: {  	_ =	swait.ge [sflag:s5], $0x4000  }
0x147: {  	s14 =	sshra.s32 s14, $0x2;
	[sflag:s5] =	ssyncset.done $0x0  }
0x148: {  	s15 =	sadd.s32 $0x80, s14;
	[sflag:s5] =	ssyncadd.s32 $0xFFFFC000  }
0x149: {  	[tilespmem:s6], [sflag:$0x2] =	stream.indirect.gather [hbm4b:s4+s0], $0x80, s15, s0, $0xb8;
	[tilespmem:$0x1E800] =	vst v63  }
0x14a: {  	s15 =	sadd.s32 $0x1400, s14  }
0x14b: {  	[spmem:s1] =	stream.indirect.scatter.add.f32 [tilespmem:s2], [sflag:$0x3], $0x80, s15, s0, $0xb8;
	[tilespmem:$0x1E800] =	vst v63  }
0x14c: {  	_ =	swait.ge [sflag:s30], $0x4000  }
0x14d: {  	[sflag:s30] =	ssyncset.done $0x0  }
0x14e: {  	s15 =	sadd.s32 $0x100, s14;
	[sflag:s30] =	ssyncadd.s32 $0xFFFFC000  }
0x14f: {  	[tilespmem:s2], [sflag:$0x1] =	stream.indirect.gather [hbm4b:s4+s0], $0x80, s15, s0, $0xb8;
	[tilespmem:$0x1E800] =	vst v63  }
0x150: {  	_ =	swait.ge [sflag:s7], $0x4000  }
.Ltmp4:
0x151: {  	[sflag:s7] =	ssyncset.done $0x0;
	(pc) =	sbr.rel @p0 .LBB2_10-.Ltmp4, $4  }
0x152: {  	s14 =	sadd.s32 $0x1480, s14;
	[sflag:s7] =	ssyncadd.s32 $0xFFFFC000  }
0x153: {  	[spmem:s1] =	stream.indirect.scatter.add.f32 [tilespmem:s6], [sflag:$0x3], $0x80, s14, s0, $0xb8;
	[tilespmem:$0x1E800] =	vst v63  }
0x154: {  	_ =	swait.ge [sflag:s30], $0x4000  }
0x155: {  	[sflag:s30] =	ssyncset.done $0x0  }
0x156: {  	[sflag:s30] =	ssyncadd.s32 $0xFFFFC000  }
0x157: {  	_ =	swait.ge [sflag:s5], $0x4000  }
0x158: {  	[sflag:s5] =	ssyncset.done $0x0  }
0x159: {  	[sflag:s5] =	ssyncadd.s32 $0xFFFFC000  }
0x15a: {  	[tilespmem:s6], [sflag:$0x2] =	stream.indirect.gather [hbm4b:s4+s0], $0x80, s8, s0, $0xb8;
	[tilespmem:$0x1E800] =	vst v63  }
0x15b: {  	_ = 	snop  }
0x15c: {  	[spmem:s1] =	stream.indirect.scatter.add.f32 [tilespmem:s2], [sflag:$0x3], $0x80, s9, s0, $0xb8;
	[tilespmem:$0x1E800] =	vst v63  }
0x15d: {  	_ =	swait.ge [sflag:s30], $0x4000  }
0x15e: {  	[sflag:s30] =	ssyncset.done $0x0  }
0x15f: {  	[sflag:s30] =	ssyncadd.s32 $0xFFFFC000  }
0x160: {  	_ =	swait.ge [sflag:s7], $0x4000  }
0x161: {  	[sflag:s7] =	ssyncset.done $0x0  }
0x162: {  	[sflag:s7] =	ssyncadd.s32 $0xFFFFC000  }
0x163: {  	[spmem:s1] =	stream.indirect.scatter.add.f32 [tilespmem:s6], [sflag:$0x3], $0x80, s10, s0, $0xb8;
	[tilespmem:$0x1E800] =	vst v63  }
0x164: {  	_ =	swait.ge [sflag:s30], $0x4000  }
0x165: {  	[sflag:s30] =	ssyncset.done $0x0  }
0x166: {  	s13 =	simm.s32 $0x0;
	s14 =	rddreg [dreg:$0xd];
	[sflag:s30] =	ssyncadd.s32 $0xFFFFC000  }
0x167: {  	[tilespmem:s13], [sflag:$0x3] =	stream.linear.gather [hbm4b:s14+s13], $0x1400, $0x38;
	[tilespmem:$0x1E800] =	vst v63  }
0x168: {  	_ =	swait.ge [sflag:s30], $0x1400  }
0x169: {  	[sflag:s30] =	ssyncset.done $0x0  }
0x16a: {  	[sflag:s30] =	ssyncadd.s32 $0xFFFFEC00  }
0x16b: {  	[tilespmem:s31], [sflag:$0x3] =	stream.linear.gather [hbm4b:s16+s13], $0x1400, $0x38;
	[tilespmem:$0x1E800] =	vst v63  }
0x16c: {  	_ =	swait.ge [sflag:s30], $0x1400  }
0x16d: {  	[sflag:s30] =	ssyncset.done $0x0  }
0x16e: {  	[sflag:s30] =	ssyncadd.s32 $0xFFFFEC00  }
0x16f: {  	[tilespmem:s2], [sflag:$0x1] =	stream.indirect.gather [hbm4b:s4+s0], $0x80, s13, s0, $0xb8;
	[tilespmem:$0x1E800] =	vst v63  }
0x170: {  	_ =	swait.ge [sflag:s5], $0x4000  }
0x171: {  	[sflag:s5] =	ssyncset.done $0x0  }
0x172: {  	s14 =	simm.s32 $0x80;
	[sflag:s5] =	ssyncadd.s32 $0xFFFFC000  }
0x173: {  	[tilespmem:s6], [sflag:$0x2] =	stream.indirect.gather [hbm4b:s4+s0], $0x80, s14, s0, $0xb8;
	[tilespmem:$0x1E800] =	vst v63  }
0x174: {  	s15 =	simm.s32 $0x1400  }
0x175: {  	[spmem:s1] =	stream.indirect.scatter.add.f32 [tilespmem:s2], [sflag:$0x3], $0x80, s15, s0, $0xb8;
	[tilespmem:$0x1E800] =	vst v63  }
0x176: {  	_ =	swait.ge [sflag:s30], $0x4000  }
0x177: {  	[sflag:s30] =	ssyncset.done $0x0  }
0x178: {  	s14 =	simm.s32 $0x100;
	[sflag:s30] =	ssyncadd.s32 $0xFFFFC000  }
0x179: {  	[tilespmem:s2], [sflag:$0x1] =	stream.indirect.gather [hbm4b:s4+s0], $0x80, s14, s0, $0xb8;
	[tilespmem:$0x1E800] =	vst v63  }
0x17a: {  	_ =	swait.ge [sflag:s7], $0x4000  }
0x17b: {  	[sflag:s7] =	ssyncset.done $0x0  }
0x17c: {  	s15 =	simm.s32 $0x1480;
	[sflag:s7] =	ssyncadd.s32 $0xFFFFC000  }
0x17d: {  	[spmem:s1] =	stream.indirect.scatter.add.f32 [tilespmem:s6], [sflag:$0x3], $0x80, s15, s0, $0xb8;
	[tilespmem:$0x1E800] =	vst v63  }
0x17e: {  	_ =	swait.ge [sflag:s30], $0x4000  }
0x17f: {  	s13 =	simm.s32 $0x400;
	[sflag:s30] =	ssyncset.done $0x0  }
.LBB2_12:
0x180: {  	p0 =	sne.s32 s13, $0x4800  }
0x181: {  	[sflag:s30] =	ssyncadd.s32 $0xFFFFC000;
	s14 =	smov.u32 s13;
	s13 =	sadd.s32 $0x400, s13  }
0x182: {  	_ =	swait.ge [sflag:s5], $0x4000  }
0x183: {  	s14 =	sshra.s32 s14, $0x2;
	[sflag:s5] =	ssyncset.done $0x0  }
0x184: {  	s15 =	sadd.s32 $0x80, s14;
	[sflag:s5] =	ssyncadd.s32 $0xFFFFC000  }
0x185: {  	[tilespmem:s6], [sflag:$0x2] =	stream.indirect.gather [hbm4b:s4+s0], $0x80, s15, s0, $0xb8;
	[tilespmem:$0x1E800] =	vst v63  }
0x186: {  	s15 =	sadd.s32 $0x1400, s14  }
0x187: {  	[spmem:s1] =	stream.indirect.scatter.add.f32 [tilespmem:s2], [sflag:$0x3], $0x80, s15, s0, $0xb8;
	[tilespmem:$0x1E800] =	vst v63  }
0x188: {  	_ =	swait.ge [sflag:s30], $0x4000  }
0x189: {  	[sflag:s30] =	ssyncset.done $0x0  }
0x18a: {  	s15 =	sadd.s32 $0x100, s14;
	[sflag:s30] =	ssyncadd.s32 $0xFFFFC000  }
0x18b: {  	[tilespmem:s2], [sflag:$0x1] =	stream.indirect.gather [hbm4b:s4+s0], $0x80, s15, s0, $0xb8;
	[tilespmem:$0x1E800] =	vst v63  }
0x18c: {  	_ =	swait.ge [sflag:s7], $0x4000  }
.Ltmp5:
0x18d: {  	[sflag:s7] =	ssyncset.done $0x0;
	(pc) =	sbr.rel @p0 .LBB2_12-.Ltmp5, $4  }
0x18e: {  	s14 =	sadd.s32 $0x1480, s14;
	[sflag:s7] =	ssyncadd.s32 $0xFFFFC000  }
0x18f: {  	[spmem:s1] =	stream.indirect.scatter.add.f32 [tilespmem:s6], [sflag:$0x3], $0x80, s14, s0, $0xb8;
	[tilespmem:$0x1E800] =	vst v63  }
0x190: {  	_ =	swait.ge [sflag:s30], $0x4000  }
0x191: {  	[sflag:s30] =	ssyncset.done $0x0  }
0x192: {  	[sflag:s30] =	ssyncadd.s32 $0xFFFFC000  }
0x193: {  	_ =	swait.ge [sflag:s5], $0x4000  }
0x194: {  	[sflag:s5] =	ssyncset.done $0x0  }
0x195: {  	[sflag:s5] =	ssyncadd.s32 $0xFFFFC000  }
0x196: {  	[tilespmem:s6], [sflag:$0x2] =	stream.indirect.gather [hbm4b:s4+s0], $0x80, s8, s0, $0xb8;
	[tilespmem:$0x1E800] =	vst v63  }
0x197: {  	_ = 	snop  }
0x198: {  	[spmem:s1] =	stream.indirect.scatter.add.f32 [tilespmem:s2], [sflag:$0x3], $0x80, s9, s0, $0xb8;
	[tilespmem:$0x1E800] =	vst v63  }
0x199: {  	_ =	swait.ge [sflag:s30], $0x4000  }
0x19a: {  	[sflag:s30] =	ssyncset.done $0x0  }
0x19b: {  	[sflag:s30] =	ssyncadd.s32 $0xFFFFC000  }
0x19c: {  	_ =	swait.ge [sflag:s7], $0x4000  }
0x19d: {  	[sflag:s7] =	ssyncset.done $0x0  }
0x19e: {  	[sflag:s7] =	ssyncadd.s32 $0xFFFFC000  }
0x19f: {  	[spmem:s1] =	stream.indirect.scatter.add.f32 [tilespmem:s6], [sflag:$0x3], $0x80, s10, s0, $0xb8;
	[tilespmem:$0x1E800] =	vst v63  }
0x1a0: {  	_ =	swait.ge [sflag:s30], $0x4000  }
0x1a1: {  	[sflag:s30] =	ssyncset.done $0x0  }
0x1a2: {  	[sflag:s30] =	ssyncadd.s32 $0xFFFFC000  }
0x1a3: {  	[bflag:$0x0] =	sbarrier.arrive $0xFFFF  }
0x1a4: {  	[hbm:s26], [sflag:s22] =	dma.local [spmem:s12], $0x2800  }
0x1a5: {  	_ =	swait.ge [sflag:s30], $0x2800  }
0x1a6: {  	[sflag:s30] =	ssyncset.done $0x0  }
0x1a7: {  	[sflag:s30] =	ssyncadd.s32 $0xFFFFD800  }
0x1a8: {  	[bflag:$0x0] =	sbarrier.arrive $0xFFFF  }
0x1a9: {  	[spmem:s12], [sflag:s22] =	dma.local [hbm:s21], $0x2800  }
0x1aa: {  	_ =	swait.ge [sflag:s30], $0x2800  }
0x1ab: {  	[sflag:s30] =	ssyncset.done $0x0  }
0x1ac: {  	[sflag:s30] =	ssyncadd.s32 $0xFFFFD800  }
0x1ad: {  	s13 =	simm.s32 $0x0;
	[bflag:$0x0] =	sbarrier.arrive $0xFFFF  }
0x1ae: {  	[tilespmem:s13], [sflag:$0x3] =	stream.linear.gather [hbm4b:s17+s13], $0x1400, $0x38;
	[tilespmem:$0x1E800] =	vst v63  }
0x1af: {  	_ =	swait.ge [sflag:s30], $0x1400  }
0x1b0: {  	[sflag:s30] =	ssyncset.done $0x0  }
0x1b1: {  	[sflag:s30] =	ssyncadd.s32 $0xFFFFEC00  }
0x1b2: {  	[tilespmem:s31], [sflag:$0x3] =	stream.linear.gather [hbm4b:s18+s13], $0x1400, $0x38;
	[tilespmem:$0x1E800] =	vst v63  }
0x1b3: {  	_ =	swait.ge [sflag:s30], $0x1400  }
0x1b4: {  	[sflag:s30] =	ssyncset.done $0x0  }
0x1b5: {  	[sflag:s30] =	ssyncadd.s32 $0xFFFFEC00  }
0x1b6: {  	[tilespmem:s2], [sflag:$0x1] =	stream.indirect.gather [hbm4b:s4+s0], $0x80, s13, s0, $0xb8;
	[tilespmem:$0x1E800] =	vst v63  }
0x1b7: {  	_ =	swait.ge [sflag:s5], $0x4000  }
0x1b8: {  	[sflag:s5] =	ssyncset.done $0x0  }
0x1b9: {  	s14 =	simm.s32 $0x80;
	[sflag:s5] =	ssyncadd.s32 $0xFFFFC000  }
0x1ba: {  	[tilespmem:s6], [sflag:$0x2] =	stream.indirect.gather [hbm4b:s4+s0], $0x80, s14, s0, $0xb8;
	[tilespmem:$0x1E800] =	vst v63  }
0x1bb: {  	s15 =	simm.s32 $0x1400  }
0x1bc: {  	[spmem:s1] =	stream.indirect.scatter.add.f32 [tilespmem:s2], [sflag:$0x3], $0x80, s15, s0, $0xb8;
	[tilespmem:$0x1E800] =	vst v63  }
0x1bd: {  	_ =	swait.ge [sflag:s30], $0x4000  }
0x1be: {  	[sflag:s30] =	ssyncset.done $0x0  }
0x1bf: {  	s14 =	simm.s32 $0x100;
	[sflag:s30] =	ssyncadd.s32 $0xFFFFC000  }
0x1c0: {  	[tilespmem:s2], [sflag:$0x1] =	stream.indirect.gather [hbm4b:s4+s0], $0x80, s14, s0, $0xb8;
	[tilespmem:$0x1E800] =	vst v63  }
0x1c1: {  	_ =	swait.ge [sflag:s7], $0x4000  }
0x1c2: {  	[sflag:s7] =	ssyncset.done $0x0  }
0x1c3: {  	s15 =	simm.s32 $0x1480;
	[sflag:s7] =	ssyncadd.s32 $0xFFFFC000  }
0x1c4: {  	[spmem:s1] =	stream.indirect.scatter.add.f32 [tilespmem:s6], [sflag:$0x3], $0x80, s15, s0, $0xb8;
	[tilespmem:$0x1E800] =	vst v63  }
0x1c5: {  	_ =	swait.ge [sflag:s30], $0x4000  }
0x1c6: {  	s13 =	simm.s32 $0x400;
	[sflag:s30] =	ssyncset.done $0x0  }
.LBB2_14:
0x1c7: {  	p0 =	sne.s32 s13, $0x4800  }
0x1c8: {  	[sflag:s30] =	ssyncadd.s32 $0xFFFFC000;
	s14 =	smov.u32 s13;
	s13 =	sadd.s32 $0x400, s13  }
0x1c9: {  	_ =	swait.ge [sflag:s5], $0x4000  }
0x1ca: {  	s14 =	sshra.s32 s14, $0x2;
	[sflag:s5] =	ssyncset.done $0x0  }
0x1cb: {  	s15 =	sadd.s32 $0x80, s14;
	[sflag:s5] =	ssyncadd.s32 $0xFFFFC000  }
0x1cc: {  	[tilespmem:s6], [sflag:$0x2] =	stream.indirect.gather [hbm4b:s4+s0], $0x80, s15, s0, $0xb8;
	[tilespmem:$0x1E800] =	vst v63  }
0x1cd: {  	s15 =	sadd.s32 $0x1400, s14  }
0x1ce: {  	[spmem:s1] =	stream.indirect.scatter.add.f32 [tilespmem:s2], [sflag:$0x3], $0x80, s15, s0, $0xb8;
	[tilespmem:$0x1E800] =	vst v63  }
0x1cf: {  	_ =	swait.ge [sflag:s30], $0x4000  }
0x1d0: {  	[sflag:s30] =	ssyncset.done $0x0  }
0x1d1: {  	s15 =	sadd.s32 $0x100, s14;
	[sflag:s30] =	ssyncadd.s32 $0xFFFFC000  }
0x1d2: {  	[tilespmem:s2], [sflag:$0x1] =	stream.indirect.gather [hbm4b:s4+s0], $0x80, s15, s0, $0xb8;
	[tilespmem:$0x1E800] =	vst v63  }
0x1d3: {  	_ =	swait.ge [sflag:s7], $0x4000  }
.Ltmp6:
0x1d4: {  	[sflag:s7] =	ssyncset.done $0x0;
	(pc) =	sbr.rel @p0 .LBB2_14-.Ltmp6, $4  }
0x1d5: {  	s14 =	sadd.s32 $0x1480, s14;
	[sflag:s7] =	ssyncadd.s32 $0xFFFFC000  }
0x1d6: {  	[spmem:s1] =	stream.indirect.scatter.add.f32 [tilespmem:s6], [sflag:$0x3], $0x80, s14, s0, $0xb8;
	[tilespmem:$0x1E800] =	vst v63  }
0x1d7: {  	_ =	swait.ge [sflag:s30], $0x4000  }
0x1d8: {  	[sflag:s30] =	ssyncset.done $0x0  }
0x1d9: {  	[sflag:s30] =	ssyncadd.s32 $0xFFFFC000  }
0x1da: {  	_ =	swait.ge [sflag:s5], $0x4000  }
0x1db: {  	[sflag:s5] =	ssyncset.done $0x0  }
0x1dc: {  	[sflag:s5] =	ssyncadd.s32 $0xFFFFC000  }
0x1dd: {  	[tilespmem:s6], [sflag:$0x2] =	stream.indirect.gather [hbm4b:s4+s0], $0x80, s8, s0, $0xb8;
	[tilespmem:$0x1E800] =	vst v63  }
0x1de: {  	_ = 	snop  }
0x1df: {  	[spmem:s1] =	stream.indirect.scatter.add.f32 [tilespmem:s2], [sflag:$0x3], $0x80, s9, s0, $0xb8;
	[tilespmem:$0x1E800] =	vst v63  }
0x1e0: {  	_ =	swait.ge [sflag:s30], $0x4000  }
0x1e1: {  	[sflag:s30] =	ssyncset.done $0x0  }
0x1e2: {  	[sflag:s30] =	ssyncadd.s32 $0xFFFFC000  }
0x1e3: {  	_ =	swait.ge [sflag:s7], $0x4000  }
0x1e4: {  	[sflag:s7] =	ssyncset.done $0x0  }
0x1e5: {  	[sflag:s7] =	ssyncadd.s32 $0xFFFFC000  }
0x1e6: {  	[spmem:s1] =	stream.indirect.scatter.add.f32 [tilespmem:s6], [sflag:$0x3], $0x80, s10, s0, $0xb8;
	[tilespmem:$0x1E800] =	vst v63  }
0x1e7: {  	_ =	swait.ge [sflag:s30], $0x4000  }
0x1e8: {  	[sflag:s30] =	ssyncset.done $0x0  }
0x1e9: {  	s13 =	simm.s32 $0x0;
	[sflag:s30] =	ssyncadd.s32 $0xFFFFC000  }
0x1ea: {  	[tilespmem:s13], [sflag:$0x3] =	stream.linear.gather [hbm4b:s19+s13], $0x1400, $0x38;
	[tilespmem:$0x1E800] =	vst v63  }
0x1eb: {  	_ =	swait.ge [sflag:s30], $0x1400  }
0x1ec: {  	[sflag:s30] =	ssyncset.done $0x0  }
0x1ed: {  	[sflag:s30] =	ssyncadd.s32 $0xFFFFEC00  }
0x1ee: {  	[tilespmem:s31], [sflag:$0x3] =	stream.linear.gather [hbm4b:s20+s13], $0x1400, $0x38;
	[tilespmem:$0x1E800] =	vst v63  }
0x1ef: {  	_ =	swait.ge [sflag:s30], $0x1400  }
0x1f0: {  	[sflag:s30] =	ssyncset.done $0x0  }
0x1f1: {  	[sflag:s30] =	ssyncadd.s32 $0xFFFFEC00  }
0x1f2: {  	[tilespmem:s2], [sflag:$0x1] =	stream.indirect.gather [hbm4b:s4+s0], $0x80, s13, s0, $0xb8;
	[tilespmem:$0x1E800] =	vst v63  }
0x1f3: {  	_ =	swait.ge [sflag:s5], $0x4000  }
0x1f4: {  	[sflag:s5] =	ssyncset.done $0x0  }
0x1f5: {  	s14 =	simm.s32 $0x80;
	[sflag:s5] =	ssyncadd.s32 $0xFFFFC000  }
0x1f6: {  	[tilespmem:s6], [sflag:$0x2] =	stream.indirect.gather [hbm4b:s4+s0], $0x80, s14, s0, $0xb8;
	[tilespmem:$0x1E800] =	vst v63  }
0x1f7: {  	s15 =	simm.s32 $0x1400  }
0x1f8: {  	[spmem:s1] =	stream.indirect.scatter.add.f32 [tilespmem:s2], [sflag:$0x3], $0x80, s15, s0, $0xb8;
	[tilespmem:$0x1E800] =	vst v63  }
0x1f9: {  	_ =	swait.ge [sflag:s30], $0x4000  }
0x1fa: {  	[sflag:s30] =	ssyncset.done $0x0  }
0x1fb: {  	s14 =	simm.s32 $0x100;
	[sflag:s30] =	ssyncadd.s32 $0xFFFFC000  }
0x1fc: {  	[tilespmem:s2], [sflag:$0x1] =	stream.indirect.gather [hbm4b:s4+s0], $0x80, s14, s0, $0xb8;
	[tilespmem:$0x1E800] =	vst v63  }
0x1fd: {  	_ =	swait.ge [sflag:s7], $0x4000  }
0x1fe: {  	[sflag:s7] =	ssyncset.done $0x0  }
0x1ff: {  	s15 =	simm.s32 $0x1480;
	[sflag:s7] =	ssyncadd.s32 $0xFFFFC000  }
0x200: {  	[spmem:s1] =	stream.indirect.scatter.add.f32 [tilespmem:s6], [sflag:$0x3], $0x80, s15, s0, $0xb8;
	[tilespmem:$0x1E800] =	vst v63  }
0x201: {  	_ =	swait.ge [sflag:s30], $0x4000  }
0x202: {  	s13 =	simm.s32 $0x400;
	[sflag:s30] =	ssyncset.done $0x0  }
.LBB2_16:
0x203: {  	p0 =	sne.s32 s13, $0x4800  }
0x204: {  	[sflag:s30] =	ssyncadd.s32 $0xFFFFC000;
	s14 =	smov.u32 s13;
	s13 =	sadd.s32 $0x400, s13  }
0x205: {  	_ =	swait.ge [sflag:s5], $0x4000  }
0x206: {  	s14 =	sshra.s32 s14, $0x2;
	[sflag:s5] =	ssyncset.done $0x0  }
0x207: {  	s15 =	sadd.s32 $0x80, s14;
	[sflag:s5] =	ssyncadd.s32 $0xFFFFC000  }
0x208: {  	[tilespmem:s6], [sflag:$0x2] =	stream.indirect.gather [hbm4b:s4+s0], $0x80, s15, s0, $0xb8;
	[tilespmem:$0x1E800] =	vst v63  }
0x209: {  	s15 =	sadd.s32 $0x1400, s14  }
0x20a: {  	[spmem:s1] =	stream.indirect.scatter.add.f32 [tilespmem:s2], [sflag:$0x3], $0x80, s15, s0, $0xb8;
	[tilespmem:$0x1E800] =	vst v63  }
0x20b: {  	_ =	swait.ge [sflag:s30], $0x4000  }
0x20c: {  	[sflag:s30] =	ssyncset.done $0x0  }
0x20d: {  	s15 =	sadd.s32 $0x100, s14;
	[sflag:s30] =	ssyncadd.s32 $0xFFFFC000  }
0x20e: {  	[tilespmem:s2], [sflag:$0x1] =	stream.indirect.gather [hbm4b:s4+s0], $0x80, s15, s0, $0xb8;
	[tilespmem:$0x1E800] =	vst v63  }
0x20f: {  	_ =	swait.ge [sflag:s7], $0x4000  }
.Ltmp7:
0x210: {  	[sflag:s7] =	ssyncset.done $0x0;
	(pc) =	sbr.rel @p0 .LBB2_16-.Ltmp7, $4  }
0x211: {  	s14 =	sadd.s32 $0x1480, s14;
	[sflag:s7] =	ssyncadd.s32 $0xFFFFC000  }
0x212: {  	[spmem:s1] =	stream.indirect.scatter.add.f32 [tilespmem:s6], [sflag:$0x3], $0x80, s14, s0, $0xb8;
	[tilespmem:$0x1E800] =	vst v63  }
0x213: {  	_ =	swait.ge [sflag:s30], $0x4000  }
0x214: {  	[sflag:s30] =	ssyncset.done $0x0  }
0x215: {  	[sflag:s30] =	ssyncadd.s32 $0xFFFFC000  }
0x216: {  	_ =	swait.ge [sflag:s5], $0x4000  }
0x217: {  	[sflag:s5] =	ssyncset.done $0x0  }
0x218: {  	[sflag:s5] =	ssyncadd.s32 $0xFFFFC000  }
0x219: {  	[tilespmem:s6], [sflag:$0x2] =	stream.indirect.gather [hbm4b:s4+s0], $0x80, s8, s0, $0xb8;
	[tilespmem:$0x1E800] =	vst v63  }
0x21a: {  	_ = 	snop  }
0x21b: {  	[spmem:s1] =	stream.indirect.scatter.add.f32 [tilespmem:s2], [sflag:$0x3], $0x80, s9, s0, $0xb8;
	[tilespmem:$0x1E800] =	vst v63  }
0x21c: {  	_ =	swait.ge [sflag:s30], $0x4000  }
0x21d: {  	[sflag:s30] =	ssyncset.done $0x0  }
0x21e: {  	[sflag:s30] =	ssyncadd.s32 $0xFFFFC000  }
0x21f: {  	_ =	swait.ge [sflag:s7], $0x4000  }
0x220: {  	[sflag:s7] =	ssyncset.done $0x0  }
0x221: {  	[sflag:s7] =	ssyncadd.s32 $0xFFFFC000  }
0x222: {  	[spmem:s1] =	stream.indirect.scatter.add.f32 [tilespmem:s6], [sflag:$0x3], $0x80, s10, s0, $0xb8;
	[tilespmem:$0x1E800] =	vst v63  }
0x223: {  	_ =	swait.ge [sflag:s30], $0x4000  }
0x224: {  	[sflag:s30] =	ssyncset.done $0x0  }
0x225: {  	s11 =	sadd.s32 $0x1, s11;
	[sflag:s30] =	ssyncadd.s32 $0xFFFFC000  }
0x226: {  	p0 =	sne.s32 s11, s29;
	[bflag:$0x0] =	sbarrier.arrive $0xFFFF  }
0x227: {  	[hbm:s28], [sflag:s22] =	dma.local [spmem:s12], $0x2800  }
.Ltmp8:
0x228: {  	_ =	swait.ge [sflag:s30], $0x2800;
	(pc) =	sbr.rel @p0 .LBB2_1-.Ltmp8, $3  }
0x229: {  	[sflag:s30] =	ssyncset.done $0x0  }
0x22a: {  	[sflag:s30] =	ssyncadd.s32 $0xFFFFD800  }
0x22b: {  	[bflag:$0x0] =	sbarrier.arrive $0xFFFF;
	_ =	sdelay $0x1  }
0x22c: {  	_ =	sfence.sel $0x180000  }
0x22d: {  	[bflag:$0x0] =	sbarrier.arrive $0xFFFF  }
0x22e: {  	_ =	strace $0x9000004A  }
0x22f: {  	s0 =	stileid.u32;
	[bflag:$0x2] =	sbarrier.arrive $0xFFFF  }
0x230: {  	p0 =	sne.s32 s0, $0x0;
	s0 =	rddreg [dreg:$0x2]  }
0x231: {  	s0 =	sadd.s32 @!p0 $0x100000, s0  }
0x232: {  	[sflag:s0] =	ssyncadd.tile.s32 @!p0 $0x1;
	_ =	shalt  }
.Lfunc_end2:
_tile_overlayer_lowered:
.L_overlay_start_2:
0x233: {  	(tag) =	ssettag $0x2  }
0x234: {  	s0 =	rddreg [dreg:$0x0];
	s2 =	stileid.u32  }
0x235: {  	s1 =	rddreg [dreg:$0x1];
	p0 =	sne.s32 s2, $0x0  }
0x236: {  	s3 =	rddreg [dreg:$0x2];
	[bflag:$0x3] =	sbarrier.arrive $0xFFFF;
	s2 =	simm.s32 @!p0 $0x1C03  }
0x237: {  	[timem:s3], [sflag:s2] =	dma.local @!p0 [hbm:s0], s1  }
0x238: {  	s0 =	simm.s32 @!p0 $0x3  }
0x239: {  	_ =	swait.ge @!p0 [sflag:s0], s1  }
0x23a: {  	s1 =	ssub.s32 @!p0 $0x0, s1;
	[sflag:s0] =	ssyncset.done @!p0 $0x0  }
0x23b: {  	[sflag:s0] =	ssyncadd.s32 @!p0 s1  }
0x23c: {  	[bflag:$0x3] =	sbarrier.arrive $0xFFFF  }
0x23d: {  	_ =	shalt  }

</sc_bundles>
